<compile_context>
chip_gen: v7x
topology: tpu7x:2x2x1
jax: 0.10.2.dev20260603
libtpu: 0.0.44.dev20260713+nightly
codegen_flags: <defaults>
</compile_context>

<pallas_src>
import functools

import jax
import jax.numpy as jnp
from jax import lax
from jax.experimental import pallas as pl
from jax.experimental.pallas import tpu as pltpu
from jax.experimental.pallas import tpu_sc as plsc

L = 16
NWORKERS = 32
UNROLL = 8
INT_MAX = 2147483647


def _zero_hist(hist_v, nchunk):
    zv = jnp.zeros((L,), jnp.int32)

    def z_body(g, carry):
        base = g * (L * UNROLL)
        for t in range(UNROLL):
            hist_v[pl.ds(pl.multiple_of(base + t * L, L), L)] = zv
        return carry

    lax.fori_loop(0, nchunk // UNROLL, z_body, 0)


def _select(noise_v, hist_v, k_s, lanes, lanes_seg, nchunk, seglen):
    ones = jnp.full((L,), 1, jnp.int32)
    zv = jnp.zeros((L,), jnp.int32)
    kp = jnp.int32(nchunk * L) - k_s

    def h_body(g, carry):
        base = g * (L * UNROLL)
        nvs = [noise_v[pl.ds(pl.multiple_of(base + t * L, L), L)]
               for t in range(UNROLL)]
        for nv in nvs:
            plsc.addupdate_scatter(hist_v, [nv], ones)
        return carry

    lax.fori_loop(0, nchunk // UNROLL, h_body, 0)

    seglen_c = jnp.int32(seglen)

    def s_body(g, acc):
        i0 = g * UNROLL
        for t in range(UNROLL):
            w = lanes + (i0 + t)
            w = jnp.where(w >= seglen_c, w - seglen_c, w)
            acc = acc + plsc.load_gather(hist_v, [lanes_seg + w])
        return acc

    seg = lax.fori_loop(0, seglen // UNROLL, s_body,
                        jnp.zeros((L,), jnp.int32))
    cs = plsc.cumsum(seg)
    below = cs < kp
    s_star = jnp.sum(jnp.where(below, 1, 0))
    base_cle = jnp.sum(jnp.where(below, seg, 0))

    seg_base = s_star * seglen
    chs = [hist_v[pl.ds(pl.multiple_of(seg_base + t * L, L), L)]
           for t in range(seglen // L)]
    tots = [jnp.sum(ch) for ch in chs]
    r = base_cle
    rb_star = base_cle
    t_star = jnp.int32(0)
    for t in range(seglen // L):
        nxt = r + tots[t]
        below_t = nxt < kp
        rb_star = jnp.where(below_t, nxt, rb_star)
        t_star = t_star + jnp.where(below_t, 1, 0)
        r = nxt
    ch = hist_v[pl.ds(pl.multiple_of(seg_base + t_star * L, L), L)]
    pc = plsc.cumsum(ch) + rb_star
    hitm = pc >= kp
    lane_cnt = jnp.sum(jnp.where(hitm, 0, 1))
    v_star = seg_base + t_star * L + lane_cnt
    cle_v = jnp.min(jnp.where(hitm, pc, jnp.int32(INT_MAX)))

    mp1 = cle_v - kp + 1

    def o_body(g, acc):
        i0 = g * UNROLL
        for t in range(UNROLL):
            w = lanes + (i0 + t)
            w = jnp.where(w >= seglen_c, w - seglen_c, w)
            ng = plsc.load_gather(noise_v, [lanes_seg + w])
            acc = acc + jnp.where(ng == v_star, 1, 0)
            hist_v[pl.ds(pl.multiple_of((g * UNROLL + t) * L, L), L)] = zv
        return acc

    seg2 = lax.fori_loop(0, seglen // UNROLL, o_body,
                         jnp.zeros((L,), jnp.int32))
    cs2 = plsc.cumsum(seg2)
    below2 = cs2 < mp1
    p_star = jnp.sum(jnp.where(below2, 1, 0))
    base_occ = jnp.sum(jnp.where(below2, seg2, 0))

    pos_base = p_star * seglen
    nvs = [noise_v[pl.ds(pl.multiple_of(pos_base + t * L, L), L)]
           for t in range(seglen // L)]
    eqs = [jnp.where(nv == v_star, 1, 0) for nv in nvs]
    cnts = [jnp.sum(eq) for eq in eqs]
    r2 = base_occ
    rb2_star = base_occ
    t2_star = jnp.int32(0)
    for t in range(seglen // L):
        nxt = r2 + cnts[t]
        below_t = nxt < mp1
        rb2_star = jnp.where(below_t, nxt, rb2_star)
        t2_star = t2_star + jnp.where(below_t, 1, 0)
        r2 = nxt
    nv = noise_v[pl.ds(pl.multiple_of(pos_base + t2_star * L, L), L)]
    eq = nv == v_star
    pc2 = plsc.cumsum(jnp.where(eq, 1, 0)) + rb2_star
    hit2 = eq & (pc2 == mp1)
    lane = jnp.sum(jnp.where(hit2, lanes, 0))
    return pos_base + t2_star * L + lane


def _softmax_stats(rows_v, targets_v, j_star, b, d):
    dchunk = d // L

    chs = [rows_v[0, pl.ds(pl.multiple_of(c * L, L), L)]
           for c in range(dchunk)]
    ms = chs
    while len(ms) > 1:
        ms = [jnp.maximum(ms[i], ms[i + 1]) for i in range(0, len(ms) - 1, 2)] \
            + ([ms[-1]] if len(ms) % 2 else [])
    mx = jnp.max(ms[0])
    es = [jnp.exp(ch - mx) for ch in chs]
    while len(es) > 1:
        es = [es[i] + es[i + 1] for i in range(0, len(es) - 1, 2)] \
            + ([es[-1]] if len(es) % 2 else [])
    s = jnp.sum(es[0])

    wv = jnp.full((L,), j_star & 31, dtype=jnp.int32)
    bv = jnp.full((L,), b, dtype=jnp.int32)
    tgt_vec = plsc.load_gather(targets_v, [wv, bv])
    tl_vec = plsc.load_gather(rows_v, [jnp.zeros((L,), jnp.int32), tgt_vec])
    a = jnp.max(tl_vec) - mx
    return a, s


def _sc_body(nrows, xdim, d, noise_hbm, u_hbm, targets_hbm, logits_hbm,
             out_hbm, noise_a, noise_b, u_v, hist_v, tgt_a, tgt_b,
             rows_a, rows_b, idx_a, idx_b, stage_a, stage_b, sem_n0,
             sem_n1, sem_t0, sem_t1, sem_g0, sem_g1, sem_u, sem_o0,
             sem_o1):
    nchunk = xdim // L
    seglen = xdim // L
    wid = lax.axis_index("s") * 2 + lax.axis_index("c")
    lanes = lax.iota(jnp.int32, L)
    lanes_seg = lanes * seglen
    b0 = wid * nrows
    b1 = b0 + 1

    h_n0 = pltpu.async_copy(noise_hbm.at[b0], noise_a, sem_n0)
    h_n1 = pltpu.async_copy(noise_hbm.at[b1], noise_b, sem_n1)
    h_u = pltpu.async_copy(u_hbm, u_v, sem_u)
    _zero_hist(hist_v, nchunk)
    h_u.wait()

    def get_k(b):
        b_vec = jnp.full((L,), b, dtype=jnp.int32)
        u_b = plsc.load_gather(u_v, [b_vec])
        k_vec = jnp.clip((u_b * jnp.float32(xdim)).astype(jnp.int32),
                         0, xdim - 1)
        return jnp.max(k_vec)

    k0 = get_k(b0)
    k1 = get_k(b1)

    two = lanes < 2
    idx_lanes = jnp.where(two, lanes, 0)

    h_n0.wait()
    j0 = _select(noise_a, hist_v, k0, lanes, lanes_seg, nchunk, seglen)
    plsc.store_scatter(idx_a, [idx_lanes],
                       jnp.full((L,), b0 * xdim + j0, dtype=jnp.int32),
                       mask=two)
    h_g0 = pltpu.async_copy(logits_hbm.at[idx_a], rows_a, sem_g0)
    h_t0 = pltpu.async_copy(targets_hbm.at[j0 >> 10, (j0 >> 5) & 31],
                            tgt_a, sem_t0)

    h_n1.wait()
    j1 = _select(noise_b, hist_v, k1, lanes, lanes_seg, nchunk, seglen)
    plsc.store_scatter(idx_b, [idx_lanes],
                       jnp.full((L,), b1 * xdim + j1, dtype=jnp.int32),
                       mask=two)
    h_g1 = pltpu.async_copy(logits_hbm.at[idx_b], rows_b, sem_g1)
    h_t1 = pltpu.async_copy(targets_hbm.at[j1 >> 10, (j1 >> 5) & 31],
                            tgt_b, sem_t1)

    h_g0.wait()
    h_t0.wait()
    a0, s0 = _softmax_stats(rows_a, tgt_a, j0, b0, d)
    stage_a[...] = jnp.where(lanes == 0, a0, jnp.where(lanes == 1, s0, 0.0))
    h_o0 = pltpu.async_copy(stage_a, out_hbm.at[b0], sem_o0)

    h_g1.wait()
    h_t1.wait()
    a1, s1 = _softmax_stats(rows_b, tgt_b, j1, b1, d)
    stage_b[...] = jnp.where(lanes == 0, a1, jnp.where(lanes == 1, s1, 0.0))
    h_o1 = pltpu.async_copy(stage_b, out_hbm.at[b1], sem_o1)

    h_o0.wait()
    h_o1.wait()


def _tc_body(batch, ab_ref, o_ref):
    a = ab_ref[:, 0:1]
    s = ab_ref[:, 1:2]
    ll = a - jnp.log(s)
    o_ref[0, 0] = jnp.sum(ll) * jnp.float32(1.0 / batch)


def kernel(x, logits, rand_noise, u, targets):
    batch, xdim, d = logits.shape
    nrows = batch // NWORKERS
    mesh = plsc.VectorSubcoreMesh(core_axis_name="c", subcore_axis_name="s")
    sc_call = functools.partial(
        pl.kernel,
        out_type=jax.ShapeDtypeStruct((batch, L), jnp.float32),
        mesh=mesh,
        compiler_params=pltpu.CompilerParams(needs_layout_passes=False),
        scratch_types=[
            pltpu.VMEM((xdim,), jnp.int32),
            pltpu.VMEM((xdim,), jnp.int32),
            pltpu.VMEM((batch,), jnp.float32),
            pltpu.VMEM((xdim,), jnp.int32),
            pltpu.VMEM((32, batch), jnp.int32),
            pltpu.VMEM((32, batch), jnp.int32),
            pltpu.VMEM((2, d), jnp.float32),
            pltpu.VMEM((2, d), jnp.float32),
            pltpu.VMEM((2,), jnp.int32),
            pltpu.VMEM((2,), jnp.int32),
            pltpu.VMEM((L,), jnp.float32),
            pltpu.VMEM((L,), jnp.float32),
            pltpu.SemaphoreType.DMA,
            pltpu.SemaphoreType.DMA,
            pltpu.SemaphoreType.DMA,
            pltpu.SemaphoreType.DMA,
            pltpu.SemaphoreType.DMA,
            pltpu.SemaphoreType.DMA,
            pltpu.SemaphoreType.DMA,
            pltpu.SemaphoreType.DMA,
            pltpu.SemaphoreType.DMA,
        ],
    )(functools.partial(_sc_body, nrows, xdim, d))

    tgt_t = jnp.transpose(targets, (1, 2, 3, 0))
    ab = sc_call(rand_noise, u, tgt_t, logits.reshape(batch * xdim, d))

    out = pl.pallas_call(
        functools.partial(_tc_body, batch),
        out_shape=jax.ShapeDtypeStruct((1, 1), jnp.float32),
        out_specs=pl.BlockSpec(memory_space=pltpu.SMEM),
    )(ab)
    return out[0, 0]

# --- scband reference (transcript-rebuilt; emitter-appended) ---
"""Pipeline reference for scband-mac-1580547975416 (READ-ONLY COPY).

The authoritative reference and input builder live on the scoring server;
editing this copy changes nothing except your own understanding.
"""

import jax, jax.numpy as jnp
import numpy as np

IMAGE_DIMS = (3, 32, 32)
XDIM = 3072
D = 256


def setup_inputs(seed: int = 0) -> dict:
    key = jax.random.key(seed)
    k1, k2, k3, k4, k5 = jax.random.split(key, 5)
    batch = 64
    x = jax.random.uniform(k1, (batch, 3, 32, 32), dtype=jnp.float32)
    logits = jax.random.normal(k2, (batch, XDIM, D), dtype=jnp.float32)
    rand_noise = jax.random.randint(k3, (batch, XDIM), 0, XDIM, dtype=jnp.int32)
    u = jax.random.uniform(k4, (batch,), dtype=jnp.float32)
    targets = jax.random.randint(k5, (batch, 3, 32, 32), 0, 256, dtype=jnp.int32)
    return {"x": x, "logits": logits, "rand_noise": rand_noise, "u": u, "targets": targets}


def reference(x, logits, rand_noise, u, targets):
    # Faithful translation of MAC.likelihood(full=False) with mask=ones and
    # cfg.mask.strategy='none' (sigma = mask_to_order(mask, 'random')).
    # ARDM_UNet output is represented by the `logits` input (already reshaped
    # to (batch, xdim, 256) i.e. the permuted (0,2,3,4,1) categorical logits).
    batch = x.shape[0]
    large_constant = 100000000
    # mask_to_order with order_strategy='random' and mask = all ones:
    flat_mask = jnp.full((batch, XDIM), large_constant, dtype=jnp.int32)
    flat_noise_mask = flat_mask + rand_noise
    # argsort(descending).argsort() -> rank in descending order
    sigma_flat = jnp.argsort(jnp.argsort(-flat_noise_mask, axis=-1), axis=-1)
    sigma = sigma_flat.reshape(batch, *IMAGE_DIMS)
    # T = sum_except_batch(mask) = xdim (mask all ones); t = T
    t = jnp.full((batch,), XDIM, dtype=jnp.float32)
    # torch.multinomial over uniform weights on [0, t) == uniform integer in [0, t)
    tpre = jnp.clip(jnp.floor(u * t).astype(jnp.int32), 0, XDIM - 1)
    twrap = tpre.reshape(batch, 1, 1, 1)
    previous_selection = sigma < twrap
    current_selection = sigma == twrap
    zeroimg = jnp.zeros((batch, *IMAGE_DIMS), dtype=x.dtype)
    xin = x * previous_selection.astype(x.dtype) + zeroimg * (~previous_selection).astype(x.dtype)
    # logits stands in for unet_forward(xin, previous_selection) after reshape/permute
    logp = jax.nn.log_softmax(logits, axis=-1)  # Categorical(logits=...).log_prob
    tgt = targets.reshape(batch, XDIM)
    ll_pix = jnp.take_along_axis(logp, tgt[:, :, None], axis=-1)[..., 0]
    cur_flat = current_selection.reshape(batch, XDIM).astype(ll_pix.dtype)
    ll = jnp.sum(ll_pix * cur_flat, axis=-1)  # sum_except_batch(ll * current_selection)
    ll = ll * t / XDIM
    return jnp.mean(ll)

if __name__ == "__main__":
    import jax
    _d = setup_inputs()
    print(jax.jit(kernel)(*tuple(_d.values())))

</pallas_src>

<mosaic_0001>
#map = affine_map<(d0, d1) -> (0, 0)>
#map1 = affine_map<(d0, d1) -> (0)>
#map2 = affine_map<(d0, d1) -> (0, 0, 0, 0)>
module attributes {stable_mosaic.version = 14 : i64} {
  func.func @_sc_body(%arg0: i32, %arg1: i32, %arg2: memref<64x3072xi32, #tpu.memory_space<hbm>>, %arg3: memref<64xf32, #tpu.memory_space<hbm>>, %arg4: memref<3x32x32x64xi32, #tpu.memory_space<hbm>>, %arg5: memref<196608x256xf32, #tpu.memory_space<hbm>>, %arg6: memref<64x16xf32, #tpu.memory_space<hbm>>, %arg7: memref<3072xi32, #tpu.memory_space<vmem>>, %arg8: memref<3072xi32, #tpu.memory_space<vmem>>, %arg9: memref<64xf32, #tpu.memory_space<vmem>>, %arg10: memref<3072xi32, #tpu.memory_space<vmem>>, %arg11: memref<32x64xi32, #tpu.memory_space<vmem>>, %arg12: memref<32x64xi32, #tpu.memory_space<vmem>>, %arg13: memref<2x256xf32, #tpu.memory_space<vmem>>, %arg14: memref<2x256xf32, #tpu.memory_space<vmem>>, %arg15: memref<2xi32, #tpu.memory_space<vmem>>, %arg16: memref<2xi32, #tpu.memory_space<vmem>>, %arg17: memref<16xf32, #tpu.memory_space<vmem>>, %arg18: memref<16xf32, #tpu.memory_space<vmem>>, %arg19: memref<!tpu.dma_semaphore, #tpu.memory_space<semaphore_mem>>, %arg20: memref<!tpu.dma_semaphore, #tpu.memory_space<semaphore_mem>>, %arg21: memref<!tpu.dma_semaphore, #tpu.memory_space<semaphore_mem>>, %arg22: memref<!tpu.dma_semaphore, #tpu.memory_space<semaphore_mem>>, %arg23: memref<!tpu.dma_semaphore, #tpu.memory_space<semaphore_mem>>, %arg24: memref<!tpu.dma_semaphore, #tpu.memory_space<semaphore_mem>>, %arg25: memref<!tpu.dma_semaphore, #tpu.memory_space<semaphore_mem>>, %arg26: memref<!tpu.dma_semaphore, #tpu.memory_space<semaphore_mem>>, %arg27: memref<!tpu.dma_semaphore, #tpu.memory_space<semaphore_mem>>) attributes {dimension_semantics = [#tpu.dimension_semantics<core_parallel>, #tpu.dimension_semantics<subcore_parallel>], iteration_bounds = array<i64: 2, 16>, scalar_prefetch = 0 : i64, scratch_operands = 21 : i64, tpu.core_type = #tpu.core_type<sc_vector_subcore>, window_params = [{transform_indices = #map}, {transform_indices = #map1}, {transform_indices = #map2}, {transform_indices = #map}, {transform_indices = #map}]} {
    %mul3A = arith.constant 2 : i32
    %mul3A_0 = arith.muli %arg1, %mul3A : i32
    %add3A = arith.addi %mul3A_0, %arg0 : i32
    %iota3A = tpu.iota {dimensions = array<i32: 0>} : vector<16xi32>
    %mul3A_1 = arith.constant 192 : i32
    %mul3A_2 = vector.broadcast %mul3A_1 : i32 to vector<16xi32>
    %mul3A_3 = arith.muli %iota3A, %mul3A_2 : vector<16xi32>
    %mul3A_4 = arith.constant 2 : i32
    %mul3A_5 = arith.muli %add3A, %mul3A_4 : i32
    %add3A_6 = arith.constant 1 : i32
    %add3A_7 = arith.addi %mul3A_5, %add3A_6 : i32
    %dma_start3A = arith.constant 0 : i32
    %dma_start3A_8 = tpu.memref_slice %arg2[%mul3A_5, %dma_start3A] : memref<64x3072xi32, #tpu.memory_space<hbm>> -> memref<1x3072xi32, #tpu.memory_space<hbm>>
    %dma_start3A_9 = tpu.memref_squeeze %dma_start3A_8 : memref<1x3072xi32, #tpu.memory_space<hbm>> -> memref<3072xi32, #tpu.memory_space<hbm>>
    %dma_start3A_10 = arith.constant 0 : i32
    %dma_start3A_11 = tpu.memref_slice %arg2[%mul3A_5, %dma_start3A_10] : memref<64x3072xi32, #tpu.memory_space<hbm>> -> memref<1x3072xi32, #tpu.memory_space<hbm>>
    %dma_start3A_12 = tpu.memref_squeeze %dma_start3A_11 : memref<1x3072xi32, #tpu.memory_space<hbm>> -> memref<3072xi32, #tpu.memory_space<hbm>>
    tpu.enqueue_dma source(%dma_start3A_12 : memref<3072xi32, #tpu.memory_space<hbm>>) target(%arg7 : memref<3072xi32, #tpu.memory_space<vmem>>) target_semaphore(%arg19 : memref<!tpu.dma_semaphore, #tpu.memory_space<semaphore_mem>>)
    %dma_start3A_13 = arith.constant 0 : i32
    %dma_start3A_14 = tpu.memref_slice %arg2[%add3A_7, %dma_start3A_13] : memref<64x3072xi32, #tpu.memory_space<hbm>> -> memref<1x3072xi32, #tpu.memory_space<hbm>>
    %dma_start3A_15 = tpu.memref_squeeze %dma_start3A_14 : memref<1x3072xi32, #tpu.memory_space<hbm>> -> memref<3072xi32, #tpu.memory_space<hbm>>
    %dma_start3A_16 = arith.constant 0 : i32
    %dma_start3A_17 = tpu.memref_slice %arg2[%add3A_7, %dma_start3A_16] : memref<64x3072xi32, #tpu.memory_space<hbm>> -> memref<1x3072xi32, #tpu.memory_space<hbm>>
    %dma_start3A_18 = tpu.memref_squeeze %dma_start3A_17 : memref<1x3072xi32, #tpu.memory_space<hbm>> -> memref<3072xi32, #tpu.memory_space<hbm>>
    tpu.enqueue_dma source(%dma_start3A_18 : memref<3072xi32, #tpu.memory_space<hbm>>) target(%arg8 : memref<3072xi32, #tpu.memory_space<vmem>>) target_semaphore(%arg20 : memref<!tpu.dma_semaphore, #tpu.memory_space<semaphore_mem>>)
    tpu.enqueue_dma source(%arg3 : memref<64xf32, #tpu.memory_space<hbm>>) target(%arg9 : memref<64xf32, #tpu.memory_space<vmem>>) target_semaphore(%arg25 : memref<!tpu.dma_semaphore, #tpu.memory_space<semaphore_mem>>)
    %broadcast_in_dim3A = arith.constant 0 : i32
    %broadcast_in_dim3A_19 = vector.broadcast %broadcast_in_dim3A : i32 to vector<16xi32>
    %scan3A = arith.constant 0 : i32
    %scan3A_20 = arith.constant 0 : i32
    %scan3A_21 = arith.constant 24 : i32
    %scan3A_22 = arith.addi %scan3A_20, %scan3A_21 : i32
    %scan3A_23 = arith.constant 1 : i32
    scf.for %scan3A_1804 = %scan3A_20 to %scan3A_22 step %scan3A_23  : i32 {
      %mul3A_1805 = arith.constant 128 : i32
      %mul3A_1806 = arith.muli %scan3A_1804, %mul3A_1805 : i32
      %add3A_1807 = arith.constant 0 : i32
      %add3A_1808 = arith.addi %mul3A_1806, %add3A_1807 : i32
      %multiple_of3A_1809 = tpu.assume_multiple %add3A_1808, 16 : i32
      %swap3A_1810 = arith.index_cast %multiple_of3A_1809 : i32 to index
      %swap3A_1811 = tpu.vector_load %arg10[%swap3A_1810] {strides = array<i32>} : memref<3072xi32, #tpu.memory_space<vmem>>, vector<16xi32>,
      tpu.vector_store %arg10[%swap3A_1810], %broadcast_in_dim3A_19 {strides = array<i32>} : memref<3072xi32, #tpu.memory_space<vmem>>, vector<16xi32>,
      %add3A_1812 = arith.constant 16 : i32
      %add3A_1813 = arith.addi %mul3A_1806, %add3A_1812 : i32
      %multiple_of3A_1814 = tpu.assume_multiple %add3A_1813, 16 : i32
      %swap3A_1815 = arith.index_cast %multiple_of3A_1814 : i32 to index
      %swap3A_1816 = tpu.vector_load %arg10[%swap3A_1815] {strides = array<i32>} : memref<3072xi32, #tpu.memory_space<vmem>>, vector<16xi32>,
      tpu.vector_store %arg10[%swap3A_1815], %broadcast_in_dim3A_19 {strides = array<i32>} : memref<3072xi32, #tpu.memory_space<vmem>>, vector<16xi32>,
      %add3A_1817 = arith.constant 32 : i32
      %add3A_1818 = arith.addi %mul3A_1806, %add3A_1817 : i32
      %multiple_of3A_1819 = tpu.assume_multiple %add3A_1818, 16 : i32
      %swap3A_1820 = arith.index_cast %multiple_of3A_1819 : i32 to index
      %swap3A_1821 = tpu.vector_load %arg10[%swap3A_1820] {strides = array<i32>} : memref<3072xi32, #tpu.memory_space<vmem>>, vector<16xi32>,
      tpu.vector_store %arg10[%swap3A_1820], %broadcast_in_dim3A_19 {strides = array<i32>} : memref<3072xi32, #tpu.memory_space<vmem>>, vector<16xi32>,
      %add3A_1822 = arith.constant 48 : i32
      %add3A_1823 = arith.addi %mul3A_1806, %add3A_1822 : i32
      %multiple_of3A_1824 = tpu.assume_multiple %add3A_1823, 16 : i32
      %swap3A_1825 = arith.index_cast %multiple_of3A_1824 : i32 to index
      %swap3A_1826 = tpu.vector_load %arg10[%swap3A_1825] {strides = array<i32>} : memref<3072xi32, #tpu.memory_space<vmem>>, vector<16xi32>,
      tpu.vector_store %arg10[%swap3A_1825], %broadcast_in_dim3A_19 {strides = array<i32>} : memref<3072xi32, #tpu.memory_space<vmem>>, vector<16xi32>,
      %add3A_1827 = arith.constant 64 : i32
      %add3A_1828 = arith.addi %mul3A_1806, %add3A_1827 : i32
      %multiple_of3A_1829 = tpu.assume_multiple %add3A_1828, 16 : i32
      %swap3A_1830 = arith.index_cast %multiple_of3A_1829 : i32 to index
      %swap3A_1831 = tpu.vector_load %arg10[%swap3A_1830] {strides = array<i32>} : memref<3072xi32, #tpu.memory_space<vmem>>, vector<16xi32>,
      tpu.vector_store %arg10[%swap3A_1830], %broadcast_in_dim3A_19 {strides = array<i32>} : memref<3072xi32, #tpu.memory_space<vmem>>, vector<16xi32>,
      %add3A_1832 = arith.constant 80 : i32
      %add3A_1833 = arith.addi %mul3A_1806, %add3A_1832 : i32
      %multiple_of3A_1834 = tpu.assume_multiple %add3A_1833, 16 : i32
      %swap3A_1835 = arith.index_cast %multiple_of3A_1834 : i32 to index
      %swap3A_1836 = tpu.vector_load %arg10[%swap3A_1835] {strides = array<i32>} : memref<3072xi32, #tpu.memory_space<vmem>>, vector<16xi32>,
      tpu.vector_store %arg10[%swap3A_1835], %broadcast_in_dim3A_19 {strides = array<i32>} : memref<3072xi32, #tpu.memory_space<vmem>>, vector<16xi32>,
      %add3A_1837 = arith.constant 96 : i32
      %add3A_1838 = arith.addi %mul3A_1806, %add3A_1837 : i32
      %multiple_of3A_1839 = tpu.assume_multiple %add3A_1838, 16 : i32
      %swap3A_1840 = arith.index_cast %multiple_of3A_1839 : i32 to index
      %swap3A_1841 = tpu.vector_load %arg10[%swap3A_1840] {strides = array<i32>} : memref<3072xi32, #tpu.memory_space<vmem>>, vector<16xi32>,
      tpu.vector_store %arg10[%swap3A_1840], %broadcast_in_dim3A_19 {strides = array<i32>} : memref<3072xi32, #tpu.memory_space<vmem>>, vector<16xi32>,
      %add3A_1842 = arith.constant 112 : i32
      %add3A_1843 = arith.addi %mul3A_1806, %add3A_1842 : i32
      %multiple_of3A_1844 = tpu.assume_multiple %add3A_1843, 16 : i32
      %swap3A_1845 = arith.index_cast %multiple_of3A_1844 : i32 to index
      %swap3A_1846 = tpu.vector_load %arg10[%swap3A_1845] {strides = array<i32>} : memref<3072xi32, #tpu.memory_space<vmem>>, vector<16xi32>,
      tpu.vector_store %arg10[%swap3A_1845], %broadcast_in_dim3A_19 {strides = array<i32>} : memref<3072xi32, #tpu.memory_space<vmem>>, vector<16xi32>,
    }
    %scan3A_24 = arith.constant 24 : i32
    tpu.wait_dma2 semaphore(%arg25 : memref<!tpu.dma_semaphore, #tpu.memory_space<semaphore_mem>>) src(%arg3 : memref<64xf32, #tpu.memory_space<hbm>>) dst(%arg9 : memref<64xf32, #tpu.memory_space<vmem>>)
    %broadcast_in_dim3A_25 = vector.broadcast %mul3A_5 : i32 to vector<16xi32>
    %gather3A = tpu.vector_load_idx %arg9[%broadcast_in_dim3A_25] : memref<64xf32, #tpu.memory_space<vmem>>[vector<16xi32>], vector<16xf32>,
    %mul3A_26 = arith.constant 3.072000e+03 : f32
    %mul3A_27 = vector.broadcast %mul3A_26 : f32 to vector<16xf32>
    %mul3A_28 = arith.mulf %gather3A, %mul3A_27 : vector<16xf32>
    %convert_element_type3A = arith.fptosi %mul3A_28 : vector<16xf32> to vector<16xi32>
    %jit3A = arith.constant 0 : i32
    %jit3A_29 = arith.constant 3071 : i32
    %max3A = vector.broadcast %jit3A : i32 to vector<16xi32>
    %max3A_30 = arith.maxsi %max3A, %convert_element_type3A : vector<16xi32>
    %min3A = vector.broadcast %jit3A_29 : i32 to vector<16xi32>
    %min3A_31 = arith.minsi %min3A, %max3A_30 : vector<16xi32>
    %reduce_max3A = arith.constant true
    %reduce_max3A_32 = vector.broadcast %reduce_max3A : i1 to vector<16xi1>
    %reduce_max3A_33 = arith.constant -2147483648 : i32
    %reduce_max3A_34 = vector.broadcast %reduce_max3A_33 : i32 to vector<16xi32>
    %reduce_max3A_35 = arith.xori %min3A_31, %reduce_max3A_34 : vector<16xi32>
    %reduce_max3A_36 = tpu.scan <max>, %reduce_max3A_35 masked %reduce_max3A_32 : vector<16xi32>, vector<16xi1> -> vector<16xi32>
    %reduce_max3A_37 = arith.xori %reduce_max3A_36, %reduce_max3A_34 : vector<16xi32>
    %reduce_max3A_38 = vector.extract %reduce_max3A_37[15] : i32 from vector<16xi32>
    %broadcast_in_dim3A_39 = vector.broadcast %add3A_7 : i32 to vector<16xi32>
    %gather3A_40 = tpu.vector_load_idx %arg9[%broadcast_in_dim3A_39] : memref<64xf32, #tpu.memory_space<vmem>>[vector<16xi32>], vector<16xf32>,
    %mul3A_41 = arith.constant 3.072000e+03 : f32
    %mul3A_42 = vector.broadcast %mul3A_41 : f32 to vector<16xf32>
    %mul3A_43 = arith.mulf %gather3A_40, %mul3A_42 : vector<16xf32>
    %convert_element_type3A_44 = arith.fptosi %mul3A_43 : vector<16xf32> to vector<16xi32>
    %jit3A_45 = arith.constant 0 : i32
    %jit3A_46 = arith.constant 3071 : i32
    %max3A_47 = vector.broadcast %jit3A_45 : i32 to vector<16xi32>
    %max3A_48 = arith.maxsi %max3A_47, %convert_element_type3A_44 : vector<16xi32>
    %min3A_49 = vector.broadcast %jit3A_46 : i32 to vector<16xi32>
    %min3A_50 = arith.minsi %min3A_49, %max3A_48 : vector<16xi32>
    %reduce_max3A_51 = arith.constant true
    %reduce_max3A_52 = vector.broadcast %reduce_max3A_51 : i1 to vector<16xi1>
    %reduce_max3A_53 = arith.constant -2147483648 : i32
    %reduce_max3A_54 = vector.broadcast %reduce_max3A_53 : i32 to vector<16xi32>
    %reduce_max3A_55 = arith.xori %min3A_50, %reduce_max3A_54 : vector<16xi32>
    %reduce_max3A_56 = tpu.scan <max>, %reduce_max3A_55 masked %reduce_max3A_52 : vector<16xi32>, vector<16xi1> -> vector<16xi32>
    %reduce_max3A_57 = arith.xori %reduce_max3A_56, %reduce_max3A_54 : vector<16xi32>
    %reduce_max3A_58 = vector.extract %reduce_max3A_57[15] : i32 from vector<16xi32>
    %lt3A = arith.constant 2 : i32
    %lt3A_59 = vector.broadcast %lt3A : i32 to vector<16xi32>
    %lt3A_60 = arith.cmpi slt, %iota3A, %lt3A_59 : vector<16xi32>
    %jit3A_61 = arith.constant 0 : i32
    %broadcast_in_dim3A_62 = vector.broadcast %jit3A_61 : i32 to vector<16xi32>
    %select_n3A = arith.select %lt3A_60, %iota3A, %broadcast_in_dim3A_62 : vector<16xi1>, vector<16xi32>
    %dma_wait3A = arith.constant 0 : i32
    %dma_wait3A_63 = tpu.memref_slice %arg2[%mul3A_5, %dma_wait3A] : memref<64x3072xi32, #tpu.memory_space<hbm>> -> memref<1x3072xi32, #tpu.memory_space<hbm>>
    %dma_wait3A_64 = tpu.memref_squeeze %dma_wait3A_63 : memref<1x3072xi32, #tpu.memory_space<hbm>> -> memref<3072xi32, #tpu.memory_space<hbm>>
    %dma_wait3A_65 = arith.constant 0 : i32
    %dma_wait3A_66 = tpu.memref_slice %arg2[%mul3A_5, %dma_wait3A_65] : memref<64x3072xi32, #tpu.memory_space<hbm>> -> memref<1x3072xi32, #tpu.memory_space<hbm>>
    %dma_wait3A_67 = tpu.memref_squeeze %dma_wait3A_66 : memref<1x3072xi32, #tpu.memory_space<hbm>> -> memref<3072xi32, #tpu.memory_space<hbm>>
    tpu.wait_dma2 semaphore(%arg19 : memref<!tpu.dma_semaphore, #tpu.memory_space<semaphore_mem>>) src(%dma_wait3A_67 : memref<3072xi32, #tpu.memory_space<hbm>>) dst(%arg7 : memref<3072xi32, #tpu.memory_space<vmem>>)
    %broadcast_in_dim3A_68 = arith.constant 1 : i32
    %broadcast_in_dim3A_69 = vector.broadcast %broadcast_in_dim3A_68 : i32 to vector<16xi32>
    %broadcast_in_dim3A_70 = arith.constant 0 : i32
    %broadcast_in_dim3A_71 = vector.broadcast %broadcast_in_dim3A_70 : i32 to vector<16xi32>
    %sub3A = arith.constant 3072 : i32
    %sub3A_72 = arith.subi %sub3A, %reduce_max3A_38 : i32
    %scan3A_73 = arith.constant 0 : i32
    %scan3A_74 = arith.constant 0 : i32
    %scan3A_75 = arith.constant 24 : i32
    %scan3A_76 = arith.addi %scan3A_74, %scan3A_75 : i32
    %scan3A_77 = arith.constant 1 : i32
    scf.for %scan3A_1804 = %scan3A_74 to %scan3A_76 step %scan3A_77  : i32 {
      %mul3A_1805 = arith.constant 128 : i32
      %mul3A_1806 = arith.muli %scan3A_1804, %mul3A_1805 : i32
      %add3A_1807 = arith.constant 0 : i32
      %add3A_1808 = arith.addi %mul3A_1806, %add3A_1807 : i32
      %multiple_of3A_1809 = tpu.assume_multiple %add3A_1808, 16 : i32
      %get3A_1810 = arith.index_cast %multiple_of3A_1809 : i32 to index
      %get3A_1811 = tpu.vector_load %arg7[%get3A_1810] {strides = array<i32>} : memref<3072xi32, #tpu.memory_space<vmem>>, vector<16xi32>,
      %add3A_1812 = arith.constant 16 : i32
      %add3A_1813 = arith.addi %mul3A_1806, %add3A_1812 : i32
      %multiple_of3A_1814 = tpu.assume_multiple %add3A_1813, 16 : i32
      %get3A_1815 = arith.index_cast %multiple_of3A_1814 : i32 to index
      %get3A_1816 = tpu.vector_load %arg7[%get3A_1815] {strides = array<i32>} : memref<3072xi32, #tpu.memory_space<vmem>>, vector<16xi32>,
      %add3A_1817 = arith.constant 32 : i32
      %add3A_1818 = arith.addi %mul3A_1806, %add3A_1817 : i32
      %multiple_of3A_1819 = tpu.assume_multiple %add3A_1818, 16 : i32
      %get3A_1820 = arith.index_cast %multiple_of3A_1819 : i32 to index
      %get3A_1821 = tpu.vector_load %arg7[%get3A_1820] {strides = array<i32>} : memref<3072xi32, #tpu.memory_space<vmem>>, vector<16xi32>,
      %add3A_1822 = arith.constant 48 : i32
      %add3A_1823 = arith.addi %mul3A_1806, %add3A_1822 : i32
      %multiple_of3A_1824 = tpu.assume_multiple %add3A_1823, 16 : i32
      %get3A_1825 = arith.index_cast %multiple_of3A_1824 : i32 to index
      %get3A_1826 = tpu.vector_load %arg7[%get3A_1825] {strides = array<i32>} : memref<3072xi32, #tpu.memory_space<vmem>>, vector<16xi32>,
      %add3A_1827 = arith.constant 64 : i32
      %add3A_1828 = arith.addi %mul3A_1806, %add3A_1827 : i32
      %multiple_of3A_1829 = tpu.assume_multiple %add3A_1828, 16 : i32
      %get3A_1830 = arith.index_cast %multiple_of3A_1829 : i32 to index
      %get3A_1831 = tpu.vector_load %arg7[%get3A_1830] {strides = array<i32>} : memref<3072xi32, #tpu.memory_space<vmem>>, vector<16xi32>,
      %add3A_1832 = arith.constant 80 : i32
      %add3A_1833 = arith.addi %mul3A_1806, %add3A_1832 : i32
      %multiple_of3A_1834 = tpu.assume_multiple %add3A_1833, 16 : i32
      %get3A_1835 = arith.index_cast %multiple_of3A_1834 : i32 to index
      %get3A_1836 = tpu.vector_load %arg7[%get3A_1835] {strides = array<i32>} : memref<3072xi32, #tpu.memory_space<vmem>>, vector<16xi32>,
      %add3A_1837 = arith.constant 96 : i32
      %add3A_1838 = arith.addi %mul3A_1806, %add3A_1837 : i32
      %multiple_of3A_1839 = tpu.assume_multiple %add3A_1838, 16 : i32
      %get3A_1840 = arith.index_cast %multiple_of3A_1839 : i32 to index
      %get3A_1841 = tpu.vector_load %arg7[%get3A_1840] {strides = array<i32>} : memref<3072xi32, #tpu.memory_space<vmem>>, vector<16xi32>,
      %add3A_1842 = arith.constant 112 : i32
      %add3A_1843 = arith.addi %mul3A_1806, %add3A_1842 : i32
      %multiple_of3A_1844 = tpu.assume_multiple %add3A_1843, 16 : i32
      %get3A_1845 = arith.index_cast %multiple_of3A_1844 : i32 to index
      %get3A_1846 = tpu.vector_load %arg7[%get3A_1845] {strides = array<i32>} : memref<3072xi32, #tpu.memory_space<vmem>>, vector<16xi32>,
      tpu.vector_store_idx %arg10[%get3A_1811], %broadcast_in_dim3A_69 {add = true} : memref<3072xi32, #tpu.memory_space<vmem>>[vector<16xi32>], vector<16xi32>,
      tpu.vector_store_idx %arg10[%get3A_1816], %broadcast_in_dim3A_69 {add = true} : memref<3072xi32, #tpu.memory_space<vmem>>[vector<16xi32>], vector<16xi32>,
      tpu.vector_store_idx %arg10[%get3A_1821], %broadcast_in_dim3A_69 {add = true} : memref<3072xi32, #tpu.memory_space<vmem>>[vector<16xi32>], vector<16xi32>,
      tpu.vector_store_idx %arg10[%get3A_1826], %broadcast_in_dim3A_69 {add = true} : memref<3072xi32, #tpu.memory_space<vmem>>[vector<16xi32>], vector<16xi32>,
      tpu.vector_store_idx %arg10[%get3A_1831], %broadcast_in_dim3A_69 {add = true} : memref<3072xi32, #tpu.memory_space<vmem>>[vector<16xi32>], vector<16xi32>,
      tpu.vector_store_idx %arg10[%get3A_1836], %broadcast_in_dim3A_69 {add = true} : memref<3072xi32, #tpu.memory_space<vmem>>[vector<16xi32>], vector<16xi32>,
      tpu.vector_store_idx %arg10[%get3A_1841], %broadcast_in_dim3A_69 {add = true} : memref<3072xi32, #tpu.memory_space<vmem>>[vector<16xi32>], vector<16xi32>,
      tpu.vector_store_idx %arg10[%get3A_1846], %broadcast_in_dim3A_69 {add = true} : memref<3072xi32, #tpu.memory_space<vmem>>[vector<16xi32>], vector<16xi32>,
    }
    %scan3A_78 = arith.constant 24 : i32
    %broadcast_in_dim3A_79 = arith.constant 0 : i32
    %broadcast_in_dim3A_80 = vector.broadcast %broadcast_in_dim3A_79 : i32 to vector<16xi32>
    %scan3A_81 = arith.constant 192 : i32
    %scan3A_82 = arith.constant 0 : i32
    %scan3A_83 = arith.constant 24 : i32
    %scan3A_84 = arith.addi %scan3A_82, %scan3A_83 : i32
    %scan3A_85 = arith.constant 1 : i32
    %scan3A_86 = scf.for %scan3A_1804 = %scan3A_82 to %scan3A_84 step %scan3A_85 iter_args(%scan3A_1805 = %broadcast_in_dim3A_80) -> (vector<16xi32>)  : i32 {
      %mul3A_1806 = arith.constant 8 : i32
      %mul3A_1807 = arith.muli %scan3A_1804, %mul3A_1806 : i32
      %add3A_1808 = arith.constant 0 : i32
      %add3A_1809 = arith.addi %mul3A_1807, %add3A_1808 : i32
      %add3A_1810 = vector.broadcast %add3A_1809 : i32 to vector<16xi32>
      %add3A_1811 = arith.addi %iota3A, %add3A_1810 : vector<16xi32>
      %ge3A_1812 = vector.broadcast %scan3A_81 : i32 to vector<16xi32>
      %ge3A_1813 = arith.cmpi sge, %add3A_1811, %ge3A_1812 : vector<16xi32>
      %sub3A_1814 = vector.broadcast %scan3A_81 : i32 to vector<16xi32>
      %sub3A_1815 = arith.subi %add3A_1811, %sub3A_1814 : vector<16xi32>
      %select_n3A_1816 = arith.select %ge3A_1813, %sub3A_1815, %add3A_1811 : vector<16xi1>, vector<16xi32>
      %add3A_1817 = arith.addi %mul3A_3, %select_n3A_1816 : vector<16xi32>
      %gather3A_1818 = tpu.vector_load_idx %arg10[%add3A_1817] : memref<3072xi32, #tpu.memory_space<vmem>>[vector<16xi32>], vector<16xi32>,
      %add3A_1819 = arith.addi %scan3A_1805, %gather3A_1818 : vector<16xi32>
      %add3A_1820 = arith.constant 1 : i32
      %add3A_1821 = arith.addi %mul3A_1807, %add3A_1820 : i32
      %add3A_1822 = vector.broadcast %add3A_1821 : i32 to vector<16xi32>
      %add3A_1823 = arith.addi %iota3A, %add3A_1822 : vector<16xi32>
      %ge3A_1824 = vector.broadcast %scan3A_81 : i32 to vector<16xi32>
      %ge3A_1825 = arith.cmpi sge, %add3A_1823, %ge3A_1824 : vector<16xi32>
      %sub3A_1826 = vector.broadcast %scan3A_81 : i32 to vector<16xi32>
      %sub3A_1827 = arith.subi %add3A_1823, %sub3A_1826 : vector<16xi32>
      %select_n3A_1828 = arith.select %ge3A_1825, %sub3A_1827, %add3A_1823 : vector<16xi1>, vector<16xi32>
      %add3A_1829 = arith.addi %mul3A_3, %select_n3A_1828 : vector<16xi32>
      %gather3A_1830 = tpu.vector_load_idx %arg10[%add3A_1829] : memref<3072xi32, #tpu.memory_space<vmem>>[vector<16xi32>], vector<16xi32>,
      %add3A_1831 = arith.addi %add3A_1819, %gather3A_1830 : vector<16xi32>
      %add3A_1832 = arith.constant 2 : i32
      %add3A_1833 = arith.addi %mul3A_1807, %add3A_1832 : i32
      %add3A_1834 = vector.broadcast %add3A_1833 : i32 to vector<16xi32>
      %add3A_1835 = arith.addi %iota3A, %add3A_1834 : vector<16xi32>
      %ge3A_1836 = vector.broadcast %scan3A_81 : i32 to vector<16xi32>
      %ge3A_1837 = arith.cmpi sge, %add3A_1835, %ge3A_1836 : vector<16xi32>
      %sub3A_1838 = vector.broadcast %scan3A_81 : i32 to vector<16xi32>
      %sub3A_1839 = arith.subi %add3A_1835, %sub3A_1838 : vector<16xi32>
      %select_n3A_1840 = arith.select %ge3A_1837, %sub3A_1839, %add3A_1835 : vector<16xi1>, vector<16xi32>
      %add3A_1841 = arith.addi %mul3A_3, %select_n3A_1840 : vector<16xi32>
      %gather3A_1842 = tpu.vector_load_idx %arg10[%add3A_1841] : memref<3072xi32, #tpu.memory_space<vmem>>[vector<16xi32>], vector<16xi32>,
      %add3A_1843 = arith.addi %add3A_1831, %gather3A_1842 : vector<16xi32>
      %add3A_1844 = arith.constant 3 : i32
      %add3A_1845 = arith.addi %mul3A_1807, %add3A_1844 : i32
      %add3A_1846 = vector.broadcast %add3A_1845 : i32 to vector<16xi32>
      %add3A_1847 = arith.addi %iota3A, %add3A_1846 : vector<16xi32>
      %ge3A_1848 = vector.broadcast %scan3A_81 : i32 to vector<16xi32>
      %ge3A_1849 = arith.cmpi sge, %add3A_1847, %ge3A_1848 : vector<16xi32>
      %sub3A_1850 = vector.broadcast %scan3A_81 : i32 to vector<16xi32>
      %sub3A_1851 = arith.subi %add3A_1847, %sub3A_1850 : vector<16xi32>
      %select_n3A_1852 = arith.select %ge3A_1849, %sub3A_1851, %add3A_1847 : vector<16xi1>, vector<16xi32>
      %add3A_1853 = arith.addi %mul3A_3, %select_n3A_1852 : vector<16xi32>
      %gather3A_1854 = tpu.vector_load_idx %arg10[%add3A_1853] : memref<3072xi32, #tpu.memory_space<vmem>>[vector<16xi32>], vector<16xi32>,
      %add3A_1855 = arith.addi %add3A_1843, %gather3A_1854 : vector<16xi32>
      %add3A_1856 = arith.constant 4 : i32
      %add3A_1857 = arith.addi %mul3A_1807, %add3A_1856 : i32
      %add3A_1858 = vector.broadcast %add3A_1857 : i32 to vector<16xi32>
      %add3A_1859 = arith.addi %iota3A, %add3A_1858 : vector<16xi32>
      %ge3A_1860 = vector.broadcast %scan3A_81 : i32 to vector<16xi32>
      %ge3A_1861 = arith.cmpi sge, %add3A_1859, %ge3A_1860 : vector<16xi32>
      %sub3A_1862 = vector.broadcast %scan3A_81 : i32 to vector<16xi32>
      %sub3A_1863 = arith.subi %add3A_1859, %sub3A_1862 : vector<16xi32>
      %select_n3A_1864 = arith.select %ge3A_1861, %sub3A_1863, %add3A_1859 : vector<16xi1>, vector<16xi32>
      %add3A_1865 = arith.addi %mul3A_3, %select_n3A_1864 : vector<16xi32>
      %gather3A_1866 = tpu.vector_load_idx %arg10[%add3A_1865] : memref<3072xi32, #tpu.memory_space<vmem>>[vector<16xi32>], vector<16xi32>,
      %add3A_1867 = arith.addi %add3A_1855, %gather3A_1866 : vector<16xi32>
      %add3A_1868 = arith.constant 5 : i32
      %add3A_1869 = arith.addi %mul3A_1807, %add3A_1868 : i32
      %add3A_1870 = vector.broadcast %add3A_1869 : i32 to vector<16xi32>
      %add3A_1871 = arith.addi %iota3A, %add3A_1870 : vector<16xi32>
      %ge3A_1872 = vector.broadcast %scan3A_81 : i32 to vector<16xi32>
      %ge3A_1873 = arith.cmpi sge, %add3A_1871, %ge3A_1872 : vector<16xi32>
      %sub3A_1874 = vector.broadcast %scan3A_81 : i32 to vector<16xi32>
      %sub3A_1875 = arith.subi %add3A_1871, %sub3A_1874 : vector<16xi32>
      %select_n3A_1876 = arith.select %ge3A_1873, %sub3A_1875, %add3A_1871 : vector<16xi1>, vector<16xi32>
      %add3A_1877 = arith.addi %mul3A_3, %select_n3A_1876 : vector<16xi32>
      %gather3A_1878 = tpu.vector_load_idx %arg10[%add3A_1877] : memref<3072xi32, #tpu.memory_space<vmem>>[vector<16xi32>], vector<16xi32>,
      %add3A_1879 = arith.addi %add3A_1867, %gather3A_1878 : vector<16xi32>
      %add3A_1880 = arith.constant 6 : i32
      %add3A_1881 = arith.addi %mul3A_1807, %add3A_1880 : i32
      %add3A_1882 = vector.broadcast %add3A_1881 : i32 to vector<16xi32>
      %add3A_1883 = arith.addi %iota3A, %add3A_1882 : vector<16xi32>
      %ge3A_1884 = vector.broadcast %scan3A_81 : i32 to vector<16xi32>
      %ge3A_1885 = arith.cmpi sge, %add3A_1883, %ge3A_1884 : vector<16xi32>
      %sub3A_1886 = vector.broadcast %scan3A_81 : i32 to vector<16xi32>
      %sub3A_1887 = arith.subi %add3A_1883, %sub3A_1886 : vector<16xi32>
      %select_n3A_1888 = arith.select %ge3A_1885, %sub3A_1887, %add3A_1883 : vector<16xi1>, vector<16xi32>
      %add3A_1889 = arith.addi %mul3A_3, %select_n3A_1888 : vector<16xi32>
      %gather3A_1890 = tpu.vector_load_idx %arg10[%add3A_1889] : memref<3072xi32, #tpu.memory_space<vmem>>[vector<16xi32>], vector<16xi32>,
      %add3A_1891 = arith.addi %add3A_1879, %gather3A_1890 : vector<16xi32>
      %add3A_1892 = arith.constant 7 : i32
      %add3A_1893 = arith.addi %mul3A_1807, %add3A_1892 : i32
      %add3A_1894 = vector.broadcast %add3A_1893 : i32 to vector<16xi32>
      %add3A_1895 = arith.addi %iota3A, %add3A_1894 : vector<16xi32>
      %ge3A_1896 = vector.broadcast %scan3A_81 : i32 to vector<16xi32>
      %ge3A_1897 = arith.cmpi sge, %add3A_1895, %ge3A_1896 : vector<16xi32>
      %sub3A_1898 = vector.broadcast %scan3A_81 : i32 to vector<16xi32>
      %sub3A_1899 = arith.subi %add3A_1895, %sub3A_1898 : vector<16xi32>
      %select_n3A_1900 = arith.select %ge3A_1897, %sub3A_1899, %add3A_1895 : vector<16xi1>, vector<16xi32>
      %add3A_1901 = arith.addi %mul3A_3, %select_n3A_1900 : vector<16xi32>
      %gather3A_1902 = tpu.vector_load_idx %arg10[%add3A_1901] : memref<3072xi32, #tpu.memory_space<vmem>>[vector<16xi32>], vector<16xi32>,
      %add3A_1903 = arith.addi %add3A_1891, %gather3A_1902 : vector<16xi32>
      scf.yield %add3A_1903 : vector<16xi32>
    }
    %scan3A_87 = arith.constant 24 : i32
    %broadcast_in_dim3A_88 = arith.constant true
    %broadcast_in_dim3A_89 = vector.broadcast %broadcast_in_dim3A_88 : i1 to vector<16xi1>
    %masked_cumsum3A = tpu.scan <sum>, %scan3A_86 masked %broadcast_in_dim3A_89 : vector<16xi32>, vector<16xi1> -> vector<16xi32>
    %lt3A_90 = vector.broadcast %sub3A_72 : i32 to vector<16xi32>
    %lt3A_91 = arith.cmpi slt, %masked_cumsum3A, %lt3A_90 : vector<16xi32>
    %jit3A_92 = arith.constant 1 : i32
    %jit3A_93 = arith.constant 0 : i32
    %broadcast_in_dim3A_94 = vector.broadcast %jit3A_92 : i32 to vector<16xi32>
    %broadcast_in_dim3A_95 = vector.broadcast %jit3A_93 : i32 to vector<16xi32>
    %select_n3A_96 = arith.select %lt3A_91, %broadcast_in_dim3A_94, %broadcast_in_dim3A_95 : vector<16xi1>, vector<16xi32>
    %reduce_sum3A = arith.constant true
    %reduce_sum3A_97 = vector.broadcast %reduce_sum3A : i1 to vector<16xi1>
    %reduce_sum3A_98 = tpu.scan <sum>, %select_n3A_96 masked %reduce_sum3A_97 : vector<16xi32>, vector<16xi1> -> vector<16xi32>
    %reduce_sum3A_99 = vector.extract %reduce_sum3A_98[15] : i32 from vector<16xi32>
    %jit3A_100 = arith.constant 0 : i32
    %broadcast_in_dim3A_101 = vector.broadcast %jit3A_100 : i32 to vector<16xi32>
    %select_n3A_102 = arith.select %lt3A_91, %scan3A_86, %broadcast_in_dim3A_101 : vector<16xi1>, vector<16xi32>
    %reduce_sum3A_103 = arith.constant true
    %reduce_sum3A_104 = vector.broadcast %reduce_sum3A_103 : i1 to vector<16xi1>
    %reduce_sum3A_105 = tpu.scan <sum>, %select_n3A_102 masked %reduce_sum3A_104 : vector<16xi32>, vector<16xi1> -> vector<16xi32>
    %reduce_sum3A_106 = vector.extract %reduce_sum3A_105[15] : i32 from vector<16xi32>
    %mul3A_107 = arith.constant 192 : i32
    %mul3A_108 = arith.muli %reduce_sum3A_99, %mul3A_107 : i32
    %add3A_109 = arith.constant 0 : i32
    %add3A_110 = arith.addi %mul3A_108, %add3A_109 : i32
    %multiple_of3A = tpu.assume_multiple %add3A_110, 16 : i32
    %get3A = arith.index_cast %multiple_of3A : i32 to index
    %get3A_111 = tpu.vector_load %arg10[%get3A] {strides = array<i32>} : memref<3072xi32, #tpu.memory_space<vmem>>, vector<16xi32>,
    %add3A_112 = arith.constant 16 : i32
    %add3A_113 = arith.addi %mul3A_108, %add3A_112 : i32
    %multiple_of3A_114 = tpu.assume_multiple %add3A_113, 16 : i32
    %get3A_115 = arith.index_cast %multiple_of3A_114 : i32 to index
    %get3A_116 = tpu.vector_load %arg10[%get3A_115] {strides = array<i32>} : memref<3072xi32, #tpu.memory_space<vmem>>, vector<16xi32>,
    %add3A_117 = arith.constant 32 : i32
    %add3A_118 = arith.addi %mul3A_108, %add3A_117 : i32
    %multiple_of3A_119 = tpu.assume_multiple %add3A_118, 16 : i32
    %get3A_120 = arith.index_cast %multiple_of3A_119 : i32 to index
    %get3A_121 = tpu.vector_load %arg10[%get3A_120] {strides = array<i32>} : memref<3072xi32, #tpu.memory_space<vmem>>, vector<16xi32>,
    %add3A_122 = arith.constant 48 : i32
    %add3A_123 = arith.addi %mul3A_108, %add3A_122 : i32
    %multiple_of3A_124 = tpu.assume_multiple %add3A_123, 16 : i32
    %get3A_125 = arith.index_cast %multiple_of3A_124 : i32 to index
    %get3A_126 = tpu.vector_load %arg10[%get3A_125] {strides = array<i32>} : memref<3072xi32, #tpu.memory_space<vmem>>, vector<16xi32>,
    %add3A_127 = arith.constant 64 : i32
    %add3A_128 = arith.addi %mul3A_108, %add3A_127 : i32
    %multiple_of3A_129 = tpu.assume_multiple %add3A_128, 16 : i32
    %get3A_130 = arith.index_cast %multiple_of3A_129 : i32 to index
    %get3A_131 = tpu.vector_load %arg10[%get3A_130] {strides = array<i32>} : memref<3072xi32, #tpu.memory_space<vmem>>, vector<16xi32>,
    %add3A_132 = arith.constant 80 : i32
    %add3A_133 = arith.addi %mul3A_108, %add3A_132 : i32
    %multiple_of3A_134 = tpu.assume_multiple %add3A_133, 16 : i32
    %get3A_135 = arith.index_cast %multiple_of3A_134 : i32 to index
    %get3A_136 = tpu.vector_load %arg10[%get3A_135] {strides = array<i32>} : memref<3072xi32, #tpu.memory_space<vmem>>, vector<16xi32>,
    %add3A_137 = arith.constant 96 : i32
    %add3A_138 = arith.addi %mul3A_108, %add3A_137 : i32
    %multiple_of3A_139 = tpu.assume_multiple %add3A_138, 16 : i32
    %get3A_140 = arith.index_cast %multiple_of3A_139 : i32 to index
    %get3A_141 = tpu.vector_load %arg10[%get3A_140] {strides = array<i32>} : memref<3072xi32, #tpu.memory_space<vmem>>, vector<16xi32>,
    %add3A_142 = arith.constant 112 : i32
    %add3A_143 = arith.addi %mul3A_108, %add3A_142 : i32
    %multiple_of3A_144 = tpu.assume_multiple %add3A_143, 16 : i32
    %get3A_145 = arith.index_cast %multiple_of3A_144 : i32 to index
    %get3A_146 = tpu.vector_load %arg10[%get3A_145] {strides = array<i32>} : memref<3072xi32, #tpu.memory_space<vmem>>, vector<16xi32>,
    %add3A_147 = arith.constant 128 : i32
    %add3A_148 = arith.addi %mul3A_108, %add3A_147 : i32
    %multiple_of3A_149 = tpu.assume_multiple %add3A_148, 16 : i32
    %get3A_150 = arith.index_cast %multiple_of3A_149 : i32 to index
    %get3A_151 = tpu.vector_load %arg10[%get3A_150] {strides = array<i32>} : memref<3072xi32, #tpu.memory_space<vmem>>, vector<16xi32>,
    %add3A_152 = arith.constant 144 : i32
    %add3A_153 = arith.addi %mul3A_108, %add3A_152 : i32
    %multiple_of3A_154 = tpu.assume_multiple %add3A_153, 16 : i32
    %get3A_155 = arith.index_cast %multiple_of3A_154 : i32 to index
    %get3A_156 = tpu.vector_load %arg10[%get3A_155] {strides = array<i32>} : memref<3072xi32, #tpu.memory_space<vmem>>, vector<16xi32>,
    %add3A_157 = arith.constant 160 : i32
    %add3A_158 = arith.addi %mul3A_108, %add3A_157 : i32
    %multiple_of3A_159 = tpu.assume_multiple %add3A_158, 16 : i32
    %get3A_160 = arith.index_cast %multiple_of3A_159 : i32 to index
    %get3A_161 = tpu.vector_load %arg10[%get3A_160] {strides = array<i32>} : memref<3072xi32, #tpu.memory_space<vmem>>, vector<16xi32>,
    %add3A_162 = arith.constant 176 : i32
    %add3A_163 = arith.addi %mul3A_108, %add3A_162 : i32
    %multiple_of3A_164 = tpu.assume_multiple %add3A_163, 16 : i32
    %get3A_165 = arith.index_cast %multiple_of3A_164 : i32 to index
    %get3A_166 = tpu.vector_load %arg10[%get3A_165] {strides = array<i32>} : memref<3072xi32, #tpu.memory_space<vmem>>, vector<16xi32>,
    %reduce_sum3A_167 = arith.constant true
    %reduce_sum3A_168 = vector.broadcast %reduce_sum3A_167 : i1 to vector<16xi1>
    %reduce_sum3A_169 = tpu.scan <sum>, %get3A_111 masked %reduce_sum3A_168 : vector<16xi32>, vector<16xi1> -> vector<16xi32>
    %reduce_sum3A_170 = vector.extract %reduce_sum3A_169[15] : i32 from vector<16xi32>
    %reduce_sum3A_171 = arith.constant true
    %reduce_sum3A_172 = vector.broadcast %reduce_sum3A_171 : i1 to vector<16xi1>
    %reduce_sum3A_173 = tpu.scan <sum>, %get3A_116 masked %reduce_sum3A_172 : vector<16xi32>, vector<16xi1> -> vector<16xi32>
    %reduce_sum3A_174 = vector.extract %reduce_sum3A_173[15] : i32 from vector<16xi32>
    %reduce_sum3A_175 = arith.constant true
    %reduce_sum3A_176 = vector.broadcast %reduce_sum3A_175 : i1 to vector<16xi1>
    %reduce_sum3A_177 = tpu.scan <sum>, %get3A_121 masked %reduce_sum3A_176 : vector<16xi32>, vector<16xi1> -> vector<16xi32>
    %reduce_sum3A_178 = vector.extract %reduce_sum3A_177[15] : i32 from vector<16xi32>
    %reduce_sum3A_179 = arith.constant true
    %reduce_sum3A_180 = vector.broadcast %reduce_sum3A_179 : i1 to vector<16xi1>
    %reduce_sum3A_181 = tpu.scan <sum>, %get3A_126 masked %reduce_sum3A_180 : vector<16xi32>, vector<16xi1> -> vector<16xi32>
    %reduce_sum3A_182 = vector.extract %reduce_sum3A_181[15] : i32 from vector<16xi32>
    %reduce_sum3A_183 = arith.constant true
    %reduce_sum3A_184 = vector.broadcast %reduce_sum3A_183 : i1 to vector<16xi1>
    %reduce_sum3A_185 = tpu.scan <sum>, %get3A_131 masked %reduce_sum3A_184 : vector<16xi32>, vector<16xi1> -> vector<16xi32>
    %reduce_sum3A_186 = vector.extract %reduce_sum3A_185[15] : i32 from vector<16xi32>
    %reduce_sum3A_187 = arith.constant true
    %reduce_sum3A_188 = vector.broadcast %reduce_sum3A_187 : i1 to vector<16xi1>
    %reduce_sum3A_189 = tpu.scan <sum>, %get3A_136 masked %reduce_sum3A_188 : vector<16xi32>, vector<16xi1> -> vector<16xi32>
    %reduce_sum3A_190 = vector.extract %reduce_sum3A_189[15] : i32 from vector<16xi32>
    %reduce_sum3A_191 = arith.constant true
    %reduce_sum3A_192 = vector.broadcast %reduce_sum3A_191 : i1 to vector<16xi1>
    %reduce_sum3A_193 = tpu.scan <sum>, %get3A_141 masked %reduce_sum3A_192 : vector<16xi32>, vector<16xi1> -> vector<16xi32>
    %reduce_sum3A_194 = vector.extract %reduce_sum3A_193[15] : i32 from vector<16xi32>
    %reduce_sum3A_195 = arith.constant true
    %reduce_sum3A_196 = vector.broadcast %reduce_sum3A_195 : i1 to vector<16xi1>
    %reduce_sum3A_197 = tpu.scan <sum>, %get3A_146 masked %reduce_sum3A_196 : vector<16xi32>, vector<16xi1> -> vector<16xi32>
    %reduce_sum3A_198 = vector.extract %reduce_sum3A_197[15] : i32 from vector<16xi32>
    %reduce_sum3A_199 = arith.constant true
    %reduce_sum3A_200 = vector.broadcast %reduce_sum3A_199 : i1 to vector<16xi1>
    %reduce_sum3A_201 = tpu.scan <sum>, %get3A_151 masked %reduce_sum3A_200 : vector<16xi32>, vector<16xi1> -> vector<16xi32>
    %reduce_sum3A_202 = vector.extract %reduce_sum3A_201[15] : i32 from vector<16xi32>
    %reduce_sum3A_203 = arith.constant true
    %reduce_sum3A_204 = vector.broadcast %reduce_sum3A_203 : i1 to vector<16xi1>
    %reduce_sum3A_205 = tpu.scan <sum>, %get3A_156 masked %reduce_sum3A_204 : vector<16xi32>, vector<16xi1> -> vector<16xi32>
    %reduce_sum3A_206 = vector.extract %reduce_sum3A_205[15] : i32 from vector<16xi32>
    %reduce_sum3A_207 = arith.constant true
    %reduce_sum3A_208 = vector.broadcast %reduce_sum3A_207 : i1 to vector<16xi1>
    %reduce_sum3A_209 = tpu.scan <sum>, %get3A_161 masked %reduce_sum3A_208 : vector<16xi32>, vector<16xi1> -> vector<16xi32>
    %reduce_sum3A_210 = vector.extract %reduce_sum3A_209[15] : i32 from vector<16xi32>
    %reduce_sum3A_211 = arith.constant true
    %reduce_sum3A_212 = vector.broadcast %reduce_sum3A_211 : i1 to vector<16xi1>
    %reduce_sum3A_213 = tpu.scan <sum>, %get3A_166 masked %reduce_sum3A_212 : vector<16xi32>, vector<16xi1> -> vector<16xi32>
    %reduce_sum3A_214 = vector.extract %reduce_sum3A_213[15] : i32 from vector<16xi32>
    %add3A_215 = arith.addi %reduce_sum3A_106, %reduce_sum3A_170 : i32
    %lt3A_216 = arith.cmpi slt, %add3A_215, %sub3A_72 : i32
    %select_n3A_217 = arith.select %lt3A_216, %add3A_215, %reduce_sum3A_106 : i32
    %jit3A_218 = arith.constant 1 : i32
    %jit3A_219 = arith.constant 0 : i32
    %select_n3A_220 = arith.select %lt3A_216, %jit3A_218, %jit3A_219 : i32
    %add3A_221 = arith.constant 0 : i32
    %add3A_222 = arith.addi %add3A_221, %select_n3A_220 : i32
    %add3A_223 = arith.addi %add3A_215, %reduce_sum3A_174 : i32
    %lt3A_224 = arith.cmpi slt, %add3A_223, %sub3A_72 : i32
    %select_n3A_225 = arith.select %lt3A_224, %add3A_223, %select_n3A_217 : i32
    %jit3A_226 = arith.constant 1 : i32
    %jit3A_227 = arith.constant 0 : i32
    %select_n3A_228 = arith.select %lt3A_224, %jit3A_226, %jit3A_227 : i32
    %add3A_229 = arith.addi %add3A_222, %select_n3A_228 : i32
    %add3A_230 = arith.addi %add3A_223, %reduce_sum3A_178 : i32
    %lt3A_231 = arith.cmpi slt, %add3A_230, %sub3A_72 : i32
    %select_n3A_232 = arith.select %lt3A_231, %add3A_230, %select_n3A_225 : i32
    %jit3A_233 = arith.constant 1 : i32
    %jit3A_234 = arith.constant 0 : i32
    %select_n3A_235 = arith.select %lt3A_231, %jit3A_233, %jit3A_234 : i32
    %add3A_236 = arith.addi %add3A_229, %select_n3A_235 : i32
    %add3A_237 = arith.addi %add3A_230, %reduce_sum3A_182 : i32
    %lt3A_238 = arith.cmpi slt, %add3A_237, %sub3A_72 : i32
    %select_n3A_239 = arith.select %lt3A_238, %add3A_237, %select_n3A_232 : i32
    %jit3A_240 = arith.constant 1 : i32
    %jit3A_241 = arith.constant 0 : i32
    %select_n3A_242 = arith.select %lt3A_238, %jit3A_240, %jit3A_241 : i32
    %add3A_243 = arith.addi %add3A_236, %select_n3A_242 : i32
    %add3A_244 = arith.addi %add3A_237, %reduce_sum3A_186 : i32
    %lt3A_245 = arith.cmpi slt, %add3A_244, %sub3A_72 : i32
    %select_n3A_246 = arith.select %lt3A_245, %add3A_244, %select_n3A_239 : i32
    %jit3A_247 = arith.constant 1 : i32
    %jit3A_248 = arith.constant 0 : i32
    %select_n3A_249 = arith.select %lt3A_245, %jit3A_247, %jit3A_248 : i32
    %add3A_250 = arith.addi %add3A_243, %select_n3A_249 : i32
    %add3A_251 = arith.addi %add3A_244, %reduce_sum3A_190 : i32
    %lt3A_252 = arith.cmpi slt, %add3A_251, %sub3A_72 : i32
    %select_n3A_253 = arith.select %lt3A_252, %add3A_251, %select_n3A_246 : i32
    %jit3A_254 = arith.constant 1 : i32
    %jit3A_255 = arith.constant 0 : i32
    %select_n3A_256 = arith.select %lt3A_252, %jit3A_254, %jit3A_255 : i32
    %add3A_257 = arith.addi %add3A_250, %select_n3A_256 : i32
    %add3A_258 = arith.addi %add3A_251, %reduce_sum3A_194 : i32
    %lt3A_259 = arith.cmpi slt, %add3A_258, %sub3A_72 : i32
    %select_n3A_260 = arith.select %lt3A_259, %add3A_258, %select_n3A_253 : i32
    %jit3A_261 = arith.constant 1 : i32
    %jit3A_262 = arith.constant 0 : i32
    %select_n3A_263 = arith.select %lt3A_259, %jit3A_261, %jit3A_262 : i32
    %add3A_264 = arith.addi %add3A_257, %select_n3A_263 : i32
    %add3A_265 = arith.addi %add3A_258, %reduce_sum3A_198 : i32
    %lt3A_266 = arith.cmpi slt, %add3A_265, %sub3A_72 : i32
    %select_n3A_267 = arith.select %lt3A_266, %add3A_265, %select_n3A_260 : i32
    %jit3A_268 = arith.constant 1 : i32
    %jit3A_269 = arith.constant 0 : i32
    %select_n3A_270 = arith.select %lt3A_266, %jit3A_268, %jit3A_269 : i32
    %add3A_271 = arith.addi %add3A_264, %select_n3A_270 : i32
    %add3A_272 = arith.addi %add3A_265, %reduce_sum3A_202 : i32
    %lt3A_273 = arith.cmpi slt, %add3A_272, %sub3A_72 : i32
    %select_n3A_274 = arith.select %lt3A_273, %add3A_272, %select_n3A_267 : i32
    %jit3A_275 = arith.constant 1 : i32
    %jit3A_276 = arith.constant 0 : i32
    %select_n3A_277 = arith.select %lt3A_273, %jit3A_275, %jit3A_276 : i32
    %add3A_278 = arith.addi %add3A_271, %select_n3A_277 : i32
    %add3A_279 = arith.addi %add3A_272, %reduce_sum3A_206 : i32
    %lt3A_280 = arith.cmpi slt, %add3A_279, %sub3A_72 : i32
    %select_n3A_281 = arith.select %lt3A_280, %add3A_279, %select_n3A_274 : i32
    %jit3A_282 = arith.constant 1 : i32
    %jit3A_283 = arith.constant 0 : i32
    %select_n3A_284 = arith.select %lt3A_280, %jit3A_282, %jit3A_283 : i32
    %add3A_285 = arith.addi %add3A_278, %select_n3A_284 : i32
    %add3A_286 = arith.addi %add3A_279, %reduce_sum3A_210 : i32
    %lt3A_287 = arith.cmpi slt, %add3A_286, %sub3A_72 : i32
    %select_n3A_288 = arith.select %lt3A_287, %add3A_286, %select_n3A_281 : i32
    %jit3A_289 = arith.constant 1 : i32
    %jit3A_290 = arith.constant 0 : i32
    %select_n3A_291 = arith.select %lt3A_287, %jit3A_289, %jit3A_290 : i32
    %add3A_292 = arith.addi %add3A_285, %select_n3A_291 : i32
    %add3A_293 = arith.addi %add3A_286, %reduce_sum3A_214 : i32
    %lt3A_294 = arith.cmpi slt, %add3A_293, %sub3A_72 : i32
    %select_n3A_295 = arith.select %lt3A_294, %add3A_293, %select_n3A_288 : i32
    %jit3A_296 = arith.constant 1 : i32
    %jit3A_297 = arith.constant 0 : i32
    %select_n3A_298 = arith.select %lt3A_294, %jit3A_296, %jit3A_297 : i32
    %add3A_299 = arith.addi %add3A_292, %select_n3A_298 : i32
    %mul3A_300 = arith.constant 16 : i32
    %mul3A_301 = arith.muli %add3A_299, %mul3A_300 : i32
    %add3A_302 = arith.addi %mul3A_108, %mul3A_301 : i32
    %multiple_of3A_303 = tpu.assume_multiple %add3A_302, 16 : i32
    %get3A_304 = arith.index_cast %multiple_of3A_303 : i32 to index
    %get3A_305 = tpu.vector_load %arg10[%get3A_304] {strides = array<i32>} : memref<3072xi32, #tpu.memory_space<vmem>>, vector<16xi32>,
    %broadcast_in_dim3A_306 = arith.constant true
    %broadcast_in_dim3A_307 = vector.broadcast %broadcast_in_dim3A_306 : i1 to vector<16xi1>
    %masked_cumsum3A_308 = tpu.scan <sum>, %get3A_305 masked %broadcast_in_dim3A_307 : vector<16xi32>, vector<16xi1> -> vector<16xi32>
    %add3A_309 = vector.broadcast %select_n3A_295 : i32 to vector<16xi32>
    %add3A_310 = arith.addi %masked_cumsum3A_308, %add3A_309 : vector<16xi32>
    %ge3A = vector.broadcast %sub3A_72 : i32 to vector<16xi32>
    %ge3A_311 = arith.cmpi sge, %add3A_310, %ge3A : vector<16xi32>
    %jit3A_312 = arith.constant 0 : i32
    %jit3A_313 = arith.constant 1 : i32
    %broadcast_in_dim3A_314 = vector.broadcast %jit3A_312 : i32 to vector<16xi32>
    %broadcast_in_dim3A_315 = vector.broadcast %jit3A_313 : i32 to vector<16xi32>
    %select_n3A_316 = arith.select %ge3A_311, %broadcast_in_dim3A_314, %broadcast_in_dim3A_315 : vector<16xi1>, vector<16xi32>
    %reduce_sum3A_317 = arith.constant true
    %reduce_sum3A_318 = vector.broadcast %reduce_sum3A_317 : i1 to vector<16xi1>
    %reduce_sum3A_319 = tpu.scan <sum>, %select_n3A_316 masked %reduce_sum3A_318 : vector<16xi32>, vector<16xi1> -> vector<16xi32>
    %reduce_sum3A_320 = vector.extract %reduce_sum3A_319[15] : i32 from vector<16xi32>
    %mul3A_321 = arith.constant 16 : i32
    %mul3A_322 = arith.muli %add3A_299, %mul3A_321 : i32
    %add3A_323 = arith.addi %mul3A_108, %mul3A_322 : i32
    %add3A_324 = arith.addi %add3A_323, %reduce_sum3A_320 : i32
    %jit3A_325 = arith.constant 2147483647 : i32
    %broadcast_in_dim3A_326 = vector.broadcast %jit3A_325 : i32 to vector<16xi32>
    %select_n3A_327 = arith.select %ge3A_311, %add3A_310, %broadcast_in_dim3A_326 : vector<16xi1>, vector<16xi32>
    %reduce_min3A = arith.constant true
    %reduce_min3A_328 = vector.broadcast %reduce_min3A : i1 to vector<16xi1>
    %reduce_min3A_329 = arith.constant -2147483648 : i32
    %reduce_min3A_330 = vector.broadcast %reduce_min3A_329 : i32 to vector<16xi32>
    %reduce_min3A_331 = arith.xori %select_n3A_327, %reduce_min3A_330 : vector<16xi32>
    %reduce_min3A_332 = tpu.scan <min>, %reduce_min3A_331 masked %reduce_min3A_328 : vector<16xi32>, vector<16xi1> -> vector<16xi32>
    %reduce_min3A_333 = arith.xori %reduce_min3A_332, %reduce_min3A_330 : vector<16xi32>
    %reduce_min3A_334 = vector.extract %reduce_min3A_333[15] : i32 from vector<16xi32>
    %sub3A_335 = arith.subi %reduce_min3A_334, %sub3A_72 : i32
    %add3A_336 = arith.constant 1 : i32
    %add3A_337 = arith.addi %sub3A_335, %add3A_336 : i32
    %broadcast_in_dim3A_338 = arith.constant 0 : i32
    %broadcast_in_dim3A_339 = vector.broadcast %broadcast_in_dim3A_338 : i32 to vector<16xi32>
    %scan3A_340 = arith.constant 192 : i32
    %scan3A_341 = arith.constant 0 : i32
    %scan3A_342 = arith.constant 24 : i32
    %scan3A_343 = arith.addi %scan3A_341, %scan3A_342 : i32
    %scan3A_344 = arith.constant 1 : i32
    %scan3A_345 = scf.for %scan3A_1804 = %scan3A_341 to %scan3A_343 step %scan3A_344 iter_args(%scan3A_1805 = %broadcast_in_dim3A_339) -> (vector<16xi32>)  : i32 {
      %mul3A_1806 = arith.constant 8 : i32
      %mul3A_1807 = arith.muli %scan3A_1804, %mul3A_1806 : i32
      %add3A_1808 = arith.constant 0 : i32
      %add3A_1809 = arith.addi %mul3A_1807, %add3A_1808 : i32
      %add3A_1810 = vector.broadcast %add3A_1809 : i32 to vector<16xi32>
      %add3A_1811 = arith.addi %iota3A, %add3A_1810 : vector<16xi32>
      %ge3A_1812 = vector.broadcast %scan3A_340 : i32 to vector<16xi32>
      %ge3A_1813 = arith.cmpi sge, %add3A_1811, %ge3A_1812 : vector<16xi32>
      %sub3A_1814 = vector.broadcast %scan3A_340 : i32 to vector<16xi32>
      %sub3A_1815 = arith.subi %add3A_1811, %sub3A_1814 : vector<16xi32>
      %select_n3A_1816 = arith.select %ge3A_1813, %sub3A_1815, %add3A_1811 : vector<16xi1>, vector<16xi32>
      %add3A_1817 = arith.addi %mul3A_3, %select_n3A_1816 : vector<16xi32>
      %gather3A_1818 = tpu.vector_load_idx %arg7[%add3A_1817] : memref<3072xi32, #tpu.memory_space<vmem>>[vector<16xi32>], vector<16xi32>,
      %eq3A_1819 = vector.broadcast %add3A_324 : i32 to vector<16xi32>
      %eq3A_1820 = arith.cmpi eq, %gather3A_1818, %eq3A_1819 : vector<16xi32>
      %jit3A_1821 = arith.constant 1 : i32
      %jit3A_1822 = arith.constant 0 : i32
      %broadcast_in_dim3A_1823 = vector.broadcast %jit3A_1821 : i32 to vector<16xi32>
      %broadcast_in_dim3A_1824 = vector.broadcast %jit3A_1822 : i32 to vector<16xi32>
      %select_n3A_1825 = arith.select %eq3A_1820, %broadcast_in_dim3A_1823, %broadcast_in_dim3A_1824 : vector<16xi1>, vector<16xi32>
      %add3A_1826 = arith.addi %scan3A_1805, %select_n3A_1825 : vector<16xi32>
      %mul3A_1827 = arith.constant 8 : i32
      %mul3A_1828 = arith.muli %scan3A_1804, %mul3A_1827 : i32
      %add3A_1829 = arith.constant 0 : i32
      %add3A_1830 = arith.addi %mul3A_1828, %add3A_1829 : i32
      %mul3A_1831 = arith.constant 16 : i32
      %mul3A_1832 = arith.muli %add3A_1830, %mul3A_1831 : i32
      %multiple_of3A_1833 = tpu.assume_multiple %mul3A_1832, 16 : i32
      %swap3A_1834 = arith.index_cast %multiple_of3A_1833 : i32 to index
      %swap3A_1835 = tpu.vector_load %arg10[%swap3A_1834] {strides = array<i32>} : memref<3072xi32, #tpu.memory_space<vmem>>, vector<16xi32>,
      tpu.vector_store %arg10[%swap3A_1834], %broadcast_in_dim3A_71 {strides = array<i32>} : memref<3072xi32, #tpu.memory_space<vmem>>, vector<16xi32>,
      %add3A_1836 = arith.constant 1 : i32
      %add3A_1837 = arith.addi %mul3A_1807, %add3A_1836 : i32
      %add3A_1838 = vector.broadcast %add3A_1837 : i32 to vector<16xi32>
      %add3A_1839 = arith.addi %iota3A, %add3A_1838 : vector<16xi32>
      %ge3A_1840 = vector.broadcast %scan3A_340 : i32 to vector<16xi32>
      %ge3A_1841 = arith.cmpi sge, %add3A_1839, %ge3A_1840 : vector<16xi32>
      %sub3A_1842 = vector.broadcast %scan3A_340 : i32 to vector<16xi32>
      %sub3A_1843 = arith.subi %add3A_1839, %sub3A_1842 : vector<16xi32>
      %select_n3A_1844 = arith.select %ge3A_1841, %sub3A_1843, %add3A_1839 : vector<16xi1>, vector<16xi32>
      %add3A_1845 = arith.addi %mul3A_3, %select_n3A_1844 : vector<16xi32>
      %gather3A_1846 = tpu.vector_load_idx %arg7[%add3A_1845] : memref<3072xi32, #tpu.memory_space<vmem>>[vector<16xi32>], vector<16xi32>,
      %eq3A_1847 = vector.broadcast %add3A_324 : i32 to vector<16xi32>
      %eq3A_1848 = arith.cmpi eq, %gather3A_1846, %eq3A_1847 : vector<16xi32>
      %jit3A_1849 = arith.constant 1 : i32
      %jit3A_1850 = arith.constant 0 : i32
      %broadcast_in_dim3A_1851 = vector.broadcast %jit3A_1849 : i32 to vector<16xi32>
      %broadcast_in_dim3A_1852 = vector.broadcast %jit3A_1850 : i32 to vector<16xi32>
      %select_n3A_1853 = arith.select %eq3A_1848, %broadcast_in_dim3A_1851, %broadcast_in_dim3A_1852 : vector<16xi1>, vector<16xi32>
      %add3A_1854 = arith.addi %add3A_1826, %select_n3A_1853 : vector<16xi32>
      %mul3A_1855 = arith.constant 8 : i32
      %mul3A_1856 = arith.muli %scan3A_1804, %mul3A_1855 : i32
      %add3A_1857 = arith.constant 1 : i32
      %add3A_1858 = arith.addi %mul3A_1856, %add3A_1857 : i32
      %mul3A_1859 = arith.constant 16 : i32
      %mul3A_1860 = arith.muli %add3A_1858, %mul3A_1859 : i32
      %multiple_of3A_1861 = tpu.assume_multiple %mul3A_1860, 16 : i32
      %swap3A_1862 = arith.index_cast %multiple_of3A_1861 : i32 to index
      %swap3A_1863 = tpu.vector_load %arg10[%swap3A_1862] {strides = array<i32>} : memref<3072xi32, #tpu.memory_space<vmem>>, vector<16xi32>,
      tpu.vector_store %arg10[%swap3A_1862], %broadcast_in_dim3A_71 {strides = array<i32>} : memref<3072xi32, #tpu.memory_space<vmem>>, vector<16xi32>,
      %add3A_1864 = arith.constant 2 : i32
      %add3A_1865 = arith.addi %mul3A_1807, %add3A_1864 : i32
      %add3A_1866 = vector.broadcast %add3A_1865 : i32 to vector<16xi32>
      %add3A_1867 = arith.addi %iota3A, %add3A_1866 : vector<16xi32>
      %ge3A_1868 = vector.broadcast %scan3A_340 : i32 to vector<16xi32>
      %ge3A_1869 = arith.cmpi sge, %add3A_1867, %ge3A_1868 : vector<16xi32>
      %sub3A_1870 = vector.broadcast %scan3A_340 : i32 to vector<16xi32>
      %sub3A_1871 = arith.subi %add3A_1867, %sub3A_1870 : vector<16xi32>
      %select_n3A_1872 = arith.select %ge3A_1869, %sub3A_1871, %add3A_1867 : vector<16xi1>, vector<16xi32>
      %add3A_1873 = arith.addi %mul3A_3, %select_n3A_1872 : vector<16xi32>
      %gather3A_1874 = tpu.vector_load_idx %arg7[%add3A_1873] : memref<3072xi32, #tpu.memory_space<vmem>>[vector<16xi32>], vector<16xi32>,
      %eq3A_1875 = vector.broadcast %add3A_324 : i32 to vector<16xi32>
      %eq3A_1876 = arith.cmpi eq, %gather3A_1874, %eq3A_1875 : vector<16xi32>
      %jit3A_1877 = arith.constant 1 : i32
      %jit3A_1878 = arith.constant 0 : i32
      %broadcast_in_dim3A_1879 = vector.broadcast %jit3A_1877 : i32 to vector<16xi32>
      %broadcast_in_dim3A_1880 = vector.broadcast %jit3A_1878 : i32 to vector<16xi32>
      %select_n3A_1881 = arith.select %eq3A_1876, %broadcast_in_dim3A_1879, %broadcast_in_dim3A_1880 : vector<16xi1>, vector<16xi32>
      %add3A_1882 = arith.addi %add3A_1854, %select_n3A_1881 : vector<16xi32>
      %mul3A_1883 = arith.constant 8 : i32
      %mul3A_1884 = arith.muli %scan3A_1804, %mul3A_1883 : i32
      %add3A_1885 = arith.constant 2 : i32
      %add3A_1886 = arith.addi %mul3A_1884, %add3A_1885 : i32
      %mul3A_1887 = arith.constant 16 : i32
      %mul3A_1888 = arith.muli %add3A_1886, %mul3A_1887 : i32
      %multiple_of3A_1889 = tpu.assume_multiple %mul3A_1888, 16 : i32
      %swap3A_1890 = arith.index_cast %multiple_of3A_1889 : i32 to index
      %swap3A_1891 = tpu.vector_load %arg10[%swap3A_1890] {strides = array<i32>} : memref<3072xi32, #tpu.memory_space<vmem>>, vector<16xi32>,
      tpu.vector_store %arg10[%swap3A_1890], %broadcast_in_dim3A_71 {strides = array<i32>} : memref<3072xi32, #tpu.memory_space<vmem>>, vector<16xi32>,
      %add3A_1892 = arith.constant 3 : i32
      %add3A_1893 = arith.addi %mul3A_1807, %add3A_1892 : i32
      %add3A_1894 = vector.broadcast %add3A_1893 : i32 to vector<16xi32>
      %add3A_1895 = arith.addi %iota3A, %add3A_1894 : vector<16xi32>
      %ge3A_1896 = vector.broadcast %scan3A_340 : i32 to vector<16xi32>
      %ge3A_1897 = arith.cmpi sge, %add3A_1895, %ge3A_1896 : vector<16xi32>
      %sub3A_1898 = vector.broadcast %scan3A_340 : i32 to vector<16xi32>
      %sub3A_1899 = arith.subi %add3A_1895, %sub3A_1898 : vector<16xi32>
      %select_n3A_1900 = arith.select %ge3A_1897, %sub3A_1899, %add3A_1895 : vector<16xi1>, vector<16xi32>
      %add3A_1901 = arith.addi %mul3A_3, %select_n3A_1900 : vector<16xi32>
      %gather3A_1902 = tpu.vector_load_idx %arg7[%add3A_1901] : memref<3072xi32, #tpu.memory_space<vmem>>[vector<16xi32>], vector<16xi32>,
      %eq3A_1903 = vector.broadcast %add3A_324 : i32 to vector<16xi32>
      %eq3A_1904 = arith.cmpi eq, %gather3A_1902, %eq3A_1903 : vector<16xi32>
      %jit3A_1905 = arith.constant 1 : i32
      %jit3A_1906 = arith.constant 0 : i32
      %broadcast_in_dim3A_1907 = vector.broadcast %jit3A_1905 : i32 to vector<16xi32>
      %broadcast_in_dim3A_1908 = vector.broadcast %jit3A_1906 : i32 to vector<16xi32>
      %select_n3A_1909 = arith.select %eq3A_1904, %broadcast_in_dim3A_1907, %broadcast_in_dim3A_1908 : vector<16xi1>, vector<16xi32>
      %add3A_1910 = arith.addi %add3A_1882, %select_n3A_1909 : vector<16xi32>
      %mul3A_1911 = arith.constant 8 : i32
      %mul3A_1912 = arith.muli %scan3A_1804, %mul3A_1911 : i32
      %add3A_1913 = arith.constant 3 : i32
      %add3A_1914 = arith.addi %mul3A_1912, %add3A_1913 : i32
      %mul3A_1915 = arith.constant 16 : i32
      %mul3A_1916 = arith.muli %add3A_1914, %mul3A_1915 : i32
      %multiple_of3A_1917 = tpu.assume_multiple %mul3A_1916, 16 : i32
      %swap3A_1918 = arith.index_cast %multiple_of3A_1917 : i32 to index
      %swap3A_1919 = tpu.vector_load %arg10[%swap3A_1918] {strides = array<i32>} : memref<3072xi32, #tpu.memory_space<vmem>>, vector<16xi32>,
      tpu.vector_store %arg10[%swap3A_1918], %broadcast_in_dim3A_71 {strides = array<i32>} : memref<3072xi32, #tpu.memory_space<vmem>>, vector<16xi32>,
      %add3A_1920 = arith.constant 4 : i32
      %add3A_1921 = arith.addi %mul3A_1807, %add3A_1920 : i32
      %add3A_1922 = vector.broadcast %add3A_1921 : i32 to vector<16xi32>
      %add3A_1923 = arith.addi %iota3A, %add3A_1922 : vector<16xi32>
      %ge3A_1924 = vector.broadcast %scan3A_340 : i32 to vector<16xi32>
      %ge3A_1925 = arith.cmpi sge, %add3A_1923, %ge3A_1924 : vector<16xi32>
      %sub3A_1926 = vector.broadcast %scan3A_340 : i32 to vector<16xi32>
      %sub3A_1927 = arith.subi %add3A_1923, %sub3A_1926 : vector<16xi32>
      %select_n3A_1928 = arith.select %ge3A_1925, %sub3A_1927, %add3A_1923 : vector<16xi1>, vector<16xi32>
      %add3A_1929 = arith.addi %mul3A_3, %select_n3A_1928 : vector<16xi32>
      %gather3A_1930 = tpu.vector_load_idx %arg7[%add3A_1929] : memref<3072xi32, #tpu.memory_space<vmem>>[vector<16xi32>], vector<16xi32>,
      %eq3A_1931 = vector.broadcast %add3A_324 : i32 to vector<16xi32>
      %eq3A_1932 = arith.cmpi eq, %gather3A_1930, %eq3A_1931 : vector<16xi32>
      %jit3A_1933 = arith.constant 1 : i32
      %jit3A_1934 = arith.constant 0 : i32
      %broadcast_in_dim3A_1935 = vector.broadcast %jit3A_1933 : i32 to vector<16xi32>
      %broadcast_in_dim3A_1936 = vector.broadcast %jit3A_1934 : i32 to vector<16xi32>
      %select_n3A_1937 = arith.select %eq3A_1932, %broadcast_in_dim3A_1935, %broadcast_in_dim3A_1936 : vector<16xi1>, vector<16xi32>
      %add3A_1938 = arith.addi %add3A_1910, %select_n3A_1937 : vector<16xi32>
      %mul3A_1939 = arith.constant 8 : i32
      %mul3A_1940 = arith.muli %scan3A_1804, %mul3A_1939 : i32
      %add3A_1941 = arith.constant 4 : i32
      %add3A_1942 = arith.addi %mul3A_1940, %add3A_1941 : i32
      %mul3A_1943 = arith.constant 16 : i32
      %mul3A_1944 = arith.muli %add3A_1942, %mul3A_1943 : i32
      %multiple_of3A_1945 = tpu.assume_multiple %mul3A_1944, 16 : i32
      %swap3A_1946 = arith.index_cast %multiple_of3A_1945 : i32 to index
      %swap3A_1947 = tpu.vector_load %arg10[%swap3A_1946] {strides = array<i32>} : memref<3072xi32, #tpu.memory_space<vmem>>, vector<16xi32>,
      tpu.vector_store %arg10[%swap3A_1946], %broadcast_in_dim3A_71 {strides = array<i32>} : memref<3072xi32, #tpu.memory_space<vmem>>, vector<16xi32>,
      %add3A_1948 = arith.constant 5 : i32
      %add3A_1949 = arith.addi %mul3A_1807, %add3A_1948 : i32
      %add3A_1950 = vector.broadcast %add3A_1949 : i32 to vector<16xi32>
      %add3A_1951 = arith.addi %iota3A, %add3A_1950 : vector<16xi32>
      %ge3A_1952 = vector.broadcast %scan3A_340 : i32 to vector<16xi32>
      %ge3A_1953 = arith.cmpi sge, %add3A_1951, %ge3A_1952 : vector<16xi32>
      %sub3A_1954 = vector.broadcast %scan3A_340 : i32 to vector<16xi32>
      %sub3A_1955 = arith.subi %add3A_1951, %sub3A_1954 : vector<16xi32>
      %select_n3A_1956 = arith.select %ge3A_1953, %sub3A_1955, %add3A_1951 : vector<16xi1>, vector<16xi32>
      %add3A_1957 = arith.addi %mul3A_3, %select_n3A_1956 : vector<16xi32>
      %gather3A_1958 = tpu.vector_load_idx %arg7[%add3A_1957] : memref<3072xi32, #tpu.memory_space<vmem>>[vector<16xi32>], vector<16xi32>,
      %eq3A_1959 = vector.broadcast %add3A_324 : i32 to vector<16xi32>
      %eq3A_1960 = arith.cmpi eq, %gather3A_1958, %eq3A_1959 : vector<16xi32>
      %jit3A_1961 = arith.constant 1 : i32
      %jit3A_1962 = arith.constant 0 : i32
      %broadcast_in_dim3A_1963 = vector.broadcast %jit3A_1961 : i32 to vector<16xi32>
      %broadcast_in_dim3A_1964 = vector.broadcast %jit3A_1962 : i32 to vector<16xi32>
      %select_n3A_1965 = arith.select %eq3A_1960, %broadcast_in_dim3A_1963, %broadcast_in_dim3A_1964 : vector<16xi1>, vector<16xi32>
      %add3A_1966 = arith.addi %add3A_1938, %select_n3A_1965 : vector<16xi32>
      %mul3A_1967 = arith.constant 8 : i32
      %mul3A_1968 = arith.muli %scan3A_1804, %mul3A_1967 : i32
      %add3A_1969 = arith.constant 5 : i32
      %add3A_1970 = arith.addi %mul3A_1968, %add3A_1969 : i32
      %mul3A_1971 = arith.constant 16 : i32
      %mul3A_1972 = arith.muli %add3A_1970, %mul3A_1971 : i32
      %multiple_of3A_1973 = tpu.assume_multiple %mul3A_1972, 16 : i32
      %swap3A_1974 = arith.index_cast %multiple_of3A_1973 : i32 to index
      %swap3A_1975 = tpu.vector_load %arg10[%swap3A_1974] {strides = array<i32>} : memref<3072xi32, #tpu.memory_space<vmem>>, vector<16xi32>,
      tpu.vector_store %arg10[%swap3A_1974], %broadcast_in_dim3A_71 {strides = array<i32>} : memref<3072xi32, #tpu.memory_space<vmem>>, vector<16xi32>,
      %add3A_1976 = arith.constant 6 : i32
      %add3A_1977 = arith.addi %mul3A_1807, %add3A_1976 : i32
      %add3A_1978 = vector.broadcast %add3A_1977 : i32 to vector<16xi32>
      %add3A_1979 = arith.addi %iota3A, %add3A_1978 : vector<16xi32>
      %ge3A_1980 = vector.broadcast %scan3A_340 : i32 to vector<16xi32>
      %ge3A_1981 = arith.cmpi sge, %add3A_1979, %ge3A_1980 : vector<16xi32>
      %sub3A_1982 = vector.broadcast %scan3A_340 : i32 to vector<16xi32>
      %sub3A_1983 = arith.subi %add3A_1979, %sub3A_1982 : vector<16xi32>
      %select_n3A_1984 = arith.select %ge3A_1981, %sub3A_1983, %add3A_1979 : vector<16xi1>, vector<16xi32>
      %add3A_1985 = arith.addi %mul3A_3, %select_n3A_1984 : vector<16xi32>
      %gather3A_1986 = tpu.vector_load_idx %arg7[%add3A_1985] : memref<3072xi32, #tpu.memory_space<vmem>>[vector<16xi32>], vector<16xi32>,
      %eq3A_1987 = vector.broadcast %add3A_324 : i32 to vector<16xi32>
      %eq3A_1988 = arith.cmpi eq, %gather3A_1986, %eq3A_1987 : vector<16xi32>
      %jit3A_1989 = arith.constant 1 : i32
      %jit3A_1990 = arith.constant 0 : i32
      %broadcast_in_dim3A_1991 = vector.broadcast %jit3A_1989 : i32 to vector<16xi32>
      %broadcast_in_dim3A_1992 = vector.broadcast %jit3A_1990 : i32 to vector<16xi32>
      %select_n3A_1993 = arith.select %eq3A_1988, %broadcast_in_dim3A_1991, %broadcast_in_dim3A_1992 : vector<16xi1>, vector<16xi32>
      %add3A_1994 = arith.addi %add3A_1966, %select_n3A_1993 : vector<16xi32>
      %mul3A_1995 = arith.constant 8 : i32
      %mul3A_1996 = arith.muli %scan3A_1804, %mul3A_1995 : i32
      %add3A_1997 = arith.constant 6 : i32
      %add3A_1998 = arith.addi %mul3A_1996, %add3A_1997 : i32
      %mul3A_1999 = arith.constant 16 : i32
      %mul3A_2000 = arith.muli %add3A_1998, %mul3A_1999 : i32
      %multiple_of3A_2001 = tpu.assume_multiple %mul3A_2000, 16 : i32
      %swap3A_2002 = arith.index_cast %multiple_of3A_2001 : i32 to index
      %swap3A_2003 = tpu.vector_load %arg10[%swap3A_2002] {strides = array<i32>} : memref<3072xi32, #tpu.memory_space<vmem>>, vector<16xi32>,
      tpu.vector_store %arg10[%swap3A_2002], %broadcast_in_dim3A_71 {strides = array<i32>} : memref<3072xi32, #tpu.memory_space<vmem>>, vector<16xi32>,
      %add3A_2004 = arith.constant 7 : i32
      %add3A_2005 = arith.addi %mul3A_1807, %add3A_2004 : i32
      %add3A_2006 = vector.broadcast %add3A_2005 : i32 to vector<16xi32>
      %add3A_2007 = arith.addi %iota3A, %add3A_2006 : vector<16xi32>
      %ge3A_2008 = vector.broadcast %scan3A_340 : i32 to vector<16xi32>
      %ge3A_2009 = arith.cmpi sge, %add3A_2007, %ge3A_2008 : vector<16xi32>
      %sub3A_2010 = vector.broadcast %scan3A_340 : i32 to vector<16xi32>
      %sub3A_2011 = arith.subi %add3A_2007, %sub3A_2010 : vector<16xi32>
      %select_n3A_2012 = arith.select %ge3A_2009, %sub3A_2011, %add3A_2007 : vector<16xi1>, vector<16xi32>
      %add3A_2013 = arith.addi %mul3A_3, %select_n3A_2012 : vector<16xi32>
      %gather3A_2014 = tpu.vector_load_idx %arg7[%add3A_2013] : memref<3072xi32, #tpu.memory_space<vmem>>[vector<16xi32>], vector<16xi32>,
      %eq3A_2015 = vector.broadcast %add3A_324 : i32 to vector<16xi32>
      %eq3A_2016 = arith.cmpi eq, %gather3A_2014, %eq3A_2015 : vector<16xi32>
      %jit3A_2017 = arith.constant 1 : i32
      %jit3A_2018 = arith.constant 0 : i32
      %broadcast_in_dim3A_2019 = vector.broadcast %jit3A_2017 : i32 to vector<16xi32>
      %broadcast_in_dim3A_2020 = vector.broadcast %jit3A_2018 : i32 to vector<16xi32>
      %select_n3A_2021 = arith.select %eq3A_2016, %broadcast_in_dim3A_2019, %broadcast_in_dim3A_2020 : vector<16xi1>, vector<16xi32>
      %add3A_2022 = arith.addi %add3A_1994, %select_n3A_2021 : vector<16xi32>
      %mul3A_2023 = arith.constant 8 : i32
      %mul3A_2024 = arith.muli %scan3A_1804, %mul3A_2023 : i32
      %add3A_2025 = arith.constant 7 : i32
      %add3A_2026 = arith.addi %mul3A_2024, %add3A_2025 : i32
      %mul3A_2027 = arith.constant 16 : i32
      %mul3A_2028 = arith.muli %add3A_2026, %mul3A_2027 : i32
      %multiple_of3A_2029 = tpu.assume_multiple %mul3A_2028, 16 : i32
      %swap3A_2030 = arith.index_cast %multiple_of3A_2029 : i32 to index
      %swap3A_2031 = tpu.vector_load %arg10[%swap3A_2030] {strides = array<i32>} : memref<3072xi32, #tpu.memory_space<vmem>>, vector<16xi32>,
      tpu.vector_store %arg10[%swap3A_2030], %broadcast_in_dim3A_71 {strides = array<i32>} : memref<3072xi32, #tpu.memory_space<vmem>>, vector<16xi32>,
      scf.yield %add3A_2022 : vector<16xi32>
    }
    %scan3A_346 = arith.constant 24 : i32
    %broadcast_in_dim3A_347 = arith.constant true
    %broadcast_in_dim3A_348 = vector.broadcast %broadcast_in_dim3A_347 : i1 to vector<16xi1>
    %masked_cumsum3A_349 = tpu.scan <sum>, %scan3A_345 masked %broadcast_in_dim3A_348 : vector<16xi32>, vector<16xi1> -> vector<16xi32>
    %lt3A_350 = vector.broadcast %add3A_337 : i32 to vector<16xi32>
    %lt3A_351 = arith.cmpi slt, %masked_cumsum3A_349, %lt3A_350 : vector<16xi32>
    %jit3A_352 = arith.constant 1 : i32
    %jit3A_353 = arith.constant 0 : i32
    %broadcast_in_dim3A_354 = vector.broadcast %jit3A_352 : i32 to vector<16xi32>
    %broadcast_in_dim3A_355 = vector.broadcast %jit3A_353 : i32 to vector<16xi32>
    %select_n3A_356 = arith.select %lt3A_351, %broadcast_in_dim3A_354, %broadcast_in_dim3A_355 : vector<16xi1>, vector<16xi32>
    %reduce_sum3A_357 = arith.constant true
    %reduce_sum3A_358 = vector.broadcast %reduce_sum3A_357 : i1 to vector<16xi1>
    %reduce_sum3A_359 = tpu.scan <sum>, %select_n3A_356 masked %reduce_sum3A_358 : vector<16xi32>, vector<16xi1> -> vector<16xi32>
    %reduce_sum3A_360 = vector.extract %reduce_sum3A_359[15] : i32 from vector<16xi32>
    %jit3A_361 = arith.constant 0 : i32
    %broadcast_in_dim3A_362 = vector.broadcast %jit3A_361 : i32 to vector<16xi32>
    %select_n3A_363 = arith.select %lt3A_351, %scan3A_345, %broadcast_in_dim3A_362 : vector<16xi1>, vector<16xi32>
    %reduce_sum3A_364 = arith.constant true
    %reduce_sum3A_365 = vector.broadcast %reduce_sum3A_364 : i1 to vector<16xi1>
    %reduce_sum3A_366 = tpu.scan <sum>, %select_n3A_363 masked %reduce_sum3A_365 : vector<16xi32>, vector<16xi1> -> vector<16xi32>
    %reduce_sum3A_367 = vector.extract %reduce_sum3A_366[15] : i32 from vector<16xi32>
    %mul3A_368 = arith.constant 192 : i32
    %mul3A_369 = arith.muli %reduce_sum3A_360, %mul3A_368 : i32
    %add3A_370 = arith.constant 0 : i32
    %add3A_371 = arith.addi %mul3A_369, %add3A_370 : i32
    %multiple_of3A_372 = tpu.assume_multiple %add3A_371, 16 : i32
    %get3A_373 = arith.index_cast %multiple_of3A_372 : i32 to index
    %get3A_374 = tpu.vector_load %arg7[%get3A_373] {strides = array<i32>} : memref<3072xi32, #tpu.memory_space<vmem>>, vector<16xi32>,
    %add3A_375 = arith.constant 16 : i32
    %add3A_376 = arith.addi %mul3A_369, %add3A_375 : i32
    %multiple_of3A_377 = tpu.assume_multiple %add3A_376, 16 : i32
    %get3A_378 = arith.index_cast %multiple_of3A_377 : i32 to index
    %get3A_379 = tpu.vector_load %arg7[%get3A_378] {strides = array<i32>} : memref<3072xi32, #tpu.memory_space<vmem>>, vector<16xi32>,
    %add3A_380 = arith.constant 32 : i32
    %add3A_381 = arith.addi %mul3A_369, %add3A_380 : i32
    %multiple_of3A_382 = tpu.assume_multiple %add3A_381, 16 : i32
    %get3A_383 = arith.index_cast %multiple_of3A_382 : i32 to index
    %get3A_384 = tpu.vector_load %arg7[%get3A_383] {strides = array<i32>} : memref<3072xi32, #tpu.memory_space<vmem>>, vector<16xi32>,
    %add3A_385 = arith.constant 48 : i32
    %add3A_386 = arith.addi %mul3A_369, %add3A_385 : i32
    %multiple_of3A_387 = tpu.assume_multiple %add3A_386, 16 : i32
    %get3A_388 = arith.index_cast %multiple_of3A_387 : i32 to index
    %get3A_389 = tpu.vector_load %arg7[%get3A_388] {strides = array<i32>} : memref<3072xi32, #tpu.memory_space<vmem>>, vector<16xi32>,
    %add3A_390 = arith.constant 64 : i32
    %add3A_391 = arith.addi %mul3A_369, %add3A_390 : i32
    %multiple_of3A_392 = tpu.assume_multiple %add3A_391, 16 : i32
    %get3A_393 = arith.index_cast %multiple_of3A_392 : i32 to index
    %get3A_394 = tpu.vector_load %arg7[%get3A_393] {strides = array<i32>} : memref<3072xi32, #tpu.memory_space<vmem>>, vector<16xi32>,
    %add3A_395 = arith.constant 80 : i32
    %add3A_396 = arith.addi %mul3A_369, %add3A_395 : i32
    %multiple_of3A_397 = tpu.assume_multiple %add3A_396, 16 : i32
    %get3A_398 = arith.index_cast %multiple_of3A_397 : i32 to index
    %get3A_399 = tpu.vector_load %arg7[%get3A_398] {strides = array<i32>} : memref<3072xi32, #tpu.memory_space<vmem>>, vector<16xi32>,
    %add3A_400 = arith.constant 96 : i32
    %add3A_401 = arith.addi %mul3A_369, %add3A_400 : i32
    %multiple_of3A_402 = tpu.assume_multiple %add3A_401, 16 : i32
    %get3A_403 = arith.index_cast %multiple_of3A_402 : i32 to index
    %get3A_404 = tpu.vector_load %arg7[%get3A_403] {strides = array<i32>} : memref<3072xi32, #tpu.memory_space<vmem>>, vector<16xi32>,
    %add3A_405 = arith.constant 112 : i32
    %add3A_406 = arith.addi %mul3A_369, %add3A_405 : i32
    %multiple_of3A_407 = tpu.assume_multiple %add3A_406, 16 : i32
    %get3A_408 = arith.index_cast %multiple_of3A_407 : i32 to index
    %get3A_409 = tpu.vector_load %arg7[%get3A_408] {strides = array<i32>} : memref<3072xi32, #tpu.memory_space<vmem>>, vector<16xi32>,
    %add3A_410 = arith.constant 128 : i32
    %add3A_411 = arith.addi %mul3A_369, %add3A_410 : i32
    %multiple_of3A_412 = tpu.assume_multiple %add3A_411, 16 : i32
    %get3A_413 = arith.index_cast %multiple_of3A_412 : i32 to index
    %get3A_414 = tpu.vector_load %arg7[%get3A_413] {strides = array<i32>} : memref<3072xi32, #tpu.memory_space<vmem>>, vector<16xi32>,
    %add3A_415 = arith.constant 144 : i32
    %add3A_416 = arith.addi %mul3A_369, %add3A_415 : i32
    %multiple_of3A_417 = tpu.assume_multiple %add3A_416, 16 : i32
    %get3A_418 = arith.index_cast %multiple_of3A_417 : i32 to index
    %get3A_419 = tpu.vector_load %arg7[%get3A_418] {strides = array<i32>} : memref<3072xi32, #tpu.memory_space<vmem>>, vector<16xi32>,
    %add3A_420 = arith.constant 160 : i32
    %add3A_421 = arith.addi %mul3A_369, %add3A_420 : i32
    %multiple_of3A_422 = tpu.assume_multiple %add3A_421, 16 : i32
    %get3A_423 = arith.index_cast %multiple_of3A_422 : i32 to index
    %get3A_424 = tpu.vector_load %arg7[%get3A_423] {strides = array<i32>} : memref<3072xi32, #tpu.memory_space<vmem>>, vector<16xi32>,
    %add3A_425 = arith.constant 176 : i32
    %add3A_426 = arith.addi %mul3A_369, %add3A_425 : i32
    %multiple_of3A_427 = tpu.assume_multiple %add3A_426, 16 : i32
    %get3A_428 = arith.index_cast %multiple_of3A_427 : i32 to index
    %get3A_429 = tpu.vector_load %arg7[%get3A_428] {strides = array<i32>} : memref<3072xi32, #tpu.memory_space<vmem>>, vector<16xi32>,
    %eq3A = vector.broadcast %add3A_324 : i32 to vector<16xi32>
    %eq3A_430 = arith.cmpi eq, %get3A_374, %eq3A : vector<16xi32>
    %jit3A_431 = arith.constant 1 : i32
    %jit3A_432 = arith.constant 0 : i32
    %broadcast_in_dim3A_433 = vector.broadcast %jit3A_431 : i32 to vector<16xi32>
    %broadcast_in_dim3A_434 = vector.broadcast %jit3A_432 : i32 to vector<16xi32>
    %select_n3A_435 = arith.select %eq3A_430, %broadcast_in_dim3A_433, %broadcast_in_dim3A_434 : vector<16xi1>, vector<16xi32>
    %eq3A_436 = vector.broadcast %add3A_324 : i32 to vector<16xi32>
    %eq3A_437 = arith.cmpi eq, %get3A_379, %eq3A_436 : vector<16xi32>
    %jit3A_438 = arith.constant 1 : i32
    %jit3A_439 = arith.constant 0 : i32
    %broadcast_in_dim3A_440 = vector.broadcast %jit3A_438 : i32 to vector<16xi32>
    %broadcast_in_dim3A_441 = vector.broadcast %jit3A_439 : i32 to vector<16xi32>
    %select_n3A_442 = arith.select %eq3A_437, %broadcast_in_dim3A_440, %broadcast_in_dim3A_441 : vector<16xi1>, vector<16xi32>
    %eq3A_443 = vector.broadcast %add3A_324 : i32 to vector<16xi32>
    %eq3A_444 = arith.cmpi eq, %get3A_384, %eq3A_443 : vector<16xi32>
    %jit3A_445 = arith.constant 1 : i32
    %jit3A_446 = arith.constant 0 : i32
    %broadcast_in_dim3A_447 = vector.broadcast %jit3A_445 : i32 to vector<16xi32>
    %broadcast_in_dim3A_448 = vector.broadcast %jit3A_446 : i32 to vector<16xi32>
    %select_n3A_449 = arith.select %eq3A_444, %broadcast_in_dim3A_447, %broadcast_in_dim3A_448 : vector<16xi1>, vector<16xi32>
    %eq3A_450 = vector.broadcast %add3A_324 : i32 to vector<16xi32>
    %eq3A_451 = arith.cmpi eq, %get3A_389, %eq3A_450 : vector<16xi32>
    %jit3A_452 = arith.constant 1 : i32
    %jit3A_453 = arith.constant 0 : i32
    %broadcast_in_dim3A_454 = vector.broadcast %jit3A_452 : i32 to vector<16xi32>
    %broadcast_in_dim3A_455 = vector.broadcast %jit3A_453 : i32 to vector<16xi32>
    %select_n3A_456 = arith.select %eq3A_451, %broadcast_in_dim3A_454, %broadcast_in_dim3A_455 : vector<16xi1>, vector<16xi32>
    %eq3A_457 = vector.broadcast %add3A_324 : i32 to vector<16xi32>
    %eq3A_458 = arith.cmpi eq, %get3A_394, %eq3A_457 : vector<16xi32>
    %jit3A_459 = arith.constant 1 : i32
    %jit3A_460 = arith.constant 0 : i32
    %broadcast_in_dim3A_461 = vector.broadcast %jit3A_459 : i32 to vector<16xi32>
    %broadcast_in_dim3A_462 = vector.broadcast %jit3A_460 : i32 to vector<16xi32>
    %select_n3A_463 = arith.select %eq3A_458, %broadcast_in_dim3A_461, %broadcast_in_dim3A_462 : vector<16xi1>, vector<16xi32>
    %eq3A_464 = vector.broadcast %add3A_324 : i32 to vector<16xi32>
    %eq3A_465 = arith.cmpi eq, %get3A_399, %eq3A_464 : vector<16xi32>
    %jit3A_466 = arith.constant 1 : i32
    %jit3A_467 = arith.constant 0 : i32
    %broadcast_in_dim3A_468 = vector.broadcast %jit3A_466 : i32 to vector<16xi32>
    %broadcast_in_dim3A_469 = vector.broadcast %jit3A_467 : i32 to vector<16xi32>
    %select_n3A_470 = arith.select %eq3A_465, %broadcast_in_dim3A_468, %broadcast_in_dim3A_469 : vector<16xi1>, vector<16xi32>
    %eq3A_471 = vector.broadcast %add3A_324 : i32 to vector<16xi32>
    %eq3A_472 = arith.cmpi eq, %get3A_404, %eq3A_471 : vector<16xi32>
    %jit3A_473 = arith.constant 1 : i32
    %jit3A_474 = arith.constant 0 : i32
    %broadcast_in_dim3A_475 = vector.broadcast %jit3A_473 : i32 to vector<16xi32>
    %broadcast_in_dim3A_476 = vector.broadcast %jit3A_474 : i32 to vector<16xi32>
    %select_n3A_477 = arith.select %eq3A_472, %broadcast_in_dim3A_475, %broadcast_in_dim3A_476 : vector<16xi1>, vector<16xi32>
    %eq3A_478 = vector.broadcast %add3A_324 : i32 to vector<16xi32>
    %eq3A_479 = arith.cmpi eq, %get3A_409, %eq3A_478 : vector<16xi32>
    %jit3A_480 = arith.constant 1 : i32
    %jit3A_481 = arith.constant 0 : i32
    %broadcast_in_dim3A_482 = vector.broadcast %jit3A_480 : i32 to vector<16xi32>
    %broadcast_in_dim3A_483 = vector.broadcast %jit3A_481 : i32 to vector<16xi32>
    %select_n3A_484 = arith.select %eq3A_479, %broadcast_in_dim3A_482, %broadcast_in_dim3A_483 : vector<16xi1>, vector<16xi32>
    %eq3A_485 = vector.broadcast %add3A_324 : i32 to vector<16xi32>
    %eq3A_486 = arith.cmpi eq, %get3A_414, %eq3A_485 : vector<16xi32>
    %jit3A_487 = arith.constant 1 : i32
    %jit3A_488 = arith.constant 0 : i32
    %broadcast_in_dim3A_489 = vector.broadcast %jit3A_487 : i32 to vector<16xi32>
    %broadcast_in_dim3A_490 = vector.broadcast %jit3A_488 : i32 to vector<16xi32>
    %select_n3A_491 = arith.select %eq3A_486, %broadcast_in_dim3A_489, %broadcast_in_dim3A_490 : vector<16xi1>, vector<16xi32>
    %eq3A_492 = vector.broadcast %add3A_324 : i32 to vector<16xi32>
    %eq3A_493 = arith.cmpi eq, %get3A_419, %eq3A_492 : vector<16xi32>
    %jit3A_494 = arith.constant 1 : i32
    %jit3A_495 = arith.constant 0 : i32
    %broadcast_in_dim3A_496 = vector.broadcast %jit3A_494 : i32 to vector<16xi32>
    %broadcast_in_dim3A_497 = vector.broadcast %jit3A_495 : i32 to vector<16xi32>
    %select_n3A_498 = arith.select %eq3A_493, %broadcast_in_dim3A_496, %broadcast_in_dim3A_497 : vector<16xi1>, vector<16xi32>
    %eq3A_499 = vector.broadcast %add3A_324 : i32 to vector<16xi32>
    %eq3A_500 = arith.cmpi eq, %get3A_424, %eq3A_499 : vector<16xi32>
    %jit3A_501 = arith.constant 1 : i32
    %jit3A_502 = arith.constant 0 : i32
    %broadcast_in_dim3A_503 = vector.broadcast %jit3A_501 : i32 to vector<16xi32>
    %broadcast_in_dim3A_504 = vector.broadcast %jit3A_502 : i32 to vector<16xi32>
    %select_n3A_505 = arith.select %eq3A_500, %broadcast_in_dim3A_503, %broadcast_in_dim3A_504 : vector<16xi1>, vector<16xi32>
    %eq3A_506 = vector.broadcast %add3A_324 : i32 to vector<16xi32>
    %eq3A_507 = arith.cmpi eq, %get3A_429, %eq3A_506 : vector<16xi32>
    %jit3A_508 = arith.constant 1 : i32
    %jit3A_509 = arith.constant 0 : i32
    %broadcast_in_dim3A_510 = vector.broadcast %jit3A_508 : i32 to vector<16xi32>
    %broadcast_in_dim3A_511 = vector.broadcast %jit3A_509 : i32 to vector<16xi32>
    %select_n3A_512 = arith.select %eq3A_507, %broadcast_in_dim3A_510, %broadcast_in_dim3A_511 : vector<16xi1>, vector<16xi32>
    %reduce_sum3A_513 = arith.constant true
    %reduce_sum3A_514 = vector.broadcast %reduce_sum3A_513 : i1 to vector<16xi1>
    %reduce_sum3A_515 = tpu.scan <sum>, %select_n3A_435 masked %reduce_sum3A_514 : vector<16xi32>, vector<16xi1> -> vector<16xi32>
    %reduce_sum3A_516 = vector.extract %reduce_sum3A_515[15] : i32 from vector<16xi32>
    %reduce_sum3A_517 = arith.constant true
    %reduce_sum3A_518 = vector.broadcast %reduce_sum3A_517 : i1 to vector<16xi1>
    %reduce_sum3A_519 = tpu.scan <sum>, %select_n3A_442 masked %reduce_sum3A_518 : vector<16xi32>, vector<16xi1> -> vector<16xi32>
    %reduce_sum3A_520 = vector.extract %reduce_sum3A_519[15] : i32 from vector<16xi32>
    %reduce_sum3A_521 = arith.constant true
    %reduce_sum3A_522 = vector.broadcast %reduce_sum3A_521 : i1 to vector<16xi1>
    %reduce_sum3A_523 = tpu.scan <sum>, %select_n3A_449 masked %reduce_sum3A_522 : vector<16xi32>, vector<16xi1> -> vector<16xi32>
    %reduce_sum3A_524 = vector.extract %reduce_sum3A_523[15] : i32 from vector<16xi32>
    %reduce_sum3A_525 = arith.constant true
    %reduce_sum3A_526 = vector.broadcast %reduce_sum3A_525 : i1 to vector<16xi1>
    %reduce_sum3A_527 = tpu.scan <sum>, %select_n3A_456 masked %reduce_sum3A_526 : vector<16xi32>, vector<16xi1> -> vector<16xi32>
    %reduce_sum3A_528 = vector.extract %reduce_sum3A_527[15] : i32 from vector<16xi32>
    %reduce_sum3A_529 = arith.constant true
    %reduce_sum3A_530 = vector.broadcast %reduce_sum3A_529 : i1 to vector<16xi1>
    %reduce_sum3A_531 = tpu.scan <sum>, %select_n3A_463 masked %reduce_sum3A_530 : vector<16xi32>, vector<16xi1> -> vector<16xi32>
    %reduce_sum3A_532 = vector.extract %reduce_sum3A_531[15] : i32 from vector<16xi32>
    %reduce_sum3A_533 = arith.constant true
    %reduce_sum3A_534 = vector.broadcast %reduce_sum3A_533 : i1 to vector<16xi1>
    %reduce_sum3A_535 = tpu.scan <sum>, %select_n3A_470 masked %reduce_sum3A_534 : vector<16xi32>, vector<16xi1> -> vector<16xi32>
    %reduce_sum3A_536 = vector.extract %reduce_sum3A_535[15] : i32 from vector<16xi32>
    %reduce_sum3A_537 = arith.constant true
    %reduce_sum3A_538 = vector.broadcast %reduce_sum3A_537 : i1 to vector<16xi1>
    %reduce_sum3A_539 = tpu.scan <sum>, %select_n3A_477 masked %reduce_sum3A_538 : vector<16xi32>, vector<16xi1> -> vector<16xi32>
    %reduce_sum3A_540 = vector.extract %reduce_sum3A_539[15] : i32 from vector<16xi32>
    %reduce_sum3A_541 = arith.constant true
    %reduce_sum3A_542 = vector.broadcast %reduce_sum3A_541 : i1 to vector<16xi1>
    %reduce_sum3A_543 = tpu.scan <sum>, %select_n3A_484 masked %reduce_sum3A_542 : vector<16xi32>, vector<16xi1> -> vector<16xi32>
    %reduce_sum3A_544 = vector.extract %reduce_sum3A_543[15] : i32 from vector<16xi32>
    %reduce_sum3A_545 = arith.constant true
    %reduce_sum3A_546 = vector.broadcast %reduce_sum3A_545 : i1 to vector<16xi1>
    %reduce_sum3A_547 = tpu.scan <sum>, %select_n3A_491 masked %reduce_sum3A_546 : vector<16xi32>, vector<16xi1> -> vector<16xi32>
    %reduce_sum3A_548 = vector.extract %reduce_sum3A_547[15] : i32 from vector<16xi32>
    %reduce_sum3A_549 = arith.constant true
    %reduce_sum3A_550 = vector.broadcast %reduce_sum3A_549 : i1 to vector<16xi1>
    %reduce_sum3A_551 = tpu.scan <sum>, %select_n3A_498 masked %reduce_sum3A_550 : vector<16xi32>, vector<16xi1> -> vector<16xi32>
    %reduce_sum3A_552 = vector.extract %reduce_sum3A_551[15] : i32 from vector<16xi32>
    %reduce_sum3A_553 = arith.constant true
    %reduce_sum3A_554 = vector.broadcast %reduce_sum3A_553 : i1 to vector<16xi1>
    %reduce_sum3A_555 = tpu.scan <sum>, %select_n3A_505 masked %reduce_sum3A_554 : vector<16xi32>, vector<16xi1> -> vector<16xi32>
    %reduce_sum3A_556 = vector.extract %reduce_sum3A_555[15] : i32 from vector<16xi32>
    %reduce_sum3A_557 = arith.constant true
    %reduce_sum3A_558 = vector.broadcast %reduce_sum3A_557 : i1 to vector<16xi1>
    %reduce_sum3A_559 = tpu.scan <sum>, %select_n3A_512 masked %reduce_sum3A_558 : vector<16xi32>, vector<16xi1> -> vector<16xi32>
    %reduce_sum3A_560 = vector.extract %reduce_sum3A_559[15] : i32 from vector<16xi32>
    %add3A_561 = arith.addi %reduce_sum3A_367, %reduce_sum3A_516 : i32
    %lt3A_562 = arith.cmpi slt, %add3A_561, %add3A_337 : i32
    %select_n3A_563 = arith.select %lt3A_562, %add3A_561, %reduce_sum3A_367 : i32
    %jit3A_564 = arith.constant 1 : i32
    %jit3A_565 = arith.constant 0 : i32
    %select_n3A_566 = arith.select %lt3A_562, %jit3A_564, %jit3A_565 : i32
    %add3A_567 = arith.constant 0 : i32
    %add3A_568 = arith.addi %add3A_567, %select_n3A_566 : i32
    %add3A_569 = arith.addi %add3A_561, %reduce_sum3A_520 : i32
    %lt3A_570 = arith.cmpi slt, %add3A_569, %add3A_337 : i32
    %select_n3A_571 = arith.select %lt3A_570, %add3A_569, %select_n3A_563 : i32
    %jit3A_572 = arith.constant 1 : i32
    %jit3A_573 = arith.constant 0 : i32
    %select_n3A_574 = arith.select %lt3A_570, %jit3A_572, %jit3A_573 : i32
    %add3A_575 = arith.addi %add3A_568, %select_n3A_574 : i32
    %add3A_576 = arith.addi %add3A_569, %reduce_sum3A_524 : i32
    %lt3A_577 = arith.cmpi slt, %add3A_576, %add3A_337 : i32
    %select_n3A_578 = arith.select %lt3A_577, %add3A_576, %select_n3A_571 : i32
    %jit3A_579 = arith.constant 1 : i32
    %jit3A_580 = arith.constant 0 : i32
    %select_n3A_581 = arith.select %lt3A_577, %jit3A_579, %jit3A_580 : i32
    %add3A_582 = arith.addi %add3A_575, %select_n3A_581 : i32
    %add3A_583 = arith.addi %add3A_576, %reduce_sum3A_528 : i32
    %lt3A_584 = arith.cmpi slt, %add3A_583, %add3A_337 : i32
    %select_n3A_585 = arith.select %lt3A_584, %add3A_583, %select_n3A_578 : i32
    %jit3A_586 = arith.constant 1 : i32
    %jit3A_587 = arith.constant 0 : i32
    %select_n3A_588 = arith.select %lt3A_584, %jit3A_586, %jit3A_587 : i32
    %add3A_589 = arith.addi %add3A_582, %select_n3A_588 : i32
    %add3A_590 = arith.addi %add3A_583, %reduce_sum3A_532 : i32
    %lt3A_591 = arith.cmpi slt, %add3A_590, %add3A_337 : i32
    %select_n3A_592 = arith.select %lt3A_591, %add3A_590, %select_n3A_585 : i32
    %jit3A_593 = arith.constant 1 : i32
    %jit3A_594 = arith.constant 0 : i32
    %select_n3A_595 = arith.select %lt3A_591, %jit3A_593, %jit3A_594 : i32
    %add3A_596 = arith.addi %add3A_589, %select_n3A_595 : i32
    %add3A_597 = arith.addi %add3A_590, %reduce_sum3A_536 : i32
    %lt3A_598 = arith.cmpi slt, %add3A_597, %add3A_337 : i32
    %select_n3A_599 = arith.select %lt3A_598, %add3A_597, %select_n3A_592 : i32
    %jit3A_600 = arith.constant 1 : i32
    %jit3A_601 = arith.constant 0 : i32
    %select_n3A_602 = arith.select %lt3A_598, %jit3A_600, %jit3A_601 : i32
    %add3A_603 = arith.addi %add3A_596, %select_n3A_602 : i32
    %add3A_604 = arith.addi %add3A_597, %reduce_sum3A_540 : i32
    %lt3A_605 = arith.cmpi slt, %add3A_604, %add3A_337 : i32
    %select_n3A_606 = arith.select %lt3A_605, %add3A_604, %select_n3A_599 : i32
    %jit3A_607 = arith.constant 1 : i32
    %jit3A_608 = arith.constant 0 : i32
    %select_n3A_609 = arith.select %lt3A_605, %jit3A_607, %jit3A_608 : i32
    %add3A_610 = arith.addi %add3A_603, %select_n3A_609 : i32
    %add3A_611 = arith.addi %add3A_604, %reduce_sum3A_544 : i32
    %lt3A_612 = arith.cmpi slt, %add3A_611, %add3A_337 : i32
    %select_n3A_613 = arith.select %lt3A_612, %add3A_611, %select_n3A_606 : i32
    %jit3A_614 = arith.constant 1 : i32
    %jit3A_615 = arith.constant 0 : i32
    %select_n3A_616 = arith.select %lt3A_612, %jit3A_614, %jit3A_615 : i32
    %add3A_617 = arith.addi %add3A_610, %select_n3A_616 : i32
    %add3A_618 = arith.addi %add3A_611, %reduce_sum3A_548 : i32
    %lt3A_619 = arith.cmpi slt, %add3A_618, %add3A_337 : i32
    %select_n3A_620 = arith.select %lt3A_619, %add3A_618, %select_n3A_613 : i32
    %jit3A_621 = arith.constant 1 : i32
    %jit3A_622 = arith.constant 0 : i32
    %select_n3A_623 = arith.select %lt3A_619, %jit3A_621, %jit3A_622 : i32
    %add3A_624 = arith.addi %add3A_617, %select_n3A_623 : i32
    %add3A_625 = arith.addi %add3A_618, %reduce_sum3A_552 : i32
    %lt3A_626 = arith.cmpi slt, %add3A_625, %add3A_337 : i32
    %select_n3A_627 = arith.select %lt3A_626, %add3A_625, %select_n3A_620 : i32
    %jit3A_628 = arith.constant 1 : i32
    %jit3A_629 = arith.constant 0 : i32
    %select_n3A_630 = arith.select %lt3A_626, %jit3A_628, %jit3A_629 : i32
    %add3A_631 = arith.addi %add3A_624, %select_n3A_630 : i32
    %add3A_632 = arith.addi %add3A_625, %reduce_sum3A_556 : i32
    %lt3A_633 = arith.cmpi slt, %add3A_632, %add3A_337 : i32
    %select_n3A_634 = arith.select %lt3A_633, %add3A_632, %select_n3A_627 : i32
    %jit3A_635 = arith.constant 1 : i32
    %jit3A_636 = arith.constant 0 : i32
    %select_n3A_637 = arith.select %lt3A_633, %jit3A_635, %jit3A_636 : i32
    %add3A_638 = arith.addi %add3A_631, %select_n3A_637 : i32
    %add3A_639 = arith.addi %add3A_632, %reduce_sum3A_560 : i32
    %lt3A_640 = arith.cmpi slt, %add3A_639, %add3A_337 : i32
    %select_n3A_641 = arith.select %lt3A_640, %add3A_639, %select_n3A_634 : i32
    %jit3A_642 = arith.constant 1 : i32
    %jit3A_643 = arith.constant 0 : i32
    %select_n3A_644 = arith.select %lt3A_640, %jit3A_642, %jit3A_643 : i32
    %add3A_645 = arith.addi %add3A_638, %select_n3A_644 : i32
    %mul3A_646 = arith.constant 16 : i32
    %mul3A_647 = arith.muli %add3A_645, %mul3A_646 : i32
    %add3A_648 = arith.addi %mul3A_369, %mul3A_647 : i32
    %multiple_of3A_649 = tpu.assume_multiple %add3A_648, 16 : i32
    %get3A_650 = arith.index_cast %multiple_of3A_649 : i32 to index
    %get3A_651 = tpu.vector_load %arg7[%get3A_650] {strides = array<i32>} : memref<3072xi32, #tpu.memory_space<vmem>>, vector<16xi32>,
    %eq3A_652 = vector.broadcast %add3A_324 : i32 to vector<16xi32>
    %eq3A_653 = arith.cmpi eq, %get3A_651, %eq3A_652 : vector<16xi32>
    %jit3A_654 = arith.constant 1 : i32
    %jit3A_655 = arith.constant 0 : i32
    %broadcast_in_dim3A_656 = vector.broadcast %jit3A_654 : i32 to vector<16xi32>
    %broadcast_in_dim3A_657 = vector.broadcast %jit3A_655 : i32 to vector<16xi32>
    %select_n3A_658 = arith.select %eq3A_653, %broadcast_in_dim3A_656, %broadcast_in_dim3A_657 : vector<16xi1>, vector<16xi32>
    %broadcast_in_dim3A_659 = arith.constant true
    %broadcast_in_dim3A_660 = vector.broadcast %broadcast_in_dim3A_659 : i1 to vector<16xi1>
    %masked_cumsum3A_661 = tpu.scan <sum>, %select_n3A_658 masked %broadcast_in_dim3A_660 : vector<16xi32>, vector<16xi1> -> vector<16xi32>
    %add3A_662 = vector.broadcast %select_n3A_641 : i32 to vector<16xi32>
    %add3A_663 = arith.addi %masked_cumsum3A_661, %add3A_662 : vector<16xi32>
    %eq3A_664 = vector.broadcast %add3A_337 : i32 to vector<16xi32>
    %eq3A_665 = arith.cmpi eq, %add3A_663, %eq3A_664 : vector<16xi32>
    %and3A = arith.andi %eq3A_653, %eq3A_665 : vector<16xi1>
    %jit3A_666 = arith.constant 0 : i32
    %broadcast_in_dim3A_667 = vector.broadcast %jit3A_666 : i32 to vector<16xi32>
    %select_n3A_668 = arith.select %and3A, %iota3A, %broadcast_in_dim3A_667 : vector<16xi1>, vector<16xi32>
    %reduce_sum3A_669 = arith.constant true
    %reduce_sum3A_670 = vector.broadcast %reduce_sum3A_669 : i1 to vector<16xi1>
    %reduce_sum3A_671 = tpu.scan <sum>, %select_n3A_668 masked %reduce_sum3A_670 : vector<16xi32>, vector<16xi1> -> vector<16xi32>
    %reduce_sum3A_672 = vector.extract %reduce_sum3A_671[15] : i32 from vector<16xi32>
    %mul3A_673 = arith.constant 16 : i32
    %mul3A_674 = arith.muli %add3A_645, %mul3A_673 : i32
    %add3A_675 = arith.addi %mul3A_369, %mul3A_674 : i32
    %add3A_676 = arith.addi %add3A_675, %reduce_sum3A_672 : i32
    %mul3A_677 = arith.constant 3072 : i32
    %mul3A_678 = arith.muli %mul3A_5, %mul3A_677 : i32
    %add3A_679 = arith.addi %mul3A_678, %add3A_676 : i32
    %broadcast_in_dim3A_680 = vector.broadcast %add3A_679 : i32 to vector<16xi32>
    tpu.vector_store_idx %arg15[%select_n3A], %broadcast_in_dim3A_680 masked %lt3A_60 : memref<2xi32, #tpu.memory_space<vmem>>[vector<16xi32>], vector<16xi32>, vector<16xi1>
    %dma_start3A_681 = arith.constant 0 : i32
    %dma_start3A_682 = arith.constant 0 : i32
    %dma_start3A_683 = tpu.memref_slice %arg5[%dma_start3A_681, %dma_start3A_682] : memref<196608x256xf32, #tpu.memory_space<hbm>> -> memref<196608x256xf32, #tpu.memory_space<hbm>>
    tpu.enqueue_indirect_dma source(%dma_start3A_683 : memref<196608x256xf32, #tpu.memory_space<hbm>>) target(%arg13 : memref<2x256xf32, #tpu.memory_space<vmem>>) offsets(%arg15 : memref<2xi32, #tpu.memory_space<vmem>>) semaphore(%arg23 : memref<!tpu.dma_semaphore, #tpu.memory_space<semaphore_mem>>)
    %shift_right_arithmetic3A = arith.constant 10 : i32
    %shift_right_arithmetic3A_684 = arith.shrsi %add3A_676, %shift_right_arithmetic3A : i32
    %shift_right_arithmetic3A_685 = arith.constant 5 : i32
    %shift_right_arithmetic3A_686 = arith.shrsi %add3A_676, %shift_right_arithmetic3A_685 : i32
    %and3A_687 = arith.constant 31 : i32
    %and3A_688 = arith.andi %shift_right_arithmetic3A_686, %and3A_687 : i32
    %dma_start3A_689 = arith.constant 0 : i32
    %dma_start3A_690 = arith.constant 0 : i32
    %dma_start3A_691 = tpu.memref_slice %arg4[%shift_right_arithmetic3A_684, %and3A_688, %dma_start3A_689, %dma_start3A_690] : memref<3x32x32x64xi32, #tpu.memory_space<hbm>> -> memref<1x1x32x64xi32, #tpu.memory_space<hbm>>
    %dma_start3A_692 = tpu.memref_squeeze %dma_start3A_691 : memref<1x1x32x64xi32, #tpu.memory_space<hbm>> -> memref<32x64xi32, #tpu.memory_space<hbm>>
    %dma_start3A_693 = arith.constant 0 : i32
    %dma_start3A_694 = arith.constant 0 : i32
    %dma_start3A_695 = tpu.memref_slice %arg4[%shift_right_arithmetic3A_684, %and3A_688, %dma_start3A_693, %dma_start3A_694] : memref<3x32x32x64xi32, #tpu.memory_space<hbm>> -> memref<1x1x32x64xi32, #tpu.memory_space<hbm>>
    %dma_start3A_696 = tpu.memref_squeeze %dma_start3A_695 : memref<1x1x32x64xi32, #tpu.memory_space<hbm>> -> memref<32x64xi32, #tpu.memory_space<hbm>>
    tpu.enqueue_dma source(%dma_start3A_696 : memref<32x64xi32, #tpu.memory_space<hbm>>) target(%arg11 : memref<32x64xi32, #tpu.memory_space<vmem>>) target_semaphore(%arg21 : memref<!tpu.dma_semaphore, #tpu.memory_space<semaphore_mem>>)
    %dma_wait3A_697 = arith.constant 0 : i32
    %dma_wait3A_698 = tpu.memref_slice %arg2[%add3A_7, %dma_wait3A_697] : memref<64x3072xi32, #tpu.memory_space<hbm>> -> memref<1x3072xi32, #tpu.memory_space<hbm>>
    %dma_wait3A_699 = tpu.memref_squeeze %dma_wait3A_698 : memref<1x3072xi32, #tpu.memory_space<hbm>> -> memref<3072xi32, #tpu.memory_space<hbm>>
    %dma_wait3A_700 = arith.constant 0 : i32
    %dma_wait3A_701 = tpu.memref_slice %arg2[%add3A_7, %dma_wait3A_700] : memref<64x3072xi32, #tpu.memory_space<hbm>> -> memref<1x3072xi32, #tpu.memory_space<hbm>>
    %dma_wait3A_702 = tpu.memref_squeeze %dma_wait3A_701 : memref<1x3072xi32, #tpu.memory_space<hbm>> -> memref<3072xi32, #tpu.memory_space<hbm>>
    tpu.wait_dma2 semaphore(%arg20 : memref<!tpu.dma_semaphore, #tpu.memory_space<semaphore_mem>>) src(%dma_wait3A_702 : memref<3072xi32, #tpu.memory_space<hbm>>) dst(%arg8 : memref<3072xi32, #tpu.memory_space<vmem>>)
    %broadcast_in_dim3A_703 = arith.constant 1 : i32
    %broadcast_in_dim3A_704 = vector.broadcast %broadcast_in_dim3A_703 : i32 to vector<16xi32>
    %broadcast_in_dim3A_705 = arith.constant 0 : i32
    %broadcast_in_dim3A_706 = vector.broadcast %broadcast_in_dim3A_705 : i32 to vector<16xi32>
    %sub3A_707 = arith.constant 3072 : i32
    %sub3A_708 = arith.subi %sub3A_707, %reduce_max3A_58 : i32
    %scan3A_709 = arith.constant 0 : i32
    %scan3A_710 = arith.constant 0 : i32
    %scan3A_711 = arith.constant 24 : i32
    %scan3A_712 = arith.addi %scan3A_710, %scan3A_711 : i32
    %scan3A_713 = arith.constant 1 : i32
    scf.for %scan3A_1804 = %scan3A_710 to %scan3A_712 step %scan3A_713  : i32 {
      %mul3A_1805 = arith.constant 128 : i32
      %mul3A_1806 = arith.muli %scan3A_1804, %mul3A_1805 : i32
      %add3A_1807 = arith.constant 0 : i32
      %add3A_1808 = arith.addi %mul3A_1806, %add3A_1807 : i32
      %multiple_of3A_1809 = tpu.assume_multiple %add3A_1808, 16 : i32
      %get3A_1810 = arith.index_cast %multiple_of3A_1809 : i32 to index
      %get3A_1811 = tpu.vector_load %arg8[%get3A_1810] {strides = array<i32>} : memref<3072xi32, #tpu.memory_space<vmem>>, vector<16xi32>,
      %add3A_1812 = arith.constant 16 : i32
      %add3A_1813 = arith.addi %mul3A_1806, %add3A_1812 : i32
      %multiple_of3A_1814 = tpu.assume_multiple %add3A_1813, 16 : i32
      %get3A_1815 = arith.index_cast %multiple_of3A_1814 : i32 to index
      %get3A_1816 = tpu.vector_load %arg8[%get3A_1815] {strides = array<i32>} : memref<3072xi32, #tpu.memory_space<vmem>>, vector<16xi32>,
      %add3A_1817 = arith.constant 32 : i32
      %add3A_1818 = arith.addi %mul3A_1806, %add3A_1817 : i32
      %multiple_of3A_1819 = tpu.assume_multiple %add3A_1818, 16 : i32
      %get3A_1820 = arith.index_cast %multiple_of3A_1819 : i32 to index
      %get3A_1821 = tpu.vector_load %arg8[%get3A_1820] {strides = array<i32>} : memref<3072xi32, #tpu.memory_space<vmem>>, vector<16xi32>,
      %add3A_1822 = arith.constant 48 : i32
      %add3A_1823 = arith.addi %mul3A_1806, %add3A_1822 : i32
      %multiple_of3A_1824 = tpu.assume_multiple %add3A_1823, 16 : i32
      %get3A_1825 = arith.index_cast %multiple_of3A_1824 : i32 to index
      %get3A_1826 = tpu.vector_load %arg8[%get3A_1825] {strides = array<i32>} : memref<3072xi32, #tpu.memory_space<vmem>>, vector<16xi32>,
      %add3A_1827 = arith.constant 64 : i32
      %add3A_1828 = arith.addi %mul3A_1806, %add3A_1827 : i32
      %multiple_of3A_1829 = tpu.assume_multiple %add3A_1828, 16 : i32
      %get3A_1830 = arith.index_cast %multiple_of3A_1829 : i32 to index
      %get3A_1831 = tpu.vector_load %arg8[%get3A_1830] {strides = array<i32>} : memref<3072xi32, #tpu.memory_space<vmem>>, vector<16xi32>,
      %add3A_1832 = arith.constant 80 : i32
      %add3A_1833 = arith.addi %mul3A_1806, %add3A_1832 : i32
      %multiple_of3A_1834 = tpu.assume_multiple %add3A_1833, 16 : i32
      %get3A_1835 = arith.index_cast %multiple_of3A_1834 : i32 to index
      %get3A_1836 = tpu.vector_load %arg8[%get3A_1835] {strides = array<i32>} : memref<3072xi32, #tpu.memory_space<vmem>>, vector<16xi32>,
      %add3A_1837 = arith.constant 96 : i32
      %add3A_1838 = arith.addi %mul3A_1806, %add3A_1837 : i32
      %multiple_of3A_1839 = tpu.assume_multiple %add3A_1838, 16 : i32
      %get3A_1840 = arith.index_cast %multiple_of3A_1839 : i32 to index
      %get3A_1841 = tpu.vector_load %arg8[%get3A_1840] {strides = array<i32>} : memref<3072xi32, #tpu.memory_space<vmem>>, vector<16xi32>,
      %add3A_1842 = arith.constant 112 : i32
      %add3A_1843 = arith.addi %mul3A_1806, %add3A_1842 : i32
      %multiple_of3A_1844 = tpu.assume_multiple %add3A_1843, 16 : i32
      %get3A_1845 = arith.index_cast %multiple_of3A_1844 : i32 to index
      %get3A_1846 = tpu.vector_load %arg8[%get3A_1845] {strides = array<i32>} : memref<3072xi32, #tpu.memory_space<vmem>>, vector<16xi32>,
      tpu.vector_store_idx %arg10[%get3A_1811], %broadcast_in_dim3A_704 {add = true} : memref<3072xi32, #tpu.memory_space<vmem>>[vector<16xi32>], vector<16xi32>,
      tpu.vector_store_idx %arg10[%get3A_1816], %broadcast_in_dim3A_704 {add = true} : memref<3072xi32, #tpu.memory_space<vmem>>[vector<16xi32>], vector<16xi32>,
      tpu.vector_store_idx %arg10[%get3A_1821], %broadcast_in_dim3A_704 {add = true} : memref<3072xi32, #tpu.memory_space<vmem>>[vector<16xi32>], vector<16xi32>,
      tpu.vector_store_idx %arg10[%get3A_1826], %broadcast_in_dim3A_704 {add = true} : memref<3072xi32, #tpu.memory_space<vmem>>[vector<16xi32>], vector<16xi32>,
      tpu.vector_store_idx %arg10[%get3A_1831], %broadcast_in_dim3A_704 {add = true} : memref<3072xi32, #tpu.memory_space<vmem>>[vector<16xi32>], vector<16xi32>,
      tpu.vector_store_idx %arg10[%get3A_1836], %broadcast_in_dim3A_704 {add = true} : memref<3072xi32, #tpu.memory_space<vmem>>[vector<16xi32>], vector<16xi32>,
      tpu.vector_store_idx %arg10[%get3A_1841], %broadcast_in_dim3A_704 {add = true} : memref<3072xi32, #tpu.memory_space<vmem>>[vector<16xi32>], vector<16xi32>,
      tpu.vector_store_idx %arg10[%get3A_1846], %broadcast_in_dim3A_704 {add = true} : memref<3072xi32, #tpu.memory_space<vmem>>[vector<16xi32>], vector<16xi32>,
    }
    %scan3A_714 = arith.constant 24 : i32
    %broadcast_in_dim3A_715 = arith.constant 0 : i32
    %broadcast_in_dim3A_716 = vector.broadcast %broadcast_in_dim3A_715 : i32 to vector<16xi32>
    %scan3A_717 = arith.constant 192 : i32
    %scan3A_718 = arith.constant 0 : i32
    %scan3A_719 = arith.constant 24 : i32
    %scan3A_720 = arith.addi %scan3A_718, %scan3A_719 : i32
    %scan3A_721 = arith.constant 1 : i32
    %scan3A_722 = scf.for %scan3A_1804 = %scan3A_718 to %scan3A_720 step %scan3A_721 iter_args(%scan3A_1805 = %broadcast_in_dim3A_716) -> (vector<16xi32>)  : i32 {
      %mul3A_1806 = arith.constant 8 : i32
      %mul3A_1807 = arith.muli %scan3A_1804, %mul3A_1806 : i32
      %add3A_1808 = arith.constant 0 : i32
      %add3A_1809 = arith.addi %mul3A_1807, %add3A_1808 : i32
      %add3A_1810 = vector.broadcast %add3A_1809 : i32 to vector<16xi32>
      %add3A_1811 = arith.addi %iota3A, %add3A_1810 : vector<16xi32>
      %ge3A_1812 = vector.broadcast %scan3A_717 : i32 to vector<16xi32>
      %ge3A_1813 = arith.cmpi sge, %add3A_1811, %ge3A_1812 : vector<16xi32>
      %sub3A_1814 = vector.broadcast %scan3A_717 : i32 to vector<16xi32>
      %sub3A_1815 = arith.subi %add3A_1811, %sub3A_1814 : vector<16xi32>
      %select_n3A_1816 = arith.select %ge3A_1813, %sub3A_1815, %add3A_1811 : vector<16xi1>, vector<16xi32>
      %add3A_1817 = arith.addi %mul3A_3, %select_n3A_1816 : vector<16xi32>
      %gather3A_1818 = tpu.vector_load_idx %arg10[%add3A_1817] : memref<3072xi32, #tpu.memory_space<vmem>>[vector<16xi32>], vector<16xi32>,
      %add3A_1819 = arith.addi %scan3A_1805, %gather3A_1818 : vector<16xi32>
      %add3A_1820 = arith.constant 1 : i32
      %add3A_1821 = arith.addi %mul3A_1807, %add3A_1820 : i32
      %add3A_1822 = vector.broadcast %add3A_1821 : i32 to vector<16xi32>
      %add3A_1823 = arith.addi %iota3A, %add3A_1822 : vector<16xi32>
      %ge3A_1824 = vector.broadcast %scan3A_717 : i32 to vector<16xi32>
      %ge3A_1825 = arith.cmpi sge, %add3A_1823, %ge3A_1824 : vector<16xi32>
      %sub3A_1826 = vector.broadcast %scan3A_717 : i32 to vector<16xi32>
      %sub3A_1827 = arith.subi %add3A_1823, %sub3A_1826 : vector<16xi32>
      %select_n3A_1828 = arith.select %ge3A_1825, %sub3A_1827, %add3A_1823 : vector<16xi1>, vector<16xi32>
      %add3A_1829 = arith.addi %mul3A_3, %select_n3A_1828 : vector<16xi32>
      %gather3A_1830 = tpu.vector_load_idx %arg10[%add3A_1829] : memref<3072xi32, #tpu.memory_space<vmem>>[vector<16xi32>], vector<16xi32>,
      %add3A_1831 = arith.addi %add3A_1819, %gather3A_1830 : vector<16xi32>
      %add3A_1832 = arith.constant 2 : i32
      %add3A_1833 = arith.addi %mul3A_1807, %add3A_1832 : i32
      %add3A_1834 = vector.broadcast %add3A_1833 : i32 to vector<16xi32>
      %add3A_1835 = arith.addi %iota3A, %add3A_1834 : vector<16xi32>
      %ge3A_1836 = vector.broadcast %scan3A_717 : i32 to vector<16xi32>
      %ge3A_1837 = arith.cmpi sge, %add3A_1835, %ge3A_1836 : vector<16xi32>
      %sub3A_1838 = vector.broadcast %scan3A_717 : i32 to vector<16xi32>
      %sub3A_1839 = arith.subi %add3A_1835, %sub3A_1838 : vector<16xi32>
      %select_n3A_1840 = arith.select %ge3A_1837, %sub3A_1839, %add3A_1835 : vector<16xi1>, vector<16xi32>
      %add3A_1841 = arith.addi %mul3A_3, %select_n3A_1840 : vector<16xi32>
      %gather3A_1842 = tpu.vector_load_idx %arg10[%add3A_1841] : memref<3072xi32, #tpu.memory_space<vmem>>[vector<16xi32>], vector<16xi32>,
      %add3A_1843 = arith.addi %add3A_1831, %gather3A_1842 : vector<16xi32>
      %add3A_1844 = arith.constant 3 : i32
      %add3A_1845 = arith.addi %mul3A_1807, %add3A_1844 : i32
      %add3A_1846 = vector.broadcast %add3A_1845 : i32 to vector<16xi32>
      %add3A_1847 = arith.addi %iota3A, %add3A_1846 : vector<16xi32>
      %ge3A_1848 = vector.broadcast %scan3A_717 : i32 to vector<16xi32>
      %ge3A_1849 = arith.cmpi sge, %add3A_1847, %ge3A_1848 : vector<16xi32>
      %sub3A_1850 = vector.broadcast %scan3A_717 : i32 to vector<16xi32>
      %sub3A_1851 = arith.subi %add3A_1847, %sub3A_1850 : vector<16xi32>
      %select_n3A_1852 = arith.select %ge3A_1849, %sub3A_1851, %add3A_1847 : vector<16xi1>, vector<16xi32>
      %add3A_1853 = arith.addi %mul3A_3, %select_n3A_1852 : vector<16xi32>
      %gather3A_1854 = tpu.vector_load_idx %arg10[%add3A_1853] : memref<3072xi32, #tpu.memory_space<vmem>>[vector<16xi32>], vector<16xi32>,
      %add3A_1855 = arith.addi %add3A_1843, %gather3A_1854 : vector<16xi32>
      %add3A_1856 = arith.constant 4 : i32
      %add3A_1857 = arith.addi %mul3A_1807, %add3A_1856 : i32
      %add3A_1858 = vector.broadcast %add3A_1857 : i32 to vector<16xi32>
      %add3A_1859 = arith.addi %iota3A, %add3A_1858 : vector<16xi32>
      %ge3A_1860 = vector.broadcast %scan3A_717 : i32 to vector<16xi32>
      %ge3A_1861 = arith.cmpi sge, %add3A_1859, %ge3A_1860 : vector<16xi32>
      %sub3A_1862 = vector.broadcast %scan3A_717 : i32 to vector<16xi32>
      %sub3A_1863 = arith.subi %add3A_1859, %sub3A_1862 : vector<16xi32>
      %select_n3A_1864 = arith.select %ge3A_1861, %sub3A_1863, %add3A_1859 : vector<16xi1>, vector<16xi32>
      %add3A_1865 = arith.addi %mul3A_3, %select_n3A_1864 : vector<16xi32>
      %gather3A_1866 = tpu.vector_load_idx %arg10[%add3A_1865] : memref<3072xi32, #tpu.memory_space<vmem>>[vector<16xi32>], vector<16xi32>,
      %add3A_1867 = arith.addi %add3A_1855, %gather3A_1866 : vector<16xi32>
      %add3A_1868 = arith.constant 5 : i32
      %add3A_1869 = arith.addi %mul3A_1807, %add3A_1868 : i32
      %add3A_1870 = vector.broadcast %add3A_1869 : i32 to vector<16xi32>
      %add3A_1871 = arith.addi %iota3A, %add3A_1870 : vector<16xi32>
      %ge3A_1872 = vector.broadcast %scan3A_717 : i32 to vector<16xi32>
      %ge3A_1873 = arith.cmpi sge, %add3A_1871, %ge3A_1872 : vector<16xi32>
      %sub3A_1874 = vector.broadcast %scan3A_717 : i32 to vector<16xi32>
      %sub3A_1875 = arith.subi %add3A_1871, %sub3A_1874 : vector<16xi32>
      %select_n3A_1876 = arith.select %ge3A_1873, %sub3A_1875, %add3A_1871 : vector<16xi1>, vector<16xi32>
      %add3A_1877 = arith.addi %mul3A_3, %select_n3A_1876 : vector<16xi32>
      %gather3A_1878 = tpu.vector_load_idx %arg10[%add3A_1877] : memref<3072xi32, #tpu.memory_space<vmem>>[vector<16xi32>], vector<16xi32>,
      %add3A_1879 = arith.addi %add3A_1867, %gather3A_1878 : vector<16xi32>
      %add3A_1880 = arith.constant 6 : i32
      %add3A_1881 = arith.addi %mul3A_1807, %add3A_1880 : i32
      %add3A_1882 = vector.broadcast %add3A_1881 : i32 to vector<16xi32>
      %add3A_1883 = arith.addi %iota3A, %add3A_1882 : vector<16xi32>
      %ge3A_1884 = vector.broadcast %scan3A_717 : i32 to vector<16xi32>
      %ge3A_1885 = arith.cmpi sge, %add3A_1883, %ge3A_1884 : vector<16xi32>
      %sub3A_1886 = vector.broadcast %scan3A_717 : i32 to vector<16xi32>
      %sub3A_1887 = arith.subi %add3A_1883, %sub3A_1886 : vector<16xi32>
      %select_n3A_1888 = arith.select %ge3A_1885, %sub3A_1887, %add3A_1883 : vector<16xi1>, vector<16xi32>
      %add3A_1889 = arith.addi %mul3A_3, %select_n3A_1888 : vector<16xi32>
      %gather3A_1890 = tpu.vector_load_idx %arg10[%add3A_1889] : memref<3072xi32, #tpu.memory_space<vmem>>[vector<16xi32>], vector<16xi32>,
      %add3A_1891 = arith.addi %add3A_1879, %gather3A_1890 : vector<16xi32>
      %add3A_1892 = arith.constant 7 : i32
      %add3A_1893 = arith.addi %mul3A_1807, %add3A_1892 : i32
      %add3A_1894 = vector.broadcast %add3A_1893 : i32 to vector<16xi32>
      %add3A_1895 = arith.addi %iota3A, %add3A_1894 : vector<16xi32>
      %ge3A_1896 = vector.broadcast %scan3A_717 : i32 to vector<16xi32>
      %ge3A_1897 = arith.cmpi sge, %add3A_1895, %ge3A_1896 : vector<16xi32>
      %sub3A_1898 = vector.broadcast %scan3A_717 : i32 to vector<16xi32>
      %sub3A_1899 = arith.subi %add3A_1895, %sub3A_1898 : vector<16xi32>
      %select_n3A_1900 = arith.select %ge3A_1897, %sub3A_1899, %add3A_1895 : vector<16xi1>, vector<16xi32>
      %add3A_1901 = arith.addi %mul3A_3, %select_n3A_1900 : vector<16xi32>
      %gather3A_1902 = tpu.vector_load_idx %arg10[%add3A_1901] : memref<3072xi32, #tpu.memory_space<vmem>>[vector<16xi32>], vector<16xi32>,
      %add3A_1903 = arith.addi %add3A_1891, %gather3A_1902 : vector<16xi32>
      scf.yield %add3A_1903 : vector<16xi32>
    }
    %scan3A_723 = arith.constant 24 : i32
    %broadcast_in_dim3A_724 = arith.constant true
    %broadcast_in_dim3A_725 = vector.broadcast %broadcast_in_dim3A_724 : i1 to vector<16xi1>
    %masked_cumsum3A_726 = tpu.scan <sum>, %scan3A_722 masked %broadcast_in_dim3A_725 : vector<16xi32>, vector<16xi1> -> vector<16xi32>
    %lt3A_727 = vector.broadcast %sub3A_708 : i32 to vector<16xi32>
    %lt3A_728 = arith.cmpi slt, %masked_cumsum3A_726, %lt3A_727 : vector<16xi32>
    %jit3A_729 = arith.constant 1 : i32
    %jit3A_730 = arith.constant 0 : i32
    %broadcast_in_dim3A_731 = vector.broadcast %jit3A_729 : i32 to vector<16xi32>
    %broadcast_in_dim3A_732 = vector.broadcast %jit3A_730 : i32 to vector<16xi32>
    %select_n3A_733 = arith.select %lt3A_728, %broadcast_in_dim3A_731, %broadcast_in_dim3A_732 : vector<16xi1>, vector<16xi32>
    %reduce_sum3A_734 = arith.constant true
    %reduce_sum3A_735 = vector.broadcast %reduce_sum3A_734 : i1 to vector<16xi1>
    %reduce_sum3A_736 = tpu.scan <sum>, %select_n3A_733 masked %reduce_sum3A_735 : vector<16xi32>, vector<16xi1> -> vector<16xi32>
    %reduce_sum3A_737 = vector.extract %reduce_sum3A_736[15] : i32 from vector<16xi32>
    %jit3A_738 = arith.constant 0 : i32
    %broadcast_in_dim3A_739 = vector.broadcast %jit3A_738 : i32 to vector<16xi32>
    %select_n3A_740 = arith.select %lt3A_728, %scan3A_722, %broadcast_in_dim3A_739 : vector<16xi1>, vector<16xi32>
    %reduce_sum3A_741 = arith.constant true
    %reduce_sum3A_742 = vector.broadcast %reduce_sum3A_741 : i1 to vector<16xi1>
    %reduce_sum3A_743 = tpu.scan <sum>, %select_n3A_740 masked %reduce_sum3A_742 : vector<16xi32>, vector<16xi1> -> vector<16xi32>
    %reduce_sum3A_744 = vector.extract %reduce_sum3A_743[15] : i32 from vector<16xi32>
    %mul3A_745 = arith.constant 192 : i32
    %mul3A_746 = arith.muli %reduce_sum3A_737, %mul3A_745 : i32
    %add3A_747 = arith.constant 0 : i32
    %add3A_748 = arith.addi %mul3A_746, %add3A_747 : i32
    %multiple_of3A_749 = tpu.assume_multiple %add3A_748, 16 : i32
    %get3A_750 = arith.index_cast %multiple_of3A_749 : i32 to index
    %get3A_751 = tpu.vector_load %arg10[%get3A_750] {strides = array<i32>} : memref<3072xi32, #tpu.memory_space<vmem>>, vector<16xi32>,
    %add3A_752 = arith.constant 16 : i32
    %add3A_753 = arith.addi %mul3A_746, %add3A_752 : i32
    %multiple_of3A_754 = tpu.assume_multiple %add3A_753, 16 : i32
    %get3A_755 = arith.index_cast %multiple_of3A_754 : i32 to index
    %get3A_756 = tpu.vector_load %arg10[%get3A_755] {strides = array<i32>} : memref<3072xi32, #tpu.memory_space<vmem>>, vector<16xi32>,
    %add3A_757 = arith.constant 32 : i32
    %add3A_758 = arith.addi %mul3A_746, %add3A_757 : i32
    %multiple_of3A_759 = tpu.assume_multiple %add3A_758, 16 : i32
    %get3A_760 = arith.index_cast %multiple_of3A_759 : i32 to index
    %get3A_761 = tpu.vector_load %arg10[%get3A_760] {strides = array<i32>} : memref<3072xi32, #tpu.memory_space<vmem>>, vector<16xi32>,
    %add3A_762 = arith.constant 48 : i32
    %add3A_763 = arith.addi %mul3A_746, %add3A_762 : i32
    %multiple_of3A_764 = tpu.assume_multiple %add3A_763, 16 : i32
    %get3A_765 = arith.index_cast %multiple_of3A_764 : i32 to index
    %get3A_766 = tpu.vector_load %arg10[%get3A_765] {strides = array<i32>} : memref<3072xi32, #tpu.memory_space<vmem>>, vector<16xi32>,
    %add3A_767 = arith.constant 64 : i32
    %add3A_768 = arith.addi %mul3A_746, %add3A_767 : i32
    %multiple_of3A_769 = tpu.assume_multiple %add3A_768, 16 : i32
    %get3A_770 = arith.index_cast %multiple_of3A_769 : i32 to index
    %get3A_771 = tpu.vector_load %arg10[%get3A_770] {strides = array<i32>} : memref<3072xi32, #tpu.memory_space<vmem>>, vector<16xi32>,
    %add3A_772 = arith.constant 80 : i32
    %add3A_773 = arith.addi %mul3A_746, %add3A_772 : i32
    %multiple_of3A_774 = tpu.assume_multiple %add3A_773, 16 : i32
    %get3A_775 = arith.index_cast %multiple_of3A_774 : i32 to index
    %get3A_776 = tpu.vector_load %arg10[%get3A_775] {strides = array<i32>} : memref<3072xi32, #tpu.memory_space<vmem>>, vector<16xi32>,
    %add3A_777 = arith.constant 96 : i32
    %add3A_778 = arith.addi %mul3A_746, %add3A_777 : i32
    %multiple_of3A_779 = tpu.assume_multiple %add3A_778, 16 : i32
    %get3A_780 = arith.index_cast %multiple_of3A_779 : i32 to index
    %get3A_781 = tpu.vector_load %arg10[%get3A_780] {strides = array<i32>} : memref<3072xi32, #tpu.memory_space<vmem>>, vector<16xi32>,
    %add3A_782 = arith.constant 112 : i32
    %add3A_783 = arith.addi %mul3A_746, %add3A_782 : i32
    %multiple_of3A_784 = tpu.assume_multiple %add3A_783, 16 : i32
    %get3A_785 = arith.index_cast %multiple_of3A_784 : i32 to index
    %get3A_786 = tpu.vector_load %arg10[%get3A_785] {strides = array<i32>} : memref<3072xi32, #tpu.memory_space<vmem>>, vector<16xi32>,
    %add3A_787 = arith.constant 128 : i32
    %add3A_788 = arith.addi %mul3A_746, %add3A_787 : i32
    %multiple_of3A_789 = tpu.assume_multiple %add3A_788, 16 : i32
    %get3A_790 = arith.index_cast %multiple_of3A_789 : i32 to index
    %get3A_791 = tpu.vector_load %arg10[%get3A_790] {strides = array<i32>} : memref<3072xi32, #tpu.memory_space<vmem>>, vector<16xi32>,
    %add3A_792 = arith.constant 144 : i32
    %add3A_793 = arith.addi %mul3A_746, %add3A_792 : i32
    %multiple_of3A_794 = tpu.assume_multiple %add3A_793, 16 : i32
    %get3A_795 = arith.index_cast %multiple_of3A_794 : i32 to index
    %get3A_796 = tpu.vector_load %arg10[%get3A_795] {strides = array<i32>} : memref<3072xi32, #tpu.memory_space<vmem>>, vector<16xi32>,
    %add3A_797 = arith.constant 160 : i32
    %add3A_798 = arith.addi %mul3A_746, %add3A_797 : i32
    %multiple_of3A_799 = tpu.assume_multiple %add3A_798, 16 : i32
    %get3A_800 = arith.index_cast %multiple_of3A_799 : i32 to index
    %get3A_801 = tpu.vector_load %arg10[%get3A_800] {strides = array<i32>} : memref<3072xi32, #tpu.memory_space<vmem>>, vector<16xi32>,
    %add3A_802 = arith.constant 176 : i32
    %add3A_803 = arith.addi %mul3A_746, %add3A_802 : i32
    %multiple_of3A_804 = tpu.assume_multiple %add3A_803, 16 : i32
    %get3A_805 = arith.index_cast %multiple_of3A_804 : i32 to index
    %get3A_806 = tpu.vector_load %arg10[%get3A_805] {strides = array<i32>} : memref<3072xi32, #tpu.memory_space<vmem>>, vector<16xi32>,
    %reduce_sum3A_807 = arith.constant true
    %reduce_sum3A_808 = vector.broadcast %reduce_sum3A_807 : i1 to vector<16xi1>
    %reduce_sum3A_809 = tpu.scan <sum>, %get3A_751 masked %reduce_sum3A_808 : vector<16xi32>, vector<16xi1> -> vector<16xi32>
    %reduce_sum3A_810 = vector.extract %reduce_sum3A_809[15] : i32 from vector<16xi32>
    %reduce_sum3A_811 = arith.constant true
    %reduce_sum3A_812 = vector.broadcast %reduce_sum3A_811 : i1 to vector<16xi1>
    %reduce_sum3A_813 = tpu.scan <sum>, %get3A_756 masked %reduce_sum3A_812 : vector<16xi32>, vector<16xi1> -> vector<16xi32>
    %reduce_sum3A_814 = vector.extract %reduce_sum3A_813[15] : i32 from vector<16xi32>
    %reduce_sum3A_815 = arith.constant true
    %reduce_sum3A_816 = vector.broadcast %reduce_sum3A_815 : i1 to vector<16xi1>
    %reduce_sum3A_817 = tpu.scan <sum>, %get3A_761 masked %reduce_sum3A_816 : vector<16xi32>, vector<16xi1> -> vector<16xi32>
    %reduce_sum3A_818 = vector.extract %reduce_sum3A_817[15] : i32 from vector<16xi32>
    %reduce_sum3A_819 = arith.constant true
    %reduce_sum3A_820 = vector.broadcast %reduce_sum3A_819 : i1 to vector<16xi1>
    %reduce_sum3A_821 = tpu.scan <sum>, %get3A_766 masked %reduce_sum3A_820 : vector<16xi32>, vector<16xi1> -> vector<16xi32>
    %reduce_sum3A_822 = vector.extract %reduce_sum3A_821[15] : i32 from vector<16xi32>
    %reduce_sum3A_823 = arith.constant true
    %reduce_sum3A_824 = vector.broadcast %reduce_sum3A_823 : i1 to vector<16xi1>
    %reduce_sum3A_825 = tpu.scan <sum>, %get3A_771 masked %reduce_sum3A_824 : vector<16xi32>, vector<16xi1> -> vector<16xi32>
    %reduce_sum3A_826 = vector.extract %reduce_sum3A_825[15] : i32 from vector<16xi32>
    %reduce_sum3A_827 = arith.constant true
    %reduce_sum3A_828 = vector.broadcast %reduce_sum3A_827 : i1 to vector<16xi1>
    %reduce_sum3A_829 = tpu.scan <sum>, %get3A_776 masked %reduce_sum3A_828 : vector<16xi32>, vector<16xi1> -> vector<16xi32>
    %reduce_sum3A_830 = vector.extract %reduce_sum3A_829[15] : i32 from vector<16xi32>
    %reduce_sum3A_831 = arith.constant true
    %reduce_sum3A_832 = vector.broadcast %reduce_sum3A_831 : i1 to vector<16xi1>
    %reduce_sum3A_833 = tpu.scan <sum>, %get3A_781 masked %reduce_sum3A_832 : vector<16xi32>, vector<16xi1> -> vector<16xi32>
    %reduce_sum3A_834 = vector.extract %reduce_sum3A_833[15] : i32 from vector<16xi32>
    %reduce_sum3A_835 = arith.constant true
    %reduce_sum3A_836 = vector.broadcast %reduce_sum3A_835 : i1 to vector<16xi1>
    %reduce_sum3A_837 = tpu.scan <sum>, %get3A_786 masked %reduce_sum3A_836 : vector<16xi32>, vector<16xi1> -> vector<16xi32>
    %reduce_sum3A_838 = vector.extract %reduce_sum3A_837[15] : i32 from vector<16xi32>
    %reduce_sum3A_839 = arith.constant true
    %reduce_sum3A_840 = vector.broadcast %reduce_sum3A_839 : i1 to vector<16xi1>
    %reduce_sum3A_841 = tpu.scan <sum>, %get3A_791 masked %reduce_sum3A_840 : vector<16xi32>, vector<16xi1> -> vector<16xi32>
    %reduce_sum3A_842 = vector.extract %reduce_sum3A_841[15] : i32 from vector<16xi32>
    %reduce_sum3A_843 = arith.constant true
    %reduce_sum3A_844 = vector.broadcast %reduce_sum3A_843 : i1 to vector<16xi1>
    %reduce_sum3A_845 = tpu.scan <sum>, %get3A_796 masked %reduce_sum3A_844 : vector<16xi32>, vector<16xi1> -> vector<16xi32>
    %reduce_sum3A_846 = vector.extract %reduce_sum3A_845[15] : i32 from vector<16xi32>
    %reduce_sum3A_847 = arith.constant true
    %reduce_sum3A_848 = vector.broadcast %reduce_sum3A_847 : i1 to vector<16xi1>
    %reduce_sum3A_849 = tpu.scan <sum>, %get3A_801 masked %reduce_sum3A_848 : vector<16xi32>, vector<16xi1> -> vector<16xi32>
    %reduce_sum3A_850 = vector.extract %reduce_sum3A_849[15] : i32 from vector<16xi32>
    %reduce_sum3A_851 = arith.constant true
    %reduce_sum3A_852 = vector.broadcast %reduce_sum3A_851 : i1 to vector<16xi1>
    %reduce_sum3A_853 = tpu.scan <sum>, %get3A_806 masked %reduce_sum3A_852 : vector<16xi32>, vector<16xi1> -> vector<16xi32>
    %reduce_sum3A_854 = vector.extract %reduce_sum3A_853[15] : i32 from vector<16xi32>
    %add3A_855 = arith.addi %reduce_sum3A_744, %reduce_sum3A_810 : i32
    %lt3A_856 = arith.cmpi slt, %add3A_855, %sub3A_708 : i32
    %select_n3A_857 = arith.select %lt3A_856, %add3A_855, %reduce_sum3A_744 : i32
    %jit3A_858 = arith.constant 1 : i32
    %jit3A_859 = arith.constant 0 : i32
    %select_n3A_860 = arith.select %lt3A_856, %jit3A_858, %jit3A_859 : i32
    %add3A_861 = arith.constant 0 : i32
    %add3A_862 = arith.addi %add3A_861, %select_n3A_860 : i32
    %add3A_863 = arith.addi %add3A_855, %reduce_sum3A_814 : i32
    %lt3A_864 = arith.cmpi slt, %add3A_863, %sub3A_708 : i32
    %select_n3A_865 = arith.select %lt3A_864, %add3A_863, %select_n3A_857 : i32
    %jit3A_866 = arith.constant 1 : i32
    %jit3A_867 = arith.constant 0 : i32
    %select_n3A_868 = arith.select %lt3A_864, %jit3A_866, %jit3A_867 : i32
    %add3A_869 = arith.addi %add3A_862, %select_n3A_868 : i32
    %add3A_870 = arith.addi %add3A_863, %reduce_sum3A_818 : i32
    %lt3A_871 = arith.cmpi slt, %add3A_870, %sub3A_708 : i32
    %select_n3A_872 = arith.select %lt3A_871, %add3A_870, %select_n3A_865 : i32
    %jit3A_873 = arith.constant 1 : i32
    %jit3A_874 = arith.constant 0 : i32
    %select_n3A_875 = arith.select %lt3A_871, %jit3A_873, %jit3A_874 : i32
    %add3A_876 = arith.addi %add3A_869, %select_n3A_875 : i32
    %add3A_877 = arith.addi %add3A_870, %reduce_sum3A_822 : i32
    %lt3A_878 = arith.cmpi slt, %add3A_877, %sub3A_708 : i32
    %select_n3A_879 = arith.select %lt3A_878, %add3A_877, %select_n3A_872 : i32
    %jit3A_880 = arith.constant 1 : i32
    %jit3A_881 = arith.constant 0 : i32
    %select_n3A_882 = arith.select %lt3A_878, %jit3A_880, %jit3A_881 : i32
    %add3A_883 = arith.addi %add3A_876, %select_n3A_882 : i32
    %add3A_884 = arith.addi %add3A_877, %reduce_sum3A_826 : i32
    %lt3A_885 = arith.cmpi slt, %add3A_884, %sub3A_708 : i32
    %select_n3A_886 = arith.select %lt3A_885, %add3A_884, %select_n3A_879 : i32
    %jit3A_887 = arith.constant 1 : i32
    %jit3A_888 = arith.constant 0 : i32
    %select_n3A_889 = arith.select %lt3A_885, %jit3A_887, %jit3A_888 : i32
    %add3A_890 = arith.addi %add3A_883, %select_n3A_889 : i32
    %add3A_891 = arith.addi %add3A_884, %reduce_sum3A_830 : i32
    %lt3A_892 = arith.cmpi slt, %add3A_891, %sub3A_708 : i32
    %select_n3A_893 = arith.select %lt3A_892, %add3A_891, %select_n3A_886 : i32
    %jit3A_894 = arith.constant 1 : i32
    %jit3A_895 = arith.constant 0 : i32
    %select_n3A_896 = arith.select %lt3A_892, %jit3A_894, %jit3A_895 : i32
    %add3A_897 = arith.addi %add3A_890, %select_n3A_896 : i32
    %add3A_898 = arith.addi %add3A_891, %reduce_sum3A_834 : i32
    %lt3A_899 = arith.cmpi slt, %add3A_898, %sub3A_708 : i32
    %select_n3A_900 = arith.select %lt3A_899, %add3A_898, %select_n3A_893 : i32
    %jit3A_901 = arith.constant 1 : i32
    %jit3A_902 = arith.constant 0 : i32
    %select_n3A_903 = arith.select %lt3A_899, %jit3A_901, %jit3A_902 : i32
    %add3A_904 = arith.addi %add3A_897, %select_n3A_903 : i32
    %add3A_905 = arith.addi %add3A_898, %reduce_sum3A_838 : i32
    %lt3A_906 = arith.cmpi slt, %add3A_905, %sub3A_708 : i32
    %select_n3A_907 = arith.select %lt3A_906, %add3A_905, %select_n3A_900 : i32
    %jit3A_908 = arith.constant 1 : i32
    %jit3A_909 = arith.constant 0 : i32
    %select_n3A_910 = arith.select %lt3A_906, %jit3A_908, %jit3A_909 : i32
    %add3A_911 = arith.addi %add3A_904, %select_n3A_910 : i32
    %add3A_912 = arith.addi %add3A_905, %reduce_sum3A_842 : i32
    %lt3A_913 = arith.cmpi slt, %add3A_912, %sub3A_708 : i32
    %select_n3A_914 = arith.select %lt3A_913, %add3A_912, %select_n3A_907 : i32
    %jit3A_915 = arith.constant 1 : i32
    %jit3A_916 = arith.constant 0 : i32
    %select_n3A_917 = arith.select %lt3A_913, %jit3A_915, %jit3A_916 : i32
    %add3A_918 = arith.addi %add3A_911, %select_n3A_917 : i32
    %add3A_919 = arith.addi %add3A_912, %reduce_sum3A_846 : i32
    %lt3A_920 = arith.cmpi slt, %add3A_919, %sub3A_708 : i32
    %select_n3A_921 = arith.select %lt3A_920, %add3A_919, %select_n3A_914 : i32
    %jit3A_922 = arith.constant 1 : i32
    %jit3A_923 = arith.constant 0 : i32
    %select_n3A_924 = arith.select %lt3A_920, %jit3A_922, %jit3A_923 : i32
    %add3A_925 = arith.addi %add3A_918, %select_n3A_924 : i32
    %add3A_926 = arith.addi %add3A_919, %reduce_sum3A_850 : i32
    %lt3A_927 = arith.cmpi slt, %add3A_926, %sub3A_708 : i32
    %select_n3A_928 = arith.select %lt3A_927, %add3A_926, %select_n3A_921 : i32
    %jit3A_929 = arith.constant 1 : i32
    %jit3A_930 = arith.constant 0 : i32
    %select_n3A_931 = arith.select %lt3A_927, %jit3A_929, %jit3A_930 : i32
    %add3A_932 = arith.addi %add3A_925, %select_n3A_931 : i32
    %add3A_933 = arith.addi %add3A_926, %reduce_sum3A_854 : i32
    %lt3A_934 = arith.cmpi slt, %add3A_933, %sub3A_708 : i32
    %select_n3A_935 = arith.select %lt3A_934, %add3A_933, %select_n3A_928 : i32
    %jit3A_936 = arith.constant 1 : i32
    %jit3A_937 = arith.constant 0 : i32
    %select_n3A_938 = arith.select %lt3A_934, %jit3A_936, %jit3A_937 : i32
    %add3A_939 = arith.addi %add3A_932, %select_n3A_938 : i32
    %mul3A_940 = arith.constant 16 : i32
    %mul3A_941 = arith.muli %add3A_939, %mul3A_940 : i32
    %add3A_942 = arith.addi %mul3A_746, %mul3A_941 : i32
    %multiple_of3A_943 = tpu.assume_multiple %add3A_942, 16 : i32
    %get3A_944 = arith.index_cast %multiple_of3A_943 : i32 to index
    %get3A_945 = tpu.vector_load %arg10[%get3A_944] {strides = array<i32>} : memref<3072xi32, #tpu.memory_space<vmem>>, vector<16xi32>,
    %broadcast_in_dim3A_946 = arith.constant true
    %broadcast_in_dim3A_947 = vector.broadcast %broadcast_in_dim3A_946 : i1 to vector<16xi1>
    %masked_cumsum3A_948 = tpu.scan <sum>, %get3A_945 masked %broadcast_in_dim3A_947 : vector<16xi32>, vector<16xi1> -> vector<16xi32>
    %add3A_949 = vector.broadcast %select_n3A_935 : i32 to vector<16xi32>
    %add3A_950 = arith.addi %masked_cumsum3A_948, %add3A_949 : vector<16xi32>
    %ge3A_951 = vector.broadcast %sub3A_708 : i32 to vector<16xi32>
    %ge3A_952 = arith.cmpi sge, %add3A_950, %ge3A_951 : vector<16xi32>
    %jit3A_953 = arith.constant 0 : i32
    %jit3A_954 = arith.constant 1 : i32
    %broadcast_in_dim3A_955 = vector.broadcast %jit3A_953 : i32 to vector<16xi32>
    %broadcast_in_dim3A_956 = vector.broadcast %jit3A_954 : i32 to vector<16xi32>
    %select_n3A_957 = arith.select %ge3A_952, %broadcast_in_dim3A_955, %broadcast_in_dim3A_956 : vector<16xi1>, vector<16xi32>
    %reduce_sum3A_958 = arith.constant true
    %reduce_sum3A_959 = vector.broadcast %reduce_sum3A_958 : i1 to vector<16xi1>
    %reduce_sum3A_960 = tpu.scan <sum>, %select_n3A_957 masked %reduce_sum3A_959 : vector<16xi32>, vector<16xi1> -> vector<16xi32>
    %reduce_sum3A_961 = vector.extract %reduce_sum3A_960[15] : i32 from vector<16xi32>
    %mul3A_962 = arith.constant 16 : i32
    %mul3A_963 = arith.muli %add3A_939, %mul3A_962 : i32
    %add3A_964 = arith.addi %mul3A_746, %mul3A_963 : i32
    %add3A_965 = arith.addi %add3A_964, %reduce_sum3A_961 : i32
    %jit3A_966 = arith.constant 2147483647 : i32
    %broadcast_in_dim3A_967 = vector.broadcast %jit3A_966 : i32 to vector<16xi32>
    %select_n3A_968 = arith.select %ge3A_952, %add3A_950, %broadcast_in_dim3A_967 : vector<16xi1>, vector<16xi32>
    %reduce_min3A_969 = arith.constant true
    %reduce_min3A_970 = vector.broadcast %reduce_min3A_969 : i1 to vector<16xi1>
    %reduce_min3A_971 = arith.constant -2147483648 : i32
    %reduce_min3A_972 = vector.broadcast %reduce_min3A_971 : i32 to vector<16xi32>
    %reduce_min3A_973 = arith.xori %select_n3A_968, %reduce_min3A_972 : vector<16xi32>
    %reduce_min3A_974 = tpu.scan <min>, %reduce_min3A_973 masked %reduce_min3A_970 : vector<16xi32>, vector<16xi1> -> vector<16xi32>
    %reduce_min3A_975 = arith.xori %reduce_min3A_974, %reduce_min3A_972 : vector<16xi32>
    %reduce_min3A_976 = vector.extract %reduce_min3A_975[15] : i32 from vector<16xi32>
    %sub3A_977 = arith.subi %reduce_min3A_976, %sub3A_708 : i32
    %add3A_978 = arith.constant 1 : i32
    %add3A_979 = arith.addi %sub3A_977, %add3A_978 : i32
    %broadcast_in_dim3A_980 = arith.constant 0 : i32
    %broadcast_in_dim3A_981 = vector.broadcast %broadcast_in_dim3A_980 : i32 to vector<16xi32>
    %scan3A_982 = arith.constant 192 : i32
    %scan3A_983 = arith.constant 0 : i32
    %scan3A_984 = arith.constant 24 : i32
    %scan3A_985 = arith.addi %scan3A_983, %scan3A_984 : i32
    %scan3A_986 = arith.constant 1 : i32
    %scan3A_987 = scf.for %scan3A_1804 = %scan3A_983 to %scan3A_985 step %scan3A_986 iter_args(%scan3A_1805 = %broadcast_in_dim3A_981) -> (vector<16xi32>)  : i32 {
      %mul3A_1806 = arith.constant 8 : i32
      %mul3A_1807 = arith.muli %scan3A_1804, %mul3A_1806 : i32
      %add3A_1808 = arith.constant 0 : i32
      %add3A_1809 = arith.addi %mul3A_1807, %add3A_1808 : i32
      %add3A_1810 = vector.broadcast %add3A_1809 : i32 to vector<16xi32>
      %add3A_1811 = arith.addi %iota3A, %add3A_1810 : vector<16xi32>
      %ge3A_1812 = vector.broadcast %scan3A_982 : i32 to vector<16xi32>
      %ge3A_1813 = arith.cmpi sge, %add3A_1811, %ge3A_1812 : vector<16xi32>
      %sub3A_1814 = vector.broadcast %scan3A_982 : i32 to vector<16xi32>
      %sub3A_1815 = arith.subi %add3A_1811, %sub3A_1814 : vector<16xi32>
      %select_n3A_1816 = arith.select %ge3A_1813, %sub3A_1815, %add3A_1811 : vector<16xi1>, vector<16xi32>
      %add3A_1817 = arith.addi %mul3A_3, %select_n3A_1816 : vector<16xi32>
      %gather3A_1818 = tpu.vector_load_idx %arg8[%add3A_1817] : memref<3072xi32, #tpu.memory_space<vmem>>[vector<16xi32>], vector<16xi32>,
      %eq3A_1819 = vector.broadcast %add3A_965 : i32 to vector<16xi32>
      %eq3A_1820 = arith.cmpi eq, %gather3A_1818, %eq3A_1819 : vector<16xi32>
      %jit3A_1821 = arith.constant 1 : i32
      %jit3A_1822 = arith.constant 0 : i32
      %broadcast_in_dim3A_1823 = vector.broadcast %jit3A_1821 : i32 to vector<16xi32>
      %broadcast_in_dim3A_1824 = vector.broadcast %jit3A_1822 : i32 to vector<16xi32>
      %select_n3A_1825 = arith.select %eq3A_1820, %broadcast_in_dim3A_1823, %broadcast_in_dim3A_1824 : vector<16xi1>, vector<16xi32>
      %add3A_1826 = arith.addi %scan3A_1805, %select_n3A_1825 : vector<16xi32>
      %mul3A_1827 = arith.constant 8 : i32
      %mul3A_1828 = arith.muli %scan3A_1804, %mul3A_1827 : i32
      %add3A_1829 = arith.constant 0 : i32
      %add3A_1830 = arith.addi %mul3A_1828, %add3A_1829 : i32
      %mul3A_1831 = arith.constant 16 : i32
      %mul3A_1832 = arith.muli %add3A_1830, %mul3A_1831 : i32
      %multiple_of3A_1833 = tpu.assume_multiple %mul3A_1832, 16 : i32
      %swap3A_1834 = arith.index_cast %multiple_of3A_1833 : i32 to index
      %swap3A_1835 = tpu.vector_load %arg10[%swap3A_1834] {strides = array<i32>} : memref<3072xi32, #tpu.memory_space<vmem>>, vector<16xi32>,
      tpu.vector_store %arg10[%swap3A_1834], %broadcast_in_dim3A_706 {strides = array<i32>} : memref<3072xi32, #tpu.memory_space<vmem>>, vector<16xi32>,
      %add3A_1836 = arith.constant 1 : i32
      %add3A_1837 = arith.addi %mul3A_1807, %add3A_1836 : i32
      %add3A_1838 = vector.broadcast %add3A_1837 : i32 to vector<16xi32>
      %add3A_1839 = arith.addi %iota3A, %add3A_1838 : vector<16xi32>
      %ge3A_1840 = vector.broadcast %scan3A_982 : i32 to vector<16xi32>
      %ge3A_1841 = arith.cmpi sge, %add3A_1839, %ge3A_1840 : vector<16xi32>
      %sub3A_1842 = vector.broadcast %scan3A_982 : i32 to vector<16xi32>
      %sub3A_1843 = arith.subi %add3A_1839, %sub3A_1842 : vector<16xi32>
      %select_n3A_1844 = arith.select %ge3A_1841, %sub3A_1843, %add3A_1839 : vector<16xi1>, vector<16xi32>
      %add3A_1845 = arith.addi %mul3A_3, %select_n3A_1844 : vector<16xi32>
      %gather3A_1846 = tpu.vector_load_idx %arg8[%add3A_1845] : memref<3072xi32, #tpu.memory_space<vmem>>[vector<16xi32>], vector<16xi32>,
      %eq3A_1847 = vector.broadcast %add3A_965 : i32 to vector<16xi32>
      %eq3A_1848 = arith.cmpi eq, %gather3A_1846, %eq3A_1847 : vector<16xi32>
      %jit3A_1849 = arith.constant 1 : i32
      %jit3A_1850 = arith.constant 0 : i32
      %broadcast_in_dim3A_1851 = vector.broadcast %jit3A_1849 : i32 to vector<16xi32>
      %broadcast_in_dim3A_1852 = vector.broadcast %jit3A_1850 : i32 to vector<16xi32>
      %select_n3A_1853 = arith.select %eq3A_1848, %broadcast_in_dim3A_1851, %broadcast_in_dim3A_1852 : vector<16xi1>, vector<16xi32>
      %add3A_1854 = arith.addi %add3A_1826, %select_n3A_1853 : vector<16xi32>
      %mul3A_1855 = arith.constant 8 : i32
      %mul3A_1856 = arith.muli %scan3A_1804, %mul3A_1855 : i32
      %add3A_1857 = arith.constant 1 : i32
      %add3A_1858 = arith.addi %mul3A_1856, %add3A_1857 : i32
      %mul3A_1859 = arith.constant 16 : i32
      %mul3A_1860 = arith.muli %add3A_1858, %mul3A_1859 : i32
      %multiple_of3A_1861 = tpu.assume_multiple %mul3A_1860, 16 : i32
      %swap3A_1862 = arith.index_cast %multiple_of3A_1861 : i32 to index
      %swap3A_1863 = tpu.vector_load %arg10[%swap3A_1862] {strides = array<i32>} : memref<3072xi32, #tpu.memory_space<vmem>>, vector<16xi32>,
      tpu.vector_store %arg10[%swap3A_1862], %broadcast_in_dim3A_706 {strides = array<i32>} : memref<3072xi32, #tpu.memory_space<vmem>>, vector<16xi32>,
      %add3A_1864 = arith.constant 2 : i32
      %add3A_1865 = arith.addi %mul3A_1807, %add3A_1864 : i32
      %add3A_1866 = vector.broadcast %add3A_1865 : i32 to vector<16xi32>
      %add3A_1867 = arith.addi %iota3A, %add3A_1866 : vector<16xi32>
      %ge3A_1868 = vector.broadcast %scan3A_982 : i32 to vector<16xi32>
      %ge3A_1869 = arith.cmpi sge, %add3A_1867, %ge3A_1868 : vector<16xi32>
      %sub3A_1870 = vector.broadcast %scan3A_982 : i32 to vector<16xi32>
      %sub3A_1871 = arith.subi %add3A_1867, %sub3A_1870 : vector<16xi32>
      %select_n3A_1872 = arith.select %ge3A_1869, %sub3A_1871, %add3A_1867 : vector<16xi1>, vector<16xi32>
      %add3A_1873 = arith.addi %mul3A_3, %select_n3A_1872 : vector<16xi32>
      %gather3A_1874 = tpu.vector_load_idx %arg8[%add3A_1873] : memref<3072xi32, #tpu.memory_space<vmem>>[vector<16xi32>], vector<16xi32>,
      %eq3A_1875 = vector.broadcast %add3A_965 : i32 to vector<16xi32>
      %eq3A_1876 = arith.cmpi eq, %gather3A_1874, %eq3A_1875 : vector<16xi32>
      %jit3A_1877 = arith.constant 1 : i32
      %jit3A_1878 = arith.constant 0 : i32
      %broadcast_in_dim3A_1879 = vector.broadcast %jit3A_1877 : i32 to vector<16xi32>
      %broadcast_in_dim3A_1880 = vector.broadcast %jit3A_1878 : i32 to vector<16xi32>
      %select_n3A_1881 = arith.select %eq3A_1876, %broadcast_in_dim3A_1879, %broadcast_in_dim3A_1880 : vector<16xi1>, vector<16xi32>
      %add3A_1882 = arith.addi %add3A_1854, %select_n3A_1881 : vector<16xi32>
      %mul3A_1883 = arith.constant 8 : i32
      %mul3A_1884 = arith.muli %scan3A_1804, %mul3A_1883 : i32
      %add3A_1885 = arith.constant 2 : i32
      %add3A_1886 = arith.addi %mul3A_1884, %add3A_1885 : i32
      %mul3A_1887 = arith.constant 16 : i32
      %mul3A_1888 = arith.muli %add3A_1886, %mul3A_1887 : i32
      %multiple_of3A_1889 = tpu.assume_multiple %mul3A_1888, 16 : i32
      %swap3A_1890 = arith.index_cast %multiple_of3A_1889 : i32 to index
      %swap3A_1891 = tpu.vector_load %arg10[%swap3A_1890] {strides = array<i32>} : memref<3072xi32, #tpu.memory_space<vmem>>, vector<16xi32>,
      tpu.vector_store %arg10[%swap3A_1890], %broadcast_in_dim3A_706 {strides = array<i32>} : memref<3072xi32, #tpu.memory_space<vmem>>, vector<16xi32>,
      %add3A_1892 = arith.constant 3 : i32
      %add3A_1893 = arith.addi %mul3A_1807, %add3A_1892 : i32
      %add3A_1894 = vector.broadcast %add3A_1893 : i32 to vector<16xi32>
      %add3A_1895 = arith.addi %iota3A, %add3A_1894 : vector<16xi32>
      %ge3A_1896 = vector.broadcast %scan3A_982 : i32 to vector<16xi32>
      %ge3A_1897 = arith.cmpi sge, %add3A_1895, %ge3A_1896 : vector<16xi32>
      %sub3A_1898 = vector.broadcast %scan3A_982 : i32 to vector<16xi32>
      %sub3A_1899 = arith.subi %add3A_1895, %sub3A_1898 : vector<16xi32>
      %select_n3A_1900 = arith.select %ge3A_1897, %sub3A_1899, %add3A_1895 : vector<16xi1>, vector<16xi32>
      %add3A_1901 = arith.addi %mul3A_3, %select_n3A_1900 : vector<16xi32>
      %gather3A_1902 = tpu.vector_load_idx %arg8[%add3A_1901] : memref<3072xi32, #tpu.memory_space<vmem>>[vector<16xi32>], vector<16xi32>,
      %eq3A_1903 = vector.broadcast %add3A_965 : i32 to vector<16xi32>
      %eq3A_1904 = arith.cmpi eq, %gather3A_1902, %eq3A_1903 : vector<16xi32>
      %jit3A_1905 = arith.constant 1 : i32
      %jit3A_1906 = arith.constant 0 : i32
      %broadcast_in_dim3A_1907 = vector.broadcast %jit3A_1905 : i32 to vector<16xi32>
      %broadcast_in_dim3A_1908 = vector.broadcast %jit3A_1906 : i32 to vector<16xi32>
      %select_n3A_1909 = arith.select %eq3A_1904, %broadcast_in_dim3A_1907, %broadcast_in_dim3A_1908 : vector<16xi1>, vector<16xi32>
      %add3A_1910 = arith.addi %add3A_1882, %select_n3A_1909 : vector<16xi32>
      %mul3A_1911 = arith.constant 8 : i32
      %mul3A_1912 = arith.muli %scan3A_1804, %mul3A_1911 : i32
      %add3A_1913 = arith.constant 3 : i32
      %add3A_1914 = arith.addi %mul3A_1912, %add3A_1913 : i32
      %mul3A_1915 = arith.constant 16 : i32
      %mul3A_1916 = arith.muli %add3A_1914, %mul3A_1915 : i32
      %multiple_of3A_1917 = tpu.assume_multiple %mul3A_1916, 16 : i32
      %swap3A_1918 = arith.index_cast %multiple_of3A_1917 : i32 to index
      %swap3A_1919 = tpu.vector_load %arg10[%swap3A_1918] {strides = array<i32>} : memref<3072xi32, #tpu.memory_space<vmem>>, vector<16xi32>,
      tpu.vector_store %arg10[%swap3A_1918], %broadcast_in_dim3A_706 {strides = array<i32>} : memref<3072xi32, #tpu.memory_space<vmem>>, vector<16xi32>,
      %add3A_1920 = arith.constant 4 : i32
      %add3A_1921 = arith.addi %mul3A_1807, %add3A_1920 : i32
      %add3A_1922 = vector.broadcast %add3A_1921 : i32 to vector<16xi32>
      %add3A_1923 = arith.addi %iota3A, %add3A_1922 : vector<16xi32>
      %ge3A_1924 = vector.broadcast %scan3A_982 : i32 to vector<16xi32>
      %ge3A_1925 = arith.cmpi sge, %add3A_1923, %ge3A_1924 : vector<16xi32>
      %sub3A_1926 = vector.broadcast %scan3A_982 : i32 to vector<16xi32>
      %sub3A_1927 = arith.subi %add3A_1923, %sub3A_1926 : vector<16xi32>
      %select_n3A_1928 = arith.select %ge3A_1925, %sub3A_1927, %add3A_1923 : vector<16xi1>, vector<16xi32>
      %add3A_1929 = arith.addi %mul3A_3, %select_n3A_1928 : vector<16xi32>
      %gather3A_1930 = tpu.vector_load_idx %arg8[%add3A_1929] : memref<3072xi32, #tpu.memory_space<vmem>>[vector<16xi32>], vector<16xi32>,
      %eq3A_1931 = vector.broadcast %add3A_965 : i32 to vector<16xi32>
      %eq3A_1932 = arith.cmpi eq, %gather3A_1930, %eq3A_1931 : vector<16xi32>
      %jit3A_1933 = arith.constant 1 : i32
      %jit3A_1934 = arith.constant 0 : i32
      %broadcast_in_dim3A_1935 = vector.broadcast %jit3A_1933 : i32 to vector<16xi32>
      %broadcast_in_dim3A_1936 = vector.broadcast %jit3A_1934 : i32 to vector<16xi32>
      %select_n3A_1937 = arith.select %eq3A_1932, %broadcast_in_dim3A_1935, %broadcast_in_dim3A_1936 : vector<16xi1>, vector<16xi32>
      %add3A_1938 = arith.addi %add3A_1910, %select_n3A_1937 : vector<16xi32>
      %mul3A_1939 = arith.constant 8 : i32
      %mul3A_1940 = arith.muli %scan3A_1804, %mul3A_1939 : i32
      %add3A_1941 = arith.constant 4 : i32
      %add3A_1942 = arith.addi %mul3A_1940, %add3A_1941 : i32
      %mul3A_1943 = arith.constant 16 : i32
      %mul3A_1944 = arith.muli %add3A_1942, %mul3A_1943 : i32
      %multiple_of3A_1945 = tpu.assume_multiple %mul3A_1944, 16 : i32
      %swap3A_1946 = arith.index_cast %multiple_of3A_1945 : i32 to index
      %swap3A_1947 = tpu.vector_load %arg10[%swap3A_1946] {strides = array<i32>} : memref<3072xi32, #tpu.memory_space<vmem>>, vector<16xi32>,
      tpu.vector_store %arg10[%swap3A_1946], %broadcast_in_dim3A_706 {strides = array<i32>} : memref<3072xi32, #tpu.memory_space<vmem>>, vector<16xi32>,
      %add3A_1948 = arith.constant 5 : i32
      %add3A_1949 = arith.addi %mul3A_1807, %add3A_1948 : i32
      %add3A_1950 = vector.broadcast %add3A_1949 : i32 to vector<16xi32>
      %add3A_1951 = arith.addi %iota3A, %add3A_1950 : vector<16xi32>
      %ge3A_1952 = vector.broadcast %scan3A_982 : i32 to vector<16xi32>
      %ge3A_1953 = arith.cmpi sge, %add3A_1951, %ge3A_1952 : vector<16xi32>
      %sub3A_1954 = vector.broadcast %scan3A_982 : i32 to vector<16xi32>
      %sub3A_1955 = arith.subi %add3A_1951, %sub3A_1954 : vector<16xi32>
      %select_n3A_1956 = arith.select %ge3A_1953, %sub3A_1955, %add3A_1951 : vector<16xi1>, vector<16xi32>
      %add3A_1957 = arith.addi %mul3A_3, %select_n3A_1956 : vector<16xi32>
      %gather3A_1958 = tpu.vector_load_idx %arg8[%add3A_1957] : memref<3072xi32, #tpu.memory_space<vmem>>[vector<16xi32>], vector<16xi32>,
      %eq3A_1959 = vector.broadcast %add3A_965 : i32 to vector<16xi32>
      %eq3A_1960 = arith.cmpi eq, %gather3A_1958, %eq3A_1959 : vector<16xi32>
      %jit3A_1961 = arith.constant 1 : i32
      %jit3A_1962 = arith.constant 0 : i32
      %broadcast_in_dim3A_1963 = vector.broadcast %jit3A_1961 : i32 to vector<16xi32>
      %broadcast_in_dim3A_1964 = vector.broadcast %jit3A_1962 : i32 to vector<16xi32>
      %select_n3A_1965 = arith.select %eq3A_1960, %broadcast_in_dim3A_1963, %broadcast_in_dim3A_1964 : vector<16xi1>, vector<16xi32>
      %add3A_1966 = arith.addi %add3A_1938, %select_n3A_1965 : vector<16xi32>
      %mul3A_1967 = arith.constant 8 : i32
      %mul3A_1968 = arith.muli %scan3A_1804, %mul3A_1967 : i32
      %add3A_1969 = arith.constant 5 : i32
      %add3A_1970 = arith.addi %mul3A_1968, %add3A_1969 : i32
      %mul3A_1971 = arith.constant 16 : i32
      %mul3A_1972 = arith.muli %add3A_1970, %mul3A_1971 : i32
      %multiple_of3A_1973 = tpu.assume_multiple %mul3A_1972, 16 : i32
      %swap3A_1974 = arith.index_cast %multiple_of3A_1973 : i32 to index
      %swap3A_1975 = tpu.vector_load %arg10[%swap3A_1974] {strides = array<i32>} : memref<3072xi32, #tpu.memory_space<vmem>>, vector<16xi32>,
      tpu.vector_store %arg10[%swap3A_1974], %broadcast_in_dim3A_706 {strides = array<i32>} : memref<3072xi32, #tpu.memory_space<vmem>>, vector<16xi32>,
      %add3A_1976 = arith.constant 6 : i32
      %add3A_1977 = arith.addi %mul3A_1807, %add3A_1976 : i32
      %add3A_1978 = vector.broadcast %add3A_1977 : i32 to vector<16xi32>
      %add3A_1979 = arith.addi %iota3A, %add3A_1978 : vector<16xi32>
      %ge3A_1980 = vector.broadcast %scan3A_982 : i32 to vector<16xi32>
      %ge3A_1981 = arith.cmpi sge, %add3A_1979, %ge3A_1980 : vector<16xi32>
      %sub3A_1982 = vector.broadcast %scan3A_982 : i32 to vector<16xi32>
      %sub3A_1983 = arith.subi %add3A_1979, %sub3A_1982 : vector<16xi32>
      %select_n3A_1984 = arith.select %ge3A_1981, %sub3A_1983, %add3A_1979 : vector<16xi1>, vector<16xi32>
      %add3A_1985 = arith.addi %mul3A_3, %select_n3A_1984 : vector<16xi32>
      %gather3A_1986 = tpu.vector_load_idx %arg8[%add3A_1985] : memref<3072xi32, #tpu.memory_space<vmem>>[vector<16xi32>], vector<16xi32>,
      %eq3A_1987 = vector.broadcast %add3A_965 : i32 to vector<16xi32>
      %eq3A_1988 = arith.cmpi eq, %gather3A_1986, %eq3A_1987 : vector<16xi32>
      %jit3A_1989 = arith.constant 1 : i32
      %jit3A_1990 = arith.constant 0 : i32
      %broadcast_in_dim3A_1991 = vector.broadcast %jit3A_1989 : i32 to vector<16xi32>
      %broadcast_in_dim3A_1992 = vector.broadcast %jit3A_1990 : i32 to vector<16xi32>
      %select_n3A_1993 = arith.select %eq3A_1988, %broadcast_in_dim3A_1991, %broadcast_in_dim3A_1992 : vector<16xi1>, vector<16xi32>
      %add3A_1994 = arith.addi %add3A_1966, %select_n3A_1993 : vector<16xi32>
      %mul3A_1995 = arith.constant 8 : i32
      %mul3A_1996 = arith.muli %scan3A_1804, %mul3A_1995 : i32
      %add3A_1997 = arith.constant 6 : i32
      %add3A_1998 = arith.addi %mul3A_1996, %add3A_1997 : i32
      %mul3A_1999 = arith.constant 16 : i32
      %mul3A_2000 = arith.muli %add3A_1998, %mul3A_1999 : i32
      %multiple_of3A_2001 = tpu.assume_multiple %mul3A_2000, 16 : i32
      %swap3A_2002 = arith.index_cast %multiple_of3A_2001 : i32 to index
      %swap3A_2003 = tpu.vector_load %arg10[%swap3A_2002] {strides = array<i32>} : memref<3072xi32, #tpu.memory_space<vmem>>, vector<16xi32>,
      tpu.vector_store %arg10[%swap3A_2002], %broadcast_in_dim3A_706 {strides = array<i32>} : memref<3072xi32, #tpu.memory_space<vmem>>, vector<16xi32>,
      %add3A_2004 = arith.constant 7 : i32
      %add3A_2005 = arith.addi %mul3A_1807, %add3A_2004 : i32
      %add3A_2006 = vector.broadcast %add3A_2005 : i32 to vector<16xi32>
      %add3A_2007 = arith.addi %iota3A, %add3A_2006 : vector<16xi32>
      %ge3A_2008 = vector.broadcast %scan3A_982 : i32 to vector<16xi32>
      %ge3A_2009 = arith.cmpi sge, %add3A_2007, %ge3A_2008 : vector<16xi32>
      %sub3A_2010 = vector.broadcast %scan3A_982 : i32 to vector<16xi32>
      %sub3A_2011 = arith.subi %add3A_2007, %sub3A_2010 : vector<16xi32>
      %select_n3A_2012 = arith.select %ge3A_2009, %sub3A_2011, %add3A_2007 : vector<16xi1>, vector<16xi32>
      %add3A_2013 = arith.addi %mul3A_3, %select_n3A_2012 : vector<16xi32>
      %gather3A_2014 = tpu.vector_load_idx %arg8[%add3A_2013] : memref<3072xi32, #tpu.memory_space<vmem>>[vector<16xi32>], vector<16xi32>,
      %eq3A_2015 = vector.broadcast %add3A_965 : i32 to vector<16xi32>
      %eq3A_2016 = arith.cmpi eq, %gather3A_2014, %eq3A_2015 : vector<16xi32>
      %jit3A_2017 = arith.constant 1 : i32
      %jit3A_2018 = arith.constant 0 : i32
      %broadcast_in_dim3A_2019 = vector.broadcast %jit3A_2017 : i32 to vector<16xi32>
      %broadcast_in_dim3A_2020 = vector.broadcast %jit3A_2018 : i32 to vector<16xi32>
      %select_n3A_2021 = arith.select %eq3A_2016, %broadcast_in_dim3A_2019, %broadcast_in_dim3A_2020 : vector<16xi1>, vector<16xi32>
      %add3A_2022 = arith.addi %add3A_1994, %select_n3A_2021 : vector<16xi32>
      %mul3A_2023 = arith.constant 8 : i32
      %mul3A_2024 = arith.muli %scan3A_1804, %mul3A_2023 : i32
      %add3A_2025 = arith.constant 7 : i32
      %add3A_2026 = arith.addi %mul3A_2024, %add3A_2025 : i32
      %mul3A_2027 = arith.constant 16 : i32
      %mul3A_2028 = arith.muli %add3A_2026, %mul3A_2027 : i32
      %multiple_of3A_2029 = tpu.assume_multiple %mul3A_2028, 16 : i32
      %swap3A_2030 = arith.index_cast %multiple_of3A_2029 : i32 to index
      %swap3A_2031 = tpu.vector_load %arg10[%swap3A_2030] {strides = array<i32>} : memref<3072xi32, #tpu.memory_space<vmem>>, vector<16xi32>,
      tpu.vector_store %arg10[%swap3A_2030], %broadcast_in_dim3A_706 {strides = array<i32>} : memref<3072xi32, #tpu.memory_space<vmem>>, vector<16xi32>,
      scf.yield %add3A_2022 : vector<16xi32>
    }
    %scan3A_988 = arith.constant 24 : i32
    %broadcast_in_dim3A_989 = arith.constant true
    %broadcast_in_dim3A_990 = vector.broadcast %broadcast_in_dim3A_989 : i1 to vector<16xi1>
    %masked_cumsum3A_991 = tpu.scan <sum>, %scan3A_987 masked %broadcast_in_dim3A_990 : vector<16xi32>, vector<16xi1> -> vector<16xi32>
    %lt3A_992 = vector.broadcast %add3A_979 : i32 to vector<16xi32>
    %lt3A_993 = arith.cmpi slt, %masked_cumsum3A_991, %lt3A_992 : vector<16xi32>
    %jit3A_994 = arith.constant 1 : i32
    %jit3A_995 = arith.constant 0 : i32
    %broadcast_in_dim3A_996 = vector.broadcast %jit3A_994 : i32 to vector<16xi32>
    %broadcast_in_dim3A_997 = vector.broadcast %jit3A_995 : i32 to vector<16xi32>
    %select_n3A_998 = arith.select %lt3A_993, %broadcast_in_dim3A_996, %broadcast_in_dim3A_997 : vector<16xi1>, vector<16xi32>
    %reduce_sum3A_999 = arith.constant true
    %reduce_sum3A_1000 = vector.broadcast %reduce_sum3A_999 : i1 to vector<16xi1>
    %reduce_sum3A_1001 = tpu.scan <sum>, %select_n3A_998 masked %reduce_sum3A_1000 : vector<16xi32>, vector<16xi1> -> vector<16xi32>
    %reduce_sum3A_1002 = vector.extract %reduce_sum3A_1001[15] : i32 from vector<16xi32>
    %jit3A_1003 = arith.constant 0 : i32
    %broadcast_in_dim3A_1004 = vector.broadcast %jit3A_1003 : i32 to vector<16xi32>
    %select_n3A_1005 = arith.select %lt3A_993, %scan3A_987, %broadcast_in_dim3A_1004 : vector<16xi1>, vector<16xi32>
    %reduce_sum3A_1006 = arith.constant true
    %reduce_sum3A_1007 = vector.broadcast %reduce_sum3A_1006 : i1 to vector<16xi1>
    %reduce_sum3A_1008 = tpu.scan <sum>, %select_n3A_1005 masked %reduce_sum3A_1007 : vector<16xi32>, vector<16xi1> -> vector<16xi32>
    %reduce_sum3A_1009 = vector.extract %reduce_sum3A_1008[15] : i32 from vector<16xi32>
    %mul3A_1010 = arith.constant 192 : i32
    %mul3A_1011 = arith.muli %reduce_sum3A_1002, %mul3A_1010 : i32
    %add3A_1012 = arith.constant 0 : i32
    %add3A_1013 = arith.addi %mul3A_1011, %add3A_1012 : i32
    %multiple_of3A_1014 = tpu.assume_multiple %add3A_1013, 16 : i32
    %get3A_1015 = arith.index_cast %multiple_of3A_1014 : i32 to index
    %get3A_1016 = tpu.vector_load %arg8[%get3A_1015] {strides = array<i32>} : memref<3072xi32, #tpu.memory_space<vmem>>, vector<16xi32>,
    %add3A_1017 = arith.constant 16 : i32
    %add3A_1018 = arith.addi %mul3A_1011, %add3A_1017 : i32
    %multiple_of3A_1019 = tpu.assume_multiple %add3A_1018, 16 : i32
    %get3A_1020 = arith.index_cast %multiple_of3A_1019 : i32 to index
    %get3A_1021 = tpu.vector_load %arg8[%get3A_1020] {strides = array<i32>} : memref<3072xi32, #tpu.memory_space<vmem>>, vector<16xi32>,
    %add3A_1022 = arith.constant 32 : i32
    %add3A_1023 = arith.addi %mul3A_1011, %add3A_1022 : i32
    %multiple_of3A_1024 = tpu.assume_multiple %add3A_1023, 16 : i32
    %get3A_1025 = arith.index_cast %multiple_of3A_1024 : i32 to index
    %get3A_1026 = tpu.vector_load %arg8[%get3A_1025] {strides = array<i32>} : memref<3072xi32, #tpu.memory_space<vmem>>, vector<16xi32>,
    %add3A_1027 = arith.constant 48 : i32
    %add3A_1028 = arith.addi %mul3A_1011, %add3A_1027 : i32
    %multiple_of3A_1029 = tpu.assume_multiple %add3A_1028, 16 : i32
    %get3A_1030 = arith.index_cast %multiple_of3A_1029 : i32 to index
    %get3A_1031 = tpu.vector_load %arg8[%get3A_1030] {strides = array<i32>} : memref<3072xi32, #tpu.memory_space<vmem>>, vector<16xi32>,
    %add3A_1032 = arith.constant 64 : i32
    %add3A_1033 = arith.addi %mul3A_1011, %add3A_1032 : i32
    %multiple_of3A_1034 = tpu.assume_multiple %add3A_1033, 16 : i32
    %get3A_1035 = arith.index_cast %multiple_of3A_1034 : i32 to index
    %get3A_1036 = tpu.vector_load %arg8[%get3A_1035] {strides = array<i32>} : memref<3072xi32, #tpu.memory_space<vmem>>, vector<16xi32>,
    %add3A_1037 = arith.constant 80 : i32
    %add3A_1038 = arith.addi %mul3A_1011, %add3A_1037 : i32
    %multiple_of3A_1039 = tpu.assume_multiple %add3A_1038, 16 : i32
    %get3A_1040 = arith.index_cast %multiple_of3A_1039 : i32 to index
    %get3A_1041 = tpu.vector_load %arg8[%get3A_1040] {strides = array<i32>} : memref<3072xi32, #tpu.memory_space<vmem>>, vector<16xi32>,
    %add3A_1042 = arith.constant 96 : i32
    %add3A_1043 = arith.addi %mul3A_1011, %add3A_1042 : i32
    %multiple_of3A_1044 = tpu.assume_multiple %add3A_1043, 16 : i32
    %get3A_1045 = arith.index_cast %multiple_of3A_1044 : i32 to index
    %get3A_1046 = tpu.vector_load %arg8[%get3A_1045] {strides = array<i32>} : memref<3072xi32, #tpu.memory_space<vmem>>, vector<16xi32>,
    %add3A_1047 = arith.constant 112 : i32
    %add3A_1048 = arith.addi %mul3A_1011, %add3A_1047 : i32
    %multiple_of3A_1049 = tpu.assume_multiple %add3A_1048, 16 : i32
    %get3A_1050 = arith.index_cast %multiple_of3A_1049 : i32 to index
    %get3A_1051 = tpu.vector_load %arg8[%get3A_1050] {strides = array<i32>} : memref<3072xi32, #tpu.memory_space<vmem>>, vector<16xi32>,
    %add3A_1052 = arith.constant 128 : i32
    %add3A_1053 = arith.addi %mul3A_1011, %add3A_1052 : i32
    %multiple_of3A_1054 = tpu.assume_multiple %add3A_1053, 16 : i32
    %get3A_1055 = arith.index_cast %multiple_of3A_1054 : i32 to index
    %get3A_1056 = tpu.vector_load %arg8[%get3A_1055] {strides = array<i32>} : memref<3072xi32, #tpu.memory_space<vmem>>, vector<16xi32>,
    %add3A_1057 = arith.constant 144 : i32
    %add3A_1058 = arith.addi %mul3A_1011, %add3A_1057 : i32
    %multiple_of3A_1059 = tpu.assume_multiple %add3A_1058, 16 : i32
    %get3A_1060 = arith.index_cast %multiple_of3A_1059 : i32 to index
    %get3A_1061 = tpu.vector_load %arg8[%get3A_1060] {strides = array<i32>} : memref<3072xi32, #tpu.memory_space<vmem>>, vector<16xi32>,
    %add3A_1062 = arith.constant 160 : i32
    %add3A_1063 = arith.addi %mul3A_1011, %add3A_1062 : i32
    %multiple_of3A_1064 = tpu.assume_multiple %add3A_1063, 16 : i32
    %get3A_1065 = arith.index_cast %multiple_of3A_1064 : i32 to index
    %get3A_1066 = tpu.vector_load %arg8[%get3A_1065] {strides = array<i32>} : memref<3072xi32, #tpu.memory_space<vmem>>, vector<16xi32>,
    %add3A_1067 = arith.constant 176 : i32
    %add3A_1068 = arith.addi %mul3A_1011, %add3A_1067 : i32
    %multiple_of3A_1069 = tpu.assume_multiple %add3A_1068, 16 : i32
    %get3A_1070 = arith.index_cast %multiple_of3A_1069 : i32 to index
    %get3A_1071 = tpu.vector_load %arg8[%get3A_1070] {strides = array<i32>} : memref<3072xi32, #tpu.memory_space<vmem>>, vector<16xi32>,
    %eq3A_1072 = vector.broadcast %add3A_965 : i32 to vector<16xi32>
    %eq3A_1073 = arith.cmpi eq, %get3A_1016, %eq3A_1072 : vector<16xi32>
    %jit3A_1074 = arith.constant 1 : i32
    %jit3A_1075 = arith.constant 0 : i32
    %broadcast_in_dim3A_1076 = vector.broadcast %jit3A_1074 : i32 to vector<16xi32>
    %broadcast_in_dim3A_1077 = vector.broadcast %jit3A_1075 : i32 to vector<16xi32>
    %select_n3A_1078 = arith.select %eq3A_1073, %broadcast_in_dim3A_1076, %broadcast_in_dim3A_1077 : vector<16xi1>, vector<16xi32>
    %eq3A_1079 = vector.broadcast %add3A_965 : i32 to vector<16xi32>
    %eq3A_1080 = arith.cmpi eq, %get3A_1021, %eq3A_1079 : vector<16xi32>
    %jit3A_1081 = arith.constant 1 : i32
    %jit3A_1082 = arith.constant 0 : i32
    %broadcast_in_dim3A_1083 = vector.broadcast %jit3A_1081 : i32 to vector<16xi32>
    %broadcast_in_dim3A_1084 = vector.broadcast %jit3A_1082 : i32 to vector<16xi32>
    %select_n3A_1085 = arith.select %eq3A_1080, %broadcast_in_dim3A_1083, %broadcast_in_dim3A_1084 : vector<16xi1>, vector<16xi32>
    %eq3A_1086 = vector.broadcast %add3A_965 : i32 to vector<16xi32>
    %eq3A_1087 = arith.cmpi eq, %get3A_1026, %eq3A_1086 : vector<16xi32>
    %jit3A_1088 = arith.constant 1 : i32
    %jit3A_1089 = arith.constant 0 : i32
    %broadcast_in_dim3A_1090 = vector.broadcast %jit3A_1088 : i32 to vector<16xi32>
    %broadcast_in_dim3A_1091 = vector.broadcast %jit3A_1089 : i32 to vector<16xi32>
    %select_n3A_1092 = arith.select %eq3A_1087, %broadcast_in_dim3A_1090, %broadcast_in_dim3A_1091 : vector<16xi1>, vector<16xi32>
    %eq3A_1093 = vector.broadcast %add3A_965 : i32 to vector<16xi32>
    %eq3A_1094 = arith.cmpi eq, %get3A_1031, %eq3A_1093 : vector<16xi32>
    %jit3A_1095 = arith.constant 1 : i32
    %jit3A_1096 = arith.constant 0 : i32
    %broadcast_in_dim3A_1097 = vector.broadcast %jit3A_1095 : i32 to vector<16xi32>
    %broadcast_in_dim3A_1098 = vector.broadcast %jit3A_1096 : i32 to vector<16xi32>
    %select_n3A_1099 = arith.select %eq3A_1094, %broadcast_in_dim3A_1097, %broadcast_in_dim3A_1098 : vector<16xi1>, vector<16xi32>
    %eq3A_1100 = vector.broadcast %add3A_965 : i32 to vector<16xi32>
    %eq3A_1101 = arith.cmpi eq, %get3A_1036, %eq3A_1100 : vector<16xi32>
    %jit3A_1102 = arith.constant 1 : i32
    %jit3A_1103 = arith.constant 0 : i32
    %broadcast_in_dim3A_1104 = vector.broadcast %jit3A_1102 : i32 to vector<16xi32>
    %broadcast_in_dim3A_1105 = vector.broadcast %jit3A_1103 : i32 to vector<16xi32>
    %select_n3A_1106 = arith.select %eq3A_1101, %broadcast_in_dim3A_1104, %broadcast_in_dim3A_1105 : vector<16xi1>, vector<16xi32>
    %eq3A_1107 = vector.broadcast %add3A_965 : i32 to vector<16xi32>
    %eq3A_1108 = arith.cmpi eq, %get3A_1041, %eq3A_1107 : vector<16xi32>
    %jit3A_1109 = arith.constant 1 : i32
    %jit3A_1110 = arith.constant 0 : i32
    %broadcast_in_dim3A_1111 = vector.broadcast %jit3A_1109 : i32 to vector<16xi32>
    %broadcast_in_dim3A_1112 = vector.broadcast %jit3A_1110 : i32 to vector<16xi32>
    %select_n3A_1113 = arith.select %eq3A_1108, %broadcast_in_dim3A_1111, %broadcast_in_dim3A_1112 : vector<16xi1>, vector<16xi32>
    %eq3A_1114 = vector.broadcast %add3A_965 : i32 to vector<16xi32>
    %eq3A_1115 = arith.cmpi eq, %get3A_1046, %eq3A_1114 : vector<16xi32>
    %jit3A_1116 = arith.constant 1 : i32
    %jit3A_1117 = arith.constant 0 : i32
    %broadcast_in_dim3A_1118 = vector.broadcast %jit3A_1116 : i32 to vector<16xi32>
    %broadcast_in_dim3A_1119 = vector.broadcast %jit3A_1117 : i32 to vector<16xi32>
    %select_n3A_1120 = arith.select %eq3A_1115, %broadcast_in_dim3A_1118, %broadcast_in_dim3A_1119 : vector<16xi1>, vector<16xi32>
    %eq3A_1121 = vector.broadcast %add3A_965 : i32 to vector<16xi32>
    %eq3A_1122 = arith.cmpi eq, %get3A_1051, %eq3A_1121 : vector<16xi32>
    %jit3A_1123 = arith.constant 1 : i32
    %jit3A_1124 = arith.constant 0 : i32
    %broadcast_in_dim3A_1125 = vector.broadcast %jit3A_1123 : i32 to vector<16xi32>
    %broadcast_in_dim3A_1126 = vector.broadcast %jit3A_1124 : i32 to vector<16xi32>
    %select_n3A_1127 = arith.select %eq3A_1122, %broadcast_in_dim3A_1125, %broadcast_in_dim3A_1126 : vector<16xi1>, vector<16xi32>
    %eq3A_1128 = vector.broadcast %add3A_965 : i32 to vector<16xi32>
    %eq3A_1129 = arith.cmpi eq, %get3A_1056, %eq3A_1128 : vector<16xi32>
    %jit3A_1130 = arith.constant 1 : i32
    %jit3A_1131 = arith.constant 0 : i32
    %broadcast_in_dim3A_1132 = vector.broadcast %jit3A_1130 : i32 to vector<16xi32>
    %broadcast_in_dim3A_1133 = vector.broadcast %jit3A_1131 : i32 to vector<16xi32>
    %select_n3A_1134 = arith.select %eq3A_1129, %broadcast_in_dim3A_1132, %broadcast_in_dim3A_1133 : vector<16xi1>, vector<16xi32>
    %eq3A_1135 = vector.broadcast %add3A_965 : i32 to vector<16xi32>
    %eq3A_1136 = arith.cmpi eq, %get3A_1061, %eq3A_1135 : vector<16xi32>
    %jit3A_1137 = arith.constant 1 : i32
    %jit3A_1138 = arith.constant 0 : i32
    %broadcast_in_dim3A_1139 = vector.broadcast %jit3A_1137 : i32 to vector<16xi32>
    %broadcast_in_dim3A_1140 = vector.broadcast %jit3A_1138 : i32 to vector<16xi32>
    %select_n3A_1141 = arith.select %eq3A_1136, %broadcast_in_dim3A_1139, %broadcast_in_dim3A_1140 : vector<16xi1>, vector<16xi32>
    %eq3A_1142 = vector.broadcast %add3A_965 : i32 to vector<16xi32>
    %eq3A_1143 = arith.cmpi eq, %get3A_1066, %eq3A_1142 : vector<16xi32>
    %jit3A_1144 = arith.constant 1 : i32
    %jit3A_1145 = arith.constant 0 : i32
    %broadcast_in_dim3A_1146 = vector.broadcast %jit3A_1144 : i32 to vector<16xi32>
    %broadcast_in_dim3A_1147 = vector.broadcast %jit3A_1145 : i32 to vector<16xi32>
    %select_n3A_1148 = arith.select %eq3A_1143, %broadcast_in_dim3A_1146, %broadcast_in_dim3A_1147 : vector<16xi1>, vector<16xi32>
    %eq3A_1149 = vector.broadcast %add3A_965 : i32 to vector<16xi32>
    %eq3A_1150 = arith.cmpi eq, %get3A_1071, %eq3A_1149 : vector<16xi32>
    %jit3A_1151 = arith.constant 1 : i32
    %jit3A_1152 = arith.constant 0 : i32
    %broadcast_in_dim3A_1153 = vector.broadcast %jit3A_1151 : i32 to vector<16xi32>
    %broadcast_in_dim3A_1154 = vector.broadcast %jit3A_1152 : i32 to vector<16xi32>
    %select_n3A_1155 = arith.select %eq3A_1150, %broadcast_in_dim3A_1153, %broadcast_in_dim3A_1154 : vector<16xi1>, vector<16xi32>
    %reduce_sum3A_1156 = arith.constant true
    %reduce_sum3A_1157 = vector.broadcast %reduce_sum3A_1156 : i1 to vector<16xi1>
    %reduce_sum3A_1158 = tpu.scan <sum>, %select_n3A_1078 masked %reduce_sum3A_1157 : vector<16xi32>, vector<16xi1> -> vector<16xi32>
    %reduce_sum3A_1159 = vector.extract %reduce_sum3A_1158[15] : i32 from vector<16xi32>
    %reduce_sum3A_1160 = arith.constant true
    %reduce_sum3A_1161 = vector.broadcast %reduce_sum3A_1160 : i1 to vector<16xi1>
    %reduce_sum3A_1162 = tpu.scan <sum>, %select_n3A_1085 masked %reduce_sum3A_1161 : vector<16xi32>, vector<16xi1> -> vector<16xi32>
    %reduce_sum3A_1163 = vector.extract %reduce_sum3A_1162[15] : i32 from vector<16xi32>
    %reduce_sum3A_1164 = arith.constant true
    %reduce_sum3A_1165 = vector.broadcast %reduce_sum3A_1164 : i1 to vector<16xi1>
    %reduce_sum3A_1166 = tpu.scan <sum>, %select_n3A_1092 masked %reduce_sum3A_1165 : vector<16xi32>, vector<16xi1> -> vector<16xi32>
    %reduce_sum3A_1167 = vector.extract %reduce_sum3A_1166[15] : i32 from vector<16xi32>
    %reduce_sum3A_1168 = arith.constant true
    %reduce_sum3A_1169 = vector.broadcast %reduce_sum3A_1168 : i1 to vector<16xi1>
    %reduce_sum3A_1170 = tpu.scan <sum>, %select_n3A_1099 masked %reduce_sum3A_1169 : vector<16xi32>, vector<16xi1> -> vector<16xi32>
    %reduce_sum3A_1171 = vector.extract %reduce_sum3A_1170[15] : i32 from vector<16xi32>
    %reduce_sum3A_1172 = arith.constant true
    %reduce_sum3A_1173 = vector.broadcast %reduce_sum3A_1172 : i1 to vector<16xi1>
    %reduce_sum3A_1174 = tpu.scan <sum>, %select_n3A_1106 masked %reduce_sum3A_1173 : vector<16xi32>, vector<16xi1> -> vector<16xi32>
    %reduce_sum3A_1175 = vector.extract %reduce_sum3A_1174[15] : i32 from vector<16xi32>
    %reduce_sum3A_1176 = arith.constant true
    %reduce_sum3A_1177 = vector.broadcast %reduce_sum3A_1176 : i1 to vector<16xi1>
    %reduce_sum3A_1178 = tpu.scan <sum>, %select_n3A_1113 masked %reduce_sum3A_1177 : vector<16xi32>, vector<16xi1> -> vector<16xi32>
    %reduce_sum3A_1179 = vector.extract %reduce_sum3A_1178[15] : i32 from vector<16xi32>
    %reduce_sum3A_1180 = arith.constant true
    %reduce_sum3A_1181 = vector.broadcast %reduce_sum3A_1180 : i1 to vector<16xi1>
    %reduce_sum3A_1182 = tpu.scan <sum>, %select_n3A_1120 masked %reduce_sum3A_1181 : vector<16xi32>, vector<16xi1> -> vector<16xi32>
    %reduce_sum3A_1183 = vector.extract %reduce_sum3A_1182[15] : i32 from vector<16xi32>
    %reduce_sum3A_1184 = arith.constant true
    %reduce_sum3A_1185 = vector.broadcast %reduce_sum3A_1184 : i1 to vector<16xi1>
    %reduce_sum3A_1186 = tpu.scan <sum>, %select_n3A_1127 masked %reduce_sum3A_1185 : vector<16xi32>, vector<16xi1> -> vector<16xi32>
    %reduce_sum3A_1187 = vector.extract %reduce_sum3A_1186[15] : i32 from vector<16xi32>
    %reduce_sum3A_1188 = arith.constant true
    %reduce_sum3A_1189 = vector.broadcast %reduce_sum3A_1188 : i1 to vector<16xi1>
    %reduce_sum3A_1190 = tpu.scan <sum>, %select_n3A_1134 masked %reduce_sum3A_1189 : vector<16xi32>, vector<16xi1> -> vector<16xi32>
    %reduce_sum3A_1191 = vector.extract %reduce_sum3A_1190[15] : i32 from vector<16xi32>
    %reduce_sum3A_1192 = arith.constant true
    %reduce_sum3A_1193 = vector.broadcast %reduce_sum3A_1192 : i1 to vector<16xi1>
    %reduce_sum3A_1194 = tpu.scan <sum>, %select_n3A_1141 masked %reduce_sum3A_1193 : vector<16xi32>, vector<16xi1> -> vector<16xi32>
    %reduce_sum3A_1195 = vector.extract %reduce_sum3A_1194[15] : i32 from vector<16xi32>
    %reduce_sum3A_1196 = arith.constant true
    %reduce_sum3A_1197 = vector.broadcast %reduce_sum3A_1196 : i1 to vector<16xi1>
    %reduce_sum3A_1198 = tpu.scan <sum>, %select_n3A_1148 masked %reduce_sum3A_1197 : vector<16xi32>, vector<16xi1> -> vector<16xi32>
    %reduce_sum3A_1199 = vector.extract %reduce_sum3A_1198[15] : i32 from vector<16xi32>
    %reduce_sum3A_1200 = arith.constant true
    %reduce_sum3A_1201 = vector.broadcast %reduce_sum3A_1200 : i1 to vector<16xi1>
    %reduce_sum3A_1202 = tpu.scan <sum>, %select_n3A_1155 masked %reduce_sum3A_1201 : vector<16xi32>, vector<16xi1> -> vector<16xi32>
    %reduce_sum3A_1203 = vector.extract %reduce_sum3A_1202[15] : i32 from vector<16xi32>
    %add3A_1204 = arith.addi %reduce_sum3A_1009, %reduce_sum3A_1159 : i32
    %lt3A_1205 = arith.cmpi slt, %add3A_1204, %add3A_979 : i32
    %select_n3A_1206 = arith.select %lt3A_1205, %add3A_1204, %reduce_sum3A_1009 : i32
    %jit3A_1207 = arith.constant 1 : i32
    %jit3A_1208 = arith.constant 0 : i32
    %select_n3A_1209 = arith.select %lt3A_1205, %jit3A_1207, %jit3A_1208 : i32
    %add3A_1210 = arith.constant 0 : i32
    %add3A_1211 = arith.addi %add3A_1210, %select_n3A_1209 : i32
    %add3A_1212 = arith.addi %add3A_1204, %reduce_sum3A_1163 : i32
    %lt3A_1213 = arith.cmpi slt, %add3A_1212, %add3A_979 : i32
    %select_n3A_1214 = arith.select %lt3A_1213, %add3A_1212, %select_n3A_1206 : i32
    %jit3A_1215 = arith.constant 1 : i32
    %jit3A_1216 = arith.constant 0 : i32
    %select_n3A_1217 = arith.select %lt3A_1213, %jit3A_1215, %jit3A_1216 : i32
    %add3A_1218 = arith.addi %add3A_1211, %select_n3A_1217 : i32
    %add3A_1219 = arith.addi %add3A_1212, %reduce_sum3A_1167 : i32
    %lt3A_1220 = arith.cmpi slt, %add3A_1219, %add3A_979 : i32
    %select_n3A_1221 = arith.select %lt3A_1220, %add3A_1219, %select_n3A_1214 : i32
    %jit3A_1222 = arith.constant 1 : i32
    %jit3A_1223 = arith.constant 0 : i32
    %select_n3A_1224 = arith.select %lt3A_1220, %jit3A_1222, %jit3A_1223 : i32
    %add3A_1225 = arith.addi %add3A_1218, %select_n3A_1224 : i32
    %add3A_1226 = arith.addi %add3A_1219, %reduce_sum3A_1171 : i32
    %lt3A_1227 = arith.cmpi slt, %add3A_1226, %add3A_979 : i32
    %select_n3A_1228 = arith.select %lt3A_1227, %add3A_1226, %select_n3A_1221 : i32
    %jit3A_1229 = arith.constant 1 : i32
    %jit3A_1230 = arith.constant 0 : i32
    %select_n3A_1231 = arith.select %lt3A_1227, %jit3A_1229, %jit3A_1230 : i32
    %add3A_1232 = arith.addi %add3A_1225, %select_n3A_1231 : i32
    %add3A_1233 = arith.addi %add3A_1226, %reduce_sum3A_1175 : i32
    %lt3A_1234 = arith.cmpi slt, %add3A_1233, %add3A_979 : i32
    %select_n3A_1235 = arith.select %lt3A_1234, %add3A_1233, %select_n3A_1228 : i32
    %jit3A_1236 = arith.constant 1 : i32
    %jit3A_1237 = arith.constant 0 : i32
    %select_n3A_1238 = arith.select %lt3A_1234, %jit3A_1236, %jit3A_1237 : i32
    %add3A_1239 = arith.addi %add3A_1232, %select_n3A_1238 : i32
    %add3A_1240 = arith.addi %add3A_1233, %reduce_sum3A_1179 : i32
    %lt3A_1241 = arith.cmpi slt, %add3A_1240, %add3A_979 : i32
    %select_n3A_1242 = arith.select %lt3A_1241, %add3A_1240, %select_n3A_1235 : i32
    %jit3A_1243 = arith.constant 1 : i32
    %jit3A_1244 = arith.constant 0 : i32
    %select_n3A_1245 = arith.select %lt3A_1241, %jit3A_1243, %jit3A_1244 : i32
    %add3A_1246 = arith.addi %add3A_1239, %select_n3A_1245 : i32
    %add3A_1247 = arith.addi %add3A_1240, %reduce_sum3A_1183 : i32
    %lt3A_1248 = arith.cmpi slt, %add3A_1247, %add3A_979 : i32
    %select_n3A_1249 = arith.select %lt3A_1248, %add3A_1247, %select_n3A_1242 : i32
    %jit3A_1250 = arith.constant 1 : i32
    %jit3A_1251 = arith.constant 0 : i32
    %select_n3A_1252 = arith.select %lt3A_1248, %jit3A_1250, %jit3A_1251 : i32
    %add3A_1253 = arith.addi %add3A_1246, %select_n3A_1252 : i32
    %add3A_1254 = arith.addi %add3A_1247, %reduce_sum3A_1187 : i32
    %lt3A_1255 = arith.cmpi slt, %add3A_1254, %add3A_979 : i32
    %select_n3A_1256 = arith.select %lt3A_1255, %add3A_1254, %select_n3A_1249 : i32
    %jit3A_1257 = arith.constant 1 : i32
    %jit3A_1258 = arith.constant 0 : i32
    %select_n3A_1259 = arith.select %lt3A_1255, %jit3A_1257, %jit3A_1258 : i32
    %add3A_1260 = arith.addi %add3A_1253, %select_n3A_1259 : i32
    %add3A_1261 = arith.addi %add3A_1254, %reduce_sum3A_1191 : i32
    %lt3A_1262 = arith.cmpi slt, %add3A_1261, %add3A_979 : i32
    %select_n3A_1263 = arith.select %lt3A_1262, %add3A_1261, %select_n3A_1256 : i32
    %jit3A_1264 = arith.constant 1 : i32
    %jit3A_1265 = arith.constant 0 : i32
    %select_n3A_1266 = arith.select %lt3A_1262, %jit3A_1264, %jit3A_1265 : i32
    %add3A_1267 = arith.addi %add3A_1260, %select_n3A_1266 : i32
    %add3A_1268 = arith.addi %add3A_1261, %reduce_sum3A_1195 : i32
    %lt3A_1269 = arith.cmpi slt, %add3A_1268, %add3A_979 : i32
    %select_n3A_1270 = arith.select %lt3A_1269, %add3A_1268, %select_n3A_1263 : i32
    %jit3A_1271 = arith.constant 1 : i32
    %jit3A_1272 = arith.constant 0 : i32
    %select_n3A_1273 = arith.select %lt3A_1269, %jit3A_1271, %jit3A_1272 : i32
    %add3A_1274 = arith.addi %add3A_1267, %select_n3A_1273 : i32
    %add3A_1275 = arith.addi %add3A_1268, %reduce_sum3A_1199 : i32
    %lt3A_1276 = arith.cmpi slt, %add3A_1275, %add3A_979 : i32
    %select_n3A_1277 = arith.select %lt3A_1276, %add3A_1275, %select_n3A_1270 : i32
    %jit3A_1278 = arith.constant 1 : i32
    %jit3A_1279 = arith.constant 0 : i32
    %select_n3A_1280 = arith.select %lt3A_1276, %jit3A_1278, %jit3A_1279 : i32
    %add3A_1281 = arith.addi %add3A_1274, %select_n3A_1280 : i32
    %add3A_1282 = arith.addi %add3A_1275, %reduce_sum3A_1203 : i32
    %lt3A_1283 = arith.cmpi slt, %add3A_1282, %add3A_979 : i32
    %select_n3A_1284 = arith.select %lt3A_1283, %add3A_1282, %select_n3A_1277 : i32
    %jit3A_1285 = arith.constant 1 : i32
    %jit3A_1286 = arith.constant 0 : i32
    %select_n3A_1287 = arith.select %lt3A_1283, %jit3A_1285, %jit3A_1286 : i32
    %add3A_1288 = arith.addi %add3A_1281, %select_n3A_1287 : i32
    %mul3A_1289 = arith.constant 16 : i32
    %mul3A_1290 = arith.muli %add3A_1288, %mul3A_1289 : i32
    %add3A_1291 = arith.addi %mul3A_1011, %mul3A_1290 : i32
    %multiple_of3A_1292 = tpu.assume_multiple %add3A_1291, 16 : i32
    %get3A_1293 = arith.index_cast %multiple_of3A_1292 : i32 to index
    %get3A_1294 = tpu.vector_load %arg8[%get3A_1293] {strides = array<i32>} : memref<3072xi32, #tpu.memory_space<vmem>>, vector<16xi32>,
    %eq3A_1295 = vector.broadcast %add3A_965 : i32 to vector<16xi32>
    %eq3A_1296 = arith.cmpi eq, %get3A_1294, %eq3A_1295 : vector<16xi32>
    %jit3A_1297 = arith.constant 1 : i32
    %jit3A_1298 = arith.constant 0 : i32
    %broadcast_in_dim3A_1299 = vector.broadcast %jit3A_1297 : i32 to vector<16xi32>
    %broadcast_in_dim3A_1300 = vector.broadcast %jit3A_1298 : i32 to vector<16xi32>
    %select_n3A_1301 = arith.select %eq3A_1296, %broadcast_in_dim3A_1299, %broadcast_in_dim3A_1300 : vector<16xi1>, vector<16xi32>
    %broadcast_in_dim3A_1302 = arith.constant true
    %broadcast_in_dim3A_1303 = vector.broadcast %broadcast_in_dim3A_1302 : i1 to vector<16xi1>
    %masked_cumsum3A_1304 = tpu.scan <sum>, %select_n3A_1301 masked %broadcast_in_dim3A_1303 : vector<16xi32>, vector<16xi1> -> vector<16xi32>
    %add3A_1305 = vector.broadcast %select_n3A_1284 : i32 to vector<16xi32>
    %add3A_1306 = arith.addi %masked_cumsum3A_1304, %add3A_1305 : vector<16xi32>
    %eq3A_1307 = vector.broadcast %add3A_979 : i32 to vector<16xi32>
    %eq3A_1308 = arith.cmpi eq, %add3A_1306, %eq3A_1307 : vector<16xi32>
    %and3A_1309 = arith.andi %eq3A_1296, %eq3A_1308 : vector<16xi1>
    %jit3A_1310 = arith.constant 0 : i32
    %broadcast_in_dim3A_1311 = vector.broadcast %jit3A_1310 : i32 to vector<16xi32>
    %select_n3A_1312 = arith.select %and3A_1309, %iota3A, %broadcast_in_dim3A_1311 : vector<16xi1>, vector<16xi32>
    %reduce_sum3A_1313 = arith.constant true
    %reduce_sum3A_1314 = vector.broadcast %reduce_sum3A_1313 : i1 to vector<16xi1>
    %reduce_sum3A_1315 = tpu.scan <sum>, %select_n3A_1312 masked %reduce_sum3A_1314 : vector<16xi32>, vector<16xi1> -> vector<16xi32>
    %reduce_sum3A_1316 = vector.extract %reduce_sum3A_1315[15] : i32 from vector<16xi32>
    %mul3A_1317 = arith.constant 16 : i32
    %mul3A_1318 = arith.muli %add3A_1288, %mul3A_1317 : i32
    %add3A_1319 = arith.addi %mul3A_1011, %mul3A_1318 : i32
    %add3A_1320 = arith.addi %add3A_1319, %reduce_sum3A_1316 : i32
    %mul3A_1321 = arith.constant 3072 : i32
    %mul3A_1322 = arith.muli %add3A_7, %mul3A_1321 : i32
    %add3A_1323 = arith.addi %mul3A_1322, %add3A_1320 : i32
    %broadcast_in_dim3A_1324 = vector.broadcast %add3A_1323 : i32 to vector<16xi32>
    tpu.vector_store_idx %arg16[%select_n3A], %broadcast_in_dim3A_1324 masked %lt3A_60 : memref<2xi32, #tpu.memory_space<vmem>>[vector<16xi32>], vector<16xi32>, vector<16xi1>
    %dma_start3A_1325 = arith.constant 0 : i32
    %dma_start3A_1326 = arith.constant 0 : i32
    %dma_start3A_1327 = tpu.memref_slice %arg5[%dma_start3A_1325, %dma_start3A_1326] : memref<196608x256xf32, #tpu.memory_space<hbm>> -> memref<196608x256xf32, #tpu.memory_space<hbm>>
    tpu.enqueue_indirect_dma source(%dma_start3A_1327 : memref<196608x256xf32, #tpu.memory_space<hbm>>) target(%arg14 : memref<2x256xf32, #tpu.memory_space<vmem>>) offsets(%arg16 : memref<2xi32, #tpu.memory_space<vmem>>) semaphore(%arg24 : memref<!tpu.dma_semaphore, #tpu.memory_space<semaphore_mem>>)
    %shift_right_arithmetic3A_1328 = arith.constant 10 : i32
    %shift_right_arithmetic3A_1329 = arith.shrsi %add3A_1320, %shift_right_arithmetic3A_1328 : i32
    %shift_right_arithmetic3A_1330 = arith.constant 5 : i32
    %shift_right_arithmetic3A_1331 = arith.shrsi %add3A_1320, %shift_right_arithmetic3A_1330 : i32
    %and3A_1332 = arith.constant 31 : i32
    %and3A_1333 = arith.andi %shift_right_arithmetic3A_1331, %and3A_1332 : i32
    %dma_start3A_1334 = arith.constant 0 : i32
    %dma_start3A_1335 = arith.constant 0 : i32
    %dma_start3A_1336 = tpu.memref_slice %arg4[%shift_right_arithmetic3A_1329, %and3A_1333, %dma_start3A_1334, %dma_start3A_1335] : memref<3x32x32x64xi32, #tpu.memory_space<hbm>> -> memref<1x1x32x64xi32, #tpu.memory_space<hbm>>
    %dma_start3A_1337 = tpu.memref_squeeze %dma_start3A_1336 : memref<1x1x32x64xi32, #tpu.memory_space<hbm>> -> memref<32x64xi32, #tpu.memory_space<hbm>>
    %dma_start3A_1338 = arith.constant 0 : i32
    %dma_start3A_1339 = arith.constant 0 : i32
    %dma_start3A_1340 = tpu.memref_slice %arg4[%shift_right_arithmetic3A_1329, %and3A_1333, %dma_start3A_1338, %dma_start3A_1339] : memref<3x32x32x64xi32, #tpu.memory_space<hbm>> -> memref<1x1x32x64xi32, #tpu.memory_space<hbm>>
    %dma_start3A_1341 = tpu.memref_squeeze %dma_start3A_1340 : memref<1x1x32x64xi32, #tpu.memory_space<hbm>> -> memref<32x64xi32, #tpu.memory_space<hbm>>
    tpu.enqueue_dma source(%dma_start3A_1341 : memref<32x64xi32, #tpu.memory_space<hbm>>) target(%arg12 : memref<32x64xi32, #tpu.memory_space<vmem>>) target_semaphore(%arg22 : memref<!tpu.dma_semaphore, #tpu.memory_space<semaphore_mem>>)
    %dma_wait3A_1342 = arith.constant 0 : i32
    %dma_wait3A_1343 = arith.constant 0 : i32
    %dma_wait3A_1344 = tpu.memref_slice %arg5[%dma_wait3A_1342, %dma_wait3A_1343] : memref<196608x256xf32, #tpu.memory_space<hbm>> -> memref<196608x256xf32, #tpu.memory_space<hbm>>
    tpu.wait_indirect_dma semaphore(%arg23 : memref<!tpu.dma_semaphore, #tpu.memory_space<semaphore_mem>>) src(%dma_wait3A_1344 : memref<196608x256xf32, #tpu.memory_space<hbm>>) dst(%arg13 : memref<2x256xf32, #tpu.memory_space<vmem>>)
    %dma_wait3A_1345 = arith.constant 0 : i32
    %dma_wait3A_1346 = arith.constant 0 : i32
    %dma_wait3A_1347 = tpu.memref_slice %arg4[%shift_right_arithmetic3A_684, %and3A_688, %dma_wait3A_1345, %dma_wait3A_1346] : memref<3x32x32x64xi32, #tpu.memory_space<hbm>> -> memref<1x1x32x64xi32, #tpu.memory_space<hbm>>
    %dma_wait3A_1348 = tpu.memref_squeeze %dma_wait3A_1347 : memref<1x1x32x64xi32, #tpu.memory_space<hbm>> -> memref<32x64xi32, #tpu.memory_space<hbm>>
    %dma_wait3A_1349 = arith.constant 0 : i32
    %dma_wait3A_1350 = arith.constant 0 : i32
    %dma_wait3A_1351 = tpu.memref_slice %arg4[%shift_right_arithmetic3A_684, %and3A_688, %dma_wait3A_1349, %dma_wait3A_1350] : memref<3x32x32x64xi32, #tpu.memory_space<hbm>> -> memref<1x1x32x64xi32, #tpu.memory_space<hbm>>
    %dma_wait3A_1352 = tpu.memref_squeeze %dma_wait3A_1351 : memref<1x1x32x64xi32, #tpu.memory_space<hbm>> -> memref<32x64xi32, #tpu.memory_space<hbm>>
    tpu.wait_dma2 semaphore(%arg21 : memref<!tpu.dma_semaphore, #tpu.memory_space<semaphore_mem>>) src(%dma_wait3A_1352 : memref<32x64xi32, #tpu.memory_space<hbm>>) dst(%arg11 : memref<32x64xi32, #tpu.memory_space<vmem>>)
    %multiple_of3A_1353 = arith.constant 0 : i32
    %multiple_of3A_1354 = tpu.assume_multiple %multiple_of3A_1353, 16 : i32
    %get3A_1355 = arith.constant 0 : i32
    %get3A_1356 = arith.index_cast %get3A_1355 : i32 to index
    %get3A_1357 = arith.index_cast %multiple_of3A_1354 : i32 to index
    %get3A_1358 = tpu.vector_load %arg13[%get3A_1356, %get3A_1357] {strides = array<i32>} : memref<2x256xf32, #tpu.memory_space<vmem>>, vector<16xf32>,
    %multiple_of3A_1359 = arith.constant 16 : i32
    %multiple_of3A_1360 = tpu.assume_multiple %multiple_of3A_1359, 16 : i32
    %get3A_1361 = arith.constant 0 : i32
    %get3A_1362 = arith.index_cast %get3A_1361 : i32 to index
    %get3A_1363 = arith.index_cast %multiple_of3A_1360 : i32 to index
    %get3A_1364 = tpu.vector_load %arg13[%get3A_1362, %get3A_1363] {strides = array<i32>} : memref<2x256xf32, #tpu.memory_space<vmem>>, vector<16xf32>,
    %multiple_of3A_1365 = arith.constant 32 : i32
    %multiple_of3A_1366 = tpu.assume_multiple %multiple_of3A_1365, 16 : i32
    %get3A_1367 = arith.constant 0 : i32
    %get3A_1368 = arith.index_cast %get3A_1367 : i32 to index
    %get3A_1369 = arith.index_cast %multiple_of3A_1366 : i32 to index
    %get3A_1370 = tpu.vector_load %arg13[%get3A_1368, %get3A_1369] {strides = array<i32>} : memref<2x256xf32, #tpu.memory_space<vmem>>, vector<16xf32>,
    %multiple_of3A_1371 = arith.constant 48 : i32
    %multiple_of3A_1372 = tpu.assume_multiple %multiple_of3A_1371, 16 : i32
    %get3A_1373 = arith.constant 0 : i32
    %get3A_1374 = arith.index_cast %get3A_1373 : i32 to index
    %get3A_1375 = arith.index_cast %multiple_of3A_1372 : i32 to index
    %get3A_1376 = tpu.vector_load %arg13[%get3A_1374, %get3A_1375] {strides = array<i32>} : memref<2x256xf32, #tpu.memory_space<vmem>>, vector<16xf32>,
    %multiple_of3A_1377 = arith.constant 64 : i32
    %multiple_of3A_1378 = tpu.assume_multiple %multiple_of3A_1377, 16 : i32
    %get3A_1379 = arith.constant 0 : i32
    %get3A_1380 = arith.index_cast %get3A_1379 : i32 to index
    %get3A_1381 = arith.index_cast %multiple_of3A_1378 : i32 to index
    %get3A_1382 = tpu.vector_load %arg13[%get3A_1380, %get3A_1381] {strides = array<i32>} : memref<2x256xf32, #tpu.memory_space<vmem>>, vector<16xf32>,
    %multiple_of3A_1383 = arith.constant 80 : i32
    %multiple_of3A_1384 = tpu.assume_multiple %multiple_of3A_1383, 16 : i32
    %get3A_1385 = arith.constant 0 : i32
    %get3A_1386 = arith.index_cast %get3A_1385 : i32 to index
    %get3A_1387 = arith.index_cast %multiple_of3A_1384 : i32 to index
    %get3A_1388 = tpu.vector_load %arg13[%get3A_1386, %get3A_1387] {strides = array<i32>} : memref<2x256xf32, #tpu.memory_space<vmem>>, vector<16xf32>,
    %multiple_of3A_1389 = arith.constant 96 : i32
    %multiple_of3A_1390 = tpu.assume_multiple %multiple_of3A_1389, 16 : i32
    %get3A_1391 = arith.constant 0 : i32
    %get3A_1392 = arith.index_cast %get3A_1391 : i32 to index
    %get3A_1393 = arith.index_cast %multiple_of3A_1390 : i32 to index
    %get3A_1394 = tpu.vector_load %arg13[%get3A_1392, %get3A_1393] {strides = array<i32>} : memref<2x256xf32, #tpu.memory_space<vmem>>, vector<16xf32>,
    %multiple_of3A_1395 = arith.constant 112 : i32
    %multiple_of3A_1396 = tpu.assume_multiple %multiple_of3A_1395, 16 : i32
    %get3A_1397 = arith.constant 0 : i32
    %get3A_1398 = arith.index_cast %get3A_1397 : i32 to index
    %get3A_1399 = arith.index_cast %multiple_of3A_1396 : i32 to index
    %get3A_1400 = tpu.vector_load %arg13[%get3A_1398, %get3A_1399] {strides = array<i32>} : memref<2x256xf32, #tpu.memory_space<vmem>>, vector<16xf32>,
    %multiple_of3A_1401 = arith.constant 128 : i32
    %multiple_of3A_1402 = tpu.assume_multiple %multiple_of3A_1401, 16 : i32
    %get3A_1403 = arith.constant 0 : i32
    %get3A_1404 = arith.index_cast %get3A_1403 : i32 to index
    %get3A_1405 = arith.index_cast %multiple_of3A_1402 : i32 to index
    %get3A_1406 = tpu.vector_load %arg13[%get3A_1404, %get3A_1405] {strides = array<i32>} : memref<2x256xf32, #tpu.memory_space<vmem>>, vector<16xf32>,
    %multiple_of3A_1407 = arith.constant 144 : i32
    %multiple_of3A_1408 = tpu.assume_multiple %multiple_of3A_1407, 16 : i32
    %get3A_1409 = arith.constant 0 : i32
    %get3A_1410 = arith.index_cast %get3A_1409 : i32 to index
    %get3A_1411 = arith.index_cast %multiple_of3A_1408 : i32 to index
    %get3A_1412 = tpu.vector_load %arg13[%get3A_1410, %get3A_1411] {strides = array<i32>} : memref<2x256xf32, #tpu.memory_space<vmem>>, vector<16xf32>,
    %multiple_of3A_1413 = arith.constant 160 : i32
    %multiple_of3A_1414 = tpu.assume_multiple %multiple_of3A_1413, 16 : i32
    %get3A_1415 = arith.constant 0 : i32
    %get3A_1416 = arith.index_cast %get3A_1415 : i32 to index
    %get3A_1417 = arith.index_cast %multiple_of3A_1414 : i32 to index
    %get3A_1418 = tpu.vector_load %arg13[%get3A_1416, %get3A_1417] {strides = array<i32>} : memref<2x256xf32, #tpu.memory_space<vmem>>, vector<16xf32>,
    %multiple_of3A_1419 = arith.constant 176 : i32
    %multiple_of3A_1420 = tpu.assume_multiple %multiple_of3A_1419, 16 : i32
    %get3A_1421 = arith.constant 0 : i32
    %get3A_1422 = arith.index_cast %get3A_1421 : i32 to index
    %get3A_1423 = arith.index_cast %multiple_of3A_1420 : i32 to index
    %get3A_1424 = tpu.vector_load %arg13[%get3A_1422, %get3A_1423] {strides = array<i32>} : memref<2x256xf32, #tpu.memory_space<vmem>>, vector<16xf32>,
    %multiple_of3A_1425 = arith.constant 192 : i32
    %multiple_of3A_1426 = tpu.assume_multiple %multiple_of3A_1425, 16 : i32
    %get3A_1427 = arith.constant 0 : i32
    %get3A_1428 = arith.index_cast %get3A_1427 : i32 to index
    %get3A_1429 = arith.index_cast %multiple_of3A_1426 : i32 to index
    %get3A_1430 = tpu.vector_load %arg13[%get3A_1428, %get3A_1429] {strides = array<i32>} : memref<2x256xf32, #tpu.memory_space<vmem>>, vector<16xf32>,
    %multiple_of3A_1431 = arith.constant 208 : i32
    %multiple_of3A_1432 = tpu.assume_multiple %multiple_of3A_1431, 16 : i32
    %get3A_1433 = arith.constant 0 : i32
    %get3A_1434 = arith.index_cast %get3A_1433 : i32 to index
    %get3A_1435 = arith.index_cast %multiple_of3A_1432 : i32 to index
    %get3A_1436 = tpu.vector_load %arg13[%get3A_1434, %get3A_1435] {strides = array<i32>} : memref<2x256xf32, #tpu.memory_space<vmem>>, vector<16xf32>,
    %multiple_of3A_1437 = arith.constant 224 : i32
    %multiple_of3A_1438 = tpu.assume_multiple %multiple_of3A_1437, 16 : i32
    %get3A_1439 = arith.constant 0 : i32
    %get3A_1440 = arith.index_cast %get3A_1439 : i32 to index
    %get3A_1441 = arith.index_cast %multiple_of3A_1438 : i32 to index
    %get3A_1442 = tpu.vector_load %arg13[%get3A_1440, %get3A_1441] {strides = array<i32>} : memref<2x256xf32, #tpu.memory_space<vmem>>, vector<16xf32>,
    %multiple_of3A_1443 = arith.constant 240 : i32
    %multiple_of3A_1444 = tpu.assume_multiple %multiple_of3A_1443, 16 : i32
    %get3A_1445 = arith.constant 0 : i32
    %get3A_1446 = arith.index_cast %get3A_1445 : i32 to index
    %get3A_1447 = arith.index_cast %multiple_of3A_1444 : i32 to index
    %get3A_1448 = tpu.vector_load %arg13[%get3A_1446, %get3A_1447] {strides = array<i32>} : memref<2x256xf32, #tpu.memory_space<vmem>>, vector<16xf32>,
    %max3A_1449 = arith.maximumf %get3A_1358, %get3A_1364 : vector<16xf32>
    %max3A_1450 = arith.maximumf %get3A_1370, %get3A_1376 : vector<16xf32>
    %max3A_1451 = arith.maximumf %get3A_1382, %get3A_1388 : vector<16xf32>
    %max3A_1452 = arith.maximumf %get3A_1394, %get3A_1400 : vector<16xf32>
    %max3A_1453 = arith.maximumf %get3A_1406, %get3A_1412 : vector<16xf32>
    %max3A_1454 = arith.maximumf %get3A_1418, %get3A_1424 : vector<16xf32>
    %max3A_1455 = arith.maximumf %get3A_1430, %get3A_1436 : vector<16xf32>
    %max3A_1456 = arith.maximumf %get3A_1442, %get3A_1448 : vector<16xf32>
    %max3A_1457 = arith.maximumf %max3A_1449, %max3A_1450 : vector<16xf32>
    %max3A_1458 = arith.maximumf %max3A_1451, %max3A_1452 : vector<16xf32>
    %max3A_1459 = arith.maximumf %max3A_1453, %max3A_1454 : vector<16xf32>
    %max3A_1460 = arith.maximumf %max3A_1455, %max3A_1456 : vector<16xf32>
    %max3A_1461 = arith.maximumf %max3A_1457, %max3A_1458 : vector<16xf32>
    %max3A_1462 = arith.maximumf %max3A_1459, %max3A_1460 : vector<16xf32>
    %max3A_1463 = arith.maximumf %max3A_1461, %max3A_1462 : vector<16xf32>
    %reduce_max3A_1464 = arith.constant true
    %reduce_max3A_1465 = vector.broadcast %reduce_max3A_1464 : i1 to vector<16xi1>
    %reduce_max3A_1466 = tpu.scan <max>, %max3A_1463 masked %reduce_max3A_1465 : vector<16xf32>, vector<16xi1> -> vector<16xf32>
    %reduce_max3A_1467 = vector.extract %reduce_max3A_1466[15] : f32 from vector<16xf32>
    %sub3A_1468 = vector.broadcast %reduce_max3A_1467 : f32 to vector<16xf32>
    %sub3A_1469 = arith.subf %get3A_1358, %sub3A_1468 : vector<16xf32>
    %exp3A = math.exp %sub3A_1469 : vector<16xf32>
    %sub3A_1470 = vector.broadcast %reduce_max3A_1467 : f32 to vector<16xf32>
    %sub3A_1471 = arith.subf %get3A_1364, %sub3A_1470 : vector<16xf32>
    %exp3A_1472 = math.exp %sub3A_1471 : vector<16xf32>
    %sub3A_1473 = vector.broadcast %reduce_max3A_1467 : f32 to vector<16xf32>
    %sub3A_1474 = arith.subf %get3A_1370, %sub3A_1473 : vector<16xf32>
    %exp3A_1475 = math.exp %sub3A_1474 : vector<16xf32>
    %sub3A_1476 = vector.broadcast %reduce_max3A_1467 : f32 to vector<16xf32>
    %sub3A_1477 = arith.subf %get3A_1376, %sub3A_1476 : vector<16xf32>
    %exp3A_1478 = math.exp %sub3A_1477 : vector<16xf32>
    %sub3A_1479 = vector.broadcast %reduce_max3A_1467 : f32 to vector<16xf32>
    %sub3A_1480 = arith.subf %get3A_1382, %sub3A_1479 : vector<16xf32>
    %exp3A_1481 = math.exp %sub3A_1480 : vector<16xf32>
    %sub3A_1482 = vector.broadcast %reduce_max3A_1467 : f32 to vector<16xf32>
    %sub3A_1483 = arith.subf %get3A_1388, %sub3A_1482 : vector<16xf32>
    %exp3A_1484 = math.exp %sub3A_1483 : vector<16xf32>
    %sub3A_1485 = vector.broadcast %reduce_max3A_1467 : f32 to vector<16xf32>
    %sub3A_1486 = arith.subf %get3A_1394, %sub3A_1485 : vector<16xf32>
    %exp3A_1487 = math.exp %sub3A_1486 : vector<16xf32>
    %sub3A_1488 = vector.broadcast %reduce_max3A_1467 : f32 to vector<16xf32>
    %sub3A_1489 = arith.subf %get3A_1400, %sub3A_1488 : vector<16xf32>
    %exp3A_1490 = math.exp %sub3A_1489 : vector<16xf32>
    %sub3A_1491 = vector.broadcast %reduce_max3A_1467 : f32 to vector<16xf32>
    %sub3A_1492 = arith.subf %get3A_1406, %sub3A_1491 : vector<16xf32>
    %exp3A_1493 = math.exp %sub3A_1492 : vector<16xf32>
    %sub3A_1494 = vector.broadcast %reduce_max3A_1467 : f32 to vector<16xf32>
    %sub3A_1495 = arith.subf %get3A_1412, %sub3A_1494 : vector<16xf32>
    %exp3A_1496 = math.exp %sub3A_1495 : vector<16xf32>
    %sub3A_1497 = vector.broadcast %reduce_max3A_1467 : f32 to vector<16xf32>
    %sub3A_1498 = arith.subf %get3A_1418, %sub3A_1497 : vector<16xf32>
    %exp3A_1499 = math.exp %sub3A_1498 : vector<16xf32>
    %sub3A_1500 = vector.broadcast %reduce_max3A_1467 : f32 to vector<16xf32>
    %sub3A_1501 = arith.subf %get3A_1424, %sub3A_1500 : vector<16xf32>
    %exp3A_1502 = math.exp %sub3A_1501 : vector<16xf32>
    %sub3A_1503 = vector.broadcast %reduce_max3A_1467 : f32 to vector<16xf32>
    %sub3A_1504 = arith.subf %get3A_1430, %sub3A_1503 : vector<16xf32>
    %exp3A_1505 = math.exp %sub3A_1504 : vector<16xf32>
    %sub3A_1506 = vector.broadcast %reduce_max3A_1467 : f32 to vector<16xf32>
    %sub3A_1507 = arith.subf %get3A_1436, %sub3A_1506 : vector<16xf32>
    %exp3A_1508 = math.exp %sub3A_1507 : vector<16xf32>
    %sub3A_1509 = vector.broadcast %reduce_max3A_1467 : f32 to vector<16xf32>
    %sub3A_1510 = arith.subf %get3A_1442, %sub3A_1509 : vector<16xf32>
    %exp3A_1511 = math.exp %sub3A_1510 : vector<16xf32>
    %sub3A_1512 = vector.broadcast %reduce_max3A_1467 : f32 to vector<16xf32>
    %sub3A_1513 = arith.subf %get3A_1448, %sub3A_1512 : vector<16xf32>
    %exp3A_1514 = math.exp %sub3A_1513 : vector<16xf32>
    %add3A_1515 = arith.addf %exp3A, %exp3A_1472 : vector<16xf32>
    %add3A_1516 = arith.addf %exp3A_1475, %exp3A_1478 : vector<16xf32>
    %add3A_1517 = arith.addf %exp3A_1481, %exp3A_1484 : vector<16xf32>
    %add3A_1518 = arith.addf %exp3A_1487, %exp3A_1490 : vector<16xf32>
    %add3A_1519 = arith.addf %exp3A_1493, %exp3A_1496 : vector<16xf32>
    %add3A_1520 = arith.addf %exp3A_1499, %exp3A_1502 : vector<16xf32>
    %add3A_1521 = arith.addf %exp3A_1505, %exp3A_1508 : vector<16xf32>
    %add3A_1522 = arith.addf %exp3A_1511, %exp3A_1514 : vector<16xf32>
    %add3A_1523 = arith.addf %add3A_1515, %add3A_1516 : vector<16xf32>
    %add3A_1524 = arith.addf %add3A_1517, %add3A_1518 : vector<16xf32>
    %add3A_1525 = arith.addf %add3A_1519, %add3A_1520 : vector<16xf32>
    %add3A_1526 = arith.addf %add3A_1521, %add3A_1522 : vector<16xf32>
    %add3A_1527 = arith.addf %add3A_1523, %add3A_1524 : vector<16xf32>
    %add3A_1528 = arith.addf %add3A_1525, %add3A_1526 : vector<16xf32>
    %add3A_1529 = arith.addf %add3A_1527, %add3A_1528 : vector<16xf32>
    %reduce_sum3A_1530 = arith.constant true
    %reduce_sum3A_1531 = vector.broadcast %reduce_sum3A_1530 : i1 to vector<16xi1>
    %reduce_sum3A_1532 = tpu.scan <sum>, %add3A_1529 masked %reduce_sum3A_1531 : vector<16xf32>, vector<16xi1> -> vector<16xf32>
    %reduce_sum3A_1533 = vector.extract %reduce_sum3A_1532[15] : f32 from vector<16xf32>
    %and3A_1534 = arith.constant 31 : i32
    %and3A_1535 = arith.andi %add3A_676, %and3A_1534 : i32
    %broadcast_in_dim3A_1536 = vector.broadcast %and3A_1535 : i32 to vector<16xi32>
    %broadcast_in_dim3A_1537 = vector.broadcast %mul3A_5 : i32 to vector<16xi32>
    %gather3A_1538 = tpu.vector_load_idx %arg11[%broadcast_in_dim3A_1536, %broadcast_in_dim3A_1537] : memref<32x64xi32, #tpu.memory_space<vmem>>[vector<16xi32>, vector<16xi32>], vector<16xi32>,
    %broadcast_in_dim3A_1539 = arith.constant 0 : i32
    %broadcast_in_dim3A_1540 = vector.broadcast %broadcast_in_dim3A_1539 : i32 to vector<16xi32>
    %gather3A_1541 = tpu.vector_load_idx %arg13[%broadcast_in_dim3A_1540, %gather3A_1538] : memref<2x256xf32, #tpu.memory_space<vmem>>[vector<16xi32>, vector<16xi32>], vector<16xf32>,
    %reduce_max3A_1542 = arith.constant true
    %reduce_max3A_1543 = vector.broadcast %reduce_max3A_1542 : i1 to vector<16xi1>
    %reduce_max3A_1544 = tpu.scan <max>, %gather3A_1541 masked %reduce_max3A_1543 : vector<16xf32>, vector<16xi1> -> vector<16xf32>
    %reduce_max3A_1545 = vector.extract %reduce_max3A_1544[15] : f32 from vector<16xf32>
    %sub3A_1546 = arith.subf %reduce_max3A_1545, %reduce_max3A_1467 : f32
    %eq3A_1547 = arith.constant 0 : i32
    %eq3A_1548 = vector.broadcast %eq3A_1547 : i32 to vector<16xi32>
    %eq3A_1549 = arith.cmpi eq, %iota3A, %eq3A_1548 : vector<16xi32>
    %eq3A_1550 = arith.constant 1 : i32
    %eq3A_1551 = vector.broadcast %eq3A_1550 : i32 to vector<16xi32>
    %eq3A_1552 = arith.cmpi eq, %iota3A, %eq3A_1551 : vector<16xi32>
    %jit3A_1553 = arith.constant 0.000000e+00 : f32
    %broadcast_in_dim3A_1554 = vector.broadcast %reduce_sum3A_1533 : f32 to vector<16xf32>
    %broadcast_in_dim3A_1555 = vector.broadcast %jit3A_1553 : f32 to vector<16xf32>
    %select_n3A_1556 = arith.select %eq3A_1552, %broadcast_in_dim3A_1554, %broadcast_in_dim3A_1555 : vector<16xi1>, vector<16xf32>
    %broadcast_in_dim3A_1557 = vector.broadcast %sub3A_1546 : f32 to vector<16xf32>
    %select_n3A_1558 = arith.select %eq3A_1549, %broadcast_in_dim3A_1557, %select_n3A_1556 : vector<16xi1>, vector<16xf32>
    %swap3A = arith.constant 0 : index
    %swap3A_1559 = tpu.vector_load %arg17[%swap3A] {strides = array<i32>} : memref<16xf32, #tpu.memory_space<vmem>>, vector<16xf32>,
    tpu.vector_store %arg17[%swap3A], %select_n3A_1558 {strides = array<i32>} : memref<16xf32, #tpu.memory_space<vmem>>, vector<16xf32>,
    %dma_start3A_1560 = arith.constant 0 : i32
    %dma_start3A_1561 = tpu.memref_slice %arg6[%mul3A_5, %dma_start3A_1560] : memref<64x16xf32, #tpu.memory_space<hbm>> -> memref<1x16xf32, #tpu.memory_space<hbm>>
    %dma_start3A_1562 = tpu.memref_squeeze %dma_start3A_1561 : memref<1x16xf32, #tpu.memory_space<hbm>> -> memref<16xf32, #tpu.memory_space<hbm>>
    %dma_start3A_1563 = arith.constant 0 : i32
    %dma_start3A_1564 = tpu.memref_slice %arg6[%mul3A_5, %dma_start3A_1563] : memref<64x16xf32, #tpu.memory_space<hbm>> -> memref<1x16xf32, #tpu.memory_space<hbm>>
    %dma_start3A_1565 = tpu.memref_squeeze %dma_start3A_1564 : memref<1x16xf32, #tpu.memory_space<hbm>> -> memref<16xf32, #tpu.memory_space<hbm>>
    tpu.enqueue_dma source(%arg17 : memref<16xf32, #tpu.memory_space<vmem>>) target(%dma_start3A_1565 : memref<16xf32, #tpu.memory_space<hbm>>) target_semaphore(%arg26 : memref<!tpu.dma_semaphore, #tpu.memory_space<semaphore_mem>>)
    %dma_wait3A_1566 = arith.constant 0 : i32
    %dma_wait3A_1567 = arith.constant 0 : i32
    %dma_wait3A_1568 = tpu.memref_slice %arg5[%dma_wait3A_1566, %dma_wait3A_1567] : memref<196608x256xf32, #tpu.memory_space<hbm>> -> memref<196608x256xf32, #tpu.memory_space<hbm>>
    tpu.wait_indirect_dma semaphore(%arg24 : memref<!tpu.dma_semaphore, #tpu.memory_space<semaphore_mem>>) src(%dma_wait3A_1568 : memref<196608x256xf32, #tpu.memory_space<hbm>>) dst(%arg14 : memref<2x256xf32, #tpu.memory_space<vmem>>)
    %dma_wait3A_1569 = arith.constant 0 : i32
    %dma_wait3A_1570 = arith.constant 0 : i32
    %dma_wait3A_1571 = tpu.memref_slice %arg4[%shift_right_arithmetic3A_1329, %and3A_1333, %dma_wait3A_1569, %dma_wait3A_1570] : memref<3x32x32x64xi32, #tpu.memory_space<hbm>> -> memref<1x1x32x64xi32, #tpu.memory_space<hbm>>
    %dma_wait3A_1572 = tpu.memref_squeeze %dma_wait3A_1571 : memref<1x1x32x64xi32, #tpu.memory_space<hbm>> -> memref<32x64xi32, #tpu.memory_space<hbm>>
    %dma_wait3A_1573 = arith.constant 0 : i32
    %dma_wait3A_1574 = arith.constant 0 : i32
    %dma_wait3A_1575 = tpu.memref_slice %arg4[%shift_right_arithmetic3A_1329, %and3A_1333, %dma_wait3A_1573, %dma_wait3A_1574] : memref<3x32x32x64xi32, #tpu.memory_space<hbm>> -> memref<1x1x32x64xi32, #tpu.memory_space<hbm>>
    %dma_wait3A_1576 = tpu.memref_squeeze %dma_wait3A_1575 : memref<1x1x32x64xi32, #tpu.memory_space<hbm>> -> memref<32x64xi32, #tpu.memory_space<hbm>>
    tpu.wait_dma2 semaphore(%arg22 : memref<!tpu.dma_semaphore, #tpu.memory_space<semaphore_mem>>) src(%dma_wait3A_1576 : memref<32x64xi32, #tpu.memory_space<hbm>>) dst(%arg12 : memref<32x64xi32, #tpu.memory_space<vmem>>)
    %multiple_of3A_1577 = arith.constant 0 : i32
    %multiple_of3A_1578 = tpu.assume_multiple %multiple_of3A_1577, 16 : i32
    %get3A_1579 = arith.constant 0 : i32
    %get3A_1580 = arith.index_cast %get3A_1579 : i32 to index
    %get3A_1581 = arith.index_cast %multiple_of3A_1578 : i32 to index
    %get3A_1582 = tpu.vector_load %arg14[%get3A_1580, %get3A_1581] {strides = array<i32>} : memref<2x256xf32, #tpu.memory_space<vmem>>, vector<16xf32>,
    %multiple_of3A_1583 = arith.constant 16 : i32
    %multiple_of3A_1584 = tpu.assume_multiple %multiple_of3A_1583, 16 : i32
    %get3A_1585 = arith.constant 0 : i32
    %get3A_1586 = arith.index_cast %get3A_1585 : i32 to index
    %get3A_1587 = arith.index_cast %multiple_of3A_1584 : i32 to index
    %get3A_1588 = tpu.vector_load %arg14[%get3A_1586, %get3A_1587] {strides = array<i32>} : memref<2x256xf32, #tpu.memory_space<vmem>>, vector<16xf32>,
    %multiple_of3A_1589 = arith.constant 32 : i32
    %multiple_of3A_1590 = tpu.assume_multiple %multiple_of3A_1589, 16 : i32
    %get3A_1591 = arith.constant 0 : i32
    %get3A_1592 = arith.index_cast %get3A_1591 : i32 to index
    %get3A_1593 = arith.index_cast %multiple_of3A_1590 : i32 to index
    %get3A_1594 = tpu.vector_load %arg14[%get3A_1592, %get3A_1593] {strides = array<i32>} : memref<2x256xf32, #tpu.memory_space<vmem>>, vector<16xf32>,
    %multiple_of3A_1595 = arith.constant 48 : i32
    %multiple_of3A_1596 = tpu.assume_multiple %multiple_of3A_1595, 16 : i32
    %get3A_1597 = arith.constant 0 : i32
    %get3A_1598 = arith.index_cast %get3A_1597 : i32 to index
    %get3A_1599 = arith.index_cast %multiple_of3A_1596 : i32 to index
    %get3A_1600 = tpu.vector_load %arg14[%get3A_1598, %get3A_1599] {strides = array<i32>} : memref<2x256xf32, #tpu.memory_space<vmem>>, vector<16xf32>,
    %multiple_of3A_1601 = arith.constant 64 : i32
    %multiple_of3A_1602 = tpu.assume_multiple %multiple_of3A_1601, 16 : i32
    %get3A_1603 = arith.constant 0 : i32
    %get3A_1604 = arith.index_cast %get3A_1603 : i32 to index
    %get3A_1605 = arith.index_cast %multiple_of3A_1602 : i32 to index
    %get3A_1606 = tpu.vector_load %arg14[%get3A_1604, %get3A_1605] {strides = array<i32>} : memref<2x256xf32, #tpu.memory_space<vmem>>, vector<16xf32>,
    %multiple_of3A_1607 = arith.constant 80 : i32
    %multiple_of3A_1608 = tpu.assume_multiple %multiple_of3A_1607, 16 : i32
    %get3A_1609 = arith.constant 0 : i32
    %get3A_1610 = arith.index_cast %get3A_1609 : i32 to index
    %get3A_1611 = arith.index_cast %multiple_of3A_1608 : i32 to index
    %get3A_1612 = tpu.vector_load %arg14[%get3A_1610, %get3A_1611] {strides = array<i32>} : memref<2x256xf32, #tpu.memory_space<vmem>>, vector<16xf32>,
    %multiple_of3A_1613 = arith.constant 96 : i32
    %multiple_of3A_1614 = tpu.assume_multiple %multiple_of3A_1613, 16 : i32
    %get3A_1615 = arith.constant 0 : i32
    %get3A_1616 = arith.index_cast %get3A_1615 : i32 to index
    %get3A_1617 = arith.index_cast %multiple_of3A_1614 : i32 to index
    %get3A_1618 = tpu.vector_load %arg14[%get3A_1616, %get3A_1617] {strides = array<i32>} : memref<2x256xf32, #tpu.memory_space<vmem>>, vector<16xf32>,
    %multiple_of3A_1619 = arith.constant 112 : i32
    %multiple_of3A_1620 = tpu.assume_multiple %multiple_of3A_1619, 16 : i32
    %get3A_1621 = arith.constant 0 : i32
    %get3A_1622 = arith.index_cast %get3A_1621 : i32 to index
    %get3A_1623 = arith.index_cast %multiple_of3A_1620 : i32 to index
    %get3A_1624 = tpu.vector_load %arg14[%get3A_1622, %get3A_1623] {strides = array<i32>} : memref<2x256xf32, #tpu.memory_space<vmem>>, vector<16xf32>,
    %multiple_of3A_1625 = arith.constant 128 : i32
    %multiple_of3A_1626 = tpu.assume_multiple %multiple_of3A_1625, 16 : i32
    %get3A_1627 = arith.constant 0 : i32
    %get3A_1628 = arith.index_cast %get3A_1627 : i32 to index
    %get3A_1629 = arith.index_cast %multiple_of3A_1626 : i32 to index
    %get3A_1630 = tpu.vector_load %arg14[%get3A_1628, %get3A_1629] {strides = array<i32>} : memref<2x256xf32, #tpu.memory_space<vmem>>, vector<16xf32>,
    %multiple_of3A_1631 = arith.constant 144 : i32
    %multiple_of3A_1632 = tpu.assume_multiple %multiple_of3A_1631, 16 : i32
    %get3A_1633 = arith.constant 0 : i32
    %get3A_1634 = arith.index_cast %get3A_1633 : i32 to index
    %get3A_1635 = arith.index_cast %multiple_of3A_1632 : i32 to index
    %get3A_1636 = tpu.vector_load %arg14[%get3A_1634, %get3A_1635] {strides = array<i32>} : memref<2x256xf32, #tpu.memory_space<vmem>>, vector<16xf32>,
    %multiple_of3A_1637 = arith.constant 160 : i32
    %multiple_of3A_1638 = tpu.assume_multiple %multiple_of3A_1637, 16 : i32
    %get3A_1639 = arith.constant 0 : i32
    %get3A_1640 = arith.index_cast %get3A_1639 : i32 to index
    %get3A_1641 = arith.index_cast %multiple_of3A_1638 : i32 to index
    %get3A_1642 = tpu.vector_load %arg14[%get3A_1640, %get3A_1641] {strides = array<i32>} : memref<2x256xf32, #tpu.memory_space<vmem>>, vector<16xf32>,
    %multiple_of3A_1643 = arith.constant 176 : i32
    %multiple_of3A_1644 = tpu.assume_multiple %multiple_of3A_1643, 16 : i32
    %get3A_1645 = arith.constant 0 : i32
    %get3A_1646 = arith.index_cast %get3A_1645 : i32 to index
    %get3A_1647 = arith.index_cast %multiple_of3A_1644 : i32 to index
    %get3A_1648 = tpu.vector_load %arg14[%get3A_1646, %get3A_1647] {strides = array<i32>} : memref<2x256xf32, #tpu.memory_space<vmem>>, vector<16xf32>,
    %multiple_of3A_1649 = arith.constant 192 : i32
    %multiple_of3A_1650 = tpu.assume_multiple %multiple_of3A_1649, 16 : i32
    %get3A_1651 = arith.constant 0 : i32
    %get3A_1652 = arith.index_cast %get3A_1651 : i32 to index
    %get3A_1653 = arith.index_cast %multiple_of3A_1650 : i32 to index
    %get3A_1654 = tpu.vector_load %arg14[%get3A_1652, %get3A_1653] {strides = array<i32>} : memref<2x256xf32, #tpu.memory_space<vmem>>, vector<16xf32>,
    %multiple_of3A_1655 = arith.constant 208 : i32
    %multiple_of3A_1656 = tpu.assume_multiple %multiple_of3A_1655, 16 : i32
    %get3A_1657 = arith.constant 0 : i32
    %get3A_1658 = arith.index_cast %get3A_1657 : i32 to index
    %get3A_1659 = arith.index_cast %multiple_of3A_1656 : i32 to index
    %get3A_1660 = tpu.vector_load %arg14[%get3A_1658, %get3A_1659] {strides = array<i32>} : memref<2x256xf32, #tpu.memory_space<vmem>>, vector<16xf32>,
    %multiple_of3A_1661 = arith.constant 224 : i32
    %multiple_of3A_1662 = tpu.assume_multiple %multiple_of3A_1661, 16 : i32
    %get3A_1663 = arith.constant 0 : i32
    %get3A_1664 = arith.index_cast %get3A_1663 : i32 to index
    %get3A_1665 = arith.index_cast %multiple_of3A_1662 : i32 to index
    %get3A_1666 = tpu.vector_load %arg14[%get3A_1664, %get3A_1665] {strides = array<i32>} : memref<2x256xf32, #tpu.memory_space<vmem>>, vector<16xf32>,
    %multiple_of3A_1667 = arith.constant 240 : i32
    %multiple_of3A_1668 = tpu.assume_multiple %multiple_of3A_1667, 16 : i32
    %get3A_1669 = arith.constant 0 : i32
    %get3A_1670 = arith.index_cast %get3A_1669 : i32 to index
    %get3A_1671 = arith.index_cast %multiple_of3A_1668 : i32 to index
    %get3A_1672 = tpu.vector_load %arg14[%get3A_1670, %get3A_1671] {strides = array<i32>} : memref<2x256xf32, #tpu.memory_space<vmem>>, vector<16xf32>,
    %max3A_1673 = arith.maximumf %get3A_1582, %get3A_1588 : vector<16xf32>
    %max3A_1674 = arith.maximumf %get3A_1594, %get3A_1600 : vector<16xf32>
    %max3A_1675 = arith.maximumf %get3A_1606, %get3A_1612 : vector<16xf32>
    %max3A_1676 = arith.maximumf %get3A_1618, %get3A_1624 : vector<16xf32>
    %max3A_1677 = arith.maximumf %get3A_1630, %get3A_1636 : vector<16xf32>
    %max3A_1678 = arith.maximumf %get3A_1642, %get3A_1648 : vector<16xf32>
    %max3A_1679 = arith.maximumf %get3A_1654, %get3A_1660 : vector<16xf32>
    %max3A_1680 = arith.maximumf %get3A_1666, %get3A_1672 : vector<16xf32>
    %max3A_1681 = arith.maximumf %max3A_1673, %max3A_1674 : vector<16xf32>
    %max3A_1682 = arith.maximumf %max3A_1675, %max3A_1676 : vector<16xf32>
    %max3A_1683 = arith.maximumf %max3A_1677, %max3A_1678 : vector<16xf32>
    %max3A_1684 = arith.maximumf %max3A_1679, %max3A_1680 : vector<16xf32>
    %max3A_1685 = arith.maximumf %max3A_1681, %max3A_1682 : vector<16xf32>
    %max3A_1686 = arith.maximumf %max3A_1683, %max3A_1684 : vector<16xf32>
    %max3A_1687 = arith.maximumf %max3A_1685, %max3A_1686 : vector<16xf32>
    %reduce_max3A_1688 = arith.constant true
    %reduce_max3A_1689 = vector.broadcast %reduce_max3A_1688 : i1 to vector<16xi1>
    %reduce_max3A_1690 = tpu.scan <max>, %max3A_1687 masked %reduce_max3A_1689 : vector<16xf32>, vector<16xi1> -> vector<16xf32>
    %reduce_max3A_1691 = vector.extract %reduce_max3A_1690[15] : f32 from vector<16xf32>
    %sub3A_1692 = vector.broadcast %reduce_max3A_1691 : f32 to vector<16xf32>
    %sub3A_1693 = arith.subf %get3A_1582, %sub3A_1692 : vector<16xf32>
    %exp3A_1694 = math.exp %sub3A_1693 : vector<16xf32>
    %sub3A_1695 = vector.broadcast %reduce_max3A_1691 : f32 to vector<16xf32>
    %sub3A_1696 = arith.subf %get3A_1588, %sub3A_1695 : vector<16xf32>
    %exp3A_1697 = math.exp %sub3A_1696 : vector<16xf32>
    %sub3A_1698 = vector.broadcast %reduce_max3A_1691 : f32 to vector<16xf32>
    %sub3A_1699 = arith.subf %get3A_1594, %sub3A_1698 : vector<16xf32>
    %exp3A_1700 = math.exp %sub3A_1699 : vector<16xf32>
    %sub3A_1701 = vector.broadcast %reduce_max3A_1691 : f32 to vector<16xf32>
    %sub3A_1702 = arith.subf %get3A_1600, %sub3A_1701 : vector<16xf32>
    %exp3A_1703 = math.exp %sub3A_1702 : vector<16xf32>
    %sub3A_1704 = vector.broadcast %reduce_max3A_1691 : f32 to vector<16xf32>
    %sub3A_1705 = arith.subf %get3A_1606, %sub3A_1704 : vector<16xf32>
    %exp3A_1706 = math.exp %sub3A_1705 : vector<16xf32>
    %sub3A_1707 = vector.broadcast %reduce_max3A_1691 : f32 to vector<16xf32>
    %sub3A_1708 = arith.subf %get3A_1612, %sub3A_1707 : vector<16xf32>
    %exp3A_1709 = math.exp %sub3A_1708 : vector<16xf32>
    %sub3A_1710 = vector.broadcast %reduce_max3A_1691 : f32 to vector<16xf32>
    %sub3A_1711 = arith.subf %get3A_1618, %sub3A_1710 : vector<16xf32>
    %exp3A_1712 = math.exp %sub3A_1711 : vector<16xf32>
    %sub3A_1713 = vector.broadcast %reduce_max3A_1691 : f32 to vector<16xf32>
    %sub3A_1714 = arith.subf %get3A_1624, %sub3A_1713 : vector<16xf32>
    %exp3A_1715 = math.exp %sub3A_1714 : vector<16xf32>
    %sub3A_1716 = vector.broadcast %reduce_max3A_1691 : f32 to vector<16xf32>
    %sub3A_1717 = arith.subf %get3A_1630, %sub3A_1716 : vector<16xf32>
    %exp3A_1718 = math.exp %sub3A_1717 : vector<16xf32>
    %sub3A_1719 = vector.broadcast %reduce_max3A_1691 : f32 to vector<16xf32>
    %sub3A_1720 = arith.subf %get3A_1636, %sub3A_1719 : vector<16xf32>
    %exp3A_1721 = math.exp %sub3A_1720 : vector<16xf32>
    %sub3A_1722 = vector.broadcast %reduce_max3A_1691 : f32 to vector<16xf32>
    %sub3A_1723 = arith.subf %get3A_1642, %sub3A_1722 : vector<16xf32>
    %exp3A_1724 = math.exp %sub3A_1723 : vector<16xf32>
    %sub3A_1725 = vector.broadcast %reduce_max3A_1691 : f32 to vector<16xf32>
    %sub3A_1726 = arith.subf %get3A_1648, %sub3A_1725 : vector<16xf32>
    %exp3A_1727 = math.exp %sub3A_1726 : vector<16xf32>
    %sub3A_1728 = vector.broadcast %reduce_max3A_1691 : f32 to vector<16xf32>
    %sub3A_1729 = arith.subf %get3A_1654, %sub3A_1728 : vector<16xf32>
    %exp3A_1730 = math.exp %sub3A_1729 : vector<16xf32>
    %sub3A_1731 = vector.broadcast %reduce_max3A_1691 : f32 to vector<16xf32>
    %sub3A_1732 = arith.subf %get3A_1660, %sub3A_1731 : vector<16xf32>
    %exp3A_1733 = math.exp %sub3A_1732 : vector<16xf32>
    %sub3A_1734 = vector.broadcast %reduce_max3A_1691 : f32 to vector<16xf32>
    %sub3A_1735 = arith.subf %get3A_1666, %sub3A_1734 : vector<16xf32>
    %exp3A_1736 = math.exp %sub3A_1735 : vector<16xf32>
    %sub3A_1737 = vector.broadcast %reduce_max3A_1691 : f32 to vector<16xf32>
    %sub3A_1738 = arith.subf %get3A_1672, %sub3A_1737 : vector<16xf32>
    %exp3A_1739 = math.exp %sub3A_1738 : vector<16xf32>
    %add3A_1740 = arith.addf %exp3A_1694, %exp3A_1697 : vector<16xf32>
    %add3A_1741 = arith.addf %exp3A_1700, %exp3A_1703 : vector<16xf32>
    %add3A_1742 = arith.addf %exp3A_1706, %exp3A_1709 : vector<16xf32>
    %add3A_1743 = arith.addf %exp3A_1712, %exp3A_1715 : vector<16xf32>
    %add3A_1744 = arith.addf %exp3A_1718, %exp3A_1721 : vector<16xf32>
    %add3A_1745 = arith.addf %exp3A_1724, %exp3A_1727 : vector<16xf32>
    %add3A_1746 = arith.addf %exp3A_1730, %exp3A_1733 : vector<16xf32>
    %add3A_1747 = arith.addf %exp3A_1736, %exp3A_1739 : vector<16xf32>
    %add3A_1748 = arith.addf %add3A_1740, %add3A_1741 : vector<16xf32>
    %add3A_1749 = arith.addf %add3A_1742, %add3A_1743 : vector<16xf32>
    %add3A_1750 = arith.addf %add3A_1744, %add3A_1745 : vector<16xf32>
    %add3A_1751 = arith.addf %add3A_1746, %add3A_1747 : vector<16xf32>
    %add3A_1752 = arith.addf %add3A_1748, %add3A_1749 : vector<16xf32>
    %add3A_1753 = arith.addf %add3A_1750, %add3A_1751 : vector<16xf32>
    %add3A_1754 = arith.addf %add3A_1752, %add3A_1753 : vector<16xf32>
    %reduce_sum3A_1755 = arith.constant true
    %reduce_sum3A_1756 = vector.broadcast %reduce_sum3A_1755 : i1 to vector<16xi1>
    %reduce_sum3A_1757 = tpu.scan <sum>, %add3A_1754 masked %reduce_sum3A_1756 : vector<16xf32>, vector<16xi1> -> vector<16xf32>
    %reduce_sum3A_1758 = vector.extract %reduce_sum3A_1757[15] : f32 from vector<16xf32>
    %and3A_1759 = arith.constant 31 : i32
    %and3A_1760 = arith.andi %add3A_1320, %and3A_1759 : i32
    %broadcast_in_dim3A_1761 = vector.broadcast %and3A_1760 : i32 to vector<16xi32>
    %broadcast_in_dim3A_1762 = vector.broadcast %add3A_7 : i32 to vector<16xi32>
    %gather3A_1763 = tpu.vector_load_idx %arg12[%broadcast_in_dim3A_1761, %broadcast_in_dim3A_1762] : memref<32x64xi32, #tpu.memory_space<vmem>>[vector<16xi32>, vector<16xi32>], vector<16xi32>,
    %broadcast_in_dim3A_1764 = arith.constant 0 : i32
    %broadcast_in_dim3A_1765 = vector.broadcast %broadcast_in_dim3A_1764 : i32 to vector<16xi32>
    %gather3A_1766 = tpu.vector_load_idx %arg14[%broadcast_in_dim3A_1765, %gather3A_1763] : memref<2x256xf32, #tpu.memory_space<vmem>>[vector<16xi32>, vector<16xi32>], vector<16xf32>,
    %reduce_max3A_1767 = arith.constant true
    %reduce_max3A_1768 = vector.broadcast %reduce_max3A_1767 : i1 to vector<16xi1>
    %reduce_max3A_1769 = tpu.scan <max>, %gather3A_1766 masked %reduce_max3A_1768 : vector<16xf32>, vector<16xi1> -> vector<16xf32>
    %reduce_max3A_1770 = vector.extract %reduce_max3A_1769[15] : f32 from vector<16xf32>
    %sub3A_1771 = arith.subf %reduce_max3A_1770, %reduce_max3A_1691 : f32
    %eq3A_1772 = arith.constant 0 : i32
    %eq3A_1773 = vector.broadcast %eq3A_1772 : i32 to vector<16xi32>
    %eq3A_1774 = arith.cmpi eq, %iota3A, %eq3A_1773 : vector<16xi32>
    %eq3A_1775 = arith.constant 1 : i32
    %eq3A_1776 = vector.broadcast %eq3A_1775 : i32 to vector<16xi32>
    %eq3A_1777 = arith.cmpi eq, %iota3A, %eq3A_1776 : vector<16xi32>
    %jit3A_1778 = arith.constant 0.000000e+00 : f32
    %broadcast_in_dim3A_1779 = vector.broadcast %reduce_sum3A_1758 : f32 to vector<16xf32>
    %broadcast_in_dim3A_1780 = vector.broadcast %jit3A_1778 : f32 to vector<16xf32>
    %select_n3A_1781 = arith.select %eq3A_1777, %broadcast_in_dim3A_1779, %broadcast_in_dim3A_1780 : vector<16xi1>, vector<16xf32>
    %broadcast_in_dim3A_1782 = vector.broadcast %sub3A_1771 : f32 to vector<16xf32>
    %select_n3A_1783 = arith.select %eq3A_1774, %broadcast_in_dim3A_1782, %select_n3A_1781 : vector<16xi1>, vector<16xf32>
    %swap3A_1784 = arith.constant 0 : index
    %swap3A_1785 = tpu.vector_load %arg18[%swap3A_1784] {strides = array<i32>} : memref<16xf32, #tpu.memory_space<vmem>>, vector<16xf32>,
    tpu.vector_store %arg18[%swap3A_1784], %select_n3A_1783 {strides = array<i32>} : memref<16xf32, #tpu.memory_space<vmem>>, vector<16xf32>,
    %dma_start3A_1786 = arith.constant 0 : i32
    %dma_start3A_1787 = tpu.memref_slice %arg6[%add3A_7, %dma_start3A_1786] : memref<64x16xf32, #tpu.memory_space<hbm>> -> memref<1x16xf32, #tpu.memory_space<hbm>>
    %dma_start3A_1788 = tpu.memref_squeeze %dma_start3A_1787 : memref<1x16xf32, #tpu.memory_space<hbm>> -> memref<16xf32, #tpu.memory_space<hbm>>
    %dma_start3A_1789 = arith.constant 0 : i32
    %dma_start3A_1790 = tpu.memref_slice %arg6[%add3A_7, %dma_start3A_1789] : memref<64x16xf32, #tpu.memory_space<hbm>> -> memref<1x16xf32, #tpu.memory_space<hbm>>
    %dma_start3A_1791 = tpu.memref_squeeze %dma_start3A_1790 : memref<1x16xf32, #tpu.memory_space<hbm>> -> memref<16xf32, #tpu.memory_space<hbm>>
    tpu.enqueue_dma source(%arg18 : memref<16xf32, #tpu.memory_space<vmem>>) target(%dma_start3A_1791 : memref<16xf32, #tpu.memory_space<hbm>>) target_semaphore(%arg27 : memref<!tpu.dma_semaphore, #tpu.memory_space<semaphore_mem>>)
    %dma_wait3A_1792 = arith.constant 0 : i32
    %dma_wait3A_1793 = tpu.memref_slice %arg6[%mul3A_5, %dma_wait3A_1792] : memref<64x16xf32, #tpu.memory_space<hbm>> -> memref<1x16xf32, #tpu.memory_space<hbm>>
    %dma_wait3A_1794 = tpu.memref_squeeze %dma_wait3A_1793 : memref<1x16xf32, #tpu.memory_space<hbm>> -> memref<16xf32, #tpu.memory_space<hbm>>
    %dma_wait3A_1795 = arith.constant 0 : i32
    %dma_wait3A_1796 = tpu.memref_slice %arg6[%mul3A_5, %dma_wait3A_1795] : memref<64x16xf32, #tpu.memory_space<hbm>> -> memref<1x16xf32, #tpu.memory_space<hbm>>
    %dma_wait3A_1797 = tpu.memref_squeeze %dma_wait3A_1796 : memref<1x16xf32, #tpu.memory_space<hbm>> -> memref<16xf32, #tpu.memory_space<hbm>>
    tpu.wait_dma2 semaphore(%arg26 : memref<!tpu.dma_semaphore, #tpu.memory_space<semaphore_mem>>) src(%arg17 : memref<16xf32, #tpu.memory_space<vmem>>) dst(%dma_wait3A_1797 : memref<16xf32, #tpu.memory_space<hbm>>)
    %dma_wait3A_1798 = arith.constant 0 : i32
    %dma_wait3A_1799 = tpu.memref_slice %arg6[%add3A_7, %dma_wait3A_1798] : memref<64x16xf32, #tpu.memory_space<hbm>> -> memref<1x16xf32, #tpu.memory_space<hbm>>
    %dma_wait3A_1800 = tpu.memref_squeeze %dma_wait3A_1799 : memref<1x16xf32, #tpu.memory_space<hbm>> -> memref<16xf32, #tpu.memory_space<hbm>>
    %dma_wait3A_1801 = arith.constant 0 : i32
    %dma_wait3A_1802 = tpu.memref_slice %arg6[%add3A_7, %dma_wait3A_1801] : memref<64x16xf32, #tpu.memory_space<hbm>> -> memref<1x16xf32, #tpu.memory_space<hbm>>
    %dma_wait3A_1803 = tpu.memref_squeeze %dma_wait3A_1802 : memref<1x16xf32, #tpu.memory_space<hbm>> -> memref<16xf32, #tpu.memory_space<hbm>>
    tpu.wait_dma2 semaphore(%arg27 : memref<!tpu.dma_semaphore, #tpu.memory_space<semaphore_mem>>) src(%arg18 : memref<16xf32, #tpu.memory_space<vmem>>) dst(%dma_wait3A_1803 : memref<16xf32, #tpu.memory_space<hbm>>)
    return
  }
}

module attributes {stable_mosaic.version = 14 : i64} {
  func.func @_tc_body(%arg0: memref<64x16xf32, #tpu.memory_space<vmem>>, %arg1: memref<1x1xf32, #tpu.memory_space<smem>>) attributes {dimension_semantics = [], scalar_prefetch = 0 : i64, scratch_operands = 0 : i64, tpu.core_type = #tpu.core_type<tc>} {
    %get3A = arith.constant 0 : index
    %get3A_0 = arith.constant 0 : index
    %get3A_1 = vector.load %arg0[%get3A, %get3A_0] : memref<64x16xf32, #tpu.memory_space<vmem>>, vector<64x1xf32>
    %get3A_2 = arith.constant 0 : index
    %get3A_3 = arith.constant 1 : index
    %get3A_4 = vector.load %arg0[%get3A_2, %get3A_3] : memref<64x16xf32, #tpu.memory_space<vmem>>, vector<64x1xf32>
    %log3A = math.log %get3A_4 : vector<64x1xf32>
    %sub3A = arith.subf %get3A_1, %log3A : vector<64x1xf32>
    %reduce_sum3A = vector.shape_cast %sub3A : vector<64x1xf32> to vector<1x64x1xf32>
    %reduce_sum3A_5 = arith.constant dense<0.000000e+00> : vector<1xf32>
    %reduce_sum3A_6 = vector.multi_reduction <add>, %reduce_sum3A, %reduce_sum3A_5 [1, 2] : vector<1x64x1xf32> to vector<1xf32>
    %reduce_sum3A_7 = vector.shape_cast %reduce_sum3A_6 : vector<1xf32> to vector<1x1x1xf32>
    %reduce_sum3A_8 = vector.extract %reduce_sum3A_7[0, 0, 0] : f32 from vector<1x1x1xf32>
    %mul3A = arith.constant 1.562500e-02 : f32
    %mul3A_9 = arith.mulf %reduce_sum3A_8, %mul3A : f32
    %swap3A = arith.constant 0 : index
    %swap3A_10 = arith.constant 0 : index
    %swap3A_11 = memref.load %arg1[%swap3A, %swap3A_10] : memref<1x1xf32, #tpu.memory_space<smem>>
    memref.store %mul3A_9, %arg1[%swap3A, %swap3A_10] : memref<1x1xf32, #tpu.memory_space<smem>>
    return
  }
}

</mosaic_0001>

<sc_bundles>
// kernel: kernel.4.cloned.1.call-start
scs
__scs_entry_jumppad:
0x0: {  	(pc) =	sbr.rel $0x88, $3  }
0x1: {  	(tag) =	ssettag $0x0;
	lr =	simm.s32 $0x1  }
0x2: {  	[smem:$0x3F9D] =	sst lr;
	_ =	strace $0xD0000000  }
0x3: {  	_ = 	snop  }
0x4: {  	_ = 	snop  }
0x5: {  	_ = 	snop  }
0x6: {  	_ = 	snop  }
0x7: {  	_ = 	snop  }
__scs_overlays_trampoline_lowered:
0x8: {  	[smem:$0x3FAC] =	sst s0  }
0x9: {  	[smem:$0x3FAD] =	sst s1  }
0xa: {  	[smem:$0x3FAE] =	sst s2  }
0xb: {  	[smem:$0x3FAF] =	sst s3  }
0xc: {  	[smem:$0x3FB0] =	sst s4  }
0xd: {  	[smem:$0x3FB1] =	sst s5  }
0xe: {  	[smem:$0x3FB2] =	sst s6  }
0xf: {  	[smem:$0x3FB3] =	sst s7  }
0x10: {  	[smem:$0x3FB4] =	sst s8  }
0x11: {  	[smem:$0x3FB5] =	sst s9;
	s0 =	simm.s32 @!p0 $0x0  }
0x12: {  	s1 =	sld [smem:$0x3F9B];
	s0 =	simm.s32 @p0 $0x1  }
0x13: {  	[smem:$0x3FB6] =	sst s0;
	s0 =	simm.s32 @!p1 $0x0  }
0x14: {  	s2 =	sld [smem:$0x3F9A];
	s0 =	simm.s32 @p1 $0x1  }
0x15: {  	[smem:$0x3FB7] =	sst s0;
	s0 =	simm.s32 @!p2 $0x0  }
0x16: {  	s3 =	sld [smem:$0x3FDB];
	s0 =	simm.s32 @p2 $0x1  }
0x17: {  	s4 =	simm.s32 $0x1BF5;
	[smem:$0x3FB9] =	sst s0  }
0x18: {  	s0 =	sld [smem:$0x3F9C];
	_ =	swait.ge [sflag:s4], $0x0  }
0x19: {  	s7 =	sld [smem:$0x3F9D]  }
0x1a: {  	s8 =	sadd.s32 $0xFFFFE003, lr  }
0x1b: {  	s9 =	sadd.s32 $0xFFFFFEF7, lr;
	s5 =	simm.s32 $0xFFFFFFFF;
	p2 =	slt.u32 s8, $0xFFFFF086  }
0x1c: {  	p1 =	slt.u32 s9, $0xF7A;
	s5 =	simm.s32 @!p2 $0x0  }
0x1d: {  	s5 =	simm.s32 @p1 $0x1;
	p0 =	seq.s32 s7, s2  }
0x1e: {  	s7 =	smul.u32 @!p0 $0xF7A, s2;
	p2 =	seq.s32 @!p0 s5, $0x0  }
0x1f: {  	s9 =	smul.u32 $0xF7A, s1;
	s8 =	simm.s32 @!p0 $0x1BF5;
	p2 =	por !p2, p0  }
0x20: {  	[sflag:s8] =	ssyncset.s32 @!p0 $0xFFFFF086;
	s6 =	sadd.s32 @!p0 s3, s7;
	s7 =	simm.s32 @!p0 $0x108  }
0x21: {  	s3 =	sadd.s32 s3, s9;
	s6 =	sadd.s32 @!p0 $0x88, s6;
	s7 =	simm.s32 @p2 $0x1082  }
0x22: {  	[simem:s7], [sflag:s8] =	dma.local @!p0 [hbm:s6], $0xF7A  }
0x23: {  	s9 =	sor.u32 $0xD0000000, s2;
	s6 =	simm.s32 $0x108;
	_ =	swait.ge @!p0 [sflag:s8], $0x0  }
0x24: {  	s3 =	sadd.s32 $0x88, s3;
	s6 =	simm.s32 @!p1 $0x1082;
	[sflag:s4] =	ssyncset.s32 $0xFFFFF086  }
0x25: {  	[simem:s6], [sflag:s4] =	dma.local [hbm:s3], $0xF7A  }
0x26: {  	[smem:$0x3F9D] =	sst s1;
	(tag) =	ssettag s2;
	_ =	strace s9  }
0x27: {  	s1 =	sld [smem:$0x3FAD]  }
0x28: {  	s2 =	sld [smem:$0x3FAE]  }
0x29: {  	s4 =	sld [smem:$0x3FB0]  }
0x2a: {  	p0 =	seq.s32 s5, $0x0;
	s5 =	sld [smem:$0x3FB1]  }
0x2b: {  	s6 =	sld [smem:$0x3FB2]  }
0x2c: {  	s7 =	sld [smem:$0x3FB3]  }
0x2d: {  	s3 =	simm.s32 $0x108;
	s8 =	sld [smem:$0x3FB4]  }
0x2e: {  	s3 =	simm.s32 @!p0 $0x1082;
	s9 =	sld [smem:$0x3FB5]  }
0x2f: {  	lr =	sadd.s32 s0, s3;
	s0 =	sld [smem:$0x3FAC]  }
0x30: {  	s3 =	sld [smem:$0x3FAF]  }
0x31: {  	[smem:$0x3FB8] =	sst s10  }
0x32: {  	s10 =	sld [smem:$0x3FB6];
	_ =	sdelay $0x3  }
0x33: {  	p0 =	seq.s32 s10, $0x1;
	s10 =	sld [smem:$0x3FB8];
	_ =	sdelay $0x3  }
0x34: {  	[smem:$0x3FB8] =	sst s10  }
0x35: {  	s10 =	sld [smem:$0x3FB7];
	_ =	sdelay $0x3  }
0x36: {  	p1 =	seq.s32 s10, $0x1;
	s10 =	sld [smem:$0x3FB8];
	_ =	sdelay $0x3  }
0x37: {  	[smem:$0x3FB8] =	sst s10  }
0x38: {  	s10 =	sld [smem:$0x3FB9]  }
0x39: {  	_ = 	snop;
	(pc) =	sbr.ind lr, $3  }
0x3a: {  	_ = 	snop  }
0x3b: {  	_ = 	snop  }
0x3c: {  	p2 =	seq.s32 s10, $0x1;
	s10 =	sld [smem:$0x3FB8]  }
0x3d: {  	_ =	shalt  }
0x3e: {  	_ =	shalt  }
0x3f: {  	_ =	shalt  }
0x40: {  	_ =	shalt  }
0x41: {  	_ =	shalt  }
0x42: {  	_ =	shalt  }
0x43: {  	_ =	shalt  }
0x44: {  	_ =	shalt  }
0x45: {  	_ =	shalt  }
0x46: {  	_ =	shalt  }
0x47: {  	_ =	shalt  }
0x48: {  	_ =	shalt  }
0x49: {  	_ =	shalt  }
0x4a: {  	_ =	shalt  }
0x4b: {  	_ =	shalt  }
0x4c: {  	_ =	shalt  }
0x4d: {  	_ =	shalt  }
0x4e: {  	_ =	shalt  }
0x4f: {  	_ =	shalt  }
0x50: {  	_ =	shalt  }
0x51: {  	_ =	shalt  }
0x52: {  	_ =	shalt  }
0x53: {  	_ =	shalt  }
0x54: {  	_ =	shalt  }
0x55: {  	_ =	shalt  }
0x56: {  	_ =	shalt  }
0x57: {  	_ =	shalt  }
0x58: {  	_ =	shalt  }
0x59: {  	_ =	shalt  }
0x5a: {  	_ =	shalt  }
0x5b: {  	_ =	shalt  }
0x5c: {  	_ =	shalt  }
0x5d: {  	_ =	shalt  }
0x5e: {  	_ =	shalt  }
0x5f: {  	_ =	shalt  }
0x60: {  	_ =	shalt  }
0x61: {  	_ =	shalt  }
0x62: {  	_ =	shalt  }
0x63: {  	_ =	shalt  }
0x64: {  	_ =	shalt  }
0x65: {  	_ =	shalt  }
0x66: {  	_ =	shalt  }
0x67: {  	_ =	shalt  }
0x68: {  	_ =	shalt  }
0x69: {  	_ =	shalt  }
0x6a: {  	_ =	shalt  }
0x6b: {  	_ =	shalt  }
0x6c: {  	_ =	shalt  }
0x6d: {  	_ =	shalt  }
0x6e: {  	_ =	shalt  }
0x6f: {  	_ =	shalt  }
0x70: {  	_ =	shalt  }
0x71: {  	_ =	shalt  }
0x72: {  	_ =	shalt  }
0x73: {  	_ =	shalt  }
0x74: {  	_ =	shalt  }
0x75: {  	_ =	shalt  }
0x76: {  	_ =	shalt  }
0x77: {  	_ =	shalt  }
0x78: {  	_ =	shalt  }
0x79: {  	_ =	shalt  }
0x7a: {  	_ =	shalt  }
0x7b: {  	_ =	shalt  }
0x7c: {  	_ =	shalt  }
0x7d: {  	_ =	shalt  }
0x7e: {  	_ =	shalt  }
0x7f: {  	_ =	shalt  }
0x80: {  	_ =	shalt  }
0x81: {  	_ =	shalt  }
0x82: {  	_ =	shalt  }
0x83: {  	_ =	shalt  }
0x84: {  	_ =	shalt  }
0x85: {  	_ =	shalt  }
0x86: {  	_ =	shalt  }
0x87: {  	_ =	shalt  }
.Lfunc_end0:
.L_simem_size_0:
called_computation_lowered:
.L_overlay_start_0:
0x88: {  	s2 =	sld [smem:$0x3FD9]  }
0x89: {  	s3 =	sld [smem:$0x3FFE];
	_ =	sdelay $0x1  }
0x8a: {  	s1 =	srdreg.scid  }
0x8b: {  	s0 =	sand.u32 $0x1, s1  }
0x8c: {  	s17 =	sshll.u32 s0, $0xA;
	s2 =	sadd.s32 s3, s2  }
0x8d: {  	s2 =	sadd.s32 s2, s17  }
0x8e: {  	[smem:$0x3FC4] =	sst s2  }
0x8f: {  	_ = 	snop  }
0x90: {  	s2 =	sld [smem:$0x3FC9]  }
0x91: {  	s18 =	sld [smem:$0x3FC8]  }
0x92: {  	s4 =	sld [smem:$0x3FC7]  }
0x93: {  	s5 =	sld [smem:$0x3FC6];
	(tm) =	ssettm $0x1  }
0x94: {  	s6 =	sld [smem:$0x3FFB];
	_ =	sdelay $0x3  }
0x95: {  	_ =	strace s6  }
0x96: {  	s6 =	sld [smem:$0x3FFC];
	_ =	sdelay $0x3  }
0x97: {  	_ =	strace s6  }
0x98: {  	s6 =	sld [smem:$0x3FFD];
	_ =	sdelay $0x3  }
0x99: {  	_ =	strace s6  }
0x9a: {  	_ =	strace $0x8FFFFFFF  }
0x9b: {  	s19 =	sld [smem:$0x3FDB];
	_ =	sdelay $0x1  }
0x9c: {  	s7 =	simm.s32 $_scs_section_size  }
0x9d: {  	s8 =	simm.s32 $_size__tile_overlayer_lowered;
	s9 =	simm.s32 $_tile_overlayer_lowered  }
0x9e: {  	s22 =	simm.s32 $0x1BFF;
	s21 =	sshll.u32 s9, $0x1;
	s6 =	sadd.s32 s7, s19  }
0x9f: {  	s10 =	simm.s32 $0x0;
	s20 =	sshll.u32 s8, $0x1;
	s8 =	sadd.s32 s21, s6  }
0xa0: {  	[timem:s10], [sflag:s22] =	dma.local [hbm:s8], s20  }
0xa1: {  	_ =	swait.ge [sflag:s22], s20  }
0xa2: {  	s7 =	ssub.s32 $0x0, s20;
	[sflag:s22] =	ssyncset.done $0x0  }
0xa3: {  	[sflag:s22] =	ssyncadd.s32 s7;
	_ =	sdelay $0x1  }
0xa4: {  	s23 =	simm.s32 $0x1B8B  }
0xa5: {  	_ =	swait.ge [sflag:s23], $0x1  }
0xa6: {  	[sflag:s23] =	ssyncset.done $0x0  }
0xa7: {  	s25 =	simm.s32 $0x1B8E;
	s24 =	sld [smem:$0x3FFE];
	[sflag:s23] =	ssyncadd.s32 $0xFFFFFFFF  }
0xa8: {  	s26 =	simm.s32 $execute0_lowered;
	[smem:$0x3FD2] =	sst s25  }
0xa9: {  	s8 =	sshll.u32 s26, $0x1;
	_ =	strace $0x80000046;
	[dreg:$0x1] =	wrdreg $0xFFFFFFFF  }
0xaa: {  	s28 =	simm.s32 $_size_execute0_lowered;
	s6 =	sadd.s32 s6, s8;
	[dreg:$0x0] =	wrdreg $0x0  }
0xab: {  	s8 =	sshll.u32 s28, $0x1;
	[dreg:$0x2] =	wrdreg s6  }
0xac: {  	[dreg:$0x3] =	wrdreg s8  }
0xad: {  	[dreg:$0x4] =	wrdreg $0xC0  }
0xae: {  	_ =	task [dreg:s10], $0x5FFFF  }
0xaf: {  	[dreg:$0x1] =	wrdreg $0xFFFFFFFF  }
0xb0: {  	[dreg:$0x0] =	wrdreg $0x60  }
0xb1: {  	[dreg:$0x2] =	wrdreg s18  }
0xb2: {  	[dreg:$0x3] =	wrdreg s4  }
0xb3: {  	[dreg:$0x4] =	wrdreg s5  }
0xb4: {  	[dreg:$0x5] =	wrdreg s2  }
0xb5: {  	[dreg:$0x6] =	wrdreg s24  }
0xb6: {  	[dreg:$0x7] =	wrdreg $0x9  }
0xb7: {  	_ =	task.clear_ibuf [dreg:s10], $0x8FFFF;
	_ =	strace $0x90000046  }
0xb8: {  	s29 =	simm.s32 $0x9;
	_ =	strace $0x80000048  }
0xb9: {  	_ =	swait.ge [sflag:s29], $0x1  }
0xba: {  	[sflag:s29] =	ssyncadd.s32 $0xFFFFFFFF  }
0xbb: {  	_ =	strace $0x90000048  }
0xbc: {  	_ =	sfence  }
0xbd: {  	s30 =	sld [smem:$0x0];
	_ =	sdelay $0x2  }
0xbe: {  	s31 =	sshll.u32 s1, $0xD;
	s1 =	sshrl.u32 s1, $0x2  }
0xbf: {  	s3 =	sand.u32 $0x4000, s31;
	s1 =	sadd.s32 s1, s30  }
0xc0: {  	s0 =	sor.u32 s3, s0;
	s1 =	sshll.u32 s1, $0x11  }
0xc1: {  	s0 =	sor.u32 s1, s0  }
0xc2: {  	s0 =	sadd.s32 $0x8F2B, s0  }
0xc3: {  	[sflag:s0] =	ssyncadd.remote.s32 $0x1  }
0xc4: {  	_ =	sfence.sel $0xFFFF  }
0xc5: {  	[dreg:$0x0] =	wrdreg $0xFFFFFFFF;
	(pc) =	sbr.abs _section_cstart, $3  }
0xc6: {  	[dreg:$0x1] =	wrdreg $0xFFFFFFFF  }
0xc7: {  	_ =	task.clear_ibuf [dreg:s10], $0x2FFFF;
	_ =	strace $0x9FFFFFFF  }
0xc8: {  	(tm) =	ssettm $0x7FFFFFFF  }
0xc9: {  	_ =	shalt  }
tec
execute0_lowered:
.L_overlay_start_1:
0x0: {  	(tag) =	ssettag $0x1  }
0x1: {  	s0 =	rddreg [dreg:$0x0]  }
0x2: {  	s19 =	rddreg [dreg:$0x2]  }
0x3: {  	s1 =	rddreg [dreg:$0x4]  }
0x4: {  	s5 =	simm.s32 $0x0;
	s2 =	srdreg.scid;
	s6 =	stileid.u32  }
0x5: {  	s21 =	simm.s32 $0x1880;
	s30 =	simm.s32 $0x5;
	s31 =	simm.s32 $0x3  }
0x6: {  	[smem:$0x7FF] =	sst s5;
	s1 =	sadd.s32 $0x600, s1;
	s2 =	sand.u32 $0x1, s2  }
0x7: {  	s3 =	sshll.u32 s6, $0x1;
	s15 =	sshrl.u32 s6, $0x1;
	_ =	strace $0x80000047  }
0x8: {  	s4 =	ssub.s32 $0x2, s2;
	s2 =	sor.u32 s2, s3;
	s8 =	smul.u32 $0x6000, s15  }
0x9: {  	s3 =	sshll.u32 s15, $0xA;
	s16 =	sshllo.u32 s2, $0x1;
	s7 =	sshll.u32 s2, $0x8  }
0xa: {  	s9 =	sshrl.u32 s4, $0x1;
	s20 =	sshll.u32 s2, $0x1;
	s2 =	smul.u32 $0x1800, s2  }
0xb: {  	s10 =	sand.u32 $0x300, s7;
	s17 =	sshll.u32 s16, $0x7;
	s4 =	ssub.s32 s4, s9  }
0xc: {  	s26 =	smul.u32 $0xC00, s16;
	[dreg:$0x7] =	wrdreg s20;
	v0 =	vmov s20;
	s20 =	simm.s32 $0x4480  }
0xd: {  	[dreg:$0x6] =	wrdreg s16;
	s18 =	sor.u32 s8, s10;
	s11 =	sand.u32 $0x380, s17  }
0xe: {  	s24 =	sor.u32 s3, s10;
	[dreg:$0xa] =	wrdreg s2;
	s29 =	smax.u32 s4, $0x1  }
0xf: {  	s17 =	simm.s32 $0xC00;
	s4 =	simm.s32 $0x6;
	s9 =	sshrl.u32 s18, $0x3  }
0x10: {  	s12 =	sor.u32 s8, s11;
	s3 =	sor.u32 s3, s11;
	[dreg:$0xb] =	wrdreg s26  }
0x11: {  	[dreg:$0xe] =	wrdreg s29;
	s8 =	simm.s32 $0x1800;
	s26 =	simm.s32 $0x8  }
0x12: {  	s22 =	sadd.s32 s0, s9;
	s23 =	sshrl.u32 s12, $0x3;
	s25 =	sshrl.u32 s3, $0x3  }
0x13: {  	v2 =	vimm.s32 $0x0;
	v3 =	vlaneseq.u32;
	v4 =	vimm.s32 $0x1;
	[dreg:$0x8] =	wrdreg s22;
	s0 =	sadd.s32 s0, s23;
	s28 =	sadd.s32 s1, s25  }
0x14: {  	vm0 =	vcmask $0x704;
	vm1 =	vmmov $0xf;
	v5 =	vor.u32 $0xFFFFFF40, v3;
	s25 =	simm.s32 $0x2;
	[dreg:$0x9] =	wrdreg s0;
	s0 =	sshrl.u32 s24, $0x3  }
0x15: {  	v6 =	vmul.u32 $0xC0, v3;
	v7 =	vsel vm0, $0x1, v2;
	v9 =	vshrl.u32 v3, $0x1;
	s22 =	simm.s32 $0x0;
	[dreg:$0xd] =	wrdreg s28;
	s0 =	sadd.s32 s1, s0  }
0x16: {  	v8 =	vand.u32 $0x1, v3;
	v9 =	vmul.u32 $0x8, v9;
	v1 =	vmov s16;
	s1 =	simm.s32 $0x4;
	[dreg:$0xc] =	wrdreg s0;
	s0 =	simm.s32 $0x9  }
.LBB2_1:
0x17: {  	s2 =	rddreg [dreg:$0x8];
	s3 =	simm.s32 $0x80;
	s6 =	simm.s32 $0x400  }
0x18: {  	[tilespmem:s5], [sflag:$0x1] =	stream.strided.gather [hbm4b:s2+s3], $0xC00, s6, s3, $0x38;
	[tilespmem:$0x4A80] =	vst v63  }
0x19: {  	s28 =	rddreg [dreg:$0x9]  }
0x1a: {  	[tilespmem:s17], [sflag:$0x2] =	stream.strided.gather [hbm4b:s28+s3], $0xC00, s6, s3, $0x38;
	[tilespmem:$0x4A80] =	vst v63  }
0x1b: {  	s29 =	rddreg [dreg:$0x1];
	s2 =	simm.s32 $0x0;
	s3 =	simm.s32 $0x200  }
0x1c: {  	[tilespmem:s8], [sflag:$0x7] =	stream.linear.gather [hbm4b:s29+s5], $0x80, $0x38;
	[tilespmem:$0x4A80] =	vst v63  }
.LBB2_2:
0x1d: {  	p0 =	sne.s32 s3, $0x2E00;
	[tilespmem:s2+$0x18F0] =	vst v2  }
0x1e: {  	[tilespmem:s2+$0x1880] =	vst v2  }
0x1f: {  	[tilespmem:s2+$0x1890] =	vst v2  }
.Ltmp0:
0x20: {  	[tilespmem:s2+$0x18A0] =	vst v2;
	(pc) =	sbr.rel @p0 .LBB2_2-.Ltmp0, $4  }
0x21: {  	[tilespmem:s2+$0x18B0] =	vst v2  }
0x22: {  	[tilespmem:s2+$0x18C0] =	vst v2  }
0x23: {  	[tilespmem:s2+$0x18D0] =	vst v2  }
0x24: {  	[tilespmem:s2+$0x18E0] =	vst v2;
	s2 =	sshra.s32 s3, $0x2;
	s3 =	sadd.s32 $0x200, s3  }
0x25: {  	[tilespmem:s2+$0x18F0] =	vst v2  }
0x26: {  	[tilespmem:s2+$0x1880] =	vst v2  }
0x27: {  	[tilespmem:s2+$0x1890] =	vst v2  }
0x28: {  	[tilespmem:s2+$0x18A0] =	vst v2  }
0x29: {  	[tilespmem:s2+$0x18B0] =	vst v2  }
0x2a: {  	[tilespmem:s2+$0x18C0] =	vst v2  }
0x2b: {  	[tilespmem:s2+$0x18D0] =	vst v2  }
0x2c: {  	[tilespmem:s2+$0x18E0] =	vst v2;
	s24 =	simm.s32 $0x7  }
0x2d: {  	_ =	swait.ge [sflag:s24], $0x80  }
0x2e: {  	[sflag:s24] =	ssyncset.done $0x0  }
0x2f: {  	[sflag:s24] =	ssyncadd.s32 $0xFFFFFF80  }
0x30: {  	s28 =	simm.s32 $0x1;
	v11 =	vld.idx.msk [tilespmem:v0+s8+$0x0], $0xffff  }
0x31: {  	v10 =	vld.idx.msk [tilespmem:v1+s8+$0x0], $0xffff;
	_ =	swait.ge [sflag:s28], $0xC00  }
0x32: {  	[sflag:s28] =	ssyncset.done $0x0  }
0x33: {  	s29 =	simm.s32 $0x0;
	[sflag:s28] =	ssyncadd.s32 $0xFFFFF400  }
0x34: {  	v13 =	vld [tilespmem:s29+$0x0]  }
0x35: {  	v14 =	vld [tilespmem:s29+$0x10]  }
0x36: {  	v15 =	vld [tilespmem:s29+$0x20]  }
0x37: {  	v16 =	vld [tilespmem:s29+$0x30]  }
0x38: {  	v17 =	vld [tilespmem:s29+$0x40]  }
0x39: {  	v18 =	vld [tilespmem:s29+$0x50]  }
0x3a: {  	v19 =	vld [tilespmem:s29+$0x60]  }
0x3b: {  	v12 =	vld [tilespmem:s29+$0x70]  }
0x3c: {  	[tilespmem:v13+s21+$0x0] =	vst.idx.add.s32.msk $0xffff, v4  }
0x3d: {  	[tilespmem:v14+s21+$0x0] =	vst.idx.add.s32.msk $0xffff, v4  }
0x3e: {  	[tilespmem:v15+s21+$0x0] =	vst.idx.add.s32.msk $0xffff, v4  }
0x3f: {  	[tilespmem:v16+s21+$0x0] =	vst.idx.add.s32.msk $0xffff, v4  }
0x40: {  	[tilespmem:v17+s21+$0x0] =	vst.idx.add.s32.msk $0xffff, v4  }
0x41: {  	[tilespmem:v18+s21+$0x0] =	vst.idx.add.s32.msk $0xffff, v4  }
0x42: {  	s2 =	simm.s32 $0x200;
	[tilespmem:v19+s21+$0x0] =	vst.idx.add.s32.msk $0xffff, v4  }
.LBB2_4:
0x43: {  	s3 =	sshra.s32 s2, $0x2;
	p0 =	sne.s32 s2, $0x2E00;
	s2 =	sadd.s32 $0x200, s2;
	[tilespmem:v12+s21+$0x0] =	vst.idx.add.s32.msk $0xffff, v4  }
0x44: {  	v13 =	vld [tilespmem:s3+$0x0]  }
0x45: {  	v14 =	vld [tilespmem:s3+$0x10]  }
0x46: {  	v15 =	vld [tilespmem:s3+$0x20]  }
0x47: {  	v16 =	vld [tilespmem:s3+$0x30]  }
0x48: {  	v17 =	vld [tilespmem:s3+$0x40]  }
0x49: {  	v18 =	vld [tilespmem:s3+$0x50]  }
0x4a: {  	v19 =	vld [tilespmem:s3+$0x60]  }
0x4b: {  	v12 =	vld [tilespmem:s3+$0x70]  }
0x4c: {  	[tilespmem:v13+s21+$0x0] =	vst.idx.add.s32.msk $0xffff, v4  }
0x4d: {  	[tilespmem:v14+s21+$0x0] =	vst.idx.add.s32.msk $0xffff, v4  }
.Ltmp1:
0x4e: {  	[tilespmem:v15+s21+$0x0] =	vst.idx.add.s32.msk $0xffff, v4;
	(pc) =	sbr.rel @p0 .LBB2_4-.Ltmp1, $4  }
0x4f: {  	[tilespmem:v16+s21+$0x0] =	vst.idx.add.s32.msk $0xffff, v4  }
0x50: {  	[tilespmem:v17+s21+$0x0] =	vst.idx.add.s32.msk $0xffff, v4  }
0x51: {  	[tilespmem:v18+s21+$0x0] =	vst.idx.add.s32.msk $0xffff, v4  }
0x52: {  	[tilespmem:v19+s21+$0x0] =	vst.idx.add.s32.msk $0xffff, v4  }
0x53: {  	s2 =	simm.s32 $0x7  }
0x54: {  	v24 =	vimm.s32 $0x0;
	s3 =	simm.s32 $0x6;
	s15 =	simm.s32 $0x4;
	v13 =	vadd.s32 s2, v5  }
0x55: {  	s16 =	simm.s32 $0x5;
	s11 =	simm.s32 $0x3;
	v14 =	vadd.s32 s3, v5;
	v15 =	vadd.s32 s2, v3;
	v16 =	vadd.s32 s15, v5  }
0x56: {  	s12 =	simm.s32 $0x1;
	v17 =	vadd.s32 s16, v5;
	v18 =	vadd.s32 s3, v3;
	v19 =	vadd.s32 s11, v5  }
0x57: {  	s23 =	simm.s32 $0x2;
	s13 =	simm.s32 $0x0;
	v20 =	vadd.s32 s15, v3;
	v21 =	vadd.s32 s16, v3;
	v22 =	vadd.s32 s12, v5  }
0x58: {  	v23 =	vadd.s32 s23, v5;
	v25 =	vadd.s32 s11, v3;
	v26 =	vadd.s32 s13, v3  }
0x59: {  	v27 =	vadd.s32 s13, v5;
	v29 =	vadd.s32 s23, v3;
	vm2 =	vgt.u32 v26, $0xBF  }
0x5a: {  	v28 =	vadd.s32 s12, v3;
	vm3 =	vgt.u32 v29, $0xBF;
	v26 =	vsel vm2, v27, v26  }
0x5b: {  	vm2 =	vgt.u32 v28, $0xBF;
	v23 =	vsel vm3, v23, v29;
	v26 =	vadd.s32 v6, v26  }
0x5c: {  	vm3 =	vgt.u32 v20, $0xBF;
	v22 =	vsel vm2, v22, v28;
	v23 =	vadd.s32 v6, v23  }
0x5d: {  	vm2 =	vgt.u32 v25, $0xBF;
	v16 =	vsel vm3, v16, v20;
	v22 =	vadd.s32 v6, v22  }
0x5e: {  	v19 =	vsel vm2, v19, v25;
	vm2 =	vgt.u32 v21, $0xBF;
	v27 =	vadd.s32 v6, v16  }
0x5f: {  	[tilespmem:v12+s21+$0x0] =	vst.idx.add.s32.msk $0xffff, v4;
	v19 =	vadd.s32 v6, v19;
	v12 =	vsel vm2, v17, v21;
	vm2 =	vgt.u32 v18, $0xBF  }
0x60: {  	s29 =	simm.s32 $0x8;
	v30 =	vadd.s32 v6, v12;
	v14 =	vsel vm2, v14, v18;
	vm2 =	vgt.u32 v15, $0xBF;
	v26 =	vld.idx.msk [tilespmem:v26+s21+$0x0], $0xffff  }
0x61: {  	s24 =	simm.s32 $0x9;
	v31 =	vadd.s32 s29, v5;
	v32 =	vadd.s32 v6, v14;
	v15 =	vsel vm2, v13, v15;
	v21 =	vld.idx.msk [tilespmem:v23+s21+$0x0], $0xffff  }
0x62: {  	s18 =	simm.s32 $0xD;
	s28 =	simm.s32 $0xA;
	s23 =	simm.s32 $0xB;
	v33 =	vadd.s32 s29, v3;
	v29 =	vadd.s32 s24, v5;
	v35 =	vadd.s32 v6, v15;
	v34 =	vld.idx.msk [tilespmem:v22+s21+$0x0], $0xffff  }
0x63: {  	s14 =	simm.s32 $0xF;
	s16 =	simm.s32 $0xC;
	v20 =	vadd.s32 s23, v5;
	v28 =	vadd.s32 s28, v5;
	v16 =	vadd.s32 s18, v5;
	v22 =	vld.idx.msk [tilespmem:v27+s21+$0x0], $0xffff  }
0x64: {  	s15 =	simm.s32 $0xE;
	v17 =	vadd.s32 s16, v5;
	v12 =	vadd.s32 s14, v5;
	v18 =	vadd.s32 s18, v3;
	v25 =	vld.idx.msk [tilespmem:v19+s21+$0x0], $0xffff  }
0x65: {  	v14 =	vadd.s32 s15, v5;
	v13 =	vadd.s32 s14, v3;
	v15 =	vadd.s32 s15, v3;
	v23 =	vld.idx.msk [tilespmem:v30+s21+$0x0], $0xffff  }
0x66: {  	v27 =	vadd.s32 s23, v3;
	v19 =	vadd.s32 s16, v3;
	v26 =	vadd.s32 v24, v26;
	v24 =	vld.idx.msk [tilespmem:v32+s21+$0x0], $0xffff  }
0x67: {  	s2 =	simm.s32 $0x17;
	v30 =	vadd.s32 s28, v3;
	v32 =	vadd.s32 s24, v3;
	v34 =	vadd.s32 v34, v26;
	v26 =	vld.idx.msk [tilespmem:v35+s21+$0x0], $0xffff  }
.LBB2_6:
0x68: {  	p0 =	sne.s32 s2, $0xBF;
	vm2 =	vgt.u32 v27, $0xBF;
	vm3 =	vgt.u32 v19, $0xBF;
	v21 =	vadd.s32 v21, v34  }
0x69: {  	vm4 =	vgt.u32 v33, $0xBF;
	vm5 =	vgt.u32 v30, $0xBF;
	v21 =	vadd.s32 v25, v21  }
0x6a: {  	v25 =	vsel vm4, v31, v33;
	vm4 =	vgt.u32 v32, $0xBF;
	v21 =	vadd.s32 v22, v21  }
0x6b: {  	v22 =	vadd.s32 v6, v25;
	v25 =	vsel vm4, v29, v32;
	v21 =	vadd.s32 v23, v21  }
0x6c: {  	v23 =	vadd.s32 v6, v25;
	v25 =	vsel vm5, v28, v30;
	v21 =	vadd.s32 v24, v21  }
0x6d: {  	v20 =	vsel vm2, v20, v27;
	v24 =	vadd.s32 v6, v25;
	v26 =	vadd.s32 v26, v21  }
0x6e: {  	v17 =	vsel vm3, v17, v19;
	vm2 =	vgt.u32 v18, $0xBF;
	v20 =	vadd.s32 v6, v20  }
0x6f: {  	v27 =	vadd.s32 v6, v17;
	v16 =	vsel vm2, v16, v18;
	vm2 =	vgt.u32 v15, $0xBF  }
0x70: {  	v30 =	vadd.s32 v6, v16;
	v14 =	vsel vm2, v14, v15;
	vm2 =	vgt.u32 v13, $0xBF;
	v32 =	vld.idx.msk [tilespmem:v22+s21+$0x0], $0xffff  }
0x71: {  	s3 =	sadd.s32 $0xFFFFFFFF, s2;
	v33 =	vadd.s32 v6, v14;
	v15 =	vsel vm2, v12, v13;
	v12 =	vadd.s32 s2, v5;
	v34 =	vld.idx.msk [tilespmem:v23+s21+$0x0], $0xffff  }
0x72: {  	s15 =	sadd.s32 $0xFFFFFFFD, s2;
	s16 =	sadd.s32 $0xFFFFFFFE, s2;
	v14 =	vadd.s32 s3, v5;
	v13 =	vadd.s32 s2, v3;
	v35 =	vadd.s32 v6, v15;
	v21 =	vld.idx.msk [tilespmem:v24+s21+$0x0], $0xffff  }
.Ltmp2:
0x73: {  	s23 =	sadd.s32 $0xFFFFFFFC, s2;
	v17 =	vadd.s32 s15, v5;
	v16 =	vadd.s32 s16, v5;
	v15 =	vadd.s32 s3, v3;
	v25 =	vld.idx.msk [tilespmem:v20+s21+$0x0], $0xffff;
	(pc) =	sbr.rel @p0 .LBB2_6-.Ltmp2, $4  }
0x74: {  	s24 =	sadd.s32 $0xFFFFFFFB, s2;
	v19 =	vadd.s32 s15, v3;
	v18 =	vadd.s32 s16, v3;
	s3 =	sadd.s32 $0xFFFFFFFA, s2;
	v20 =	vadd.s32 s23, v5;
	v22 =	vld.idx.msk [tilespmem:v27+s21+$0x0], $0xffff  }
0x75: {  	s15 =	sadd.s32 $0xFFFFFFF9, s2;
	v28 =	vadd.s32 s24, v5;
	v29 =	vadd.s32 s3, v5;
	v27 =	vadd.s32 s23, v3;
	v23 =	vld.idx.msk [tilespmem:v30+s21+$0x0], $0xffff  }
0x76: {  	v31 =	vadd.s32 s15, v5;
	v30 =	vadd.s32 s24, v3;
	v26 =	vadd.s32 v26, v32;
	v24 =	vld.idx.msk [tilespmem:v33+s21+$0x0], $0xffff  }
0x77: {  	s2 =	sadd.s32 $0x8, s2;
	v32 =	vadd.s32 s3, v3;
	v33 =	vadd.s32 s15, v3;
	v34 =	vadd.s32 v34, v26;
	v26 =	vld.idx.msk [tilespmem:v35+s21+$0x0], $0xffff  }
0x78: {  	v11 =	vmul.f32 $3.072000000e+03, v11;
	_ =	sdelay $0x1  }
0x79: {  	v11 =	vtrunc.f32 v11  }
0x7a: {  	v11 =	vcvt.f32.s32 v11;
	_ =	sdelay $0x1  }
0x7b: {  	vm2 =	vgt.s32 v11, $0x0  }
0x7c: {  	vm3 =	vgt.u32 v27, $0xBF;
	v11 =	vnsel vm2, $0x0, v11  }
0x7d: {  	vm4 =	vgt.u32 v33, $0xBF;
	vm15 =	vgt.u32 v32, $0xBF;
	v11 =	vmin.u32 v11, $0xBFF  }
0x7e: {  	vm5 =	vgt.u32 v30, $0xBF;
	v31 =	vsel vm4, v31, v33;
	v11 =	vor.u32 $0x80000000, v11  }
0x7f: {  	v29 =	vsel vm15, v29, v32;
	v28 =	vsel vm5, v28, v30;
	v31 =	vadd.s32 v6, v31;
	(xrf0) =	vmax.scan.msk.u32 $0xffff, v11  }
0x80: {  	v20 =	vsel vm3, v20, v27;
	v11 =	vadd.s32 v21, v34;
	v21 =	vadd.s32 v6, v29  }
0x81: {  	vm2 =	vgt.u32 v19, $0xBF;
	v11 =	vadd.s32 v25, v11;
	v25 =	vadd.s32 v6, v28  }
0x82: {  	v20 =	vadd.s32 v6, v20;
	v17 =	vsel vm2, v17, v19;
	vm2 =	vgt.u32 v18, $0xBF  }
0x83: {  	v17 =	vadd.s32 v6, v17;
	v16 =	vsel vm2, v16, v18;
	vm2 =	vgt.u32 v15, $0xBF  }
0x84: {  	v18 =	vld.idx.msk [tilespmem:v31+s21+$0x0], $0xffff;
	v16 =	vadd.s32 v6, v16;
	v14 =	vsel vm2, v14, v15;
	vm2 =	vgt.u32 v13, $0xBF  }
0x85: {  	v14 =	vadd.s32 v6, v14;
	v12 =	vsel vm2, v12, v13;
	v11 =	vadd.s32 v22, v11;
	v15 =	vld.idx.msk [tilespmem:v21+s21+$0x0], $0xffff;
	v13, _, _ =	vpop (xrf0)  }
0x86: {  	v12 =	vadd.s32 v6, v12;
	v11 =	vadd.s32 v23, v11;
	v19 =	vld.idx.msk [tilespmem:v25+s21+$0x0], $0xffff;
	(v2sf) =	vpush v13, $0xF  }
0x87: {  	v11 =	vadd.s32 v24, v11;
	v13 =	vld.idx.msk [tilespmem:v20+s21+$0x0], $0xffff  }
0x88: {  	v17 =	vld.idx.msk [tilespmem:v17+s21+$0x0], $0xffff;
	v11 =	vadd.s32 v26, v11  }
0x89: {  	v16 =	vld.idx.msk [tilespmem:v16+s21+$0x0], $0xffff;
	v11 =	vadd.s32 v11, v18  }
0x8a: {  	v14 =	vld.idx.msk [tilespmem:v14+s21+$0x0], $0xffff;
	v11 =	vadd.s32 v15, v11  }
0x8b: {  	v12 =	vld.idx.msk [tilespmem:v12+s21+$0x0], $0xffff;
	v11 =	vadd.s32 v19, v11  }
0x8c: {  	v11 =	vadd.s32 v13, v11  }
0x8d: {  	v11 =	vadd.s32 v17, v11  }
0x8e: {  	v11 =	vadd.s32 v16, v11  }
0x8f: {  	v11 =	vadd.s32 v14, v11  }
0x90: {  	v11 =	vadd.s32 v12, v11  }
0x91: {  	(xrf0) =	vadd.scan.msk.s32 $0xffff, v11;
	_ =	sdelay $0x3  }
0x92: {  	s2 =	spop (v2sf)  }
0x93: {  	s2 =	sxor.u32 $0x80000000, s2  }
0x94: {  	v12, _, _ =	vpop (xrf0);
	s2 =	ssub.s32 $0xC00, s2  }
0x95: {  	vm2 =	vlt.s32 v12, s2  }
0x96: {  	v12 =	vsel vm2, $0x1, v2  }
0x97: {  	(xrf0) =	vadd.scan.msk.s32 $0xffff, v12;
	_ =	sdelay $0x5  }
0x98: {  	v12, _, _ =	vpop (xrf0)  }
0x99: {  	(v2sf) =	vpush v12, $0xF;
	_ =	sdelay $0xe  }
0x9a: {  	s3 =	spop (v2sf)  }
0x9b: {  	s3 =	smul.u32 $0xC0, s3;
	_ =	sdelay $0x1  }
0x9c: {  	v12 =	vld [tilespmem:s3+$0x1880]  }
0x9d: {  	v13 =	vld [tilespmem:s3+$0x1890];
	_ =	sdelay $0x1  }
0x9e: {  	v11 =	vnsel vm2, $0x0, v11;
	v14 =	vld [tilespmem:s3+$0x18A0]  }
0x9f: {  	(xrf0) =	vadd.scan.msk.s32 $0xffff, v11  }
0xa0: {  	v11 =	vld [tilespmem:s3+$0x18B0];
	(xrf0) =	vadd.scan.msk.s32 $0xffff, v12  }
0xa1: {  	(xrf0) =	vadd.scan.msk.s32 $0xffff, v13  }
0xa2: {  	v12 =	vld [tilespmem:s3+$0x18C0]  }
0xa3: {  	v13 =	vld [tilespmem:s3+$0x18D0];
	(xrf0) =	vadd.scan.msk.s32 $0xffff, v14;
	_ =	sdelay $0x1  }
0xa4: {  	v14, _, _ =	vpop (xrf0);
	(xrf0) =	vadd.scan.msk.s32 $0xffff, v11  }
0xa5: {  	(v2sf) =	vpush v14, $0xF;
	v14 =	vld [tilespmem:s3+$0x18E0];
	v11, _, _ =	vpop (xrf0)  }
0xa6: {  	(xrf0) =	vadd.scan.msk.s32 $0xffff, v12;
	(v2sf) =	vpush v11, $0xF;
	v11, _, _ =	vpop (xrf0)  }
0xa7: {  	(xrf0) =	vadd.scan.msk.s32 $0xffff, v13;
	(v2sf) =	vpush v11, $0xF  }
0xa8: {  	v11, _, _ =	vpop (xrf0)  }
0xa9: {  	(v2sf) =	vpush v11, $0xF  }
0xaa: {  	v15 =	vld [tilespmem:s3+$0x18F0];
	v12, _, _ =	vpop (xrf0);
	(xrf0) =	vadd.scan.msk.s32 $0xffff, v14  }
0xab: {  	v11 =	vld [tilespmem:s3+$0x1900];
	(v2sf) =	vpush v12, $0xF  }
0xac: {  	v12, _, _ =	vpop (xrf0)  }
0xad: {  	(v2sf) =	vpush v12, $0xF;
	v12, _, _ =	vpop (xrf0)  }
0xae: {  	v13 =	vld [tilespmem:s3+$0x1910];
	(v2sf) =	vpush v12, $0xF  }
0xaf: {  	(xrf0) =	vadd.scan.msk.s32 $0xffff, v15  }
0xb0: {  	v14 =	vld [tilespmem:s3+$0x1920];
	(xrf0) =	vadd.scan.msk.s32 $0xffff, v11;
	v11, _, _ =	vpop (xrf0)  }
0xb1: {  	(v2sf) =	vpush v11, $0xF  }
0xb2: {  	v15 =	vld [tilespmem:s3+$0x1930]  }
0xb3: {  	(xrf0) =	vadd.scan.msk.s32 $0xffff, v13  }
0xb4: {  	s15 =	spop (v2sf)  }
0xb5: {  	s28 =	simm.s32 $0x1;
	(xrf0) =	vadd.scan.msk.s32 $0xffff, v14;
	s16 =	spop (v2sf)  }
0xb6: {  	s29 =	simm.s32 $0x1;
	s23 =	spop (v2sf);
	s16 =	sadd.s32 s15, s16  }
0xb7: {  	s9 =	simm.s32 $0x1;
	s11 =	simm.s32 $0x1;
	v11, _, _ =	vpop (xrf0);
	(xrf0) =	vadd.scan.msk.s32 $0xffff, v15;
	s23 =	sadd.s32 s23, s16  }
0xb8: {  	(v2sf) =	vpush v11, $0xF;
	v11, _, _ =	vpop (xrf0);
	s24 =	spop (v2sf);
	p5 =	slt.s32 s16, s2;
	p1 =	slt.s32 s23, s2  }
0xb9: {  	v12, _, _ =	vpop (xrf0);
	(v2sf) =	vpush v11, $0xF;
	s28 =	simm.s32 @!p5 $0x0;
	s6 =	simm.s32 @!p1 $0x0;
	s29 =	simm.s32 @!p1 $0x0  }
0xba: {  	(v2sf) =	vpush v12, $0xF;
	s8 =	spop (v2sf);
	s6 =	simm.s32 @p1 $0x1;
	s29 =	sadd.s32 s28, s29  }
0xbb: {  	v11, _, _ =	vpop (xrf0);
	s28 =	sadd.s32 s24, s23;
	s24 =	simm.s32 $0x1;
	[smem:$0x7F9] =	sst s6  }
0xbc: {  	(v2sf) =	vpush v11, $0xF;
	p0 =	slt.s32 s28, s2;
	s8 =	sadd.s32 s8, s28;
	s10 =	spop (v2sf)  }
0xbd: {  	v11, _, _ =	vpop (xrf0);
	s6 =	simm.s32 @!p0 $0x0;
	s24 =	simm.s32 @!p0 $0x0;
	s18 =	spop (v2sf)  }
0xbe: {  	(v2sf) =	vpush v11, $0xF;
	s10 =	sadd.s32 s10, s8;
	s6 =	simm.s32 @p0 $0x1;
	p0 =	slt.s32 s8, s2  }
0xbf: {  	s24 =	sadd.s32 s24, s29;
	s29 =	sadd.s32 s18, s10;
	[smem:$0x7FA] =	sst s6  }
0xc0: {  	s6 =	simm.s32 @!p0 $0x0;
	s9 =	simm.s32 @!p0 $0x0;
	s12 =	spop (v2sf)  }
0xc1: {  	s6 =	simm.s32 @p0 $0x1;
	s9 =	sadd.s32 s9, s24;
	p0 =	slt.s32 s10, s2  }
0xc2: {  	s24 =	simm.s32 $0x1;
	[smem:$0x7FB] =	sst s6;
	s6 =	simm.s32 @!p0 $0x0  }
0xc3: {  	s24 =	simm.s32 @!p0 $0x0;
	s6 =	simm.s32 @p0 $0x1;
	p0 =	slt.s32 s29, s2  }
0xc4: {  	s9 =	sadd.s32 s24, s9;
	[smem:$0x7FC] =	sst s6;
	s6 =	simm.s32 @!p0 $0x0  }
0xc5: {  	s24 =	simm.s32 $0x1;
	s11 =	simm.s32 @!p0 $0x0;
	s6 =	simm.s32 @p0 $0x1  }
0xc6: {  	s9 =	sadd.s32 s11, s9;
	s11 =	sadd.s32 s12, s29;
	s12 =	simm.s32 $0x1  }
0xc7: {  	[smem:$0x7FD] =	sst s6;
	s6 =	spop (v2sf);
	p6 =	slt.s32 s11, s2  }
0xc8: {  	s13 =	sadd.s32 s6, s11;
	s12 =	simm.s32 @!p6 $0x0;
	s14 =	spop (v2sf)  }
0xc9: {  	p4 =	slt.s32 s13, s2;
	s7 =	spop (v2sf);
	s14 =	sadd.s32 s14, s13  }
0xca: {  	s9 =	sadd.s32 s12, s9;
	s24 =	simm.s32 @!p4 $0x0;
	s12 =	sadd.s32 s7, s14  }
0xcb: {  	p3 =	slt.s32 s14, s2;
	s7 =	simm.s32 $0x1;
	s6 =	spop (v2sf)  }
0xcc: {  	s9 =	sadd.s32 s24, s9;
	s24 =	simm.s32 $0x1;
	p2 =	slt.s32 s12, s2  }
0xcd: {  	s18 =	spop (v2sf);
	s6 =	sadd.s32 s6, s12;
	s24 =	simm.s32 @!p3 $0x0  }
0xce: {  	s7 =	simm.s32 @!p2 $0x0;
	s18 =	sadd.s32 s18, s6;
	s9 =	sadd.s32 s24, s9  }
0xcf: {  	p1 =	slt.s32 s6, s2;
	s7 =	sadd.s32 s7, s9;
	s9 =	simm.s32 $0x1  }
0xd0: {  	s24 =	simm.s32 $0x1;
	p0 =	slt.s32 s18, s2;
	s9 =	simm.s32 @!p1 $0x0  }
0xd1: {  	s24 =	simm.s32 @!p0 $0x0;
	s7 =	sadd.s32 s9, s7  }
0xd2: {  	s7 =	sadd.s32 s24, s7  }
0xd3: {  	s7 =	sshll.u32 s7, $0x4  }
0xd4: {  	s24 =	sadd.s32 s3, s7;
	s7 =	sld [smem:$0x7F9];
	_ =	sdelay $0x1  }
0xd5: {  	s9 =	sld [smem:$0x7FA]  }
0xd6: {  	s15 =	smov.u32 @p5 s16;
	s16 =	sld [smem:$0x7FB];
	p5 =	seq.s32 s7, $0x1  }
0xd7: {  	v11 =	vld [tilespmem:s24+$0x1880];
	s15 =	smov.u32 @p5 s23;
	s23 =	sld [smem:$0x7FC]  }
0xd8: {  	s7 =	sld [smem:$0x7FD];
	p5 =	seq.s32 s9, $0x1  }
0xd9: {  	s15 =	smov.u32 @p5 s28;
	p5 =	seq.s32 s16, $0x1  }
0xda: {  	s15 =	smov.u32 @p5 s8;
	p5 =	seq.s32 s23, $0x1  }
0xdb: {  	s15 =	smov.u32 @p5 s10;
	p5 =	seq.s32 s7, $0x1  }
0xdc: {  	(xrf0) =	vadd.scan.msk.s32 $0xffff, v11;
	s15 =	smov.u32 @p5 s29  }
0xdd: {  	s15 =	smov.u32 @p6 s11  }
0xde: {  	s15 =	smov.u32 @p4 s13  }
0xdf: {  	s15 =	smov.u32 @p3 s14  }
0xe0: {  	s15 =	smov.u32 @p2 s12  }
0xe1: {  	s15 =	smov.u32 @p1 s6  }
0xe2: {  	v11, _, _ =	vpop (xrf0);
	s15 =	smov.u32 @p0 s18  }
0xe3: {  	v12 =	vadd.s32 s15, v11  }
0xe4: {  	vm2 =	vlt.s32 v12, s2  }
0xe5: {  	v11 =	vsel vm2, $0x1, v2  }
0xe6: {  	(xrf0) =	vadd.scan.msk.s32 $0xffff, v11;
	_ =	sdelay $0x5  }
0xe7: {  	s8 =	simm.s32 $0x0;
	v11, _, _ =	vpop (xrf0)  }
0xe8: {  	(v2sf) =	vpush v11, $0xF;
	v11 =	vadd.s32 s8, v3  }
0xe9: {  	s9 =	simm.s32 $0x1;
	v13 =	vadd.s32 s8, v5;
	vm2 =	vgt.u32 v11, $0xBF  }
0xea: {  	v14 =	vadd.s32 s9, v3;
	v11 =	vsel vm2, v13, v11  }
0xeb: {  	s10 =	simm.s32 $0x2;
	v13 =	vadd.s32 s9, v5;
	vm2 =	vgt.u32 v14, $0xBF;
	v11 =	vadd.s32 v6, v11  }
0xec: {  	v18 =	vimm.s32 $0x0;
	v15 =	vadd.s32 s10, v3;
	v13 =	vsel vm2, v13, v14  }
0xed: {  	s11 =	simm.s32 $0x3;
	v14 =	vadd.s32 s10, v5;
	vm2 =	vgt.u32 v15, $0xBF;
	v13 =	vadd.s32 v6, v13  }
0xee: {  	v16 =	vadd.s32 s11, v3;
	s12 =	simm.s32 $0x4;
	v14 =	vsel vm2, v14, v15;
	v15 =	vadd.s32 s11, v5  }
0xef: {  	vm2 =	vgt.u32 v16, $0xBF;
	v17 =	vadd.s32 v6, v14;
	v14 =	vadd.s32 s12, v3  }
0xf0: {  	s3 =	simm.s32 $0x18C0;
	s13 =	simm.s32 $0x5;
	v15 =	vsel vm2, v15, v16;
	vm2 =	vgt.u32 v14, $0xBF;
	v22 =	vld.idx.msk [tilespmem:v11+s5+$0x0], $0xffff;
	v11 =	vadd.s32 s12, v5  }
0xf1: {  	v16 =	vadd.s32 s13, v3;
	v15 =	vadd.s32 v6, v15;
	[tilespmem:s3+$0xFFFFFFC0] =	vst v2;
	v11 =	vsel vm2, v11, v14  }
0xf2: {  	s14 =	simm.s32 $0x7;
	s15 =	simm.s32 $0x6;
	v24 =	vld.idx.msk [tilespmem:v13+s5+$0x0], $0xffff;
	v13 =	vadd.s32 s13, v5;
	vm2 =	vgt.u32 v16, $0xBF;
	v19 =	vadd.s32 v6, v11  }
0xf3: {  	[tilespmem:s3+$0xFFFFFFD0] =	vst v2;
	v11 =	vsel vm2, v13, v16;
	v13 =	vadd.s32 s15, v3;
	v16 =	vadd.s32 s14, v3  }
0xf4: {  	v21 =	vld.idx.msk [tilespmem:v17+s5+$0x0], $0xffff;
	v17 =	vadd.s32 s15, v5;
	v27 =	vadd.s32 v6, v11;
	vm2 =	vgt.u32 v13, $0xBF  }
0xf5: {  	s28 =	simm.s32 $0xB;
	v20 =	vadd.s32 s14, v5;
	[tilespmem:s3+$0xFFFFFFE0] =	vst v2;
	vm3 =	vgt.u32 v16, $0xBF;
	v13 =	vsel vm2, v17, v13  }
0xf6: {  	v25 =	vadd.s32 s28, v5;
	s29 =	simm.s32 $0xC;
	v23 =	vld.idx.msk [tilespmem:v15+s5+$0x0], $0xffff;
	v15 =	vsel vm3, v20, v16;
	v32 =	vadd.s32 v6, v13  }
0xf7: {  	s23 =	simm.s32 $0xE;
	v28 =	vadd.s32 s29, v5;
	v14 =	vmov s2;
	s15 =	simm.s32 $0xF;
	[tilespmem:s3+$0xFFFFFFF0] =	vst v2;
	v31 =	vadd.s32 v6, v15  }
0xf8: {  	v16 =	vadd.s32 s23, v3;
	v17 =	vadd.s32 s23, v5;
	s23 =	simm.s32 $0xA;
	v13 =	vadd.s32 s15, v5;
	s16 =	spop (v2sf);
	v26 =	vld.idx.msk [tilespmem:v19+s5+$0x0], $0xffff;
	[tilespmem:s3+$0x0] =	vst v2  }
0xf9: {  	v15 =	vadd.s32 s15, v3;
	v30 =	vadd.s32 s23, v5;
	s18 =	sadd.s32 s24, s16;
	s24 =	simm.s32 $0xD;
	v29 =	vld.idx.msk [tilespmem:v27+s5+$0x0], $0xffff;
	v27 =	vadd.s32 s29, v3  }
0xfa: {  	s16 =	simm.s32 $0x17;
	[tilespmem:s3+$0x10] =	vst v2;
	v11 =	vmov s18;
	v19 =	vadd.s32 s24, v3;
	v20 =	vadd.s32 s24, v5;
	s24 =	simm.s32 $0x9  }
.LBB2_8:
0xfb: {  	p0 =	sne.s32 s16, $0xBF;
	s6 =	sadd.s32 $0xFFFFFFF9, s15;
	v33 =	vadd.s32 s24, v5;
	v34 =	vadd.s32 s28, v3;
	vm2 =	veq.s32 v22, v11;
	v22 =	vld.idx.msk [tilespmem:v32+s5+$0x0], $0xffff;
	[tilespmem:s3+$0x20] =	vst v2;
	s15 =	smov.u32 s16  }
0xfc: {  	v32 =	vadd.s32 s6, v5;
	v35 =	vsel vm2, $0x1, v2;
	vm2 =	veq.s32 v24, v11;
	v24 =	vld.idx.msk [tilespmem:v31+s5+$0x0], $0xffff;
	[tilespmem:s3+$0x30] =	vst v2  }
0xfd: {  	v18 =	vadd.s32 v35, v18;
	v31 =	vsel vm2, $0x1, v2;
	vm2 =	veq.s32 v21, v11  }
0xfe: {  	v18 =	vadd.s32 v31, v18;
	v21 =	vsel vm2, $0x1, v2;
	vm2 =	veq.s32 v23, v11  }
0xff: {  	v18 =	vadd.s32 v21, v18;
	v21 =	vsel vm2, $0x1, v2;
	vm2 =	veq.s32 v26, v11  }
0x100: {  	v18 =	vadd.s32 v21, v18;
	v21 =	vsel vm2, $0x1, v2;
	vm2 =	veq.s32 v29, v11  }
0x101: {  	v18 =	vadd.s32 v21, v18;
	v21 =	vsel vm2, $0x1, v2;
	vm2 =	veq.s32 v22, v11  }
0x102: {  	v18 =	vadd.s32 v21, v18;
	v21 =	vsel vm2, $0x1, v2;
	vm2 =	veq.s32 v24, v11  }
0x103: {  	v22 =	vadd.s32 s6, v3;
	v18 =	vadd.s32 v21, v18;
	v21 =	vsel vm2, $0x1, v2  }
0x104: {  	v23 =	vadd.s32 s24, v3;
	vm2 =	vgt.u32 v22, $0xBF;
	v18 =	vadd.s32 v21, v18  }
0x105: {  	v21 =	vsel vm2, v32, v22;
	vm2 =	vgt.u32 v23, $0xBF;
	v22 =	vadd.s32 s23, v3  }
0x106: {  	v21 =	vadd.s32 v6, v21;
	v23 =	vsel vm2, v33, v23;
	vm2 =	vgt.u32 v22, $0xBF  }
0x107: {  	v23 =	vadd.s32 v6, v23;
	v22 =	vsel vm2, v30, v22;
	vm2 =	vgt.u32 v34, $0xBF  }
0x108: {  	v26 =	vadd.s32 v6, v22;
	v22 =	vsel vm2, v25, v34;
	vm2 =	vgt.u32 v27, $0xBF  }
0x109: {  	v25 =	vadd.s32 v6, v22;
	v22 =	vsel vm2, v28, v27;
	vm2 =	vgt.u32 v19, $0xBF  }
0x10a: {  	s3 =	sadd.s32 $0x80, s3;
	v27 =	vadd.s32 v6, v22;
	v19 =	vsel vm2, v20, v19;
	vm2 =	vgt.u32 v16, $0xBF  }
0x10b: {  	v29 =	vadd.s32 v6, v19;
	v16 =	vsel vm2, v17, v16;
	vm2 =	vgt.u32 v15, $0xBF;
	v22 =	vld.idx.msk [tilespmem:v21+s5+$0x0], $0xffff;
	[tilespmem:s3+$0xFFFFFFC0] =	vst v2  }
.Ltmp3:
0x10c: {  	v32 =	vadd.s32 v6, v16;
	v15 =	vsel vm2, v13, v15;
	v24 =	vld.idx.msk [tilespmem:v23+s5+$0x0], $0xffff;
	[tilespmem:s3+$0xFFFFFFD0] =	vst v2;
	(pc) =	sbr.rel @p0 .LBB2_8-.Ltmp3, $4  }
0x10d: {  	s6 =	sadd.s32 $0xFFFFFFFF, s16;
	v13 =	vadd.s32 s16, v5;
	v31 =	vadd.s32 v6, v15;
	v21 =	vld.idx.msk [tilespmem:v26+s5+$0x0], $0xffff;
	[tilespmem:s3+$0xFFFFFFE0] =	vst v2  }
0x10e: {  	s28 =	sadd.s32 $0xFFFFFFFC, s16;
	s7 =	sadd.s32 $0xFFFFFFFE, s16;
	v17 =	vadd.s32 s6, v5;
	v16 =	vadd.s32 s6, v3;
	v15 =	vadd.s32 s16, v3;
	v23 =	vld.idx.msk [tilespmem:v25+s5+$0x0], $0xffff;
	[tilespmem:s3+$0xFFFFFFF0] =	vst v2  }
0x10f: {  	s23 =	sadd.s32 $0xFFFFFFFB, s16;
	v20 =	vadd.s32 s7, v5;
	v19 =	vadd.s32 s7, v3;
	s6 =	sadd.s32 $0xFFFFFFFD, s16;
	v25 =	vadd.s32 s28, v5;
	v26 =	vld.idx.msk [tilespmem:v27+s5+$0x0], $0xffff;
	[tilespmem:s3+$0x0] =	vst v2  }
0x110: {  	s24 =	sadd.s32 $0xFFFFFFFA, s15;
	v30 =	vadd.s32 s23, v5;
	v28 =	vadd.s32 s6, v5;
	s16 =	sadd.s32 $0x8, s16;
	v27 =	vadd.s32 s6, v3;
	v29 =	vld.idx.msk [tilespmem:v29+s5+$0x0], $0xffff;
	[tilespmem:s3+$0x10] =	vst v2  }
0x111: {  	v35 =	vadd.s32 s24, v5;
	v36 =	vadd.s32 s24, v3  }
0x112: {  	s6 =	sadd.s32 $0xFFFFFFF9, s15;
	v41 =	vadd.s32 s23, v3;
	v43 =	vadd.s32 s28, v3;
	v47 =	vxor.u32 $0x80000000, v12  }
0x113: {  	v33 =	vadd.s32 s6, v3;
	v34 =	vadd.s32 s6, v5;
	vm3 =	vgt.u32 v43, $0xBF  }
0x114: {  	vm2 =	vgt.u32 v33, $0xBF;
	v25 =	vsel vm3, v25, v43;
	vm3 =	vlt.s32 v12, v14  }
0x115: {  	v33 =	vsel vm2, v34, v33;
	vm2 =	vgt.u32 v36, $0xBF;
	v25 =	vadd.s32 v6, v25  }
0x116: {  	v12 =	vsel vm3, $0xFFFFFFFF, v47;
	vm3 =	vgt.u32 v19, $0xBF;
	v33 =	vadd.s32 v6, v33  }
0x117: {  	v35 =	vsel vm2, v35, v36;
	vm2 =	vgt.u32 v41, $0xBF;
	v19 =	vsel vm3, v20, v19  }
0x118: {  	vm3 =	vgt.u32 v16, $0xBF;
	v30 =	vsel vm2, v30, v41;
	vm2 =	veq.s32 v22, v11  }
0x119: {  	v42 =	vadd.s32 v6, v35;
	v19 =	vadd.s32 v6, v19;
	v16 =	vsel vm3, v17, v16  }
0x11a: {  	(xrf0) =	vmin.scan.msk.u32 $0xffff, v12;
	vm3 =	vgt.u32 v15, $0xBF;
	v44 =	vsel vm2, $0x1, v2;
	vm2 =	veq.s32 v24, v11  }
0x11b: {  	v30 =	vadd.s32 v6, v30;
	v16 =	vadd.s32 v6, v16;
	v13 =	vsel vm3, v13, v15  }
0x11c: {  	v32 =	vld.idx.msk [tilespmem:v32+s5+$0x0], $0xffff;
	v18 =	vadd.s32 v44, v18;
	v46 =	vsel vm2, $0x1, v2;
	vm2 =	vgt.u32 v27, $0xBF  }
0x11d: {  	[tilespmem:s3+$0x20] =	vst v2;
	v48 =	vsel vm2, v28, v27;
	vm2 =	veq.s32 v21, v11;
	v50 =	vadd.s32 v46, v18  }
0x11e: {  	s9 =	sadd.s32 $0x80, s3;
	v45 =	vld.idx.msk [tilespmem:v31+s5+$0x0], $0xffff;
	[tilespmem:s3+$0x30] =	vst v2;
	v14 =	vadd.s32 v6, v48;
	v51 =	vsel vm2, $0x1, v2;
	vm2 =	veq.s32 v23, v11  }
0x11f: {  	v13 =	vadd.s32 v6, v13;
	v33 =	vld.idx.msk [tilespmem:v33+s5+$0x0], $0xffff;
	[tilespmem:s9+$0xFFFFFFC0] =	vst v2;
	v12 =	vadd.s32 v51, v50;
	v53 =	vsel vm2, $0x1, v2  }
0x120: {  	v49 =	vld.idx.msk [tilespmem:v42+s5+$0x0], $0xffff;
	[tilespmem:s9+$0xFFFFFFD0] =	vst v2;
	vm2 =	veq.s32 v26, v11;
	v56, _, _ =	vpop (xrf0);
	v12 =	vadd.s32 v53, v12  }
0x121: {  	v52 =	vld.idx.msk [tilespmem:v30+s5+$0x0], $0xffff;
	[tilespmem:s9+$0xFFFFFFE0] =	vst v2;
	v55 =	vsel vm2, $0x1, v2;
	vm2 =	veq.s32 v29, v11;
	(v2sf) =	vpush v56, $0xF  }
0x122: {  	v54 =	vld.idx.msk [tilespmem:v25+s5+$0x0], $0xffff;
	[tilespmem:s9+$0xFFFFFFF0] =	vst v2;
	v12 =	vadd.s32 v55, v12;
	v57 =	vsel vm2, $0x1, v2;
	vm2 =	veq.s32 v32, v11  }
0x123: {  	v12 =	vadd.s32 v57, v12;
	v58 =	vsel vm2, $0x1, v2;
	vm2 =	veq.s32 v45, v11;
	v14 =	vld.idx.msk [tilespmem:v14+s5+$0x0], $0xffff;
	[tilespmem:s9+$0x0] =	vst v2  }
0x124: {  	v12 =	vadd.s32 v58, v12;
	v59 =	vsel vm2, $0x1, v2;
	vm2 =	veq.s32 v33, v11;
	v19 =	vld.idx.msk [tilespmem:v19+s5+$0x0], $0xffff;
	[tilespmem:s9+$0x10] =	vst v2  }
0x125: {  	v12 =	vadd.s32 v59, v12;
	v60 =	vsel vm2, $0x1, v2;
	vm2 =	veq.s32 v49, v11;
	v16 =	vld.idx.msk [tilespmem:v16+s5+$0x0], $0xffff;
	[tilespmem:s9+$0x20] =	vst v2  }
0x126: {  	v12 =	vadd.s32 v60, v12;
	v61 =	vsel vm2, $0x1, v2;
	vm2 =	veq.s32 v52, v11;
	v13 =	vld.idx.msk [tilespmem:v13+s5+$0x0], $0xffff  }
0x127: {  	v12 =	vadd.s32 v61, v12;
	v62 =	vsel vm2, $0x1, v2;
	vm2 =	veq.s32 v54, v11  }
0x128: {  	v12 =	vadd.s32 v62, v12;
	v63 =	vsel vm2, $0x1, v2;
	vm2 =	veq.s32 v14, v11  }
0x129: {  	v12 =	vadd.s32 v63, v12;
	v14 =	vsel vm2, $0x1, v2;
	vm2 =	veq.s32 v19, v11  }
0x12a: {  	v12 =	vadd.s32 v14, v12;
	v18 =	vsel vm2, $0x1, v2;
	vm2 =	veq.s32 v16, v11  }
0x12b: {  	v12 =	vadd.s32 v18, v12;
	v19 =	vsel vm2, $0x1, v2;
	vm2 =	veq.s32 v13, v11  }
0x12c: {  	v12 =	vadd.s32 v19, v12;
	v13 =	vsel vm2, $0x1, v2  }
0x12d: {  	v12 =	vadd.s32 v13, v12  }
0x12e: {  	(xrf0) =	vadd.scan.msk.s32 $0xffff, v12;
	_ =	sdelay $0x2  }
0x12f: {  	s10 =	spop (v2sf)  }
0x130: {  	s3 =	sxor.u32 $0x80000000, s10  }
0x131: {  	s2 =	ssub.s32 s3, s2  }
0x132: {  	s2 =	sadd.s32 $0x1, s2;
	v20, _, _ =	vpop (xrf0)  }
0x133: {  	vm2 =	vlt.s32 v20, s2  }
0x134: {  	v13 =	vsel vm2, $0x1, v2  }
0x135: {  	(xrf0) =	vadd.scan.msk.s32 $0xffff, v13;
	_ =	sdelay $0x5  }
0x136: {  	v13, _, _ =	vpop (xrf0)  }
0x137: {  	(v2sf) =	vpush v13, $0xF;
	_ =	sdelay $0xe  }
0x138: {  	s11 =	spop (v2sf)  }
0x139: {  	s3 =	smul.u32 $0xC0, s11  }
0x13a: {  	[tilespmem:s9+$0x30] =	vst v2  }
0x13b: {  	v21 =	vld [tilespmem:s3+$0x0]  }
0x13c: {  	v22 =	vld [tilespmem:s3+$0x10]  }
0x13d: {  	v23 =	vld [tilespmem:s3+$0x20];
	_ =	sdelay $0x2  }
0x13e: {  	v12 =	vnsel vm2, $0x0, v12;
	vm2 =	veq.s32 v21, v11  }
0x13f: {  	(xrf0) =	vadd.scan.msk.s32 $0xffff, v12;
	v25 =	vsel vm2, $0x1, v2;
	vm2 =	veq.s32 v22, v11  }
0x140: {  	v26 =	vsel vm2, $0x1, v2;
	vm2 =	veq.s32 v23, v11;
	(xrf0) =	vadd.scan.msk.s32 $0xffff, v25  }
0x141: {  	v24 =	vld [tilespmem:s3+$0x30];
	v28 =	vsel vm2, $0x1, v2;
	(xrf0) =	vadd.scan.msk.s32 $0xffff, v26  }
0x142: {  	(xrf0) =	vadd.scan.msk.s32 $0xffff, v28;
	_ =	sdelay $0x2  }
0x143: {  	v31, _, _ =	vpop (xrf0)  }
0x144: {  	(v2sf) =	vpush v31, $0xF;
	vm2 =	veq.s32 v24, v11;
	v34, _, _ =	vpop (xrf0)  }
0x145: {  	v27 =	vld [tilespmem:s3+$0x40];
	v30 =	vsel vm2, $0x1, v2;
	(v2sf) =	vpush v34, $0xF;
	v36, _, _ =	vpop (xrf0)  }
0x146: {  	(xrf0) =	vadd.scan.msk.s32 $0xffff, v30;
	(v2sf) =	vpush v36, $0xF;
	v37, _, _ =	vpop (xrf0)  }
0x147: {  	(v2sf) =	vpush v37, $0xF;
	_ =	sdelay $0x1  }
0x148: {  	v29 =	vld [tilespmem:s3+$0x50]  }
0x149: {  	vm2 =	veq.s32 v27, v11  }
0x14a: {  	v35 =	vsel vm2, $0x1, v2  }
0x14b: {  	(xrf0) =	vadd.scan.msk.s32 $0xffff, v35;
	v41, _, _ =	vpop (xrf0)  }
0x14c: {  	(v2sf) =	vpush v41, $0xF  }
0x14d: {  	vm2 =	veq.s32 v29, v11  }
0x14e: {  	v32 =	vld [tilespmem:s3+$0x60];
	v13 =	vsel vm2, $0x1, v2  }
0x14f: {  	v33 =	vld [tilespmem:s3+$0x70];
	(xrf0) =	vadd.scan.msk.s32 $0xffff, v13;
	_ =	sdelay $0x1  }
0x150: {  	v45, _, _ =	vpop (xrf0)  }
0x151: {  	s15 =	spop (v2sf);
	v38 =	vld [tilespmem:s3+$0x80];
	(v2sf) =	vpush v45, $0xF  }
0x152: {  	v39 =	vld [tilespmem:s3+$0x90];
	vm2 =	veq.s32 v32, v11;
	s12 =	spop (v2sf)  }
0x153: {  	v40 =	vsel vm2, $0x1, v2;
	vm2 =	veq.s32 v33, v11;
	s7 =	spop (v2sf);
	s16 =	sadd.s32 s15, s12  }
0x154: {  	v42 =	vsel vm2, $0x1, v2;
	(xrf0) =	vadd.scan.msk.s32 $0xffff, v40;
	v47, _, _ =	vpop (xrf0);
	s13 =	spop (v2sf);
	p0 =	slt.s32 s16, s2;
	s23 =	sadd.s32 s7, s16  }
0x155: {  	v43 =	vld [tilespmem:s3+$0xA0];
	(xrf0) =	vadd.scan.msk.s32 $0xffff, v42;
	(v2sf) =	vpush v47, $0xF;
	s7 =	simm.s32 $0x1;
	s8 =	simm.s32 @!p0 $0x0;
	p1 =	slt.s32 s23, s2  }
0x156: {  	v44 =	vld [tilespmem:s3+$0xB0];
	vm2 =	veq.s32 v38, v11;
	s7 =	simm.s32 @!p0 $0x0;
	s24 =	sadd.s32 s13, s23;
	s8 =	simm.s32 @p0 $0x1  }
0x157: {  	v46 =	vsel vm2, $0x1, v2;
	vm2 =	veq.s32 v39, v11;
	p0 =	slt.s32 s24, s2;
	[smem:$0x7F3] =	sst s8;
	s8 =	simm.s32 @!p1 $0x0  }
0x158: {  	v48 =	vsel vm2, $0x1, v2;
	(xrf0) =	vadd.scan.msk.s32 $0xffff, v46;
	s6 =	simm.s32 @!p0 $0x0;
	s8 =	simm.s32 @p1 $0x1  }
0x159: {  	(xrf0) =	vadd.scan.msk.s32 $0xffff, v48;
	s6 =	simm.s32 @p0 $0x1;
	[smem:$0x7F4] =	sst s8;
	s8 =	simm.s32 $0x1  }
0x15a: {  	vm2 =	veq.s32 v43, v11;
	v49, _, _ =	vpop (xrf0);
	s9 =	spop (v2sf);
	[smem:$0x7F5] =	sst s6;
	s8 =	simm.s32 @!p1 $0x0  }
0x15b: {  	v13 =	vsel vm2, $0x1, v2;
	vm2 =	veq.s32 v44, v11;
	(v2sf) =	vpush v49, $0xF;
	v50, _, _ =	vpop (xrf0);
	s6 =	simm.s32 $0x1;
	s7 =	sadd.s32 s7, s8;
	s8 =	sadd.s32 s9, s24  }
0x15c: {  	v14 =	vsel vm2, $0x1, v2;
	(xrf0) =	vadd.scan.msk.s32 $0xffff, v13;
	(v2sf) =	vpush v50, $0xF;
	s6 =	simm.s32 @!p0 $0x0;
	p0 =	slt.s32 s8, s2  }
0x15d: {  	(xrf0) =	vadd.scan.msk.s32 $0xffff, v14;
	s9 =	simm.s32 @!p0 $0x0  }
0x15e: {  	v51, _, _ =	vpop (xrf0);
	s9 =	simm.s32 @p0 $0x1  }
0x15f: {  	v52, _, _ =	vpop (xrf0);
	(v2sf) =	vpush v51, $0xF;
	[smem:$0x7F6] =	sst s9;
	s9 =	simm.s32 $0x1  }
0x160: {  	(v2sf) =	vpush v52, $0xF;
	s10 =	spop (v2sf);
	s6 =	sadd.s32 s6, s7;
	s9 =	simm.s32 @!p0 $0x0  }
0x161: {  	s6 =	sadd.s32 s9, s6;
	s9 =	sadd.s32 s10, s8  }
0x162: {  	v53, _, _ =	vpop (xrf0);
	p0 =	slt.s32 s9, s2  }
0x163: {  	v54, _, _ =	vpop (xrf0);
	(v2sf) =	vpush v53, $0xF;
	s10 =	simm.s32 @!p0 $0x0  }
0x164: {  	(v2sf) =	vpush v54, $0xF;
	s14 =	spop (v2sf);
	s10 =	simm.s32 @p0 $0x1  }
0x165: {  	s7 =	sadd.s32 s14, s9;
	[smem:$0x7F7] =	sst s10;
	s10 =	simm.s32 $0x1  }
0x166: {  	s10 =	simm.s32 @!p0 $0x0;
	p0 =	slt.s32 s7, s2  }
0x167: {  	s11 =	simm.s32 @!p0 $0x0  }
0x168: {  	s11 =	simm.s32 @p0 $0x1  }
0x169: {  	[smem:$0x7F8] =	sst s11;
	s11 =	simm.s32 $0x1  }
0x16a: {  	s12 =	spop (v2sf);
	s6 =	sadd.s32 s10, s6;
	s11 =	simm.s32 @!p0 $0x0  }
0x16b: {  	s18 =	spop (v2sf);
	s6 =	sadd.s32 s11, s6;
	s11 =	sadd.s32 s12, s7  }
0x16c: {  	s12 =	simm.s32 $0x1;
	p6 =	slt.s32 s11, s2;
	s10 =	sadd.s32 s18, s11  }
0x16d: {  	s13 =	simm.s32 $0x1;
	s12 =	simm.s32 @!p6 $0x0;
	p4 =	slt.s32 s10, s2  }
0x16e: {  	s14 =	spop (v2sf);
	s6 =	sadd.s32 s12, s6;
	s13 =	simm.s32 @!p4 $0x0  }
0x16f: {  	s28 =	spop (v2sf);
	s6 =	sadd.s32 s13, s6;
	s13 =	sadd.s32 s14, s10  }
0x170: {  	s14 =	simm.s32 $0x1;
	s12 =	sadd.s32 s28, s13;
	p3 =	slt.s32 s13, s2  }
0x171: {  	s18 =	simm.s32 $0x1;
	s14 =	simm.s32 @!p3 $0x0;
	p2 =	slt.s32 s12, s2  }
0x172: {  	s28 =	spop (v2sf);
	s6 =	sadd.s32 s14, s6;
	s18 =	simm.s32 @!p2 $0x0  }
0x173: {  	s29 =	spop (v2sf);
	s6 =	sadd.s32 s18, s6;
	s18 =	sadd.s32 s28, s12  }
0x174: {  	s28 =	simm.s32 $0x1;
	s14 =	sadd.s32 s29, s18;
	p1 =	slt.s32 s18, s2  }
0x175: {  	s29 =	simm.s32 $0x1;
	s28 =	simm.s32 @!p1 $0x0;
	p0 =	slt.s32 s14, s2  }
0x176: {  	s6 =	sadd.s32 s28, s6;
	s29 =	simm.s32 @!p0 $0x0  }
0x177: {  	s6 =	sadd.s32 s29, s6;
	s29 =	sld [smem:$0x7F3];
	_ =	sdelay $0x2  }
0x178: {  	p5 =	seq.s32 s29, $0x1  }
0x179: {  	s15 =	smov.u32 @p5 s16;
	s16 =	sld [smem:$0x7F4]  }
0x17a: {  	s28 =	sld [smem:$0x7F5]  }
0x17b: {  	s29 =	sld [smem:$0x7F6]  }
0x17c: {  	p5 =	seq.s32 s16, $0x1  }
0x17d: {  	s15 =	smov.u32 @p5 s23;
	p5 =	seq.s32 s28, $0x1  }
0x17e: {  	s6 =	sshll.u32 s6, $0x4;
	s15 =	smov.u32 @p5 s24;
	p5 =	seq.s32 s29, $0x1  }
0x17f: {  	s3 =	sadd.s32 s3, s6;
	s15 =	smov.u32 @p5 s8;
	s8 =	sld [smem:$0x7F7]  }
0x180: {  	v55 =	vld [tilespmem:s3+$0x0];
	_ =	sdelay $0x1  }
0x181: {  	p5 =	seq.s32 s8, $0x1  }
0x182: {  	s15 =	smov.u32 @p5 s9;
	s9 =	sld [smem:$0x7F8];
	_ =	sdelay $0x1  }
0x183: {  	vm2 =	veq.s32 v55, v11  }
0x184: {  	v11 =	vsel vm2, $0x1, v2;
	p5 =	seq.s32 s9, $0x1  }
0x185: {  	(xrf0) =	vadd.scan.msk.s32 $0xffff, v11;
	s15 =	smov.u32 @p5 s7  }
0x186: {  	s15 =	smov.u32 @p6 s11  }
0x187: {  	s15 =	smov.u32 @p4 s10  }
0x188: {  	s15 =	smov.u32 @p3 s13  }
0x189: {  	s15 =	smov.u32 @p2 s12  }
0x18a: {  	s15 =	smov.u32 @p1 s18  }
0x18b: {  	v11, _, _ =	vpop (xrf0);
	s15 =	smov.u32 @p0 s14  }
0x18c: {  	v11 =	vadd.s32 s15, v11  }
0x18d: {  	vm3 =	veq.s32 v11, s2  }
0x18e: {  	vm2 =	vmand vm2, vm3  }
0x18f: {  	v11 =	vnsel vm2, $0x0, v3  }
0x190: {  	(xrf0) =	vadd.scan.msk.s32 $0xffff, v11;
	_ =	sdelay $0x5  }
0x191: {  	v11, _, _ =	vpop (xrf0)  }
0x192: {  	(v2sf) =	vpush v11, $0xF;
	_ =	sdelay $0xe  }
0x193: {  	s14 =	spop (v2sf)  }
0x194: {  	s15 =	rddreg [dreg:$0xa];
	s2 =	sadd.s32 s3, s14  }
0x195: {  	s3 =	sadd.s32 s15, s2  }
0x196: {  	s16 =	simm.s32 $0x4880;
	v11 =	vmov s3  }
0x197: {  	[tilespmem:v7+s16+$0x0] =	vst.idx.msk $0x3, v11  }
0x198: {  	v11 =	vld.msk [tilespmem:$0x4880], $0x3;
	_ =	sdelay $0x4  }
0x199: {  	v56 =	vshll.u32 v11, $0x1  }
0x19a: {  	v11 =	vand.u32 $0x7, v11;
	v12 =	vand.u32 $0xFFFFFFF0, v56  }
0x19b: {  	v11 =	vor.u32 v11, v12  }
0x19c: {  	v11 =	vperm.xlane v11, v8;
	_ =	sdelay $0x1  }
0x19d: {  	v11 =	vadd.s32 v9, v11;
	_ =	sdelay $0x2  }
0x19e: {  	s24 =	sshll.u32 s2, $0x4  }
0x19f: {  	s23 =	rddreg [dreg:$0x3];
	s18 =	simm.s32 $0x0;
	s6 =	sand.u32 $0x1FFFFE00, s24  }
0x1a0: {  	[tilespmem:s20], [sflag:$0x5] =	stream.indirect_vreg.gather [hbm4b:s23+s18], $0x80, v11, vm1, $0xb8;
	[tilespmem:$0x4A80] =	vst v63  }
0x1a1: {  	s28 =	simm.s32 $0x2480;
	s6 =	sadd.s32 s19, s6  }
0x1a2: {  	[tilespmem:s28], [sflag:$0x3] =	stream.linear.gather [hbm4b:s6+s18], $0x1000, $0x38;
	[tilespmem:$0x4A80] =	vst v63  }
0x1a3: {  	_ =	swait.ge [sflag:s25], $0xC00  }
0x1a4: {  	[sflag:s25] =	ssyncset.done $0x0  }
0x1a5: {  	s29 =	simm.s32 $0x0;
	[sflag:s25] =	ssyncadd.s32 $0xFFFFF400  }
0x1a6: {  	v57 =	vld [tilespmem:s29+$0xC00]  }
0x1a7: {  	v58 =	vld [tilespmem:s29+$0xC10]  }
0x1a8: {  	v59 =	vld [tilespmem:s29+$0xC20]  }
0x1a9: {  	v60 =	vld [tilespmem:s29+$0xC30]  }
0x1aa: {  	v61 =	vld [tilespmem:s29+$0xC40]  }
0x1ab: {  	v62 =	vld [tilespmem:s29+$0xC50]  }
0x1ac: {  	v63 =	vld [tilespmem:s29+$0xC60]  }
0x1ad: {  	v11 =	vld [tilespmem:s29+$0xC70]  }
0x1ae: {  	[tilespmem:v57+s21+$0x0] =	vst.idx.add.s32.msk $0xffff, v4  }
0x1af: {  	[tilespmem:v58+s21+$0x0] =	vst.idx.add.s32.msk $0xffff, v4  }
0x1b0: {  	[tilespmem:v59+s21+$0x0] =	vst.idx.add.s32.msk $0xffff, v4  }
0x1b1: {  	[tilespmem:v60+s21+$0x0] =	vst.idx.add.s32.msk $0xffff, v4  }
0x1b2: {  	[tilespmem:v61+s21+$0x0] =	vst.idx.add.s32.msk $0xffff, v4  }
0x1b3: {  	[tilespmem:v62+s21+$0x0] =	vst.idx.add.s32.msk $0xffff, v4  }
0x1b4: {  	s3 =	simm.s32 $0x200;
	[tilespmem:v63+s21+$0x0] =	vst.idx.add.s32.msk $0xffff, v4  }
.LBB2_10:
0x1b5: {  	s6 =	sshra.s32 s3, $0x2;
	p0 =	sne.s32 s3, $0x2E00;
	s3 =	sadd.s32 $0x200, s3;
	[tilespmem:v11+s21+$0x0] =	vst.idx.add.s32.msk $0xffff, v4  }
0x1b6: {  	v12 =	vld [tilespmem:s6+$0xC00]  }
0x1b7: {  	v13 =	vld [tilespmem:s6+$0xC10]  }
0x1b8: {  	v14 =	vld [tilespmem:s6+$0xC20]  }
0x1b9: {  	v15 =	vld [tilespmem:s6+$0xC30]  }
0x1ba: {  	v16 =	vld [tilespmem:s6+$0xC40]  }
0x1bb: {  	v17 =	vld [tilespmem:s6+$0xC50]  }
0x1bc: {  	v18 =	vld [tilespmem:s6+$0xC60]  }
0x1bd: {  	v11 =	vld [tilespmem:s6+$0xC70]  }
0x1be: {  	[tilespmem:v12+s21+$0x0] =	vst.idx.add.s32.msk $0xffff, v4  }
0x1bf: {  	[tilespmem:v13+s21+$0x0] =	vst.idx.add.s32.msk $0xffff, v4  }
.Ltmp4:
0x1c0: {  	[tilespmem:v14+s21+$0x0] =	vst.idx.add.s32.msk $0xffff, v4;
	(pc) =	sbr.rel @p0 .LBB2_10-.Ltmp4, $4  }
0x1c1: {  	[tilespmem:v15+s21+$0x0] =	vst.idx.add.s32.msk $0xffff, v4  }
0x1c2: {  	[tilespmem:v16+s21+$0x0] =	vst.idx.add.s32.msk $0xffff, v4  }
0x1c3: {  	[tilespmem:v17+s21+$0x0] =	vst.idx.add.s32.msk $0xffff, v4  }
0x1c4: {  	[tilespmem:v18+s21+$0x0] =	vst.idx.add.s32.msk $0xffff, v4  }
0x1c5: {  	s3 =	simm.s32 $0x7  }
0x1c6: {  	v23 =	vimm.s32 $0x0;
	s6 =	simm.s32 $0x6;
	s7 =	simm.s32 $0x4;
	v12 =	vadd.s32 s3, v5  }
0x1c7: {  	s8 =	simm.s32 $0x5;
	s12 =	simm.s32 $0x3;
	v13 =	vadd.s32 s6, v5;
	v14 =	vadd.s32 s3, v3;
	v15 =	vadd.s32 s7, v5  }
0x1c8: {  	s13 =	simm.s32 $0x1;
	v16 =	vadd.s32 s8, v5;
	v17 =	vadd.s32 s6, v3;
	v18 =	vadd.s32 s12, v5  }
0x1c9: {  	s9 =	simm.s32 $0x2;
	s14 =	simm.s32 $0x0;
	v19 =	vadd.s32 s7, v3;
	v20 =	vadd.s32 s8, v3;
	v21 =	vadd.s32 s13, v5  }
0x1ca: {  	v22 =	vadd.s32 s9, v5;
	v24 =	vadd.s32 s12, v3;
	v25 =	vadd.s32 s14, v3  }
0x1cb: {  	v26 =	vadd.s32 s14, v5;
	v28 =	vadd.s32 s9, v3;
	vm2 =	vgt.u32 v25, $0xBF  }
0x1cc: {  	v27 =	vadd.s32 s13, v3;
	vm3 =	vgt.u32 v28, $0xBF;
	v25 =	vsel vm2, v26, v25  }
0x1cd: {  	vm2 =	vgt.u32 v27, $0xBF;
	v22 =	vsel vm3, v22, v28;
	v25 =	vadd.s32 v6, v25  }
0x1ce: {  	vm3 =	vgt.u32 v19, $0xBF;
	v21 =	vsel vm2, v21, v27;
	v22 =	vadd.s32 v6, v22  }
0x1cf: {  	vm2 =	vgt.u32 v24, $0xBF;
	v15 =	vsel vm3, v15, v19;
	v21 =	vadd.s32 v6, v21  }
0x1d0: {  	v18 =	vsel vm2, v18, v24;
	vm2 =	vgt.u32 v20, $0xBF;
	v26 =	vadd.s32 v6, v15  }
0x1d1: {  	[tilespmem:v11+s21+$0x0] =	vst.idx.add.s32.msk $0xffff, v4;
	v18 =	vadd.s32 v6, v18;
	v11 =	vsel vm2, v16, v20;
	vm2 =	vgt.u32 v17, $0xBF  }
0x1d2: {  	s29 =	simm.s32 $0x8;
	v29 =	vadd.s32 v6, v11;
	v13 =	vsel vm2, v13, v17;
	vm2 =	vgt.u32 v14, $0xBF;
	v25 =	vld.idx.msk [tilespmem:v25+s21+$0x0], $0xffff  }
0x1d3: {  	s20 =	smov.u32 s19;
	s24 =	simm.s32 $0x9;
	v30 =	vadd.s32 s29, v5;
	v31 =	vadd.s32 v6, v13;
	v14 =	vsel vm2, v12, v14;
	v20 =	vld.idx.msk [tilespmem:v22+s21+$0x0], $0xffff  }
0x1d4: {  	s19 =	simm.s32 $0xD;
	s23 =	simm.s32 $0xB;
	s28 =	simm.s32 $0xA;
	v32 =	vadd.s32 s29, v3;
	v28 =	vadd.s32 s24, v5;
	v34 =	vadd.s32 v6, v14;
	v33 =	vld.idx.msk [tilespmem:v21+s21+$0x0], $0xffff  }
0x1d5: {  	s15 =	simm.s32 $0xF;
	s18 =	simm.s32 $0xC;
	v19 =	vadd.s32 s23, v5;
	v27 =	vadd.s32 s28, v5;
	v15 =	vadd.s32 s19, v5;
	v21 =	vld.idx.msk [tilespmem:v26+s21+$0x0], $0xffff  }
0x1d6: {  	s16 =	simm.s32 $0xE;
	v16 =	vadd.s32 s18, v5;
	v11 =	vadd.s32 s15, v5;
	v17 =	vadd.s32 s19, v3;
	v24 =	vld.idx.msk [tilespmem:v18+s21+$0x0], $0xffff  }
0x1d7: {  	v13 =	vadd.s32 s16, v5;
	v12 =	vadd.s32 s15, v3;
	v14 =	vadd.s32 s16, v3;
	v22 =	vld.idx.msk [tilespmem:v29+s21+$0x0], $0xffff  }
0x1d8: {  	v26 =	vadd.s32 s23, v3;
	v18 =	vadd.s32 s18, v3;
	v25 =	vadd.s32 v23, v25;
	v23 =	vld.idx.msk [tilespmem:v31+s21+$0x0], $0xffff  }
0x1d9: {  	s3 =	simm.s32 $0x17;
	v29 =	vadd.s32 s28, v3;
	v31 =	vadd.s32 s24, v3;
	v33 =	vadd.s32 v33, v25;
	v25 =	vld.idx.msk [tilespmem:v34+s21+$0x0], $0xffff  }
.LBB2_12:
0x1da: {  	p0 =	sne.s32 s3, $0xBF;
	vm2 =	vgt.u32 v26, $0xBF;
	vm3 =	vgt.u32 v18, $0xBF;
	v20 =	vadd.s32 v20, v33  }
0x1db: {  	vm4 =	vgt.u32 v32, $0xBF;
	vm5 =	vgt.u32 v29, $0xBF;
	v20 =	vadd.s32 v24, v20  }
0x1dc: {  	v24 =	vsel vm4, v30, v32;
	vm4 =	vgt.u32 v31, $0xBF;
	v20 =	vadd.s32 v21, v20  }
0x1dd: {  	v21 =	vadd.s32 v6, v24;
	v24 =	vsel vm4, v28, v31;
	v20 =	vadd.s32 v22, v20  }
0x1de: {  	v22 =	vadd.s32 v6, v24;
	v24 =	vsel vm5, v27, v29;
	v20 =	vadd.s32 v23, v20  }
0x1df: {  	v19 =	vsel vm2, v19, v26;
	v23 =	vadd.s32 v6, v24;
	v25 =	vadd.s32 v25, v20  }
0x1e0: {  	v16 =	vsel vm3, v16, v18;
	vm2 =	vgt.u32 v17, $0xBF;
	v19 =	vadd.s32 v6, v19  }
0x1e1: {  	v26 =	vadd.s32 v6, v16;
	v15 =	vsel vm2, v15, v17;
	vm2 =	vgt.u32 v14, $0xBF  }
0x1e2: {  	v29 =	vadd.s32 v6, v15;
	v13 =	vsel vm2, v13, v14;
	vm2 =	vgt.u32 v12, $0xBF;
	v31 =	vld.idx.msk [tilespmem:v21+s21+$0x0], $0xffff  }
0x1e3: {  	s6 =	sadd.s32 $0xFFFFFFFF, s3;
	v32 =	vadd.s32 v6, v13;
	v14 =	vsel vm2, v11, v12;
	v11 =	vadd.s32 s3, v5;
	v33 =	vld.idx.msk [tilespmem:v22+s21+$0x0], $0xffff  }
0x1e4: {  	s7 =	sadd.s32 $0xFFFFFFFD, s3;
	s8 =	sadd.s32 $0xFFFFFFFE, s3;
	v13 =	vadd.s32 s6, v5;
	v12 =	vadd.s32 s3, v3;
	v34 =	vadd.s32 v6, v14;
	v20 =	vld.idx.msk [tilespmem:v23+s21+$0x0], $0xffff  }
.Ltmp5:
0x1e5: {  	s9 =	sadd.s32 $0xFFFFFFFC, s3;
	v16 =	vadd.s32 s7, v5;
	v15 =	vadd.s32 s8, v5;
	v14 =	vadd.s32 s6, v3;
	v24 =	vld.idx.msk [tilespmem:v19+s21+$0x0], $0xffff;
	(pc) =	sbr.rel @p0 .LBB2_12-.Ltmp5, $4  }
0x1e6: {  	s10 =	sadd.s32 $0xFFFFFFFB, s3;
	v18 =	vadd.s32 s7, v3;
	v17 =	vadd.s32 s8, v3;
	s6 =	sadd.s32 $0xFFFFFFFA, s3;
	v19 =	vadd.s32 s9, v5;
	v21 =	vld.idx.msk [tilespmem:v26+s21+$0x0], $0xffff  }
0x1e7: {  	s7 =	sadd.s32 $0xFFFFFFF9, s3;
	v27 =	vadd.s32 s10, v5;
	v28 =	vadd.s32 s6, v5;
	v26 =	vadd.s32 s9, v3;
	v22 =	vld.idx.msk [tilespmem:v29+s21+$0x0], $0xffff  }
0x1e8: {  	v30 =	vadd.s32 s7, v5;
	v29 =	vadd.s32 s10, v3;
	v25 =	vadd.s32 v25, v31;
	v23 =	vld.idx.msk [tilespmem:v32+s21+$0x0], $0xffff  }
0x1e9: {  	s3 =	sadd.s32 $0x8, s3;
	v31 =	vadd.s32 s6, v3;
	v32 =	vadd.s32 s7, v3;
	v33 =	vadd.s32 v33, v25;
	v25 =	vld.idx.msk [tilespmem:v34+s21+$0x0], $0xffff  }
0x1ea: {  	v10 =	vmul.f32 $3.072000000e+03, v10;
	_ =	sdelay $0x1  }
0x1eb: {  	v10 =	vtrunc.f32 v10  }
0x1ec: {  	v10 =	vcvt.f32.s32 v10;
	_ =	sdelay $0x1  }
0x1ed: {  	vm2 =	vgt.s32 v10, $0x0  }
0x1ee: {  	vm3 =	vgt.u32 v26, $0xBF;
	v10 =	vnsel vm2, $0x0, v10  }
0x1ef: {  	vm4 =	vgt.u32 v32, $0xBF;
	vm15 =	vgt.u32 v31, $0xBF;
	v10 =	vmin.u32 v10, $0xBFF  }
0x1f0: {  	vm5 =	vgt.u32 v29, $0xBF;
	v30 =	vsel vm4, v30, v32;
	v10 =	vor.u32 $0x80000000, v10  }
0x1f1: {  	v28 =	vsel vm15, v28, v31;
	v27 =	vsel vm5, v27, v29;
	v30 =	vadd.s32 v6, v30;
	(xrf0) =	vmax.scan.msk.u32 $0xffff, v10  }
0x1f2: {  	v19 =	vsel vm3, v19, v26;
	v10 =	vadd.s32 v20, v33;
	v20 =	vadd.s32 v6, v28  }
0x1f3: {  	vm2 =	vgt.u32 v18, $0xBF;
	v10 =	vadd.s32 v24, v10;
	v24 =	vadd.s32 v6, v27  }
0x1f4: {  	v19 =	vadd.s32 v6, v19;
	v16 =	vsel vm2, v16, v18;
	vm2 =	vgt.u32 v17, $0xBF  }
0x1f5: {  	v16 =	vadd.s32 v6, v16;
	v15 =	vsel vm2, v15, v17;
	vm2 =	vgt.u32 v14, $0xBF  }
0x1f6: {  	v17 =	vld.idx.msk [tilespmem:v30+s21+$0x0], $0xffff;
	v15 =	vadd.s32 v6, v15;
	v13 =	vsel vm2, v13, v14;
	vm2 =	vgt.u32 v12, $0xBF  }
0x1f7: {  	v13 =	vadd.s32 v6, v13;
	v11 =	vsel vm2, v11, v12;
	v10 =	vadd.s32 v21, v10;
	v14 =	vld.idx.msk [tilespmem:v20+s21+$0x0], $0xffff;
	v12, _, _ =	vpop (xrf0)  }
0x1f8: {  	v11 =	vadd.s32 v6, v11;
	v10 =	vadd.s32 v22, v10;
	v18 =	vld.idx.msk [tilespmem:v24+s21+$0x0], $0xffff;
	(v2sf) =	vpush v12, $0xF  }
0x1f9: {  	v10 =	vadd.s32 v23, v10;
	v12 =	vld.idx.msk [tilespmem:v19+s21+$0x0], $0xffff  }
0x1fa: {  	v16 =	vld.idx.msk [tilespmem:v16+s21+$0x0], $0xffff;
	v10 =	vadd.s32 v25, v10  }
0x1fb: {  	v15 =	vld.idx.msk [tilespmem:v15+s21+$0x0], $0xffff;
	v10 =	vadd.s32 v10, v17  }
0x1fc: {  	v13 =	vld.idx.msk [tilespmem:v13+s21+$0x0], $0xffff;
	v10 =	vadd.s32 v14, v10  }
0x1fd: {  	v11 =	vld.idx.msk [tilespmem:v11+s21+$0x0], $0xffff;
	v10 =	vadd.s32 v18, v10  }
0x1fe: {  	v10 =	vadd.s32 v12, v10  }
0x1ff: {  	v10 =	vadd.s32 v16, v10  }
0x200: {  	v10 =	vadd.s32 v15, v10  }
0x201: {  	v10 =	vadd.s32 v13, v10  }
0x202: {  	v10 =	vadd.s32 v11, v10  }
0x203: {  	(xrf0) =	vadd.scan.msk.s32 $0xffff, v10;
	_ =	sdelay $0x3  }
0x204: {  	s3 =	spop (v2sf)  }
0x205: {  	s3 =	sxor.u32 $0x80000000, s3  }
0x206: {  	v11, _, _ =	vpop (xrf0);
	s3 =	ssub.s32 $0xC00, s3  }
0x207: {  	vm2 =	vlt.s32 v11, s3  }
0x208: {  	v11 =	vsel vm2, $0x1, v2  }
0x209: {  	(xrf0) =	vadd.scan.msk.s32 $0xffff, v11;
	_ =	sdelay $0x5  }
0x20a: {  	v11, _, _ =	vpop (xrf0)  }
0x20b: {  	(v2sf) =	vpush v11, $0xF;
	_ =	sdelay $0xe  }
0x20c: {  	s6 =	spop (v2sf)  }
0x20d: {  	s15 =	smul.u32 $0xC0, s6;
	_ =	sdelay $0x1  }
0x20e: {  	v11 =	vld [tilespmem:s15+$0x1880]  }
0x20f: {  	v12 =	vld [tilespmem:s15+$0x1890]  }
0x210: {  	v13 =	vld [tilespmem:s15+$0x18A0]  }
0x211: {  	v10 =	vnsel vm2, $0x0, v10  }
0x212: {  	(xrf0) =	vadd.scan.msk.s32 $0xffff, v10  }
0x213: {  	(xrf0) =	vadd.scan.msk.s32 $0xffff, v11  }
0x214: {  	v10 =	vld [tilespmem:s15+$0x18B0];
	(xrf0) =	vadd.scan.msk.s32 $0xffff, v12  }
0x215: {  	(xrf0) =	vadd.scan.msk.s32 $0xffff, v13;
	_ =	sdelay $0x2  }
0x216: {  	v13, _, _ =	vpop (xrf0)  }
0x217: {  	(xrf0) =	vadd.scan.msk.s32 $0xffff, v10;
	(v2sf) =	vpush v13, $0xF;
	v10, _, _ =	vpop (xrf0)  }
0x218: {  	(v2sf) =	vpush v10, $0xF;
	v10, _, _ =	vpop (xrf0)  }
0x219: {  	v11 =	vld [tilespmem:s15+$0x18C0];
	(v2sf) =	vpush v10, $0xF;
	v10, _, _ =	vpop (xrf0)  }
0x21a: {  	(v2sf) =	vpush v10, $0xF;
	_ =	sdelay $0x2  }
0x21b: {  	v12 =	vld [tilespmem:s15+$0x18D0]  }
0x21c: {  	(xrf0) =	vadd.scan.msk.s32 $0xffff, v11;
	v11, _, _ =	vpop (xrf0)  }
0x21d: {  	(v2sf) =	vpush v11, $0xF;
	_ =	sdelay $0x2  }
0x21e: {  	(xrf0) =	vadd.scan.msk.s32 $0xffff, v12  }
0x21f: {  	v13 =	vld [tilespmem:s15+$0x18E0]  }
0x220: {  	v14 =	vld [tilespmem:s15+$0x18F0];
	v11, _, _ =	vpop (xrf0)  }
0x221: {  	(v2sf) =	vpush v11, $0xF  }
0x222: {  	s16 =	spop (v2sf)  }
0x223: {  	v10 =	vld [tilespmem:s15+$0x1900];
	s11 =	spop (v2sf)  }
0x224: {  	v12 =	vld [tilespmem:s15+$0x1910];
	(xrf0) =	vadd.scan.msk.s32 $0xffff, v13;
	v11, _, _ =	vpop (xrf0);
	s7 =	spop (v2sf);
	s23 =	sadd.s32 s16, s11  }
0x225: {  	(xrf0) =	vadd.scan.msk.s32 $0xffff, v14;
	(v2sf) =	vpush v11, $0xF;
	s12 =	spop (v2sf);
	s24 =	sadd.s32 s7, s23  }
0x226: {  	p5 =	slt.s32 s23, s3;
	p1 =	slt.s32 s24, s3;
	s29 =	sadd.s32 s12, s24  }
0x227: {  	v13 =	vld [tilespmem:s15+$0x1920];
	s7 =	simm.s32 $0x1;
	s8 =	simm.s32 @!p1 $0x0;
	p0 =	slt.s32 s29, s3  }
0x228: {  	v14 =	vld [tilespmem:s15+$0x1930];
	(xrf0) =	vadd.scan.msk.s32 $0xffff, v10;
	s7 =	simm.s32 @!p5 $0x0;
	s8 =	simm.s32 @p1 $0x1;
	s6 =	simm.s32 @!p0 $0x0  }
0x229: {  	(xrf0) =	vadd.scan.msk.s32 $0xffff, v12;
	[smem:$0x7EE] =	sst s8;
	s8 =	simm.s32 $0x1;
	s6 =	simm.s32 @p0 $0x1  }
0x22a: {  	v10, _, _ =	vpop (xrf0);
	s9 =	spop (v2sf);
	s8 =	simm.s32 @!p1 $0x0;
	[smem:$0x7EF] =	sst s6  }
0x22b: {  	(v2sf) =	vpush v10, $0xF;
	v10, _, _ =	vpop (xrf0);
	s6 =	simm.s32 $0x1;
	s7 =	sadd.s32 s7, s8;
	s8 =	sadd.s32 s9, s29  }
0x22c: {  	(xrf0) =	vadd.scan.msk.s32 $0xffff, v13;
	(v2sf) =	vpush v10, $0xF;
	s6 =	simm.s32 @!p0 $0x0;
	p0 =	slt.s32 s8, s3  }
0x22d: {  	(xrf0) =	vadd.scan.msk.s32 $0xffff, v14;
	s9 =	simm.s32 @!p0 $0x0  }
0x22e: {  	v10, _, _ =	vpop (xrf0);
	s9 =	simm.s32 @p0 $0x1  }
0x22f: {  	v11, _, _ =	vpop (xrf0);
	(v2sf) =	vpush v10, $0xF;
	[smem:$0x7F0] =	sst s9;
	s9 =	simm.s32 $0x1  }
0x230: {  	(v2sf) =	vpush v11, $0xF;
	s10 =	spop (v2sf);
	s6 =	sadd.s32 s6, s7;
	s9 =	simm.s32 @!p0 $0x0  }
0x231: {  	s6 =	sadd.s32 s9, s6;
	s9 =	sadd.s32 s10, s8  }
0x232: {  	v10, _, _ =	vpop (xrf0);
	p0 =	slt.s32 s9, s3  }
0x233: {  	(v2sf) =	vpush v10, $0xF;
	v10, _, _ =	vpop (xrf0);
	s10 =	simm.s32 @!p0 $0x0  }
0x234: {  	(v2sf) =	vpush v10, $0xF;
	s13 =	spop (v2sf);
	s10 =	simm.s32 @p0 $0x1  }
0x235: {  	s7 =	sadd.s32 s13, s9;
	[smem:$0x7F1] =	sst s10;
	s10 =	simm.s32 $0x1  }
0x236: {  	s10 =	simm.s32 @!p0 $0x0;
	p0 =	slt.s32 s7, s3  }
0x237: {  	s11 =	simm.s32 @!p0 $0x0  }
0x238: {  	s11 =	simm.s32 @p0 $0x1  }
0x239: {  	[smem:$0x7F2] =	sst s11;
	s11 =	simm.s32 $0x1  }
0x23a: {  	s12 =	spop (v2sf);
	s6 =	sadd.s32 s10, s6;
	s11 =	simm.s32 @!p0 $0x0  }
0x23b: {  	s14 =	spop (v2sf);
	s6 =	sadd.s32 s11, s6;
	s11 =	sadd.s32 s12, s7  }
0x23c: {  	s12 =	simm.s32 $0x1;
	p6 =	slt.s32 s11, s3;
	s10 =	sadd.s32 s14, s11  }
0x23d: {  	s13 =	simm.s32 $0x1;
	s12 =	simm.s32 @!p6 $0x0;
	p4 =	slt.s32 s10, s3  }
0x23e: {  	s14 =	spop (v2sf);
	s6 =	sadd.s32 s12, s6;
	s13 =	simm.s32 @!p4 $0x0  }
0x23f: {  	s18 =	spop (v2sf);
	s6 =	sadd.s32 s13, s6;
	s13 =	sadd.s32 s14, s10  }
0x240: {  	s14 =	simm.s32 $0x1;
	s12 =	sadd.s32 s18, s13;
	p3 =	slt.s32 s13, s3  }
0x241: {  	s18 =	simm.s32 $0x1;
	s14 =	simm.s32 @!p3 $0x0;
	p2 =	slt.s32 s12, s3  }
0x242: {  	s28 =	spop (v2sf);
	s6 =	sadd.s32 s14, s6;
	s18 =	simm.s32 @!p2 $0x0  }
0x243: {  	s19 =	spop (v2sf);
	s6 =	sadd.s32 s18, s6;
	s18 =	sadd.s32 s28, s12  }
0x244: {  	s28 =	simm.s32 $0x1;
	s14 =	sadd.s32 s19, s18;
	p1 =	slt.s32 s18, s3  }
0x245: {  	s19 =	simm.s32 $0x1;
	s28 =	simm.s32 @!p1 $0x0;
	p0 =	slt.s32 s14, s3  }
0x246: {  	s6 =	sadd.s32 s28, s6;
	s19 =	simm.s32 @!p0 $0x0  }
0x247: {  	s6 =	sadd.s32 s19, s6;
	s19 =	sld [smem:$0x7EE];
	_ =	sdelay $0x1  }
0x248: {  	s16 =	smov.u32 @p5 s23  }
0x249: {  	s23 =	sld [smem:$0x7EF];
	s6 =	sshll.u32 s6, $0x4;
	p5 =	seq.s32 s19, $0x1  }
0x24a: {  	s28 =	sadd.s32 s15, s6;
	s16 =	smov.u32 @p5 s24;
	s24 =	sld [smem:$0x7F0]  }
0x24b: {  	s15 =	sld [smem:$0x7F1];
	v10 =	vld [tilespmem:s28+$0x1880]  }
0x24c: {  	s19 =	sld [smem:$0x7F2];
	p5 =	seq.s32 s23, $0x1  }
0x24d: {  	s16 =	smov.u32 @p5 s29;
	p5 =	seq.s32 s24, $0x1  }
0x24e: {  	s16 =	smov.u32 @p5 s8;
	p5 =	seq.s32 s15, $0x1  }
0x24f: {  	s16 =	smov.u32 @p5 s9;
	p5 =	seq.s32 s19, $0x1  }
0x250: {  	(xrf0) =	vadd.scan.msk.s32 $0xffff, v10;
	s16 =	smov.u32 @p5 s7  }
0x251: {  	s16 =	smov.u32 @p6 s11  }
0x252: {  	s16 =	smov.u32 @p4 s10  }
0x253: {  	s16 =	smov.u32 @p3 s13  }
0x254: {  	s16 =	smov.u32 @p2 s12  }
0x255: {  	s16 =	smov.u32 @p1 s18  }
0x256: {  	v10, _, _ =	vpop (xrf0);
	s16 =	smov.u32 @p0 s14  }
0x257: {  	v11 =	vadd.s32 s16, v10  }
0x258: {  	vm2 =	vlt.s32 v11, s3  }
0x259: {  	v10 =	vsel vm2, $0x1, v2  }
0x25a: {  	(xrf0) =	vadd.scan.msk.s32 $0xffff, v10;
	_ =	sdelay $0x5  }
0x25b: {  	v10, _, _ =	vpop (xrf0)  }
0x25c: {  	s23 =	simm.s32 $0x0;
	(v2sf) =	vpush v10, $0xF  }
0x25d: {  	v17 =	vimm.s32 $0x0;
	s24 =	simm.s32 $0x1;
	v10 =	vadd.s32 s23, v3  }
0x25e: {  	v12 =	vadd.s32 s23, v5;
	v13 =	vadd.s32 s24, v3;
	vm2 =	vgt.u32 v10, $0xBF  }
0x25f: {  	s8 =	simm.s32 $0x2;
	v10 =	vsel vm2, v12, v10;
	v12 =	vadd.s32 s24, v5;
	vm2 =	vgt.u32 v13, $0xBF  }
0x260: {  	v14 =	vadd.s32 s8, v3;
	v10 =	vadd.s32 v6, v10;
	v12 =	vsel vm2, v12, v13  }
0x261: {  	s9 =	simm.s32 $0x3;
	s12 =	simm.s32 $0x7;
	v13 =	vadd.s32 s8, v5;
	vm2 =	vgt.u32 v14, $0xBF;
	v12 =	vadd.s32 v6, v12  }
0x262: {  	v15 =	vadd.s32 s9, v3;
	v19 =	vadd.s32 s12, v5;
	v13 =	vsel vm2, v13, v14  }
0x263: {  	s11 =	simm.s32 $0x5;
	s10 =	simm.s32 $0x4;
	v14 =	vadd.s32 s9, v5;
	vm2 =	vgt.u32 v15, $0xBF;
	v16 =	vadd.s32 v6, v13  }
0x264: {  	s15 =	simm.s32 $0x18C0;
	v13 =	vadd.s32 s10, v3;
	v14 =	vsel vm2, v14, v15;
	v15 =	vadd.s32 s11, v3  }
0x265: {  	vm2 =	vgt.u32 v13, $0xBF;
	v14 =	vadd.s32 v6, v14;
	v21 =	vld.idx.msk [tilespmem:v10+s17+$0x0], $0xffff;
	v10 =	vadd.s32 s10, v5;
	[tilespmem:s15+$0xFFFFFFC0] =	vst v2  }
0x266: {  	s13 =	simm.s32 $0x6;
	v10 =	vsel vm2, v10, v13;
	v23 =	vld.idx.msk [tilespmem:v12+s17+$0x0], $0xffff;
	v12 =	vadd.s32 s11, v5;
	vm2 =	vgt.u32 v15, $0xBF  }
0x267: {  	[tilespmem:s15+$0xFFFFFFD0] =	vst v2;
	v18 =	vadd.s32 v6, v10;
	v10 =	vsel vm2, v12, v15;
	v12 =	vadd.s32 s13, v3  }
0x268: {  	v20 =	vld.idx.msk [tilespmem:v16+s17+$0x0], $0xffff;
	v15 =	vadd.s32 s12, v3;
	v16 =	vadd.s32 s13, v5;
	vm2 =	vgt.u32 v12, $0xBF  }
0x269: {  	s29 =	simm.s32 $0xB;
	[tilespmem:s15+$0xFFFFFFE0] =	vst v2;
	v26 =	vadd.s32 v6, v10;
	vm3 =	vgt.u32 v15, $0xBF;
	v12 =	vsel vm2, v16, v12  }
0x26a: {  	v24 =	vadd.s32 s29, v5;
	s23 =	simm.s32 $0xC;
	s24 =	simm.s32 $0xA;
	v22 =	vld.idx.msk [tilespmem:v14+s17+$0x0], $0xffff;
	v14 =	vsel vm3, v19, v15;
	v31 =	vadd.s32 v6, v12  }
0x26b: {  	s18 =	simm.s32 $0xE;
	v27 =	vadd.s32 s23, v5;
	v29 =	vadd.s32 s24, v5;
	v30 =	vadd.s32 v6, v14;
	s14 =	spop (v2sf)  }
0x26c: {  	s19 =	simm.s32 $0xD;
	v13 =	vmov s3;
	[tilespmem:s15+$0xFFFFFFF0] =	vst v2;
	v15 =	vadd.s32 s18, v3;
	v16 =	vadd.s32 s18, v5;
	s16 =	sadd.s32 s28, s14  }
0x26d: {  	v19 =	vadd.s32 s19, v5;
	v25 =	vld.idx.msk [tilespmem:v18+s17+$0x0], $0xffff;
	[tilespmem:s15+$0x0] =	vst v2;
	v18 =	vadd.s32 s19, v3;
	v10 =	vmov s16;
	s16 =	simm.s32 $0xF  }
0x26e: {  	v28 =	vld.idx.msk [tilespmem:v26+s17+$0x0], $0xffff;
	s28 =	simm.s32 $0x9;
	v26 =	vadd.s32 s23, v3;
	s23 =	simm.s32 $0x17;
	[tilespmem:s15+$0x10] =	vst v2;
	v12 =	vadd.s32 s16, v5;
	v14 =	vadd.s32 s16, v3  }
.LBB2_14:
0x26f: {  	p0 =	sne.s32 s23, $0xBF;
	s6 =	sadd.s32 $0xFFFFFFF9, s16;
	v32 =	vadd.s32 s28, v5;
	v33 =	vadd.s32 s29, v3;
	vm2 =	veq.s32 v21, v10;
	v21 =	vld.idx.msk [tilespmem:v31+s17+$0x0], $0xffff;
	[tilespmem:s15+$0x20] =	vst v2;
	s16 =	smov.u32 s23  }
0x270: {  	v31 =	vadd.s32 s6, v5;
	v34 =	vsel vm2, $0x1, v2;
	vm2 =	veq.s32 v23, v10;
	v23 =	vld.idx.msk [tilespmem:v30+s17+$0x0], $0xffff;
	[tilespmem:s15+$0x30] =	vst v2  }
0x271: {  	v17 =	vadd.s32 v34, v17;
	v30 =	vsel vm2, $0x1, v2;
	vm2 =	veq.s32 v20, v10  }
0x272: {  	v17 =	vadd.s32 v30, v17;
	v20 =	vsel vm2, $0x1, v2;
	vm2 =	veq.s32 v22, v10  }
0x273: {  	v17 =	vadd.s32 v20, v17;
	v20 =	vsel vm2, $0x1, v2;
	vm2 =	veq.s32 v25, v10  }
0x274: {  	v17 =	vadd.s32 v20, v17;
	v20 =	vsel vm2, $0x1, v2;
	vm2 =	veq.s32 v28, v10  }
0x275: {  	v17 =	vadd.s32 v20, v17;
	v20 =	vsel vm2, $0x1, v2;
	vm2 =	veq.s32 v21, v10  }
0x276: {  	v17 =	vadd.s32 v20, v17;
	v20 =	vsel vm2, $0x1, v2;
	vm2 =	veq.s32 v23, v10  }
0x277: {  	v21 =	vadd.s32 s6, v3;
	v17 =	vadd.s32 v20, v17;
	v20 =	vsel vm2, $0x1, v2  }
0x278: {  	v22 =	vadd.s32 s28, v3;
	vm2 =	vgt.u32 v21, $0xBF;
	v17 =	vadd.s32 v20, v17  }
0x279: {  	v20 =	vsel vm2, v31, v21;
	vm2 =	vgt.u32 v22, $0xBF;
	v21 =	vadd.s32 s24, v3  }
0x27a: {  	v20 =	vadd.s32 v6, v20;
	v22 =	vsel vm2, v32, v22;
	vm2 =	vgt.u32 v21, $0xBF  }
0x27b: {  	v22 =	vadd.s32 v6, v22;
	v21 =	vsel vm2, v29, v21;
	vm2 =	vgt.u32 v33, $0xBF  }
0x27c: {  	v25 =	vadd.s32 v6, v21;
	v21 =	vsel vm2, v24, v33;
	vm2 =	vgt.u32 v26, $0xBF  }
0x27d: {  	v24 =	vadd.s32 v6, v21;
	v21 =	vsel vm2, v27, v26;
	vm2 =	vgt.u32 v18, $0xBF  }
0x27e: {  	s15 =	sadd.s32 $0x80, s15;
	v26 =	vadd.s32 v6, v21;
	v18 =	vsel vm2, v19, v18;
	vm2 =	vgt.u32 v15, $0xBF  }
0x27f: {  	v28 =	vadd.s32 v6, v18;
	v15 =	vsel vm2, v16, v15;
	vm2 =	vgt.u32 v14, $0xBF;
	v21 =	vld.idx.msk [tilespmem:v20+s17+$0x0], $0xffff;
	[tilespmem:s15+$0xFFFFFFC0] =	vst v2  }
.Ltmp6:
0x280: {  	v31 =	vadd.s32 v6, v15;
	v14 =	vsel vm2, v12, v14;
	v23 =	vld.idx.msk [tilespmem:v22+s17+$0x0], $0xffff;
	[tilespmem:s15+$0xFFFFFFD0] =	vst v2;
	(pc) =	sbr.rel @p0 .LBB2_14-.Ltmp6, $4  }
0x281: {  	s6 =	sadd.s32 $0xFFFFFFFF, s23;
	v12 =	vadd.s32 s23, v5;
	v30 =	vadd.s32 v6, v14;
	v20 =	vld.idx.msk [tilespmem:v25+s17+$0x0], $0xffff;
	[tilespmem:s15+$0xFFFFFFE0] =	vst v2  }
0x282: {  	s29 =	sadd.s32 $0xFFFFFFFC, s23;
	s7 =	sadd.s32 $0xFFFFFFFE, s23;
	v16 =	vadd.s32 s6, v5;
	v15 =	vadd.s32 s6, v3;
	v14 =	vadd.s32 s23, v3;
	v22 =	vld.idx.msk [tilespmem:v24+s17+$0x0], $0xffff;
	[tilespmem:s15+$0xFFFFFFF0] =	vst v2  }
0x283: {  	s24 =	sadd.s32 $0xFFFFFFFB, s23;
	v19 =	vadd.s32 s7, v5;
	v18 =	vadd.s32 s7, v3;
	s6 =	sadd.s32 $0xFFFFFFFD, s23;
	v24 =	vadd.s32 s29, v5;
	v25 =	vld.idx.msk [tilespmem:v26+s17+$0x0], $0xffff;
	[tilespmem:s15+$0x0] =	vst v2  }
0x284: {  	s28 =	sadd.s32 $0xFFFFFFFA, s16;
	v29 =	vadd.s32 s24, v5;
	v27 =	vadd.s32 s6, v5;
	s23 =	sadd.s32 $0x8, s23;
	v26 =	vadd.s32 s6, v3;
	v28 =	vld.idx.msk [tilespmem:v28+s17+$0x0], $0xffff;
	[tilespmem:s15+$0x10] =	vst v2  }
0x285: {  	s6 =	sadd.s32 $0xFFFFFFF9, s16;
	v34 =	vadd.s32 s28, v5;
	v35 =	vadd.s32 s28, v3  }
0x286: {  	v45 =	vadd.s32 s24, v3;
	v47 =	vadd.s32 s29, v3;
	v32 =	vadd.s32 s6, v3  }
0x287: {  	v33 =	vadd.s32 s6, v5;
	vm3 =	vgt.u32 v47, $0xBF;
	vm2 =	vgt.u32 v32, $0xBF  }
0x288: {  	v24 =	vsel vm3, v24, v47;
	vm3 =	vlt.s32 v11, v13;
	v11 =	vxor.u32 $0x80000000, v11  }
0x289: {  	v32 =	vsel vm2, v33, v32;
	vm2 =	vgt.u32 v35, $0xBF;
	v24 =	vadd.s32 v6, v24  }
0x28a: {  	v11 =	vsel vm3, $0xFFFFFFFF, v11;
	vm3 =	vgt.u32 v18, $0xBF;
	v32 =	vadd.s32 v6, v32  }
0x28b: {  	v34 =	vsel vm2, v34, v35;
	vm2 =	vgt.u32 v45, $0xBF;
	v18 =	vsel vm3, v19, v18  }
0x28c: {  	vm3 =	vgt.u32 v15, $0xBF;
	v29 =	vsel vm2, v29, v45;
	vm2 =	veq.s32 v21, v10  }
0x28d: {  	v46 =	vadd.s32 v6, v34;
	v18 =	vadd.s32 v6, v18;
	v15 =	vsel vm3, v16, v15  }
0x28e: {  	(xrf0) =	vmin.scan.msk.u32 $0xffff, v11;
	vm3 =	vgt.u32 v14, $0xBF;
	v48 =	vsel vm2, $0x1, v2;
	vm2 =	veq.s32 v23, v10  }
0x28f: {  	v29 =	vadd.s32 v6, v29;
	v15 =	vadd.s32 v6, v15;
	v12 =	vsel vm3, v12, v14  }
0x290: {  	v31 =	vld.idx.msk [tilespmem:v31+s17+$0x0], $0xffff;
	v17 =	vadd.s32 v48, v17;
	v50 =	vsel vm2, $0x1, v2;
	vm2 =	vgt.u32 v26, $0xBF  }
0x291: {  	[tilespmem:s15+$0x20] =	vst v2;
	v51 =	vsel vm2, v27, v26;
	vm2 =	veq.s32 v20, v10;
	v11 =	vadd.s32 v50, v17  }
0x292: {  	s9 =	sadd.s32 $0x80, s15;
	v49 =	vld.idx.msk [tilespmem:v30+s17+$0x0], $0xffff;
	[tilespmem:s15+$0x30] =	vst v2;
	v13 =	vadd.s32 v6, v51;
	v53 =	vsel vm2, $0x1, v2;
	vm2 =	veq.s32 v22, v10  }
0x293: {  	v12 =	vadd.s32 v6, v12;
	v32 =	vld.idx.msk [tilespmem:v32+s17+$0x0], $0xffff;
	[tilespmem:s9+$0xFFFFFFC0] =	vst v2;
	v11 =	vadd.s32 v53, v11;
	v55 =	vsel vm2, $0x1, v2  }
0x294: {  	v52 =	vld.idx.msk [tilespmem:v46+s17+$0x0], $0xffff;
	[tilespmem:s9+$0xFFFFFFD0] =	vst v2;
	vm2 =	veq.s32 v25, v10;
	v58, _, _ =	vpop (xrf0);
	v11 =	vadd.s32 v55, v11  }
0x295: {  	v54 =	vld.idx.msk [tilespmem:v29+s17+$0x0], $0xffff;
	[tilespmem:s9+$0xFFFFFFE0] =	vst v2;
	v57 =	vsel vm2, $0x1, v2;
	vm2 =	veq.s32 v28, v10;
	(v2sf) =	vpush v58, $0xF  }
0x296: {  	v56 =	vld.idx.msk [tilespmem:v24+s17+$0x0], $0xffff;
	[tilespmem:s9+$0xFFFFFFF0] =	vst v2;
	v11 =	vadd.s32 v57, v11;
	v59 =	vsel vm2, $0x1, v2;
	vm2 =	veq.s32 v31, v10  }
0x297: {  	v11 =	vadd.s32 v59, v11;
	v60 =	vsel vm2, $0x1, v2;
	vm2 =	veq.s32 v49, v10;
	v13 =	vld.idx.msk [tilespmem:v13+s17+$0x0], $0xffff;
	[tilespmem:s9+$0x0] =	vst v2  }
0x298: {  	v11 =	vadd.s32 v60, v11;
	v61 =	vsel vm2, $0x1, v2;
	vm2 =	veq.s32 v32, v10;
	v18 =	vld.idx.msk [tilespmem:v18+s17+$0x0], $0xffff;
	[tilespmem:s9+$0x10] =	vst v2  }
0x299: {  	v11 =	vadd.s32 v61, v11;
	v62 =	vsel vm2, $0x1, v2;
	vm2 =	veq.s32 v52, v10;
	v15 =	vld.idx.msk [tilespmem:v15+s17+$0x0], $0xffff;
	[tilespmem:s9+$0x20] =	vst v2  }
0x29a: {  	v11 =	vadd.s32 v62, v11;
	v63 =	vsel vm2, $0x1, v2;
	vm2 =	veq.s32 v54, v10;
	v12 =	vld.idx.msk [tilespmem:v12+s17+$0x0], $0xffff  }
0x29b: {  	v11 =	vadd.s32 v63, v11;
	v17 =	vsel vm2, $0x1, v2;
	vm2 =	veq.s32 v56, v10  }
0x29c: {  	v11 =	vadd.s32 v17, v11;
	v19 =	vsel vm2, $0x1, v2;
	vm2 =	veq.s32 v13, v10  }
0x29d: {  	v11 =	vadd.s32 v19, v11;
	v13 =	vsel vm2, $0x1, v2;
	vm2 =	veq.s32 v18, v10  }
0x29e: {  	v11 =	vadd.s32 v13, v11;
	v20 =	vsel vm2, $0x1, v2;
	vm2 =	veq.s32 v15, v10  }
0x29f: {  	v11 =	vadd.s32 v20, v11;
	v21 =	vsel vm2, $0x1, v2;
	vm2 =	veq.s32 v12, v10  }
0x2a0: {  	v11 =	vadd.s32 v21, v11;
	v12 =	vsel vm2, $0x1, v2  }
0x2a1: {  	v11 =	vadd.s32 v12, v11  }
0x2a2: {  	(xrf0) =	vadd.scan.msk.s32 $0xffff, v11;
	_ =	sdelay $0x2  }
0x2a3: {  	s10 =	spop (v2sf)  }
0x2a4: {  	s6 =	sxor.u32 $0x80000000, s10  }
0x2a5: {  	s3 =	ssub.s32 s6, s3  }
0x2a6: {  	s3 =	sadd.s32 $0x1, s3;
	v22, _, _ =	vpop (xrf0)  }
0x2a7: {  	vm2 =	vlt.s32 v22, s3  }
0x2a8: {  	v12 =	vsel vm2, $0x1, v2  }
0x2a9: {  	(xrf0) =	vadd.scan.msk.s32 $0xffff, v12;
	_ =	sdelay $0x5  }
0x2aa: {  	v12, _, _ =	vpop (xrf0)  }
0x2ab: {  	(v2sf) =	vpush v12, $0xF;
	_ =	sdelay $0xe  }
0x2ac: {  	s11 =	spop (v2sf)  }
0x2ad: {  	s15 =	smul.u32 $0xC0, s11  }
0x2ae: {  	[tilespmem:s9+$0x30] =	vst v2  }
0x2af: {  	v23 =	vld [tilespmem:s15+$0xC00]  }
0x2b0: {  	v24 =	vld [tilespmem:s15+$0xC10]  }
0x2b1: {  	v25 =	vld [tilespmem:s15+$0xC20];
	_ =	sdelay $0x2  }
0x2b2: {  	v11 =	vnsel vm2, $0x0, v11;
	vm2 =	veq.s32 v23, v10  }
0x2b3: {  	(xrf0) =	vadd.scan.msk.s32 $0xffff, v11;
	v11 =	vsel vm2, $0x1, v2;
	vm2 =	veq.s32 v24, v10  }
0x2b4: {  	v26 =	vld [tilespmem:s15+$0xC30];
	v27 =	vsel vm2, $0x1, v2;
	vm2 =	veq.s32 v25, v10;
	(xrf0) =	vadd.scan.msk.s32 $0xffff, v11  }
0x2b5: {  	v11 =	vld [tilespmem:s15+$0xC40];
	v28 =	vsel vm2, $0x1, v2;
	(xrf0) =	vadd.scan.msk.s32 $0xffff, v27  }
0x2b6: {  	(xrf0) =	vadd.scan.msk.s32 $0xffff, v28;
	_ =	sdelay $0x2  }
0x2b7: {  	v31, _, _ =	vpop (xrf0);
	vm2 =	veq.s32 v26, v10  }
0x2b8: {  	(v2sf) =	vpush v31, $0xF;
	v30 =	vsel vm2, $0x1, v2;
	vm2 =	veq.s32 v11, v10;
	v11, _, _ =	vpop (xrf0)  }
0x2b9: {  	(v2sf) =	vpush v11, $0xF;
	v11, _, _ =	vpop (xrf0)  }
0x2ba: {  	(xrf0) =	vadd.scan.msk.s32 $0xffff, v30;
	(v2sf) =	vpush v11, $0xF;
	v11, _, _ =	vpop (xrf0)  }
0x2bb: {  	(v2sf) =	vpush v11, $0xF;
	_ =	sdelay $0x1  }
0x2bc: {  	v29 =	vld [tilespmem:s15+$0xC50];
	_ =	sdelay $0x1  }
0x2bd: {  	v34 =	vsel vm2, $0x1, v2  }
0x2be: {  	(xrf0) =	vadd.scan.msk.s32 $0xffff, v34;
	v37, _, _ =	vpop (xrf0)  }
0x2bf: {  	(v2sf) =	vpush v37, $0xF  }
0x2c0: {  	v32 =	vld [tilespmem:s15+$0xC60];
	vm2 =	veq.s32 v29, v10  }
0x2c1: {  	v33 =	vld [tilespmem:s15+$0xC70];
	v12 =	vsel vm2, $0x1, v2  }
0x2c2: {  	v35 =	vld [tilespmem:s15+$0xC80];
	(xrf0) =	vadd.scan.msk.s32 $0xffff, v12  }
0x2c3: {  	v11 =	vld [tilespmem:s15+$0xC90]  }
0x2c4: {  	v41, _, _ =	vpop (xrf0)  }
0x2c5: {  	s16 =	spop (v2sf);
	vm2 =	veq.s32 v32, v10;
	(v2sf) =	vpush v41, $0xF  }
0x2c6: {  	v36 =	vsel vm2, $0x1, v2;
	vm2 =	veq.s32 v33, v10;
	s12 =	spop (v2sf)  }
0x2c7: {  	v38 =	vsel vm2, $0x1, v2;
	vm2 =	veq.s32 v35, v10;
	s7 =	spop (v2sf);
	s23 =	sadd.s32 s16, s12  }
0x2c8: {  	(xrf0) =	vadd.scan.msk.s32 $0xffff, v36;
	v42 =	vsel vm2, $0x1, v2;
	vm2 =	veq.s32 v11, v10;
	v11, _, _ =	vpop (xrf0);
	s13 =	spop (v2sf);
	p0 =	slt.s32 s23, s3;
	s24 =	sadd.s32 s7, s23  }
0x2c9: {  	v39 =	vld [tilespmem:s15+$0xCA0];
	(xrf0) =	vadd.scan.msk.s32 $0xffff, v38;
	(v2sf) =	vpush v11, $0xF;
	s7 =	simm.s32 $0x1;
	s8 =	simm.s32 @!p0 $0x0;
	p1 =	slt.s32 s24, s3  }
0x2ca: {  	s7 =	simm.s32 @!p0 $0x0;
	s28 =	sadd.s32 s13, s24;
	s8 =	simm.s32 @p0 $0x1  }
0x2cb: {  	p0 =	slt.s32 s28, s3;
	[smem:$0x7E8] =	sst s8;
	s8 =	simm.s32 @!p1 $0x0  }
0x2cc: {  	(xrf0) =	vadd.scan.msk.s32 $0xffff, v42;
	v43 =	vsel vm2, $0x1, v2;
	s6 =	simm.s32 @!p0 $0x0;
	s8 =	simm.s32 @p1 $0x1  }
0x2cd: {  	(xrf0) =	vadd.scan.msk.s32 $0xffff, v43;
	s6 =	simm.s32 @p0 $0x1;
	[smem:$0x7E9] =	sst s8;
	s8 =	simm.s32 $0x1  }
0x2ce: {  	vm2 =	veq.s32 v39, v10;
	v11, _, _ =	vpop (xrf0);
	s9 =	spop (v2sf);
	[smem:$0x7EA] =	sst s6;
	s8 =	simm.s32 @!p1 $0x0  }
0x2cf: {  	v12 =	vsel vm2, $0x1, v2;
	(v2sf) =	vpush v11, $0xF;
	v11, _, _ =	vpop (xrf0);
	s6 =	simm.s32 $0x1;
	s7 =	sadd.s32 s7, s8;
	s8 =	sadd.s32 s9, s28  }
0x2d0: {  	(v2sf) =	vpush v11, $0xF;
	(xrf0) =	vadd.scan.msk.s32 $0xffff, v12;
	s6 =	simm.s32 @!p0 $0x0;
	p0 =	slt.s32 s8, s3  }
0x2d1: {  	v40 =	vld [tilespmem:s15+$0xCB0];
	s9 =	simm.s32 @!p0 $0x0  }
0x2d2: {  	v11, _, _ =	vpop (xrf0);
	s9 =	simm.s32 @p0 $0x1  }
0x2d3: {  	(v2sf) =	vpush v11, $0xF;
	v44, _, _ =	vpop (xrf0);
	[smem:$0x7EB] =	sst s9;
	s9 =	simm.s32 $0x1  }
0x2d4: {  	(v2sf) =	vpush v44, $0xF;
	s10 =	spop (v2sf);
	s6 =	sadd.s32 s6, s7;
	s9 =	simm.s32 @!p0 $0x0  }
0x2d5: {  	s6 =	sadd.s32 s9, s6;
	s9 =	sadd.s32 s10, s8  }
0x2d6: {  	vm2 =	veq.s32 v40, v10;
	v11, _, _ =	vpop (xrf0);
	p0 =	slt.s32 s9, s3  }
0x2d7: {  	v13 =	vsel vm2, $0x1, v2;
	(v2sf) =	vpush v11, $0xF;
	s10 =	simm.s32 @!p0 $0x0  }
0x2d8: {  	(xrf0) =	vadd.scan.msk.s32 $0xffff, v13;
	s14 =	spop (v2sf);
	s10 =	simm.s32 @p0 $0x1  }
0x2d9: {  	s7 =	sadd.s32 s14, s9;
	[smem:$0x7EC] =	sst s10;
	s10 =	simm.s32 $0x1  }
0x2da: {  	s10 =	simm.s32 @!p0 $0x0;
	p0 =	slt.s32 s7, s3  }
0x2db: {  	s11 =	simm.s32 @!p0 $0x0  }
0x2dc: {  	s11 =	simm.s32 @p0 $0x1  }
0x2dd: {  	[smem:$0x7ED] =	sst s11;
	s11 =	simm.s32 $0x1  }
0x2de: {  	v11, _, _ =	vpop (xrf0);
	s12 =	spop (v2sf);
	s6 =	sadd.s32 s10, s6;
	s11 =	simm.s32 @!p0 $0x0  }
0x2df: {  	(v2sf) =	vpush v11, $0xF;
	s18 =	spop (v2sf);
	s6 =	sadd.s32 s11, s6;
	s11 =	sadd.s32 s12, s7  }
0x2e0: {  	s12 =	simm.s32 $0x1;
	p6 =	slt.s32 s11, s3;
	s10 =	sadd.s32 s18, s11  }
0x2e1: {  	s13 =	simm.s32 $0x1;
	s12 =	simm.s32 @!p6 $0x0;
	p4 =	slt.s32 s10, s3  }
0x2e2: {  	s14 =	spop (v2sf);
	s6 =	sadd.s32 s12, s6;
	s13 =	simm.s32 @!p4 $0x0  }
0x2e3: {  	s19 =	spop (v2sf);
	s6 =	sadd.s32 s13, s6;
	s13 =	sadd.s32 s14, s10  }
0x2e4: {  	s14 =	simm.s32 $0x1;
	s12 =	sadd.s32 s19, s13;
	p3 =	slt.s32 s13, s3  }
0x2e5: {  	s18 =	simm.s32 $0x1;
	s14 =	simm.s32 @!p3 $0x0;
	p2 =	slt.s32 s12, s3  }
0x2e6: {  	s19 =	spop (v2sf);
	s6 =	sadd.s32 s14, s6;
	s18 =	simm.s32 @!p2 $0x0  }
0x2e7: {  	s6 =	sadd.s32 s18, s6;
	s18 =	sadd.s32 s19, s12  }
0x2e8: {  	s19 =	simm.s32 $0x1;
	p1 =	slt.s32 s18, s3  }
0x2e9: {  	s19 =	simm.s32 @!p1 $0x0  }
0x2ea: {  	s6 =	sadd.s32 s19, s6;
	s19 =	sld [smem:$0x7E8];
	_ =	sdelay $0x2  }
0x2eb: {  	p5 =	seq.s32 s19, $0x1  }
0x2ec: {  	s29 =	spop (v2sf);
	s16 =	smov.u32 @p5 s23;
	s23 =	sld [smem:$0x7E9]  }
0x2ed: {  	s14 =	sadd.s32 s29, s18  }
0x2ee: {  	s29 =	simm.s32 $0x1;
	p0 =	slt.s32 s14, s3  }
0x2ef: {  	s29 =	simm.s32 @!p0 $0x0;
	p5 =	seq.s32 s23, $0x1  }
0x2f0: {  	s6 =	sadd.s32 s29, s6;
	s16 =	smov.u32 @p5 s24;
	s24 =	sld [smem:$0x7EA]  }
0x2f1: {  	s6 =	sshll.u32 s6, $0x4  }
0x2f2: {  	s6 =	sadd.s32 s15, s6  }
0x2f3: {  	v11 =	vld [tilespmem:s6+$0xC00];
	p5 =	seq.s32 s24, $0x1  }
0x2f4: {  	s16 =	smov.u32 @p5 s28;
	s28 =	sld [smem:$0x7EB]  }
0x2f5: {  	s29 =	sld [smem:$0x7EC]  }
0x2f6: {  	s15 =	sld [smem:$0x7ED]  }
0x2f7: {  	p5 =	seq.s32 s28, $0x1  }
0x2f8: {  	vm2 =	veq.s32 v11, v10;
	s16 =	smov.u32 @p5 s8;
	p5 =	seq.s32 s29, $0x1  }
0x2f9: {  	v10 =	vsel vm2, $0x1, v2;
	s16 =	smov.u32 @p5 s9;
	p5 =	seq.s32 s15, $0x1  }
0x2fa: {  	(xrf0) =	vadd.scan.msk.s32 $0xffff, v10;
	s16 =	smov.u32 @p5 s7  }
0x2fb: {  	s16 =	smov.u32 @p6 s11  }
0x2fc: {  	s16 =	smov.u32 @p4 s10  }
0x2fd: {  	s16 =	smov.u32 @p3 s13  }
0x2fe: {  	s16 =	smov.u32 @p2 s12  }
0x2ff: {  	s16 =	smov.u32 @p1 s18  }
0x300: {  	v10, _, _ =	vpop (xrf0);
	s16 =	smov.u32 @p0 s14  }
0x301: {  	v10 =	vadd.s32 s16, v10  }
0x302: {  	vm3 =	veq.s32 v10, s3  }
0x303: {  	vm2 =	vmand vm2, vm3  }
0x304: {  	v10 =	vnsel vm2, $0x0, v3  }
0x305: {  	(xrf0) =	vadd.scan.msk.s32 $0xffff, v10;
	_ =	sdelay $0x5  }
0x306: {  	v10, _, _ =	vpop (xrf0)  }
0x307: {  	(v2sf) =	vpush v10, $0xF;
	_ =	sdelay $0xe  }
0x308: {  	s16 =	spop (v2sf)  }
0x309: {  	s18 =	rddreg [dreg:$0xb];
	s3 =	sadd.s32 s6, s16  }
0x30a: {  	s6 =	sadd.s32 s18, s3  }
0x30b: {  	s19 =	simm.s32 $0x4900;
	v10 =	vmov s6  }
0x30c: {  	[tilespmem:v7+s19+$0x0] =	vst.idx.msk $0x3, v10  }
0x30d: {  	v10 =	vld.msk [tilespmem:$0x4900], $0x3;
	_ =	sdelay $0x4  }
0x30e: {  	v11 =	vshll.u32 v10, $0x1  }
0x30f: {  	v10 =	vand.u32 $0x7, v10;
	v11 =	vand.u32 $0xFFFFFFF0, v11  }
0x310: {  	v10 =	vor.u32 v10, v11  }
0x311: {  	v10 =	vperm.xlane v10, v8;
	_ =	sdelay $0x1  }
0x312: {  	v10 =	vadd.s32 v9, v10;
	_ =	sdelay $0x2  }
0x313: {  	s28 =	sshll.u32 s3, $0x4  }
0x314: {  	s23 =	rddreg [dreg:$0x3];
	s24 =	simm.s32 $0x4680;
	s6 =	sand.u32 $0x1FFFFE00, s28  }
0x315: {  	[tilespmem:s24], [sflag:$0x6] =	stream.indirect_vreg.gather [hbm4b:s23+s5], $0x80, v10, vm1, $0xb8;
	[tilespmem:$0x4A80] =	vst v63  }
0x316: {  	s29 =	simm.s32 $0x3480;
	s6 =	sadd.s32 s20, s6  }
0x317: {  	[tilespmem:s29], [sflag:$0x4] =	stream.linear.gather [hbm4b:s6+s5], $0x1000, $0x38;
	[tilespmem:$0x4A80] =	vst v63  }
0x318: {  	_ =	swait.ge [sflag:s30], $0x200  }
0x319: {  	[sflag:s30] =	ssyncset.done $0x0  }
0x31a: {  	[sflag:s30] =	ssyncadd.s32 $0xFFFFFE00  }
0x31b: {  	_ =	swait.ge [sflag:s31], $0x1000  }
0x31c: {  	[sflag:s31] =	ssyncset.done $0x0  }
0x31d: {  	[sflag:s31] =	ssyncadd.s32 $0xFFFFF000  }
0x31e: {  	v10 =	vld [tilespmem:$0x4480]  }
0x31f: {  	v11 =	vld [tilespmem:$0x4490]  }
0x320: {  	v45 =	vld [tilespmem:$0x44A0]  }
0x321: {  	v46 =	vld [tilespmem:$0x44B0]  }
0x322: {  	v47 =	vld [tilespmem:$0x44C0]  }
0x323: {  	v48 =	vld [tilespmem:$0x44D0]  }
0x324: {  	v49 =	vld [tilespmem:$0x44E0]  }
0x325: {  	v50 =	vld [tilespmem:$0x44F0]  }
0x326: {  	v51 =	vld [tilespmem:$0x4580]  }
0x327: {  	v52 =	vld [tilespmem:$0x4590]  }
0x328: {  	v53 =	vld [tilespmem:$0x45A0]  }
0x329: {  	v54 =	vld [tilespmem:$0x45B0]  }
0x32a: {  	v55 =	vld [tilespmem:$0x45C0]  }
0x32b: {  	v56 =	vld [tilespmem:$0x45D0]  }
0x32c: {  	v57 =	vld [tilespmem:$0x45E0]  }
0x32d: {  	v25 =	vld [tilespmem:$0x45F0];
	_ =	sdelay $0x2  }
0x32e: {  	v58 =	vmax.f32 v10, v11;
	v59 =	vmax.f32 v45, v46;
	v60 =	vmax.f32 v47, v48  }
0x32f: {  	v61 =	vmax.f32 v49, v50;
	v62 =	vmax.f32 v51, v52;
	v63 =	vmax.f32 v53, v54  }
0x330: {  	v36 =	vmax.f32 v55, v56;
	v37 =	vmax.f32 v57, v25;
	v26 =	vmax.f32 v58, v59  }
0x331: {  	v38 =	vmax.f32 v60, v61;
	v39 =	vmax.f32 v62, v63;
	v40 =	vmax.f32 v36, v37  }
0x332: {  	v26 =	vmax.f32 v26, v38;
	v41 =	vmax.f32 v39, v40  }
0x333: {  	v26 =	vmax.f32 v26, v41  }
0x334: {  	(xrf0) =	vmax.scan.msk.f32 $0xffff, v26;
	_ =	sdelay $0x5  }
0x335: {  	v26, _, _ =	vpop (xrf0)  }
0x336: {  	v42 =	vbroadcast v26, $0xF;
	_ =	sdelay $0x1  }
0x337: {  	v10 =	vsub.f32 v10, v42  }
0x338: {  	v11 =	vsub.f32 v11, v42  }
0x339: {  	v12 =	vsub.f32 v45, v42;
	v10 =	vmul.f32 $1.442695020e+00, v10  }
0x33a: {  	v11 =	vmul.f32 $1.442695020e+00, v11  }
0x33b: {  	s2 =	sand.u32 $0x1F, s2;
	v43 =	vsub.f32 v46, v42;
	(erf) = vpow2.f32 v10;
	v10 =	vmul.f32 $1.442695020e+00, v12  }
0x33c: {  	s2 =	sshll.u32 s2, $0x7;
	s9 =	rddreg [dreg:$0x7];
	(erf) = vpow2.f32 v11;
	v11 =	vsub.f32 v47, v42  }
0x33d: {  	s2 =	sor.u32 s9, s2;
	v44 =	vsub.f32 v48, v42;
	(erf) = vpow2.f32 v10;
	v10 =	vmul.f32 $1.442695020e+00, v43  }
0x33e: {  	v45 =	vsub.f32 v49, v42;
	v46 =	vmov s2;
	v11 =	vmul.f32 $1.442695020e+00, v11  }
0x33f: {  	v47 =	vsub.f32 v50, v42;
	(erf) = vpow2.f32 v10;
	v10 =	vmul.f32 $1.442695020e+00, v44  }
0x340: {  	v48 =	vsub.f32 v51, v42;
	(erf) = vpow2.f32 v11;
	v11 =	vmul.f32 $1.442695020e+00, v45  }
0x341: {  	v49 =	vsub.f32 v52, v42;
	(erf) = vpow2.f32 v10;
	v10 =	vmul.f32 $1.442695020e+00, v47  }
0x342: {  	s10 =	simm.s32 $0x2480;
	v50 =	vsub.f32 v53, v42;
	(erf) = vpow2.f32 v11;
	v11 =	vmul.f32 $1.442695020e+00, v48  }
0x343: {  	v51 =	vsub.f32 v54, v42;
	v14 =	vld.idx.msk [tilespmem:v46+s10+$0x0], $0xffff;
	(erf) = vpow2.f32 v10;
	v10 =	vmul.f32 $1.442695020e+00, v49  }
0x344: {  	(erf) = vpow2.f32 v11;
	v11 =	vmul.f32 $1.442695020e+00, v50  }
0x345: {  	v52 =	vsub.f32 v55, v42;
	(erf) = vpow2.f32 v10;
	v10 =	vmul.f32 $1.442695020e+00, v51  }
0x346: {  	v55 =	vsub.f32 v57, v42;
	v53 =	vpop (erf);
	(erf) = vpow2.f32 v11;
	v11 =	vsub.f32 v56, v42  }
0x347: {  	v58 =	vsub.f32 v25, v42;
	v54 =	vpop (erf);
	(erf) = vpow2.f32 v10;
	v10 =	vmul.f32 $1.442695020e+00, v52  }
0x348: {  	v56 =	vshll.u32 v14, $0x1;
	v57 =	vpop (erf);
	v14 =	vand.u32 $0x7F, v14;
	v11 =	vmul.f32 $1.442695020e+00, v11  }
0x349: {  	v16 =	vand.u32 $0xFFFFFF00, v56;
	v59 =	vpop (erf);
	(erf) = vpow2.f32 v10;
	v10 =	vmul.f32 $1.442695020e+00, v55  }
0x34a: {  	v14 =	vor.u32 v14, v16;
	v60 =	vpop (erf);
	(erf) = vpow2.f32 v11;
	v11 =	vmul.f32 $1.442695020e+00, v58;
	_ =	sdelay $0x1  }
0x34b: {  	v61 =	vpop (erf);
	(erf) = vpow2.f32 v10  }
0x34c: {  	v10 =	vpop (erf);
	(erf) = vpow2.f32 v11  }
0x34d: {  	s19 =	smov.u32 s20;
	s20 =	simm.s32 $0x4480;
	v11 =	vpop (erf)  }
0x34e: {  	v14 =	vld.idx.msk [tilespmem:v14+s20+$0x0], $0xffff;
	v62 =	vpop (erf)  }
0x34f: {  	v63 =	vpop (erf)  }
0x350: {  	v28 =	vpop (erf)  }
0x351: {  	v29 =	vpop (erf)  }
0x352: {  	v30 =	vpop (erf)  }
0x353: {  	v12 =	vadd.f32 v54, v53;
	v32 =	vadd.f32 v59, v57;
	(xrf0) =	vmax.scan.msk.f32 $0xffff, v14;
	v31 =	vpop (erf)  }
0x354: {  	v15 =	vadd.f32 v61, v60;
	v10 =	vadd.f32 v11, v10;
	v33 =	vpop (erf)  }
0x355: {  	v34 =	vadd.f32 v63, v62;
	v35 =	vadd.f32 v29, v28;
	v11 =	vpop (erf)  }
0x356: {  	v36 =	vadd.f32 v31, v30;
	v11 =	vadd.f32 v11, v33  }
0x357: {  	v12 =	vadd.f32 v32, v12;
	v10 =	vadd.f32 v10, v15  }
0x358: {  	v37 =	vadd.f32 v35, v34;
	v11 =	vadd.f32 v11, v36  }
0x359: {  	(v2sf) =	vpush v26, $0xF;
	v10 =	vadd.f32 v10, v12;
	v38, _, _ =	vpop (xrf0)  }
0x35a: {  	(v2sf) =	vpush v38, $0xF;
	v11 =	vadd.f32 v11, v37;
	_ =	sdelay $0x1  }
0x35b: {  	v10 =	vadd.f32 v11, v10;
	_ =	sdelay $0x1  }
0x35c: {  	(xrf2) =	vadd.scan.msk.f32 $0xffff, v10;
	_ =	sdelay $0x9  }
0x35d: {  	s11 =	spop (v2sf);
	v10, _, _ =	vpop (xrf2)  }
0x35e: {  	s12 =	spop (v2sf);
	v10 =	vbroadcast v10, $0xF  }
0x35f: {  	s2 =	ssub.f32 s12, s11  }
0x360: {  	vm2 =	veq.s32 v3, $0x0;
	v10 =	vnsel vm0, $0x0, v10  }
0x361: {  	v10 =	vsel vm2, s2, v10  }
0x362: {  	s14 =	simm.s32 $0x4980;
	s13 =	rddreg [dreg:$0xc];
	[tilespmem:$0x4980] =	vst v10  }
0x363: {  	[hbm4b:s13+s5] =	stream.linear.scatter [tilespmem:s14], [sflag:$0x8], $0x80, $0x38;
	[tilespmem:$0x4A80] =	vst v63  }
0x364: {  	_ =	swait.ge [sflag:s4], $0x200  }
0x365: {  	[sflag:s4] =	ssyncset.done $0x0  }
0x366: {  	[sflag:s4] =	ssyncadd.s32 $0xFFFFFE00  }
0x367: {  	_ =	swait.ge [sflag:s1], $0x1000  }
0x368: {  	[sflag:s1] =	ssyncset.done $0x0  }
0x369: {  	[sflag:s1] =	ssyncadd.s32 $0xFFFFF000  }
0x36a: {  	v10 =	vld [tilespmem:$0x4680]  }
0x36b: {  	v11 =	vld [tilespmem:$0x4690]  }
0x36c: {  	v39 =	vld [tilespmem:$0x46A0]  }
0x36d: {  	v40 =	vld [tilespmem:$0x46B0]  }
0x36e: {  	v41 =	vld [tilespmem:$0x46C0]  }
0x36f: {  	v42 =	vld [tilespmem:$0x46D0]  }
0x370: {  	v43 =	vld [tilespmem:$0x46E0]  }
0x371: {  	v44 =	vld [tilespmem:$0x46F0]  }
0x372: {  	v45 =	vld [tilespmem:$0x4780]  }
0x373: {  	v46 =	vld [tilespmem:$0x4790]  }
0x374: {  	v47 =	vld [tilespmem:$0x47A0]  }
0x375: {  	v48 =	vld [tilespmem:$0x47B0]  }
0x376: {  	v49 =	vld [tilespmem:$0x47C0]  }
0x377: {  	v50 =	vld [tilespmem:$0x47D0]  }
0x378: {  	v51 =	vld [tilespmem:$0x47E0]  }
0x379: {  	v52 =	vld [tilespmem:$0x47F0];
	_ =	sdelay $0x2  }
0x37a: {  	v53 =	vmax.f32 v10, v11;
	v54 =	vmax.f32 v39, v40;
	v55 =	vmax.f32 v41, v42  }
0x37b: {  	v56 =	vmax.f32 v43, v44;
	v57 =	vmax.f32 v45, v46;
	v58 =	vmax.f32 v47, v48  }
0x37c: {  	v59 =	vmax.f32 v49, v50;
	v60 =	vmax.f32 v51, v52;
	v26 =	vmax.f32 v53, v54  }
0x37d: {  	v61 =	vmax.f32 v55, v56;
	v62 =	vmax.f32 v57, v58;
	v63 =	vmax.f32 v59, v60  }
0x37e: {  	v26 =	vmax.f32 v26, v61;
	v30 =	vmax.f32 v62, v63  }
0x37f: {  	v26 =	vmax.f32 v26, v30  }
0x380: {  	(xrf0) =	vmax.scan.msk.f32 $0xffff, v26;
	_ =	sdelay $0x5  }
0x381: {  	v26, _, _ =	vpop (xrf0)  }
0x382: {  	v31 =	vbroadcast v26, $0xF;
	_ =	sdelay $0x1  }
0x383: {  	v10 =	vsub.f32 v10, v31  }
0x384: {  	v11 =	vsub.f32 v11, v31  }
0x385: {  	s15 =	sand.u32 $0x1F, s3;
	v12 =	vsub.f32 v39, v31;
	v10 =	vmul.f32 $1.442695020e+00, v10  }
0x386: {  	s2 =	sshll.u32 s15, $0x7;
	s16 =	rddreg [dreg:$0x6];
	v11 =	vmul.f32 $1.442695020e+00, v11  }
0x387: {  	s2 =	sor.u32 s16, s2;
	v32 =	vsub.f32 v40, v31;
	(erf) = vpow2.f32 v10;
	v10 =	vmul.f32 $1.442695020e+00, v12  }
0x388: {  	v35 =	vmov s2;
	(erf) = vpow2.f32 v11;
	v11 =	vsub.f32 v41, v31  }
0x389: {  	v33 =	vsub.f32 v42, v31;
	(erf) = vpow2.f32 v10;
	v10 =	vmul.f32 $1.442695020e+00, v32  }
0x38a: {  	v34 =	vsub.f32 v43, v31;
	v11 =	vmul.f32 $1.442695020e+00, v11  }
0x38b: {  	v36 =	vsub.f32 v44, v31;
	(erf) = vpow2.f32 v10;
	v10 =	vmul.f32 $1.442695020e+00, v33  }
0x38c: {  	v37 =	vsub.f32 v45, v31;
	(erf) = vpow2.f32 v11;
	v11 =	vmul.f32 $1.442695020e+00, v34  }
0x38d: {  	v14 =	vld.idx.msk [tilespmem:v35+s29+$0x0], $0xffff;
	v38 =	vsub.f32 v46, v31;
	(erf) = vpow2.f32 v10;
	v10 =	vmul.f32 $1.442695020e+00, v36  }
0x38e: {  	v39 =	vsub.f32 v47, v31;
	(erf) = vpow2.f32 v11;
	v11 =	vmul.f32 $1.442695020e+00, v37  }
0x38f: {  	v40 =	vsub.f32 v48, v31;
	(erf) = vpow2.f32 v10;
	v10 =	vmul.f32 $1.442695020e+00, v38  }
0x390: {  	v44 =	vsub.f32 v51, v31;
	(erf) = vpow2.f32 v11;
	v11 =	vmul.f32 $1.442695020e+00, v39  }
0x391: {  	v41 =	vsub.f32 v49, v31;
	(erf) = vpow2.f32 v10;
	v10 =	vmul.f32 $1.442695020e+00, v40  }
0x392: {  	v45 =	vshll.u32 v14, $0x1;
	(erf) = vpow2.f32 v11;
	v11 =	vsub.f32 v50, v31  }
0x393: {  	v47 =	vsub.f32 v52, v31;
	v42 =	vpop (erf);
	(erf) = vpow2.f32 v10;
	v10 =	vmul.f32 $1.442695020e+00, v41  }
0x394: {  	v14 =	vand.u32 $0x7F, v14;
	v16 =	vand.u32 $0xFFFFFF00, v45;
	v43 =	vpop (erf);
	v11 =	vmul.f32 $1.442695020e+00, v11  }
0x395: {  	v14 =	vor.u32 v14, v16;
	v46 =	vpop (erf);
	(erf) = vpow2.f32 v10;
	v10 =	vmul.f32 $1.442695020e+00, v44  }
0x396: {  	v48 =	vpop (erf);
	(erf) = vpow2.f32 v11;
	v11 =	vmul.f32 $1.442695020e+00, v47  }
0x397: {  	v49 =	vpop (erf)  }
0x398: {  	v50 =	vpop (erf);
	(erf) = vpow2.f32 v10  }
0x399: {  	(erf) = vpow2.f32 v11;
	v10 =	vpop (erf)  }
0x39a: {  	v14 =	vld.idx.msk [tilespmem:v14+s24+$0x0], $0xffff;
	v11 =	vpop (erf)  }
0x39b: {  	v51 =	vpop (erf)  }
0x39c: {  	v52 =	vpop (erf)  }
0x39d: {  	v53 =	vpop (erf)  }
0x39e: {  	v54 =	vpop (erf)  }
0x39f: {  	(v2sf) =	vpush v26, $0xF;
	(xrf0) =	vmax.scan.msk.f32 $0xffff, v14;
	v55 =	vpop (erf)  }
0x3a0: {  	v12 =	vadd.f32 v43, v42;
	v57 =	vadd.f32 v48, v46;
	v56 =	vpop (erf)  }
0x3a1: {  	v15 =	vadd.f32 v50, v49;
	v10 =	vadd.f32 v11, v10;
	v58 =	vpop (erf)  }
0x3a2: {  	v59 =	vadd.f32 v52, v51;
	v60 =	vadd.f32 v54, v53;
	v11 =	vpop (erf)  }
0x3a3: {  	v61 =	vadd.f32 v56, v55;
	v11 =	vadd.f32 v11, v58  }
0x3a4: {  	v12 =	vadd.f32 v57, v12;
	v10 =	vadd.f32 v10, v15  }
0x3a5: {  	v63, _, _ =	vpop (xrf0);
	v62 =	vadd.f32 v60, v59;
	v11 =	vadd.f32 v11, v61  }
0x3a6: {  	(v2sf) =	vpush v63, $0xF  }
0x3a7: {  	v10 =	vadd.f32 v10, v12;
	v11 =	vadd.f32 v11, v62;
	_ =	sdelay $0x1  }
0x3a8: {  	v10 =	vadd.f32 v11, v10;
	_ =	sdelay $0x1  }
0x3a9: {  	(xrf2) =	vadd.scan.msk.f32 $0xffff, v10;
	_ =	sdelay $0x9  }
0x3aa: {  	s18 =	spop (v2sf);
	v10, _, _ =	vpop (xrf2)  }
0x3ab: {  	s23 =	spop (v2sf);
	v10 =	vbroadcast v10, $0xF  }
0x3ac: {  	s2 =	ssub.f32 s23, s18  }
0x3ad: {  	v10 =	vnsel vm0, $0x0, v10  }
0x3ae: {  	v10 =	vsel vm2, s2, v10  }
0x3af: {  	s28 =	simm.s32 $0x4A00;
	s24 =	rddreg [dreg:$0xd];
	[tilespmem:$0x4A00] =	vst v10  }
0x3b0: {  	[hbm4b:s24+s5] =	stream.linear.scatter [tilespmem:s28], [sflag:$0x9], $0x80, $0x38;
	[tilespmem:$0x4A80] =	vst v63  }
0x3b1: {  	_ =	swait.ge [sflag:s26], $0x80  }
0x3b2: {  	[sflag:s26] =	ssyncset.done $0x0  }
0x3b3: {  	[sflag:s26] =	ssyncadd.s32 $0xFFFFFF80  }
0x3b4: {  	_ =	swait.ge [sflag:s0], $0x80  }
0x3b5: {  	s22 =	sadd.s32 $0x1, s22;
	s29 =	rddreg [dreg:$0xe]  }
0x3b6: {  	p0 =	sne.s32 s22, s29  }
.Ltmp7:
0x3b7: {  	_ = 	snop;
	(pc) =	sbr.rel @p0 .LBB2_1-.Ltmp7, $3  }
0x3b8: {  	_ =	sdelay $0x1  }
0x3b9: {  	[sflag:s0] =	ssyncset.done $0x0  }
0x3ba: {  	s8 =	simm.s32 $0x1800;
	[sflag:s0] =	ssyncadd.s32 $0xFFFFFF80  }
0x3bb: {  	_ =	sfence.sel $0x180000  }
0x3bc: {  	[bflag:$0x0] =	sbarrier.arrive $0xFFFF  }
0x3bd: {  	_ =	strace $0x90000047  }
0x3be: {  	s0 =	stileid.u32;
	[bflag:$0x2] =	sbarrier.arrive $0xFFFF  }
0x3bf: {  	p0 =	sne.s32 s0, $0x0;
	s0 =	rddreg [dreg:$0x5]  }
0x3c0: {  	s0 =	sadd.s32 @!p0 $0x100000, s0  }
0x3c1: {  	[sflag:s0] =	ssyncadd.tile.s32 @!p0 $0x1;
	_ =	shalt  }
.Lfunc_end2:
_tile_overlayer_lowered:
.L_overlay_start_2:
0x3c2: {  	(tag) =	ssettag $0x2  }
0x3c3: {  	s0 =	rddreg [dreg:$0x0];
	s2 =	stileid.u32  }
0x3c4: {  	s1 =	rddreg [dreg:$0x1];
	p0 =	sne.s32 s2, $0x0  }
0x3c5: {  	s3 =	rddreg [dreg:$0x2];
	[bflag:$0x3] =	sbarrier.arrive $0xFFFF;
	s2 =	simm.s32 @!p0 $0x1C0A  }
0x3c6: {  	[timem:s3], [sflag:s2] =	dma.local @!p0 [hbm:s0], s1  }
0x3c7: {  	s0 =	simm.s32 @!p0 $0xA  }
0x3c8: {  	_ =	swait.ge @!p0 [sflag:s0], s1  }
0x3c9: {  	s1 =	ssub.s32 @!p0 $0x0, s1;
	[sflag:s0] =	ssyncset.done @!p0 $0x0  }
0x3ca: {  	[sflag:s0] =	ssyncadd.s32 @!p0 s1  }
0x3cb: {  	[bflag:$0x3] =	sbarrier.arrive $0xFFFF  }
0x3cc: {  	_ =	shalt  }

</sc_bundles>
